<compile_context>
chip_gen: v7x
topology: tpu7x:2x2x1
jax: 0.10.2.dev20260603
libtpu: 0.0.44.dev20260713+nightly
codegen_flags: <defaults>
</compile_context>

<pallas_src>
import jax
import jax.numpy as jnp
from jax import lax
from jax.experimental import pallas as pl
from jax.experimental.pallas import tpu as pltpu
from jax.experimental.pallas import tpu_sc as plsc

_B = 4096
_D = 32
_NC = 2
_NS = 16
_L = 16
_NW = _NC * _NS
_CHUNK = _B // _NW
_KVEC = _CHUNK // _L
_NVEC = _B // _L
_LPS = 8
_TROWS = 2 * _NS * _LPS + 2
_BIG = 2147483647


def _body(emb_hbm, tgt_hbm, tl_hbm, out_f, out_i,
          tgt_v, tl_v, eo_v, tloc_v, t2_v, tab_v,
          gidx_v, g2idx_v, pack_v, tabs_v,
          li_v, ni_v, val_v,
          row_f, row_nc, row_ap,
          red_f, red_nc, red_ap, stage_f, stage_i,
          sh_tab, sh_T, sh_loss, sh_nc, sh_ap,
          sem_tl, sem_eo, sem_t, sem_t2, sem_ta, sem_tb):
    cid = lax.axis_index("c")
    sid = lax.axis_index("s")
    wid = cid * _NS + sid
    base = wid * _CHUNK
    iota = lax.iota(jnp.int32, _L)
    zf = jnp.zeros((_L,), jnp.float32)
    zi = jnp.zeros((_L,), jnp.int32)
    onei = jnp.ones((_L,), jnp.int32)

    _H = _B // 2
    with jax.named_scope("stage_in"):
        cp_ta = pltpu.async_copy(tgt_hbm.at[pl.ds(0, _H)],
                                 tgt_v.at[pl.ds(0, _H)], sem_ta)
        cp_tb = pltpu.async_copy(tgt_hbm.at[pl.ds(_H, _H)],
                                 tgt_v.at[pl.ds(_H, _H)], sem_tb)
        cp_tl = pltpu.async_copy(tl_hbm, tl_v, sem_tl)
        cp_eo = pltpu.async_copy(emb_hbm.at[pl.ds(base, _CHUNK)], eo_v, sem_eo)
        cp_ta.wait()

    tv0 = tgt_v[pl.ds(0, _L)]
    t0s = zi + jnp.min(jnp.where(iota == 0, tv0, _BIG))

    big_v = zi + _BIG

    def scan_body(k, carry):
        m1, m2, gmin = carry
        for u in range(2):
            off = (2 * k + u) * _L
            tv = tgt_v[pl.ds(off, _L)]
            idx = off + iota
            new_m1 = []
            new_m2 = []
            for j in range(_LPS):
                lab = sid * _LPS + j
                cand = jnp.where(tv == lab, idx, _BIG)
                hi = jnp.maximum(m1[j], cand)
                new_m2.append(jnp.minimum(m2[j], hi))
                new_m1.append(jnp.minimum(m1[j], cand))
            gmin = jnp.minimum(gmin, jnp.where(tv != t0s, idx, _BIG))
            m1, m2 = tuple(new_m1), tuple(new_m2)
        return (m1, m2, gmin)

    init = (tuple(big_v for _ in range(_LPS)),
            tuple(big_v for _ in range(_LPS)),
            big_v)
    with jax.named_scope("p1_scan"):
        carry = lax.fori_loop(0, _NVEC // 4, scan_body, init)
        cp_tb.wait()
        m1, m2, gmin = lax.fori_loop(_NVEC // 4, _NVEC // 2, scan_body, carry)

    g = jnp.min(gmin)
    gs = zi + g

    pack = big_v
    gidx = zi
    for j in range(_LPS):
        r1 = jnp.min(m1[j])
        m1b = jnp.where(m1[j] == r1, _BIG, m1[j])
        r2 = jnp.minimum(jnp.min(m1b), jnp.min(m2[j]))
        pack = jnp.where(iota == j, r1, pack)
        pack = jnp.where(iota == _LPS + j, r2, pack)
        gidx = jnp.where(iota == 2 * j, jnp.minimum(r1, _B - 1), gidx)
        gidx = jnp.where(iota == 2 * j + 1, jnp.minimum(r2, _B - 1), gidx)

    with jax.named_scope("p1_pub"):
        gidx_v[...] = gidx
        cp_t = pltpu.async_copy(emb_hbm.at[gidx_v], tloc_v, sem_t)
        pack_v[...] = pack
        pltpu.sync_copy(pack_v, sh_tab.at[sid])

        @pl.when(sid == 0)
        def _():
            g2idx_v[...] = jnp.where(iota == 1, jnp.minimum(gs, _B - 1), zi)
            pltpu.async_copy(emb_hbm.at[g2idx_v], t2_v, sem_t2).wait()
            pltpu.sync_copy(t2_v.at[pl.ds(0, 2)], sh_T.at[pl.ds(2 * _NS * _LPS, 2)])

        cp_t.wait()
        pltpu.sync_copy(tloc_v, sh_T.at[pl.ds(2 * _LPS * sid, _L)])
        plsc.subcore_barrier()
        pltpu.sync_copy(sh_tab, tabs_v)
        pltpu.sync_copy(sh_T, tab_v)

    sc2a = jax.named_scope("p2_idx")
    sc2a.__enter__()
    cp_tl.wait()

    def idx_body(k, carry):
        nc_acc, ap_acc = carry
        off = base + k * _L
        i_vec = off + iota
        cvec = tgt_v[pl.ds(off, _L)]
        rowi = lax.shift_right_logical(cvec, 3)
        coli = lax.bitwise_and(cvec, 7)
        f1 = plsc.load_gather(tabs_v, [rowi, coli])
        f2 = plsc.load_gather(tabs_v, [rowi, coli + _LPS])
        pos = jnp.where(f1 == i_vec, f2, f1)
        neg = jnp.where(cvec == t0s, gs, zi)
        valid = (f2 != _BIG) & (gs != _BIG)
        pos = jnp.where(valid, pos, i_vec)
        neg = jnp.where(valid, neg, i_vec)
        li = 2 * cvec + jnp.where(f1 == i_vec, onei, zi)
        ni = jnp.where(cvec == t0s, onei, zi) + (2 * _NS * _LPS)
        li_v[pl.ds(k * _L, _L)] = li
        ni_v[pl.ds(k * _L, _L)] = ni
        val_v[pl.ds(k * _L, _L)] = jnp.where(valid, onei, zi)
        ta = tl_v[pl.ds(off, _L)]
        tp = plsc.load_gather(tl_v, [pos])
        tn = plsc.load_gather(tl_v, [neg])
        eqp = ta == tp
        nc_acc = nc_acc + jnp.where(eqp & (ta != tn), onei, zi)
        ap_acc = ap_acc + jnp.where(eqp, onei, zi)
        return (nc_acc, ap_acc)

    nc_acc, ap_acc = lax.fori_loop(0, _KVEC, idx_body, (zi, zi))
    sc2a.__exit__(None, None, None)

    sc2c = jax.named_scope("p2_dist")
    sc2c.__enter__()
    cp_eo.wait()

    def dist_body(k, loss_acc):
        a_vec = k * _L + iota
        li = li_v[pl.ds(k * _L, _L)]
        ni = ni_v[pl.ds(k * _L, _L)]
        vb = val_v[pl.ds(k * _L, _L)] == 1
        accp = zf
        accn = zf
        for d in range(_D):
            dcol = lax.bitwise_and(iota + d, _D - 1)
            eo = plsc.load_gather(eo_v, [a_vec, dcol])
            ep = plsc.load_gather(tab_v, [li, dcol])
            en = plsc.load_gather(tab_v, [ni, dcol])
            dp = eo - ep
            accp = accp + dp * dp
            dn = eo - en
            accn = accn + dn * dn
        lv = jnp.maximum(accp - accn + 1.0, 0.0)
        return loss_acc + jnp.where(vb, lv, jnp.float32(1.0))

    loss_acc = lax.fori_loop(0, _KVEC, dist_body, zf)
    sc2c.__exit__(None, None, None)

    with jax.named_scope("p3_red"):
        row_f[...] = loss_acc
        row_nc[...] = nc_acc
        row_ap[...] = ap_acc
        pltpu.sync_copy(row_f, sh_loss.at[sid])
        pltpu.sync_copy(row_nc, sh_nc.at[sid])
        pltpu.sync_copy(row_ap, sh_ap.at[sid])
        plsc.subcore_barrier()

        @pl.when(sid == 0)
        def _():
            pltpu.sync_copy(sh_loss, red_f)
            pltpu.sync_copy(sh_nc, red_nc)
            pltpu.sync_copy(sh_ap, red_ap)
            frows = [red_f[r, :] for r in range(_NS)]
            while len(frows) > 1:
                frows = [frows[2 * t] + frows[2 * t + 1]
                         for t in range(len(frows) // 2)]
            af = frows[0]
            anc = zi
            aap = zi
            for r in range(_NS):
                anc = anc + red_nc[r, :]
                aap = aap + red_ap[r, :]
            for m in (8, 4, 2, 1):
                stage_f[...] = af
                af = af + plsc.load_gather(stage_f, [lax.bitwise_xor(iota, m)])
            ncs = jnp.sum(anc)
            aps = jnp.sum(aap)
            stage_f[...] = jnp.where(iota == 0, af * jnp.float32(1.0 / _B),
                                     jnp.float32(0.0))
            stage_i[...] = jnp.where(iota == 0, ncs, jnp.where(iota == 1, aps, 0))
            pltpu.sync_copy(stage_f, out_f.at[cid])
            pltpu.sync_copy(stage_i, out_i.at[cid])


@jax.jit
def _triplet_sc(embeddings, target, true_lbl):
    mesh = plsc.VectorSubcoreMesh(core_axis_name="c", subcore_axis_name="s",
                                  num_cores=_NC, num_subcores=_NS)
    run = pl.kernel(
        _body,
        out_type=(jax.ShapeDtypeStruct((_NC, _L), jnp.float32),
                  jax.ShapeDtypeStruct((_NC, _L), jnp.int32)),
        mesh=mesh,
        compiler_params=pltpu.CompilerParams(needs_layout_passes=False,
                                             use_tc_tiling_on_sc=False),
        scratch_types=[
            pltpu.VMEM((_B,), jnp.int32),
            pltpu.VMEM((_B,), jnp.int32),
            pltpu.VMEM((_CHUNK, _D), jnp.float32),
            pltpu.VMEM((_L, _D), jnp.float32),
            pltpu.VMEM((_L, _D), jnp.float32),
            pltpu.VMEM((_TROWS, _D), jnp.float32),
            pltpu.VMEM((_L,), jnp.int32),
            pltpu.VMEM((_L,), jnp.int32),
            pltpu.VMEM((_L,), jnp.int32),
            pltpu.VMEM((_NS, _L), jnp.int32),
            pltpu.VMEM((_CHUNK,), jnp.int32),
            pltpu.VMEM((_CHUNK,), jnp.int32),
            pltpu.VMEM((_CHUNK,), jnp.int32),
            pltpu.VMEM((_L,), jnp.float32),
            pltpu.VMEM((_L,), jnp.int32),
            pltpu.VMEM((_L,), jnp.int32),
            pltpu.VMEM((_NS, _L), jnp.float32),
            pltpu.VMEM((_NS, _L), jnp.int32),
            pltpu.VMEM((_NS, _L), jnp.int32),
            pltpu.VMEM((_L,), jnp.float32),
            pltpu.VMEM((_L,), jnp.int32),
            pltpu.VMEM_SHARED((_NS, _L), jnp.int32),
            pltpu.VMEM_SHARED((_TROWS, _D), jnp.float32),
            pltpu.VMEM_SHARED((_NS, _L), jnp.float32),
            pltpu.VMEM_SHARED((_NS, _L), jnp.int32),
            pltpu.VMEM_SHARED((_NS, _L), jnp.int32),
            pltpu.SemaphoreType.DMA,
            pltpu.SemaphoreType.DMA,
            pltpu.SemaphoreType.DMA,
            pltpu.SemaphoreType.DMA,
            pltpu.SemaphoreType.DMA,
            pltpu.SemaphoreType.DMA,
        ],
    )
    return run(embeddings, target, true_lbl)


def kernel(embeddings, target, true_lbl):
    tgt = target.astype(jnp.int32)
    tl = true_lbl.astype(jnp.int32)
    out_f, out_i = _triplet_sc(embeddings, tgt, tl)
    loss = out_f[0, 0] + out_f[1, 0]
    num_correct = out_i[0, 0] + out_i[1, 0]
    accpostri = out_i[0, 1] + out_i[1, 1]
    return (loss, num_correct, accpostri, jnp.asarray(_B, jnp.int32))

# --- scband reference (transcript-rebuilt; emitter-appended) ---
"""Pipeline reference for scband-online-triplet-loss-80376017977900 (READ-ONLY COPY).

The authoritative reference and input builder live on the scoring server;
editing this copy changes nothing except your own understanding.
"""

import jax, jax.numpy as jnp
import numpy as np

MARGIN = 1.0

def _get_triplets(target):
    # Deterministic online triplet selector: for each anchor i, pick the first
    # other sample with the same label as positive and the first sample with a
    # different label as negative.
    B = target.shape[0]
    same = target[:, None] == target[None, :]
    eye = jnp.eye(B, dtype=bool)
    pos_mask = same & (~eye)
    neg_mask = ~same
    pos_idx = jnp.argmax(pos_mask, axis=1)
    neg_idx = jnp.argmax(neg_mask, axis=1)
    anchors = jnp.arange(B)
    # keep only anchors that actually have a positive and a negative
    valid = jnp.any(pos_mask, axis=1) & jnp.any(neg_mask, axis=1)
    # with 100 classes over 4096 samples this is essentially always all-true;
    # fall back to self-index when invalid (loss contribution becomes benign)
    pos_idx = jnp.where(valid, pos_idx, anchors)
    neg_idx = jnp.where(valid, neg_idx, anchors)
    return jnp.stack([anchors, pos_idx, neg_idx], axis=1)

def setup_inputs(seed: int = 0) -> dict:
    key = jax.random.key(seed)
    k1, k2, k3 = jax.random.split(key, 3)
    embeddings = jax.random.normal(k1, (4096, 32), dtype=jnp.float32)
    target = jax.random.randint(k2, (4096,), 0, 100, dtype=jnp.int64) if jax.config.jax_enable_x64 else jax.random.randint(k2, (4096,), 0, 100, dtype=jnp.int32)
    true_lbl = jax.random.randint(k3, (4096,), 0, 100, dtype=jnp.int32)
    return {"embeddings": embeddings, "target": target, "true_lbl": true_lbl}

def reference(embeddings, target, true_lbl):
    triplets = _get_triplets(target)
    tru_anchor = true_lbl[triplets[:, 0]]
    tru_pos = true_lbl[triplets[:, 1]]
    tru_neg = true_lbl[triplets[:, 2]]
    num_correct_triplets = jnp.sum((tru_anchor == tru_pos) & (tru_anchor != tru_neg))
    accpostri = jnp.sum(tru_anchor == tru_pos)
    ap_distances = jnp.sum((embeddings[triplets[:, 0]] - embeddings[triplets[:, 1]]) ** 2, axis=1)
    an_distances = jnp.sum((embeddings[triplets[:, 0]] - embeddings[triplets[:, 2]]) ** 2, axis=1)
    losses = jax.nn.relu(ap_distances - an_distances + MARGIN)
    n_triplets = jnp.asarray(triplets.shape[0], dtype=jnp.int32)
    return (losses.mean(), num_correct_triplets, accpostri, n_triplets)

if __name__ == "__main__":
    import jax
    _d = setup_inputs()
    print(jax.jit(kernel)(*tuple(_d.values())))

</pallas_src>

<mosaic_0001>
#map = affine_map<(d0, d1) -> (0, 0)>
#map1 = affine_map<(d0, d1) -> (0)>
module attributes {stable_mosaic.version = 14 : i64} {
  func.func @_body(%arg0: i32, %arg1: i32, %arg2: memref<4096x32xf32, #tpu.memory_space<hbm>>, %arg3: memref<4096xi32, #tpu.memory_space<hbm>>, %arg4: memref<4096xi32, #tpu.memory_space<hbm>>, %arg5: memref<2x16xf32, #tpu.memory_space<hbm>>, %arg6: memref<2x16xi32, #tpu.memory_space<hbm>>, %arg7: memref<4096xi32, #tpu.memory_space<vmem>>, %arg8: memref<4096xi32, #tpu.memory_space<vmem>>, %arg9: memref<128x32xf32, #tpu.memory_space<vmem>>, %arg10: memref<16x32xf32, #tpu.memory_space<vmem>>, %arg11: memref<16x32xf32, #tpu.memory_space<vmem>>, %arg12: memref<258x32xf32, #tpu.memory_space<vmem>>, %arg13: memref<16xi32, #tpu.memory_space<vmem>>, %arg14: memref<16xi32, #tpu.memory_space<vmem>>, %arg15: memref<16xi32, #tpu.memory_space<vmem>>, %arg16: memref<16x16xi32, #tpu.memory_space<vmem>>, %arg17: memref<128xi32, #tpu.memory_space<vmem>>, %arg18: memref<128xi32, #tpu.memory_space<vmem>>, %arg19: memref<128xi32, #tpu.memory_space<vmem>>, %arg20: memref<16xf32, #tpu.memory_space<vmem>>, %arg21: memref<16xi32, #tpu.memory_space<vmem>>, %arg22: memref<16xi32, #tpu.memory_space<vmem>>, %arg23: memref<16x16xf32, #tpu.memory_space<vmem>>, %arg24: memref<16x16xi32, #tpu.memory_space<vmem>>, %arg25: memref<16x16xi32, #tpu.memory_space<vmem>>, %arg26: memref<16xf32, #tpu.memory_space<vmem>>, %arg27: memref<16xi32, #tpu.memory_space<vmem>>, %arg28: memref<16x16xi32, #tpu.memory_space<vmem_shared>>, %arg29: memref<258x32xf32, #tpu.memory_space<vmem_shared>>, %arg30: memref<16x16xf32, #tpu.memory_space<vmem_shared>>, %arg31: memref<16x16xi32, #tpu.memory_space<vmem_shared>>, %arg32: memref<16x16xi32, #tpu.memory_space<vmem_shared>>, %arg33: memref<!tpu.dma_semaphore, #tpu.memory_space<semaphore_mem>>, %arg34: memref<!tpu.dma_semaphore, #tpu.memory_space<semaphore_mem>>, %arg35: memref<!tpu.dma_semaphore, #tpu.memory_space<semaphore_mem>>, %arg36: memref<!tpu.dma_semaphore, #tpu.memory_space<semaphore_mem>>, %arg37: memref<!tpu.dma_semaphore, #tpu.memory_space<semaphore_mem>>, %arg38: memref<!tpu.dma_semaphore, #tpu.memory_space<semaphore_mem>>) attributes {dimension_semantics = [#tpu.dimension_semantics<core_parallel>, #tpu.dimension_semantics<subcore_parallel>], iteration_bounds = array<i64: 2, 16>, scalar_prefetch = 0 : i64, scratch_operands = 32 : i64, tpu.core_type = #tpu.core_type<sc_vector_subcore>, window_params = [{transform_indices = #map}, {transform_indices = #map1}, {transform_indices = #map1}, {transform_indices = #map}, {transform_indices = #map}]} {
    %mul3A = arith.constant 16 : i32
    %mul3A_0 = arith.muli %arg0, %mul3A : i32
    %add3A = arith.addi %mul3A_0, %arg1 : i32
    %mul3A_1 = arith.constant 128 : i32
    %mul3A_2 = arith.muli %add3A, %mul3A_1 : i32
    %iota3A = tpu.iota {dimensions = array<i32: 0>} : vector<16xi32>
    %broadcast_in_dim3A = arith.constant 0.000000e+00 : f32
    %broadcast_in_dim3A_3 = vector.broadcast %broadcast_in_dim3A : f32 to vector<16xf32>
    %broadcast_in_dim3A_4 = arith.constant 0 : i32
    %broadcast_in_dim3A_5 = vector.broadcast %broadcast_in_dim3A_4 : i32 to vector<16xi32>
    %broadcast_in_dim3A_6 = arith.constant 1 : i32
    %broadcast_in_dim3A_7 = vector.broadcast %broadcast_in_dim3A_6 : i32 to vector<16xi32>
    "tpu.trace_start"() <{level = 10 : i32, message = "stage_in"}> : () -> ()
    %dma_start3A = arith.constant 0 : i32
    %dma_start3A_8 = tpu.memref_slice %arg7[%dma_start3A] : memref<4096xi32, #tpu.memory_space<vmem>> -> memref<2048xi32, #tpu.memory_space<vmem>>
    %dma_start3A_9 = arith.constant 0 : i32
    %dma_start3A_10 = tpu.memref_slice %arg3[%dma_start3A_9] : memref<4096xi32, #tpu.memory_space<hbm>> -> memref<2048xi32, #tpu.memory_space<hbm>>
    %dma_start3A_11 = arith.constant 0 : i32
    %dma_start3A_12 = tpu.memref_slice %arg7[%dma_start3A_11] : memref<4096xi32, #tpu.memory_space<vmem>> -> memref<2048xi32, #tpu.memory_space<vmem>>
    %dma_start3A_13 = arith.constant 0 : i32
    %dma_start3A_14 = tpu.memref_slice %arg3[%dma_start3A_13] : memref<4096xi32, #tpu.memory_space<hbm>> -> memref<2048xi32, #tpu.memory_space<hbm>>
    tpu.enqueue_dma source(%dma_start3A_14 : memref<2048xi32, #tpu.memory_space<hbm>>) target(%dma_start3A_12 : memref<2048xi32, #tpu.memory_space<vmem>>) target_semaphore(%arg37 : memref<!tpu.dma_semaphore, #tpu.memory_space<semaphore_mem>>)
    %dma_start3A_15 = arith.constant 2048 : i32
    %dma_start3A_16 = tpu.memref_slice %arg7[%dma_start3A_15] : memref<4096xi32, #tpu.memory_space<vmem>> -> memref<2048xi32, #tpu.memory_space<vmem>>
    %dma_start3A_17 = arith.constant 2048 : i32
    %dma_start3A_18 = tpu.memref_slice %arg3[%dma_start3A_17] : memref<4096xi32, #tpu.memory_space<hbm>> -> memref<2048xi32, #tpu.memory_space<hbm>>
    %dma_start3A_19 = arith.constant 2048 : i32
    %dma_start3A_20 = tpu.memref_slice %arg7[%dma_start3A_19] : memref<4096xi32, #tpu.memory_space<vmem>> -> memref<2048xi32, #tpu.memory_space<vmem>>
    %dma_start3A_21 = arith.constant 2048 : i32
    %dma_start3A_22 = tpu.memref_slice %arg3[%dma_start3A_21] : memref<4096xi32, #tpu.memory_space<hbm>> -> memref<2048xi32, #tpu.memory_space<hbm>>
    tpu.enqueue_dma source(%dma_start3A_22 : memref<2048xi32, #tpu.memory_space<hbm>>) target(%dma_start3A_20 : memref<2048xi32, #tpu.memory_space<vmem>>) target_semaphore(%arg38 : memref<!tpu.dma_semaphore, #tpu.memory_space<semaphore_mem>>)
    tpu.enqueue_dma source(%arg4 : memref<4096xi32, #tpu.memory_space<hbm>>) target(%arg8 : memref<4096xi32, #tpu.memory_space<vmem>>) target_semaphore(%arg33 : memref<!tpu.dma_semaphore, #tpu.memory_space<semaphore_mem>>)
    %dma_start3A_23 = arith.constant 0 : i32
    %dma_start3A_24 = tpu.memref_slice %arg2[%mul3A_2, %dma_start3A_23] : memref<4096x32xf32, #tpu.memory_space<hbm>> -> memref<128x32xf32, #tpu.memory_space<hbm>>
    %dma_start3A_25 = arith.constant 0 : i32
    %dma_start3A_26 = tpu.memref_slice %arg2[%mul3A_2, %dma_start3A_25] : memref<4096x32xf32, #tpu.memory_space<hbm>> -> memref<128x32xf32, #tpu.memory_space<hbm>>
    tpu.enqueue_dma source(%dma_start3A_26 : memref<128x32xf32, #tpu.memory_space<hbm>>) target(%arg9 : memref<128x32xf32, #tpu.memory_space<vmem>>) target_semaphore(%arg34 : memref<!tpu.dma_semaphore, #tpu.memory_space<semaphore_mem>>)
    %dma_wait3A = arith.constant 0 : i32
    %dma_wait3A_27 = tpu.memref_slice %arg7[%dma_wait3A] : memref<4096xi32, #tpu.memory_space<vmem>> -> memref<2048xi32, #tpu.memory_space<vmem>>
    %dma_wait3A_28 = arith.constant 0 : i32
    %dma_wait3A_29 = tpu.memref_slice %arg3[%dma_wait3A_28] : memref<4096xi32, #tpu.memory_space<hbm>> -> memref<2048xi32, #tpu.memory_space<hbm>>
    %dma_wait3A_30 = arith.constant 0 : i32
    %dma_wait3A_31 = tpu.memref_slice %arg7[%dma_wait3A_30] : memref<4096xi32, #tpu.memory_space<vmem>> -> memref<2048xi32, #tpu.memory_space<vmem>>
    %dma_wait3A_32 = arith.constant 0 : i32
    %dma_wait3A_33 = tpu.memref_slice %arg3[%dma_wait3A_32] : memref<4096xi32, #tpu.memory_space<hbm>> -> memref<2048xi32, #tpu.memory_space<hbm>>
    tpu.wait_dma2 semaphore(%arg37 : memref<!tpu.dma_semaphore, #tpu.memory_space<semaphore_mem>>) src(%dma_wait3A_33 : memref<2048xi32, #tpu.memory_space<hbm>>) dst(%dma_wait3A_31 : memref<2048xi32, #tpu.memory_space<vmem>>)
    "tpu.trace_stop"() : () -> ()
    %get3A = arith.constant 0 : index
    %get3A_34 = tpu.vector_load %arg7[%get3A] {strides = array<i32>} : memref<4096xi32, #tpu.memory_space<vmem>>, vector<16xi32>,
    %eq3A = arith.constant 0 : i32
    %eq3A_35 = vector.broadcast %eq3A : i32 to vector<16xi32>
    %eq3A_36 = arith.cmpi eq, %iota3A, %eq3A_35 : vector<16xi32>
    %jit3A = arith.constant 2147483647 : i32
    %broadcast_in_dim3A_37 = vector.broadcast %jit3A : i32 to vector<16xi32>
    %select_n3A = arith.select %eq3A_36, %get3A_34, %broadcast_in_dim3A_37 : vector<16xi1>, vector<16xi32>
    %reduce_min3A = arith.constant true
    %reduce_min3A_38 = vector.broadcast %reduce_min3A : i1 to vector<16xi1>
    %reduce_min3A_39 = arith.constant -2147483648 : i32
    %reduce_min3A_40 = vector.broadcast %reduce_min3A_39 : i32 to vector<16xi32>
    %reduce_min3A_41 = arith.xori %select_n3A, %reduce_min3A_40 : vector<16xi32>
    %reduce_min3A_42 = tpu.scan <min>, %reduce_min3A_41 masked %reduce_min3A_38 : vector<16xi32>, vector<16xi1> -> vector<16xi32>
    %reduce_min3A_43 = arith.xori %reduce_min3A_42, %reduce_min3A_40 : vector<16xi32>
    %reduce_min3A_44 = vector.extract %reduce_min3A_43[15] : i32 from vector<16xi32>
    %add3A_45 = vector.broadcast %reduce_min3A_44 : i32 to vector<16xi32>
    %add3A_46 = arith.addi %broadcast_in_dim3A_5, %add3A_45 : vector<16xi32>
    %add3A_47 = arith.constant 2147483647 : i32
    %add3A_48 = vector.broadcast %add3A_47 : i32 to vector<16xi32>
    %add3A_49 = arith.addi %broadcast_in_dim3A_5, %add3A_48 : vector<16xi32>
    "tpu.trace_start"() <{level = 10 : i32, message = "p1_scan"}> : () -> ()
    %scan3A = arith.constant 0 : i32
    %scan3A_50 = arith.constant 64 : i32
    %scan3A_51 = arith.addi %scan3A, %scan3A_50 : i32
    %scan3A_52 = arith.constant 1 : i32
    %scan3A_53:17 = scf.for %scan3A_552 = %scan3A to %scan3A_51 step %scan3A_52 iter_args(%scan3A_553 = %add3A_49, %scan3A_554 = %add3A_49, %scan3A_555 = %add3A_49, %scan3A_556 = %add3A_49, %scan3A_557 = %add3A_49, %scan3A_558 = %add3A_49, %scan3A_559 = %add3A_49, %scan3A_560 = %add3A_49, %scan3A_561 = %add3A_49, %scan3A_562 = %add3A_49, %scan3A_563 = %add3A_49, %scan3A_564 = %add3A_49, %scan3A_565 = %add3A_49, %scan3A_566 = %add3A_49, %scan3A_567 = %add3A_49, %scan3A_568 = %add3A_49, %scan3A_569 = %add3A_49) -> (vector<16xi32>, vector<16xi32>, vector<16xi32>, vector<16xi32>, vector<16xi32>, vector<16xi32>, vector<16xi32>, vector<16xi32>, vector<16xi32>, vector<16xi32>, vector<16xi32>, vector<16xi32>, vector<16xi32>, vector<16xi32>, vector<16xi32>, vector<16xi32>, vector<16xi32>)  : i32 {
      %mul3A_570 = arith.constant 2 : i32
      %mul3A_571 = arith.muli %mul3A_570, %scan3A_552 : i32
      %add3A_572 = arith.constant 0 : i32
      %add3A_573 = arith.addi %mul3A_571, %add3A_572 : i32
      %mul3A_574 = arith.constant 16 : i32
      %mul3A_575 = arith.muli %add3A_573, %mul3A_574 : i32
      %get3A_576 = arith.index_cast %mul3A_575 : i32 to index
      %get3A_577 = tpu.vector_load %arg7[%get3A_576] {strides = array<i32>} : memref<4096xi32, #tpu.memory_space<vmem>>, vector<16xi32>,
      %add3A_578 = vector.broadcast %mul3A_575 : i32 to vector<16xi32>
      %add3A_579 = arith.addi %add3A_578, %iota3A : vector<16xi32>
      %mul3A_580 = arith.constant 8 : i32
      %mul3A_581 = arith.muli %arg1, %mul3A_580 : i32
      %add3A_582 = arith.constant 0 : i32
      %add3A_583 = arith.addi %mul3A_581, %add3A_582 : i32
      %eq3A_584 = vector.broadcast %add3A_583 : i32 to vector<16xi32>
      %eq3A_585 = arith.cmpi eq, %get3A_577, %eq3A_584 : vector<16xi32>
      %jit3A_586 = arith.constant 2147483647 : i32
      %broadcast_in_dim3A_587 = vector.broadcast %jit3A_586 : i32 to vector<16xi32>
      %select_n3A_588 = arith.select %eq3A_585, %add3A_579, %broadcast_in_dim3A_587 : vector<16xi1>, vector<16xi32>
      %max3A = arith.maxsi %scan3A_553, %select_n3A_588 : vector<16xi32>
      %min3A_589 = arith.minsi %scan3A_561, %max3A : vector<16xi32>
      %min3A_590 = arith.minsi %scan3A_553, %select_n3A_588 : vector<16xi32>
      %mul3A_591 = arith.constant 8 : i32
      %mul3A_592 = arith.muli %arg1, %mul3A_591 : i32
      %add3A_593 = arith.constant 1 : i32
      %add3A_594 = arith.addi %mul3A_592, %add3A_593 : i32
      %eq3A_595 = vector.broadcast %add3A_594 : i32 to vector<16xi32>
      %eq3A_596 = arith.cmpi eq, %get3A_577, %eq3A_595 : vector<16xi32>
      %jit3A_597 = arith.constant 2147483647 : i32
      %broadcast_in_dim3A_598 = vector.broadcast %jit3A_597 : i32 to vector<16xi32>
      %select_n3A_599 = arith.select %eq3A_596, %add3A_579, %broadcast_in_dim3A_598 : vector<16xi1>, vector<16xi32>
      %max3A_600 = arith.maxsi %scan3A_554, %select_n3A_599 : vector<16xi32>
      %min3A_601 = arith.minsi %scan3A_562, %max3A_600 : vector<16xi32>
      %min3A_602 = arith.minsi %scan3A_554, %select_n3A_599 : vector<16xi32>
      %mul3A_603 = arith.constant 8 : i32
      %mul3A_604 = arith.muli %arg1, %mul3A_603 : i32
      %add3A_605 = arith.constant 2 : i32
      %add3A_606 = arith.addi %mul3A_604, %add3A_605 : i32
      %eq3A_607 = vector.broadcast %add3A_606 : i32 to vector<16xi32>
      %eq3A_608 = arith.cmpi eq, %get3A_577, %eq3A_607 : vector<16xi32>
      %jit3A_609 = arith.constant 2147483647 : i32
      %broadcast_in_dim3A_610 = vector.broadcast %jit3A_609 : i32 to vector<16xi32>
      %select_n3A_611 = arith.select %eq3A_608, %add3A_579, %broadcast_in_dim3A_610 : vector<16xi1>, vector<16xi32>
      %max3A_612 = arith.maxsi %scan3A_555, %select_n3A_611 : vector<16xi32>
      %min3A_613 = arith.minsi %scan3A_563, %max3A_612 : vector<16xi32>
      %min3A_614 = arith.minsi %scan3A_555, %select_n3A_611 : vector<16xi32>
      %mul3A_615 = arith.constant 8 : i32
      %mul3A_616 = arith.muli %arg1, %mul3A_615 : i32
      %add3A_617 = arith.constant 3 : i32
      %add3A_618 = arith.addi %mul3A_616, %add3A_617 : i32
      %eq3A_619 = vector.broadcast %add3A_618 : i32 to vector<16xi32>
      %eq3A_620 = arith.cmpi eq, %get3A_577, %eq3A_619 : vector<16xi32>
      %jit3A_621 = arith.constant 2147483647 : i32
      %broadcast_in_dim3A_622 = vector.broadcast %jit3A_621 : i32 to vector<16xi32>
      %select_n3A_623 = arith.select %eq3A_620, %add3A_579, %broadcast_in_dim3A_622 : vector<16xi1>, vector<16xi32>
      %max3A_624 = arith.maxsi %scan3A_556, %select_n3A_623 : vector<16xi32>
      %min3A_625 = arith.minsi %scan3A_564, %max3A_624 : vector<16xi32>
      %min3A_626 = arith.minsi %scan3A_556, %select_n3A_623 : vector<16xi32>
      %mul3A_627 = arith.constant 8 : i32
      %mul3A_628 = arith.muli %arg1, %mul3A_627 : i32
      %add3A_629 = arith.constant 4 : i32
      %add3A_630 = arith.addi %mul3A_628, %add3A_629 : i32
      %eq3A_631 = vector.broadcast %add3A_630 : i32 to vector<16xi32>
      %eq3A_632 = arith.cmpi eq, %get3A_577, %eq3A_631 : vector<16xi32>
      %jit3A_633 = arith.constant 2147483647 : i32
      %broadcast_in_dim3A_634 = vector.broadcast %jit3A_633 : i32 to vector<16xi32>
      %select_n3A_635 = arith.select %eq3A_632, %add3A_579, %broadcast_in_dim3A_634 : vector<16xi1>, vector<16xi32>
      %max3A_636 = arith.maxsi %scan3A_557, %select_n3A_635 : vector<16xi32>
      %min3A_637 = arith.minsi %scan3A_565, %max3A_636 : vector<16xi32>
      %min3A_638 = arith.minsi %scan3A_557, %select_n3A_635 : vector<16xi32>
      %mul3A_639 = arith.constant 8 : i32
      %mul3A_640 = arith.muli %arg1, %mul3A_639 : i32
      %add3A_641 = arith.constant 5 : i32
      %add3A_642 = arith.addi %mul3A_640, %add3A_641 : i32
      %eq3A_643 = vector.broadcast %add3A_642 : i32 to vector<16xi32>
      %eq3A_644 = arith.cmpi eq, %get3A_577, %eq3A_643 : vector<16xi32>
      %jit3A_645 = arith.constant 2147483647 : i32
      %broadcast_in_dim3A_646 = vector.broadcast %jit3A_645 : i32 to vector<16xi32>
      %select_n3A_647 = arith.select %eq3A_644, %add3A_579, %broadcast_in_dim3A_646 : vector<16xi1>, vector<16xi32>
      %max3A_648 = arith.maxsi %scan3A_558, %select_n3A_647 : vector<16xi32>
      %min3A_649 = arith.minsi %scan3A_566, %max3A_648 : vector<16xi32>
      %min3A_650 = arith.minsi %scan3A_558, %select_n3A_647 : vector<16xi32>
      %mul3A_651 = arith.constant 8 : i32
      %mul3A_652 = arith.muli %arg1, %mul3A_651 : i32
      %add3A_653 = arith.constant 6 : i32
      %add3A_654 = arith.addi %mul3A_652, %add3A_653 : i32
      %eq3A_655 = vector.broadcast %add3A_654 : i32 to vector<16xi32>
      %eq3A_656 = arith.cmpi eq, %get3A_577, %eq3A_655 : vector<16xi32>
      %jit3A_657 = arith.constant 2147483647 : i32
      %broadcast_in_dim3A_658 = vector.broadcast %jit3A_657 : i32 to vector<16xi32>
      %select_n3A_659 = arith.select %eq3A_656, %add3A_579, %broadcast_in_dim3A_658 : vector<16xi1>, vector<16xi32>
      %max3A_660 = arith.maxsi %scan3A_559, %select_n3A_659 : vector<16xi32>
      %min3A_661 = arith.minsi %scan3A_567, %max3A_660 : vector<16xi32>
      %min3A_662 = arith.minsi %scan3A_559, %select_n3A_659 : vector<16xi32>
      %mul3A_663 = arith.constant 8 : i32
      %mul3A_664 = arith.muli %arg1, %mul3A_663 : i32
      %add3A_665 = arith.constant 7 : i32
      %add3A_666 = arith.addi %mul3A_664, %add3A_665 : i32
      %eq3A_667 = vector.broadcast %add3A_666 : i32 to vector<16xi32>
      %eq3A_668 = arith.cmpi eq, %get3A_577, %eq3A_667 : vector<16xi32>
      %jit3A_669 = arith.constant 2147483647 : i32
      %broadcast_in_dim3A_670 = vector.broadcast %jit3A_669 : i32 to vector<16xi32>
      %select_n3A_671 = arith.select %eq3A_668, %add3A_579, %broadcast_in_dim3A_670 : vector<16xi1>, vector<16xi32>
      %max3A_672 = arith.maxsi %scan3A_560, %select_n3A_671 : vector<16xi32>
      %min3A_673 = arith.minsi %scan3A_568, %max3A_672 : vector<16xi32>
      %min3A_674 = arith.minsi %scan3A_560, %select_n3A_671 : vector<16xi32>
      %ne3A = arith.cmpi ne, %get3A_577, %add3A_46 : vector<16xi32>
      %jit3A_675 = arith.constant 2147483647 : i32
      %broadcast_in_dim3A_676 = vector.broadcast %jit3A_675 : i32 to vector<16xi32>
      %select_n3A_677 = arith.select %ne3A, %add3A_579, %broadcast_in_dim3A_676 : vector<16xi1>, vector<16xi32>
      %min3A_678 = arith.minsi %scan3A_569, %select_n3A_677 : vector<16xi32>
      %mul3A_679 = arith.constant 2 : i32
      %mul3A_680 = arith.muli %mul3A_679, %scan3A_552 : i32
      %add3A_681 = arith.constant 1 : i32
      %add3A_682 = arith.addi %mul3A_680, %add3A_681 : i32
      %mul3A_683 = arith.constant 16 : i32
      %mul3A_684 = arith.muli %add3A_682, %mul3A_683 : i32
      %get3A_685 = arith.index_cast %mul3A_684 : i32 to index
      %get3A_686 = tpu.vector_load %arg7[%get3A_685] {strides = array<i32>} : memref<4096xi32, #tpu.memory_space<vmem>>, vector<16xi32>,
      %add3A_687 = vector.broadcast %mul3A_684 : i32 to vector<16xi32>
      %add3A_688 = arith.addi %add3A_687, %iota3A : vector<16xi32>
      %mul3A_689 = arith.constant 8 : i32
      %mul3A_690 = arith.muli %arg1, %mul3A_689 : i32
      %add3A_691 = arith.constant 0 : i32
      %add3A_692 = arith.addi %mul3A_690, %add3A_691 : i32
      %eq3A_693 = vector.broadcast %add3A_692 : i32 to vector<16xi32>
      %eq3A_694 = arith.cmpi eq, %get3A_686, %eq3A_693 : vector<16xi32>
      %jit3A_695 = arith.constant 2147483647 : i32
      %broadcast_in_dim3A_696 = vector.broadcast %jit3A_695 : i32 to vector<16xi32>
      %select_n3A_697 = arith.select %eq3A_694, %add3A_688, %broadcast_in_dim3A_696 : vector<16xi1>, vector<16xi32>
      %max3A_698 = arith.maxsi %min3A_590, %select_n3A_697 : vector<16xi32>
      %min3A_699 = arith.minsi %min3A_589, %max3A_698 : vector<16xi32>
      %min3A_700 = arith.minsi %min3A_590, %select_n3A_697 : vector<16xi32>
      %mul3A_701 = arith.constant 8 : i32
      %mul3A_702 = arith.muli %arg1, %mul3A_701 : i32
      %add3A_703 = arith.constant 1 : i32
      %add3A_704 = arith.addi %mul3A_702, %add3A_703 : i32
      %eq3A_705 = vector.broadcast %add3A_704 : i32 to vector<16xi32>
      %eq3A_706 = arith.cmpi eq, %get3A_686, %eq3A_705 : vector<16xi32>
      %jit3A_707 = arith.constant 2147483647 : i32
      %broadcast_in_dim3A_708 = vector.broadcast %jit3A_707 : i32 to vector<16xi32>
      %select_n3A_709 = arith.select %eq3A_706, %add3A_688, %broadcast_in_dim3A_708 : vector<16xi1>, vector<16xi32>
      %max3A_710 = arith.maxsi %min3A_602, %select_n3A_709 : vector<16xi32>
      %min3A_711 = arith.minsi %min3A_601, %max3A_710 : vector<16xi32>
      %min3A_712 = arith.minsi %min3A_602, %select_n3A_709 : vector<16xi32>
      %mul3A_713 = arith.constant 8 : i32
      %mul3A_714 = arith.muli %arg1, %mul3A_713 : i32
      %add3A_715 = arith.constant 2 : i32
      %add3A_716 = arith.addi %mul3A_714, %add3A_715 : i32
      %eq3A_717 = vector.broadcast %add3A_716 : i32 to vector<16xi32>
      %eq3A_718 = arith.cmpi eq, %get3A_686, %eq3A_717 : vector<16xi32>
      %jit3A_719 = arith.constant 2147483647 : i32
      %broadcast_in_dim3A_720 = vector.broadcast %jit3A_719 : i32 to vector<16xi32>
      %select_n3A_721 = arith.select %eq3A_718, %add3A_688, %broadcast_in_dim3A_720 : vector<16xi1>, vector<16xi32>
      %max3A_722 = arith.maxsi %min3A_614, %select_n3A_721 : vector<16xi32>
      %min3A_723 = arith.minsi %min3A_613, %max3A_722 : vector<16xi32>
      %min3A_724 = arith.minsi %min3A_614, %select_n3A_721 : vector<16xi32>
      %mul3A_725 = arith.constant 8 : i32
      %mul3A_726 = arith.muli %arg1, %mul3A_725 : i32
      %add3A_727 = arith.constant 3 : i32
      %add3A_728 = arith.addi %mul3A_726, %add3A_727 : i32
      %eq3A_729 = vector.broadcast %add3A_728 : i32 to vector<16xi32>
      %eq3A_730 = arith.cmpi eq, %get3A_686, %eq3A_729 : vector<16xi32>
      %jit3A_731 = arith.constant 2147483647 : i32
      %broadcast_in_dim3A_732 = vector.broadcast %jit3A_731 : i32 to vector<16xi32>
      %select_n3A_733 = arith.select %eq3A_730, %add3A_688, %broadcast_in_dim3A_732 : vector<16xi1>, vector<16xi32>
      %max3A_734 = arith.maxsi %min3A_626, %select_n3A_733 : vector<16xi32>
      %min3A_735 = arith.minsi %min3A_625, %max3A_734 : vector<16xi32>
      %min3A_736 = arith.minsi %min3A_626, %select_n3A_733 : vector<16xi32>
      %mul3A_737 = arith.constant 8 : i32
      %mul3A_738 = arith.muli %arg1, %mul3A_737 : i32
      %add3A_739 = arith.constant 4 : i32
      %add3A_740 = arith.addi %mul3A_738, %add3A_739 : i32
      %eq3A_741 = vector.broadcast %add3A_740 : i32 to vector<16xi32>
      %eq3A_742 = arith.cmpi eq, %get3A_686, %eq3A_741 : vector<16xi32>
      %jit3A_743 = arith.constant 2147483647 : i32
      %broadcast_in_dim3A_744 = vector.broadcast %jit3A_743 : i32 to vector<16xi32>
      %select_n3A_745 = arith.select %eq3A_742, %add3A_688, %broadcast_in_dim3A_744 : vector<16xi1>, vector<16xi32>
      %max3A_746 = arith.maxsi %min3A_638, %select_n3A_745 : vector<16xi32>
      %min3A_747 = arith.minsi %min3A_637, %max3A_746 : vector<16xi32>
      %min3A_748 = arith.minsi %min3A_638, %select_n3A_745 : vector<16xi32>
      %mul3A_749 = arith.constant 8 : i32
      %mul3A_750 = arith.muli %arg1, %mul3A_749 : i32
      %add3A_751 = arith.constant 5 : i32
      %add3A_752 = arith.addi %mul3A_750, %add3A_751 : i32
      %eq3A_753 = vector.broadcast %add3A_752 : i32 to vector<16xi32>
      %eq3A_754 = arith.cmpi eq, %get3A_686, %eq3A_753 : vector<16xi32>
      %jit3A_755 = arith.constant 2147483647 : i32
      %broadcast_in_dim3A_756 = vector.broadcast %jit3A_755 : i32 to vector<16xi32>
      %select_n3A_757 = arith.select %eq3A_754, %add3A_688, %broadcast_in_dim3A_756 : vector<16xi1>, vector<16xi32>
      %max3A_758 = arith.maxsi %min3A_650, %select_n3A_757 : vector<16xi32>
      %min3A_759 = arith.minsi %min3A_649, %max3A_758 : vector<16xi32>
      %min3A_760 = arith.minsi %min3A_650, %select_n3A_757 : vector<16xi32>
      %mul3A_761 = arith.constant 8 : i32
      %mul3A_762 = arith.muli %arg1, %mul3A_761 : i32
      %add3A_763 = arith.constant 6 : i32
      %add3A_764 = arith.addi %mul3A_762, %add3A_763 : i32
      %eq3A_765 = vector.broadcast %add3A_764 : i32 to vector<16xi32>
      %eq3A_766 = arith.cmpi eq, %get3A_686, %eq3A_765 : vector<16xi32>
      %jit3A_767 = arith.constant 2147483647 : i32
      %broadcast_in_dim3A_768 = vector.broadcast %jit3A_767 : i32 to vector<16xi32>
      %select_n3A_769 = arith.select %eq3A_766, %add3A_688, %broadcast_in_dim3A_768 : vector<16xi1>, vector<16xi32>
      %max3A_770 = arith.maxsi %min3A_662, %select_n3A_769 : vector<16xi32>
      %min3A_771 = arith.minsi %min3A_661, %max3A_770 : vector<16xi32>
      %min3A_772 = arith.minsi %min3A_662, %select_n3A_769 : vector<16xi32>
      %mul3A_773 = arith.constant 8 : i32
      %mul3A_774 = arith.muli %arg1, %mul3A_773 : i32
      %add3A_775 = arith.constant 7 : i32
      %add3A_776 = arith.addi %mul3A_774, %add3A_775 : i32
      %eq3A_777 = vector.broadcast %add3A_776 : i32 to vector<16xi32>
      %eq3A_778 = arith.cmpi eq, %get3A_686, %eq3A_777 : vector<16xi32>
      %jit3A_779 = arith.constant 2147483647 : i32
      %broadcast_in_dim3A_780 = vector.broadcast %jit3A_779 : i32 to vector<16xi32>
      %select_n3A_781 = arith.select %eq3A_778, %add3A_688, %broadcast_in_dim3A_780 : vector<16xi1>, vector<16xi32>
      %max3A_782 = arith.maxsi %min3A_674, %select_n3A_781 : vector<16xi32>
      %min3A_783 = arith.minsi %min3A_673, %max3A_782 : vector<16xi32>
      %min3A_784 = arith.minsi %min3A_674, %select_n3A_781 : vector<16xi32>
      %ne3A_785 = arith.cmpi ne, %get3A_686, %add3A_46 : vector<16xi32>
      %jit3A_786 = arith.constant 2147483647 : i32
      %broadcast_in_dim3A_787 = vector.broadcast %jit3A_786 : i32 to vector<16xi32>
      %select_n3A_788 = arith.select %ne3A_785, %add3A_688, %broadcast_in_dim3A_787 : vector<16xi1>, vector<16xi32>
      %min3A_789 = arith.minsi %min3A_678, %select_n3A_788 : vector<16xi32>
      scf.yield %min3A_700, %min3A_712, %min3A_724, %min3A_736, %min3A_748, %min3A_760, %min3A_772, %min3A_784, %min3A_699, %min3A_711, %min3A_723, %min3A_735, %min3A_747, %min3A_759, %min3A_771, %min3A_783, %min3A_789 : vector<16xi32>, vector<16xi32>, vector<16xi32>, vector<16xi32>, vector<16xi32>, vector<16xi32>, vector<16xi32>, vector<16xi32>, vector<16xi32>, vector<16xi32>, vector<16xi32>, vector<16xi32>, vector<16xi32>, vector<16xi32>, vector<16xi32>, vector<16xi32>, vector<16xi32>
    }
    %scan3A_54 = arith.constant 64 : i32
    %dma_wait3A_55 = arith.constant 2048 : i32
    %dma_wait3A_56 = tpu.memref_slice %arg7[%dma_wait3A_55] : memref<4096xi32, #tpu.memory_space<vmem>> -> memref<2048xi32, #tpu.memory_space<vmem>>
    %dma_wait3A_57 = arith.constant 2048 : i32
    %dma_wait3A_58 = tpu.memref_slice %arg3[%dma_wait3A_57] : memref<4096xi32, #tpu.memory_space<hbm>> -> memref<2048xi32, #tpu.memory_space<hbm>>
    %dma_wait3A_59 = arith.constant 2048 : i32
    %dma_wait3A_60 = tpu.memref_slice %arg7[%dma_wait3A_59] : memref<4096xi32, #tpu.memory_space<vmem>> -> memref<2048xi32, #tpu.memory_space<vmem>>
    %dma_wait3A_61 = arith.constant 2048 : i32
    %dma_wait3A_62 = tpu.memref_slice %arg3[%dma_wait3A_61] : memref<4096xi32, #tpu.memory_space<hbm>> -> memref<2048xi32, #tpu.memory_space<hbm>>
    tpu.wait_dma2 semaphore(%arg38 : memref<!tpu.dma_semaphore, #tpu.memory_space<semaphore_mem>>) src(%dma_wait3A_62 : memref<2048xi32, #tpu.memory_space<hbm>>) dst(%dma_wait3A_60 : memref<2048xi32, #tpu.memory_space<vmem>>)
    %scan3A_63 = arith.constant 64 : i32
    %scan3A_64 = arith.constant 64 : i32
    %scan3A_65 = arith.addi %scan3A_63, %scan3A_64 : i32
    %scan3A_66 = arith.constant 1 : i32
    %scan3A_67:17 = scf.for %scan3A_552 = %scan3A_63 to %scan3A_65 step %scan3A_66 iter_args(%scan3A_553 = %scan3A_53#0, %scan3A_554 = %scan3A_53#1, %scan3A_555 = %scan3A_53#2, %scan3A_556 = %scan3A_53#3, %scan3A_557 = %scan3A_53#4, %scan3A_558 = %scan3A_53#5, %scan3A_559 = %scan3A_53#6, %scan3A_560 = %scan3A_53#7, %scan3A_561 = %scan3A_53#8, %scan3A_562 = %scan3A_53#9, %scan3A_563 = %scan3A_53#10, %scan3A_564 = %scan3A_53#11, %scan3A_565 = %scan3A_53#12, %scan3A_566 = %scan3A_53#13, %scan3A_567 = %scan3A_53#14, %scan3A_568 = %scan3A_53#15, %scan3A_569 = %scan3A_53#16) -> (vector<16xi32>, vector<16xi32>, vector<16xi32>, vector<16xi32>, vector<16xi32>, vector<16xi32>, vector<16xi32>, vector<16xi32>, vector<16xi32>, vector<16xi32>, vector<16xi32>, vector<16xi32>, vector<16xi32>, vector<16xi32>, vector<16xi32>, vector<16xi32>, vector<16xi32>)  : i32 {
      %mul3A_570 = arith.constant 2 : i32
      %mul3A_571 = arith.muli %mul3A_570, %scan3A_552 : i32
      %add3A_572 = arith.constant 0 : i32
      %add3A_573 = arith.addi %mul3A_571, %add3A_572 : i32
      %mul3A_574 = arith.constant 16 : i32
      %mul3A_575 = arith.muli %add3A_573, %mul3A_574 : i32
      %get3A_576 = arith.index_cast %mul3A_575 : i32 to index
      %get3A_577 = tpu.vector_load %arg7[%get3A_576] {strides = array<i32>} : memref<4096xi32, #tpu.memory_space<vmem>>, vector<16xi32>,
      %add3A_578 = vector.broadcast %mul3A_575 : i32 to vector<16xi32>
      %add3A_579 = arith.addi %add3A_578, %iota3A : vector<16xi32>
      %mul3A_580 = arith.constant 8 : i32
      %mul3A_581 = arith.muli %arg1, %mul3A_580 : i32
      %add3A_582 = arith.constant 0 : i32
      %add3A_583 = arith.addi %mul3A_581, %add3A_582 : i32
      %eq3A_584 = vector.broadcast %add3A_583 : i32 to vector<16xi32>
      %eq3A_585 = arith.cmpi eq, %get3A_577, %eq3A_584 : vector<16xi32>
      %jit3A_586 = arith.constant 2147483647 : i32
      %broadcast_in_dim3A_587 = vector.broadcast %jit3A_586 : i32 to vector<16xi32>
      %select_n3A_588 = arith.select %eq3A_585, %add3A_579, %broadcast_in_dim3A_587 : vector<16xi1>, vector<16xi32>
      %max3A = arith.maxsi %scan3A_553, %select_n3A_588 : vector<16xi32>
      %min3A_589 = arith.minsi %scan3A_561, %max3A : vector<16xi32>
      %min3A_590 = arith.minsi %scan3A_553, %select_n3A_588 : vector<16xi32>
      %mul3A_591 = arith.constant 8 : i32
      %mul3A_592 = arith.muli %arg1, %mul3A_591 : i32
      %add3A_593 = arith.constant 1 : i32
      %add3A_594 = arith.addi %mul3A_592, %add3A_593 : i32
      %eq3A_595 = vector.broadcast %add3A_594 : i32 to vector<16xi32>
      %eq3A_596 = arith.cmpi eq, %get3A_577, %eq3A_595 : vector<16xi32>
      %jit3A_597 = arith.constant 2147483647 : i32
      %broadcast_in_dim3A_598 = vector.broadcast %jit3A_597 : i32 to vector<16xi32>
      %select_n3A_599 = arith.select %eq3A_596, %add3A_579, %broadcast_in_dim3A_598 : vector<16xi1>, vector<16xi32>
      %max3A_600 = arith.maxsi %scan3A_554, %select_n3A_599 : vector<16xi32>
      %min3A_601 = arith.minsi %scan3A_562, %max3A_600 : vector<16xi32>
      %min3A_602 = arith.minsi %scan3A_554, %select_n3A_599 : vector<16xi32>
      %mul3A_603 = arith.constant 8 : i32
      %mul3A_604 = arith.muli %arg1, %mul3A_603 : i32
      %add3A_605 = arith.constant 2 : i32
      %add3A_606 = arith.addi %mul3A_604, %add3A_605 : i32
      %eq3A_607 = vector.broadcast %add3A_606 : i32 to vector<16xi32>
      %eq3A_608 = arith.cmpi eq, %get3A_577, %eq3A_607 : vector<16xi32>
      %jit3A_609 = arith.constant 2147483647 : i32
      %broadcast_in_dim3A_610 = vector.broadcast %jit3A_609 : i32 to vector<16xi32>
      %select_n3A_611 = arith.select %eq3A_608, %add3A_579, %broadcast_in_dim3A_610 : vector<16xi1>, vector<16xi32>
      %max3A_612 = arith.maxsi %scan3A_555, %select_n3A_611 : vector<16xi32>
      %min3A_613 = arith.minsi %scan3A_563, %max3A_612 : vector<16xi32>
      %min3A_614 = arith.minsi %scan3A_555, %select_n3A_611 : vector<16xi32>
      %mul3A_615 = arith.constant 8 : i32
      %mul3A_616 = arith.muli %arg1, %mul3A_615 : i32
      %add3A_617 = arith.constant 3 : i32
      %add3A_618 = arith.addi %mul3A_616, %add3A_617 : i32
      %eq3A_619 = vector.broadcast %add3A_618 : i32 to vector<16xi32>
      %eq3A_620 = arith.cmpi eq, %get3A_577, %eq3A_619 : vector<16xi32>
      %jit3A_621 = arith.constant 2147483647 : i32
      %broadcast_in_dim3A_622 = vector.broadcast %jit3A_621 : i32 to vector<16xi32>
      %select_n3A_623 = arith.select %eq3A_620, %add3A_579, %broadcast_in_dim3A_622 : vector<16xi1>, vector<16xi32>
      %max3A_624 = arith.maxsi %scan3A_556, %select_n3A_623 : vector<16xi32>
      %min3A_625 = arith.minsi %scan3A_564, %max3A_624 : vector<16xi32>
      %min3A_626 = arith.minsi %scan3A_556, %select_n3A_623 : vector<16xi32>
      %mul3A_627 = arith.constant 8 : i32
      %mul3A_628 = arith.muli %arg1, %mul3A_627 : i32
      %add3A_629 = arith.constant 4 : i32
      %add3A_630 = arith.addi %mul3A_628, %add3A_629 : i32
      %eq3A_631 = vector.broadcast %add3A_630 : i32 to vector<16xi32>
      %eq3A_632 = arith.cmpi eq, %get3A_577, %eq3A_631 : vector<16xi32>
      %jit3A_633 = arith.constant 2147483647 : i32
      %broadcast_in_dim3A_634 = vector.broadcast %jit3A_633 : i32 to vector<16xi32>
      %select_n3A_635 = arith.select %eq3A_632, %add3A_579, %broadcast_in_dim3A_634 : vector<16xi1>, vector<16xi32>
      %max3A_636 = arith.maxsi %scan3A_557, %select_n3A_635 : vector<16xi32>
      %min3A_637 = arith.minsi %scan3A_565, %max3A_636 : vector<16xi32>
      %min3A_638 = arith.minsi %scan3A_557, %select_n3A_635 : vector<16xi32>
      %mul3A_639 = arith.constant 8 : i32
      %mul3A_640 = arith.muli %arg1, %mul3A_639 : i32
      %add3A_641 = arith.constant 5 : i32
      %add3A_642 = arith.addi %mul3A_640, %add3A_641 : i32
      %eq3A_643 = vector.broadcast %add3A_642 : i32 to vector<16xi32>
      %eq3A_644 = arith.cmpi eq, %get3A_577, %eq3A_643 : vector<16xi32>
      %jit3A_645 = arith.constant 2147483647 : i32
      %broadcast_in_dim3A_646 = vector.broadcast %jit3A_645 : i32 to vector<16xi32>
      %select_n3A_647 = arith.select %eq3A_644, %add3A_579, %broadcast_in_dim3A_646 : vector<16xi1>, vector<16xi32>
      %max3A_648 = arith.maxsi %scan3A_558, %select_n3A_647 : vector<16xi32>
      %min3A_649 = arith.minsi %scan3A_566, %max3A_648 : vector<16xi32>
      %min3A_650 = arith.minsi %scan3A_558, %select_n3A_647 : vector<16xi32>
      %mul3A_651 = arith.constant 8 : i32
      %mul3A_652 = arith.muli %arg1, %mul3A_651 : i32
      %add3A_653 = arith.constant 6 : i32
      %add3A_654 = arith.addi %mul3A_652, %add3A_653 : i32
      %eq3A_655 = vector.broadcast %add3A_654 : i32 to vector<16xi32>
      %eq3A_656 = arith.cmpi eq, %get3A_577, %eq3A_655 : vector<16xi32>
      %jit3A_657 = arith.constant 2147483647 : i32
      %broadcast_in_dim3A_658 = vector.broadcast %jit3A_657 : i32 to vector<16xi32>
      %select_n3A_659 = arith.select %eq3A_656, %add3A_579, %broadcast_in_dim3A_658 : vector<16xi1>, vector<16xi32>
      %max3A_660 = arith.maxsi %scan3A_559, %select_n3A_659 : vector<16xi32>
      %min3A_661 = arith.minsi %scan3A_567, %max3A_660 : vector<16xi32>
      %min3A_662 = arith.minsi %scan3A_559, %select_n3A_659 : vector<16xi32>
      %mul3A_663 = arith.constant 8 : i32
      %mul3A_664 = arith.muli %arg1, %mul3A_663 : i32
      %add3A_665 = arith.constant 7 : i32
      %add3A_666 = arith.addi %mul3A_664, %add3A_665 : i32
      %eq3A_667 = vector.broadcast %add3A_666 : i32 to vector<16xi32>
      %eq3A_668 = arith.cmpi eq, %get3A_577, %eq3A_667 : vector<16xi32>
      %jit3A_669 = arith.constant 2147483647 : i32
      %broadcast_in_dim3A_670 = vector.broadcast %jit3A_669 : i32 to vector<16xi32>
      %select_n3A_671 = arith.select %eq3A_668, %add3A_579, %broadcast_in_dim3A_670 : vector<16xi1>, vector<16xi32>
      %max3A_672 = arith.maxsi %scan3A_560, %select_n3A_671 : vector<16xi32>
      %min3A_673 = arith.minsi %scan3A_568, %max3A_672 : vector<16xi32>
      %min3A_674 = arith.minsi %scan3A_560, %select_n3A_671 : vector<16xi32>
      %ne3A = arith.cmpi ne, %get3A_577, %add3A_46 : vector<16xi32>
      %jit3A_675 = arith.constant 2147483647 : i32
      %broadcast_in_dim3A_676 = vector.broadcast %jit3A_675 : i32 to vector<16xi32>
      %select_n3A_677 = arith.select %ne3A, %add3A_579, %broadcast_in_dim3A_676 : vector<16xi1>, vector<16xi32>
      %min3A_678 = arith.minsi %scan3A_569, %select_n3A_677 : vector<16xi32>
      %mul3A_679 = arith.constant 2 : i32
      %mul3A_680 = arith.muli %mul3A_679, %scan3A_552 : i32
      %add3A_681 = arith.constant 1 : i32
      %add3A_682 = arith.addi %mul3A_680, %add3A_681 : i32
      %mul3A_683 = arith.constant 16 : i32
      %mul3A_684 = arith.muli %add3A_682, %mul3A_683 : i32
      %get3A_685 = arith.index_cast %mul3A_684 : i32 to index
      %get3A_686 = tpu.vector_load %arg7[%get3A_685] {strides = array<i32>} : memref<4096xi32, #tpu.memory_space<vmem>>, vector<16xi32>,
      %add3A_687 = vector.broadcast %mul3A_684 : i32 to vector<16xi32>
      %add3A_688 = arith.addi %add3A_687, %iota3A : vector<16xi32>
      %mul3A_689 = arith.constant 8 : i32
      %mul3A_690 = arith.muli %arg1, %mul3A_689 : i32
      %add3A_691 = arith.constant 0 : i32
      %add3A_692 = arith.addi %mul3A_690, %add3A_691 : i32
      %eq3A_693 = vector.broadcast %add3A_692 : i32 to vector<16xi32>
      %eq3A_694 = arith.cmpi eq, %get3A_686, %eq3A_693 : vector<16xi32>
      %jit3A_695 = arith.constant 2147483647 : i32
      %broadcast_in_dim3A_696 = vector.broadcast %jit3A_695 : i32 to vector<16xi32>
      %select_n3A_697 = arith.select %eq3A_694, %add3A_688, %broadcast_in_dim3A_696 : vector<16xi1>, vector<16xi32>
      %max3A_698 = arith.maxsi %min3A_590, %select_n3A_697 : vector<16xi32>
      %min3A_699 = arith.minsi %min3A_589, %max3A_698 : vector<16xi32>
      %min3A_700 = arith.minsi %min3A_590, %select_n3A_697 : vector<16xi32>
      %mul3A_701 = arith.constant 8 : i32
      %mul3A_702 = arith.muli %arg1, %mul3A_701 : i32
      %add3A_703 = arith.constant 1 : i32
      %add3A_704 = arith.addi %mul3A_702, %add3A_703 : i32
      %eq3A_705 = vector.broadcast %add3A_704 : i32 to vector<16xi32>
      %eq3A_706 = arith.cmpi eq, %get3A_686, %eq3A_705 : vector<16xi32>
      %jit3A_707 = arith.constant 2147483647 : i32
      %broadcast_in_dim3A_708 = vector.broadcast %jit3A_707 : i32 to vector<16xi32>
      %select_n3A_709 = arith.select %eq3A_706, %add3A_688, %broadcast_in_dim3A_708 : vector<16xi1>, vector<16xi32>
      %max3A_710 = arith.maxsi %min3A_602, %select_n3A_709 : vector<16xi32>
      %min3A_711 = arith.minsi %min3A_601, %max3A_710 : vector<16xi32>
      %min3A_712 = arith.minsi %min3A_602, %select_n3A_709 : vector<16xi32>
      %mul3A_713 = arith.constant 8 : i32
      %mul3A_714 = arith.muli %arg1, %mul3A_713 : i32
      %add3A_715 = arith.constant 2 : i32
      %add3A_716 = arith.addi %mul3A_714, %add3A_715 : i32
      %eq3A_717 = vector.broadcast %add3A_716 : i32 to vector<16xi32>
      %eq3A_718 = arith.cmpi eq, %get3A_686, %eq3A_717 : vector<16xi32>
      %jit3A_719 = arith.constant 2147483647 : i32
      %broadcast_in_dim3A_720 = vector.broadcast %jit3A_719 : i32 to vector<16xi32>
      %select_n3A_721 = arith.select %eq3A_718, %add3A_688, %broadcast_in_dim3A_720 : vector<16xi1>, vector<16xi32>
      %max3A_722 = arith.maxsi %min3A_614, %select_n3A_721 : vector<16xi32>
      %min3A_723 = arith.minsi %min3A_613, %max3A_722 : vector<16xi32>
      %min3A_724 = arith.minsi %min3A_614, %select_n3A_721 : vector<16xi32>
      %mul3A_725 = arith.constant 8 : i32
      %mul3A_726 = arith.muli %arg1, %mul3A_725 : i32
      %add3A_727 = arith.constant 3 : i32
      %add3A_728 = arith.addi %mul3A_726, %add3A_727 : i32
      %eq3A_729 = vector.broadcast %add3A_728 : i32 to vector<16xi32>
      %eq3A_730 = arith.cmpi eq, %get3A_686, %eq3A_729 : vector<16xi32>
      %jit3A_731 = arith.constant 2147483647 : i32
      %broadcast_in_dim3A_732 = vector.broadcast %jit3A_731 : i32 to vector<16xi32>
      %select_n3A_733 = arith.select %eq3A_730, %add3A_688, %broadcast_in_dim3A_732 : vector<16xi1>, vector<16xi32>
      %max3A_734 = arith.maxsi %min3A_626, %select_n3A_733 : vector<16xi32>
      %min3A_735 = arith.minsi %min3A_625, %max3A_734 : vector<16xi32>
      %min3A_736 = arith.minsi %min3A_626, %select_n3A_733 : vector<16xi32>
      %mul3A_737 = arith.constant 8 : i32
      %mul3A_738 = arith.muli %arg1, %mul3A_737 : i32
      %add3A_739 = arith.constant 4 : i32
      %add3A_740 = arith.addi %mul3A_738, %add3A_739 : i32
      %eq3A_741 = vector.broadcast %add3A_740 : i32 to vector<16xi32>
      %eq3A_742 = arith.cmpi eq, %get3A_686, %eq3A_741 : vector<16xi32>
      %jit3A_743 = arith.constant 2147483647 : i32
      %broadcast_in_dim3A_744 = vector.broadcast %jit3A_743 : i32 to vector<16xi32>
      %select_n3A_745 = arith.select %eq3A_742, %add3A_688, %broadcast_in_dim3A_744 : vector<16xi1>, vector<16xi32>
      %max3A_746 = arith.maxsi %min3A_638, %select_n3A_745 : vector<16xi32>
      %min3A_747 = arith.minsi %min3A_637, %max3A_746 : vector<16xi32>
      %min3A_748 = arith.minsi %min3A_638, %select_n3A_745 : vector<16xi32>
      %mul3A_749 = arith.constant 8 : i32
      %mul3A_750 = arith.muli %arg1, %mul3A_749 : i32
      %add3A_751 = arith.constant 5 : i32
      %add3A_752 = arith.addi %mul3A_750, %add3A_751 : i32
      %eq3A_753 = vector.broadcast %add3A_752 : i32 to vector<16xi32>
      %eq3A_754 = arith.cmpi eq, %get3A_686, %eq3A_753 : vector<16xi32>
      %jit3A_755 = arith.constant 2147483647 : i32
      %broadcast_in_dim3A_756 = vector.broadcast %jit3A_755 : i32 to vector<16xi32>
      %select_n3A_757 = arith.select %eq3A_754, %add3A_688, %broadcast_in_dim3A_756 : vector<16xi1>, vector<16xi32>
      %max3A_758 = arith.maxsi %min3A_650, %select_n3A_757 : vector<16xi32>
      %min3A_759 = arith.minsi %min3A_649, %max3A_758 : vector<16xi32>
      %min3A_760 = arith.minsi %min3A_650, %select_n3A_757 : vector<16xi32>
      %mul3A_761 = arith.constant 8 : i32
      %mul3A_762 = arith.muli %arg1, %mul3A_761 : i32
      %add3A_763 = arith.constant 6 : i32
      %add3A_764 = arith.addi %mul3A_762, %add3A_763 : i32
      %eq3A_765 = vector.broadcast %add3A_764 : i32 to vector<16xi32>
      %eq3A_766 = arith.cmpi eq, %get3A_686, %eq3A_765 : vector<16xi32>
      %jit3A_767 = arith.constant 2147483647 : i32
      %broadcast_in_dim3A_768 = vector.broadcast %jit3A_767 : i32 to vector<16xi32>
      %select_n3A_769 = arith.select %eq3A_766, %add3A_688, %broadcast_in_dim3A_768 : vector<16xi1>, vector<16xi32>
      %max3A_770 = arith.maxsi %min3A_662, %select_n3A_769 : vector<16xi32>
      %min3A_771 = arith.minsi %min3A_661, %max3A_770 : vector<16xi32>
      %min3A_772 = arith.minsi %min3A_662, %select_n3A_769 : vector<16xi32>
      %mul3A_773 = arith.constant 8 : i32
      %mul3A_774 = arith.muli %arg1, %mul3A_773 : i32
      %add3A_775 = arith.constant 7 : i32
      %add3A_776 = arith.addi %mul3A_774, %add3A_775 : i32
      %eq3A_777 = vector.broadcast %add3A_776 : i32 to vector<16xi32>
      %eq3A_778 = arith.cmpi eq, %get3A_686, %eq3A_777 : vector<16xi32>
      %jit3A_779 = arith.constant 2147483647 : i32
      %broadcast_in_dim3A_780 = vector.broadcast %jit3A_779 : i32 to vector<16xi32>
      %select_n3A_781 = arith.select %eq3A_778, %add3A_688, %broadcast_in_dim3A_780 : vector<16xi1>, vector<16xi32>
      %max3A_782 = arith.maxsi %min3A_674, %select_n3A_781 : vector<16xi32>
      %min3A_783 = arith.minsi %min3A_673, %max3A_782 : vector<16xi32>
      %min3A_784 = arith.minsi %min3A_674, %select_n3A_781 : vector<16xi32>
      %ne3A_785 = arith.cmpi ne, %get3A_686, %add3A_46 : vector<16xi32>
      %jit3A_786 = arith.constant 2147483647 : i32
      %broadcast_in_dim3A_787 = vector.broadcast %jit3A_786 : i32 to vector<16xi32>
      %select_n3A_788 = arith.select %ne3A_785, %add3A_688, %broadcast_in_dim3A_787 : vector<16xi1>, vector<16xi32>
      %min3A_789 = arith.minsi %min3A_678, %select_n3A_788 : vector<16xi32>
      scf.yield %min3A_700, %min3A_712, %min3A_724, %min3A_736, %min3A_748, %min3A_760, %min3A_772, %min3A_784, %min3A_699, %min3A_711, %min3A_723, %min3A_735, %min3A_747, %min3A_759, %min3A_771, %min3A_783, %min3A_789 : vector<16xi32>, vector<16xi32>, vector<16xi32>, vector<16xi32>, vector<16xi32>, vector<16xi32>, vector<16xi32>, vector<16xi32>, vector<16xi32>, vector<16xi32>, vector<16xi32>, vector<16xi32>, vector<16xi32>, vector<16xi32>, vector<16xi32>, vector<16xi32>, vector<16xi32>
    }
    %scan3A_68 = arith.constant 64 : i32
    "tpu.trace_stop"() : () -> ()
    %reduce_min3A_69 = arith.constant true
    %reduce_min3A_70 = vector.broadcast %reduce_min3A_69 : i1 to vector<16xi1>
    %reduce_min3A_71 = arith.constant -2147483648 : i32
    %reduce_min3A_72 = vector.broadcast %reduce_min3A_71 : i32 to vector<16xi32>
    %reduce_min3A_73 = arith.xori %scan3A_67#16, %reduce_min3A_72 : vector<16xi32>
    %reduce_min3A_74 = tpu.scan <min>, %reduce_min3A_73 masked %reduce_min3A_70 : vector<16xi32>, vector<16xi1> -> vector<16xi32>
    %reduce_min3A_75 = arith.xori %reduce_min3A_74, %reduce_min3A_72 : vector<16xi32>
    %reduce_min3A_76 = vector.extract %reduce_min3A_75[15] : i32 from vector<16xi32>
    %add3A_77 = vector.broadcast %reduce_min3A_76 : i32 to vector<16xi32>
    %add3A_78 = arith.addi %broadcast_in_dim3A_5, %add3A_77 : vector<16xi32>
    %reduce_min3A_79 = arith.constant true
    %reduce_min3A_80 = vector.broadcast %reduce_min3A_79 : i1 to vector<16xi1>
    %reduce_min3A_81 = arith.constant -2147483648 : i32
    %reduce_min3A_82 = vector.broadcast %reduce_min3A_81 : i32 to vector<16xi32>
    %reduce_min3A_83 = arith.xori %scan3A_67#0, %reduce_min3A_82 : vector<16xi32>
    %reduce_min3A_84 = tpu.scan <min>, %reduce_min3A_83 masked %reduce_min3A_80 : vector<16xi32>, vector<16xi1> -> vector<16xi32>
    %reduce_min3A_85 = arith.xori %reduce_min3A_84, %reduce_min3A_82 : vector<16xi32>
    %reduce_min3A_86 = vector.extract %reduce_min3A_85[15] : i32 from vector<16xi32>
    %eq3A_87 = vector.broadcast %reduce_min3A_86 : i32 to vector<16xi32>
    %eq3A_88 = arith.cmpi eq, %scan3A_67#0, %eq3A_87 : vector<16xi32>
    %jit3A_89 = arith.constant 2147483647 : i32
    %broadcast_in_dim3A_90 = vector.broadcast %jit3A_89 : i32 to vector<16xi32>
    %select_n3A_91 = arith.select %eq3A_88, %broadcast_in_dim3A_90, %scan3A_67#0 : vector<16xi1>, vector<16xi32>
    %reduce_min3A_92 = arith.constant true
    %reduce_min3A_93 = vector.broadcast %reduce_min3A_92 : i1 to vector<16xi1>
    %reduce_min3A_94 = arith.constant -2147483648 : i32
    %reduce_min3A_95 = vector.broadcast %reduce_min3A_94 : i32 to vector<16xi32>
    %reduce_min3A_96 = arith.xori %select_n3A_91, %reduce_min3A_95 : vector<16xi32>
    %reduce_min3A_97 = tpu.scan <min>, %reduce_min3A_96 masked %reduce_min3A_93 : vector<16xi32>, vector<16xi1> -> vector<16xi32>
    %reduce_min3A_98 = arith.xori %reduce_min3A_97, %reduce_min3A_95 : vector<16xi32>
    %reduce_min3A_99 = vector.extract %reduce_min3A_98[15] : i32 from vector<16xi32>
    %reduce_min3A_100 = arith.constant true
    %reduce_min3A_101 = vector.broadcast %reduce_min3A_100 : i1 to vector<16xi1>
    %reduce_min3A_102 = arith.constant -2147483648 : i32
    %reduce_min3A_103 = vector.broadcast %reduce_min3A_102 : i32 to vector<16xi32>
    %reduce_min3A_104 = arith.xori %scan3A_67#8, %reduce_min3A_103 : vector<16xi32>
    %reduce_min3A_105 = tpu.scan <min>, %reduce_min3A_104 masked %reduce_min3A_101 : vector<16xi32>, vector<16xi1> -> vector<16xi32>
    %reduce_min3A_106 = arith.xori %reduce_min3A_105, %reduce_min3A_103 : vector<16xi32>
    %reduce_min3A_107 = vector.extract %reduce_min3A_106[15] : i32 from vector<16xi32>
    %min3A = arith.minsi %reduce_min3A_99, %reduce_min3A_107 : i32
    %eq3A_108 = arith.constant 0 : i32
    %eq3A_109 = vector.broadcast %eq3A_108 : i32 to vector<16xi32>
    %eq3A_110 = arith.cmpi eq, %iota3A, %eq3A_109 : vector<16xi32>
    %broadcast_in_dim3A_111 = vector.broadcast %reduce_min3A_86 : i32 to vector<16xi32>
    %select_n3A_112 = arith.select %eq3A_110, %broadcast_in_dim3A_111, %add3A_49 : vector<16xi1>, vector<16xi32>
    %eq3A_113 = arith.constant 8 : i32
    %eq3A_114 = vector.broadcast %eq3A_113 : i32 to vector<16xi32>
    %eq3A_115 = arith.cmpi eq, %iota3A, %eq3A_114 : vector<16xi32>
    %broadcast_in_dim3A_116 = vector.broadcast %min3A : i32 to vector<16xi32>
    %select_n3A_117 = arith.select %eq3A_115, %broadcast_in_dim3A_116, %select_n3A_112 : vector<16xi1>, vector<16xi32>
    %eq3A_118 = arith.constant 0 : i32
    %eq3A_119 = vector.broadcast %eq3A_118 : i32 to vector<16xi32>
    %eq3A_120 = arith.cmpi eq, %iota3A, %eq3A_119 : vector<16xi32>
    %min3A_121 = arith.constant 4095 : i32
    %min3A_122 = arith.minsi %reduce_min3A_86, %min3A_121 : i32
    %broadcast_in_dim3A_123 = vector.broadcast %min3A_122 : i32 to vector<16xi32>
    %select_n3A_124 = arith.select %eq3A_120, %broadcast_in_dim3A_123, %broadcast_in_dim3A_5 : vector<16xi1>, vector<16xi32>
    %eq3A_125 = arith.constant 1 : i32
    %eq3A_126 = vector.broadcast %eq3A_125 : i32 to vector<16xi32>
    %eq3A_127 = arith.cmpi eq, %iota3A, %eq3A_126 : vector<16xi32>
    %min3A_128 = arith.constant 4095 : i32
    %min3A_129 = arith.minsi %min3A, %min3A_128 : i32
    %broadcast_in_dim3A_130 = vector.broadcast %min3A_129 : i32 to vector<16xi32>
    %select_n3A_131 = arith.select %eq3A_127, %broadcast_in_dim3A_130, %select_n3A_124 : vector<16xi1>, vector<16xi32>
    %reduce_min3A_132 = arith.constant true
    %reduce_min3A_133 = vector.broadcast %reduce_min3A_132 : i1 to vector<16xi1>
    %reduce_min3A_134 = arith.constant -2147483648 : i32
    %reduce_min3A_135 = vector.broadcast %reduce_min3A_134 : i32 to vector<16xi32>
    %reduce_min3A_136 = arith.xori %scan3A_67#1, %reduce_min3A_135 : vector<16xi32>
    %reduce_min3A_137 = tpu.scan <min>, %reduce_min3A_136 masked %reduce_min3A_133 : vector<16xi32>, vector<16xi1> -> vector<16xi32>
    %reduce_min3A_138 = arith.xori %reduce_min3A_137, %reduce_min3A_135 : vector<16xi32>
    %reduce_min3A_139 = vector.extract %reduce_min3A_138[15] : i32 from vector<16xi32>
    %eq3A_140 = vector.broadcast %reduce_min3A_139 : i32 to vector<16xi32>
    %eq3A_141 = arith.cmpi eq, %scan3A_67#1, %eq3A_140 : vector<16xi32>
    %jit3A_142 = arith.constant 2147483647 : i32
    %broadcast_in_dim3A_143 = vector.broadcast %jit3A_142 : i32 to vector<16xi32>
    %select_n3A_144 = arith.select %eq3A_141, %broadcast_in_dim3A_143, %scan3A_67#1 : vector<16xi1>, vector<16xi32>
    %reduce_min3A_145 = arith.constant true
    %reduce_min3A_146 = vector.broadcast %reduce_min3A_145 : i1 to vector<16xi1>
    %reduce_min3A_147 = arith.constant -2147483648 : i32
    %reduce_min3A_148 = vector.broadcast %reduce_min3A_147 : i32 to vector<16xi32>
    %reduce_min3A_149 = arith.xori %select_n3A_144, %reduce_min3A_148 : vector<16xi32>
    %reduce_min3A_150 = tpu.scan <min>, %reduce_min3A_149 masked %reduce_min3A_146 : vector<16xi32>, vector<16xi1> -> vector<16xi32>
    %reduce_min3A_151 = arith.xori %reduce_min3A_150, %reduce_min3A_148 : vector<16xi32>
    %reduce_min3A_152 = vector.extract %reduce_min3A_151[15] : i32 from vector<16xi32>
    %reduce_min3A_153 = arith.constant true
    %reduce_min3A_154 = vector.broadcast %reduce_min3A_153 : i1 to vector<16xi1>
    %reduce_min3A_155 = arith.constant -2147483648 : i32
    %reduce_min3A_156 = vector.broadcast %reduce_min3A_155 : i32 to vector<16xi32>
    %reduce_min3A_157 = arith.xori %scan3A_67#9, %reduce_min3A_156 : vector<16xi32>
    %reduce_min3A_158 = tpu.scan <min>, %reduce_min3A_157 masked %reduce_min3A_154 : vector<16xi32>, vector<16xi1> -> vector<16xi32>
    %reduce_min3A_159 = arith.xori %reduce_min3A_158, %reduce_min3A_156 : vector<16xi32>
    %reduce_min3A_160 = vector.extract %reduce_min3A_159[15] : i32 from vector<16xi32>
    %min3A_161 = arith.minsi %reduce_min3A_152, %reduce_min3A_160 : i32
    %eq3A_162 = arith.constant 1 : i32
    %eq3A_163 = vector.broadcast %eq3A_162 : i32 to vector<16xi32>
    %eq3A_164 = arith.cmpi eq, %iota3A, %eq3A_163 : vector<16xi32>
    %broadcast_in_dim3A_165 = vector.broadcast %reduce_min3A_139 : i32 to vector<16xi32>
    %select_n3A_166 = arith.select %eq3A_164, %broadcast_in_dim3A_165, %select_n3A_117 : vector<16xi1>, vector<16xi32>
    %eq3A_167 = arith.constant 9 : i32
    %eq3A_168 = vector.broadcast %eq3A_167 : i32 to vector<16xi32>
    %eq3A_169 = arith.cmpi eq, %iota3A, %eq3A_168 : vector<16xi32>
    %broadcast_in_dim3A_170 = vector.broadcast %min3A_161 : i32 to vector<16xi32>
    %select_n3A_171 = arith.select %eq3A_169, %broadcast_in_dim3A_170, %select_n3A_166 : vector<16xi1>, vector<16xi32>
    %eq3A_172 = arith.constant 2 : i32
    %eq3A_173 = vector.broadcast %eq3A_172 : i32 to vector<16xi32>
    %eq3A_174 = arith.cmpi eq, %iota3A, %eq3A_173 : vector<16xi32>
    %min3A_175 = arith.constant 4095 : i32
    %min3A_176 = arith.minsi %reduce_min3A_139, %min3A_175 : i32
    %broadcast_in_dim3A_177 = vector.broadcast %min3A_176 : i32 to vector<16xi32>
    %select_n3A_178 = arith.select %eq3A_174, %broadcast_in_dim3A_177, %select_n3A_131 : vector<16xi1>, vector<16xi32>
    %eq3A_179 = arith.constant 3 : i32
    %eq3A_180 = vector.broadcast %eq3A_179 : i32 to vector<16xi32>
    %eq3A_181 = arith.cmpi eq, %iota3A, %eq3A_180 : vector<16xi32>
    %min3A_182 = arith.constant 4095 : i32
    %min3A_183 = arith.minsi %min3A_161, %min3A_182 : i32
    %broadcast_in_dim3A_184 = vector.broadcast %min3A_183 : i32 to vector<16xi32>
    %select_n3A_185 = arith.select %eq3A_181, %broadcast_in_dim3A_184, %select_n3A_178 : vector<16xi1>, vector<16xi32>
    %reduce_min3A_186 = arith.constant true
    %reduce_min3A_187 = vector.broadcast %reduce_min3A_186 : i1 to vector<16xi1>
    %reduce_min3A_188 = arith.constant -2147483648 : i32
    %reduce_min3A_189 = vector.broadcast %reduce_min3A_188 : i32 to vector<16xi32>
    %reduce_min3A_190 = arith.xori %scan3A_67#2, %reduce_min3A_189 : vector<16xi32>
    %reduce_min3A_191 = tpu.scan <min>, %reduce_min3A_190 masked %reduce_min3A_187 : vector<16xi32>, vector<16xi1> -> vector<16xi32>
    %reduce_min3A_192 = arith.xori %reduce_min3A_191, %reduce_min3A_189 : vector<16xi32>
    %reduce_min3A_193 = vector.extract %reduce_min3A_192[15] : i32 from vector<16xi32>
    %eq3A_194 = vector.broadcast %reduce_min3A_193 : i32 to vector<16xi32>
    %eq3A_195 = arith.cmpi eq, %scan3A_67#2, %eq3A_194 : vector<16xi32>
    %jit3A_196 = arith.constant 2147483647 : i32
    %broadcast_in_dim3A_197 = vector.broadcast %jit3A_196 : i32 to vector<16xi32>
    %select_n3A_198 = arith.select %eq3A_195, %broadcast_in_dim3A_197, %scan3A_67#2 : vector<16xi1>, vector<16xi32>
    %reduce_min3A_199 = arith.constant true
    %reduce_min3A_200 = vector.broadcast %reduce_min3A_199 : i1 to vector<16xi1>
    %reduce_min3A_201 = arith.constant -2147483648 : i32
    %reduce_min3A_202 = vector.broadcast %reduce_min3A_201 : i32 to vector<16xi32>
    %reduce_min3A_203 = arith.xori %select_n3A_198, %reduce_min3A_202 : vector<16xi32>
    %reduce_min3A_204 = tpu.scan <min>, %reduce_min3A_203 masked %reduce_min3A_200 : vector<16xi32>, vector<16xi1> -> vector<16xi32>
    %reduce_min3A_205 = arith.xori %reduce_min3A_204, %reduce_min3A_202 : vector<16xi32>
    %reduce_min3A_206 = vector.extract %reduce_min3A_205[15] : i32 from vector<16xi32>
    %reduce_min3A_207 = arith.constant true
    %reduce_min3A_208 = vector.broadcast %reduce_min3A_207 : i1 to vector<16xi1>
    %reduce_min3A_209 = arith.constant -2147483648 : i32
    %reduce_min3A_210 = vector.broadcast %reduce_min3A_209 : i32 to vector<16xi32>
    %reduce_min3A_211 = arith.xori %scan3A_67#10, %reduce_min3A_210 : vector<16xi32>
    %reduce_min3A_212 = tpu.scan <min>, %reduce_min3A_211 masked %reduce_min3A_208 : vector<16xi32>, vector<16xi1> -> vector<16xi32>
    %reduce_min3A_213 = arith.xori %reduce_min3A_212, %reduce_min3A_210 : vector<16xi32>
    %reduce_min3A_214 = vector.extract %reduce_min3A_213[15] : i32 from vector<16xi32>
    %min3A_215 = arith.minsi %reduce_min3A_206, %reduce_min3A_214 : i32
    %eq3A_216 = arith.constant 2 : i32
    %eq3A_217 = vector.broadcast %eq3A_216 : i32 to vector<16xi32>
    %eq3A_218 = arith.cmpi eq, %iota3A, %eq3A_217 : vector<16xi32>
    %broadcast_in_dim3A_219 = vector.broadcast %reduce_min3A_193 : i32 to vector<16xi32>
    %select_n3A_220 = arith.select %eq3A_218, %broadcast_in_dim3A_219, %select_n3A_171 : vector<16xi1>, vector<16xi32>
    %eq3A_221 = arith.constant 10 : i32
    %eq3A_222 = vector.broadcast %eq3A_221 : i32 to vector<16xi32>
    %eq3A_223 = arith.cmpi eq, %iota3A, %eq3A_222 : vector<16xi32>
    %broadcast_in_dim3A_224 = vector.broadcast %min3A_215 : i32 to vector<16xi32>
    %select_n3A_225 = arith.select %eq3A_223, %broadcast_in_dim3A_224, %select_n3A_220 : vector<16xi1>, vector<16xi32>
    %eq3A_226 = arith.constant 4 : i32
    %eq3A_227 = vector.broadcast %eq3A_226 : i32 to vector<16xi32>
    %eq3A_228 = arith.cmpi eq, %iota3A, %eq3A_227 : vector<16xi32>
    %min3A_229 = arith.constant 4095 : i32
    %min3A_230 = arith.minsi %reduce_min3A_193, %min3A_229 : i32
    %broadcast_in_dim3A_231 = vector.broadcast %min3A_230 : i32 to vector<16xi32>
    %select_n3A_232 = arith.select %eq3A_228, %broadcast_in_dim3A_231, %select_n3A_185 : vector<16xi1>, vector<16xi32>
    %eq3A_233 = arith.constant 5 : i32
    %eq3A_234 = vector.broadcast %eq3A_233 : i32 to vector<16xi32>
    %eq3A_235 = arith.cmpi eq, %iota3A, %eq3A_234 : vector<16xi32>
    %min3A_236 = arith.constant 4095 : i32
    %min3A_237 = arith.minsi %min3A_215, %min3A_236 : i32
    %broadcast_in_dim3A_238 = vector.broadcast %min3A_237 : i32 to vector<16xi32>
    %select_n3A_239 = arith.select %eq3A_235, %broadcast_in_dim3A_238, %select_n3A_232 : vector<16xi1>, vector<16xi32>
    %reduce_min3A_240 = arith.constant true
    %reduce_min3A_241 = vector.broadcast %reduce_min3A_240 : i1 to vector<16xi1>
    %reduce_min3A_242 = arith.constant -2147483648 : i32
    %reduce_min3A_243 = vector.broadcast %reduce_min3A_242 : i32 to vector<16xi32>
    %reduce_min3A_244 = arith.xori %scan3A_67#3, %reduce_min3A_243 : vector<16xi32>
    %reduce_min3A_245 = tpu.scan <min>, %reduce_min3A_244 masked %reduce_min3A_241 : vector<16xi32>, vector<16xi1> -> vector<16xi32>
    %reduce_min3A_246 = arith.xori %reduce_min3A_245, %reduce_min3A_243 : vector<16xi32>
    %reduce_min3A_247 = vector.extract %reduce_min3A_246[15] : i32 from vector<16xi32>
    %eq3A_248 = vector.broadcast %reduce_min3A_247 : i32 to vector<16xi32>
    %eq3A_249 = arith.cmpi eq, %scan3A_67#3, %eq3A_248 : vector<16xi32>
    %jit3A_250 = arith.constant 2147483647 : i32
    %broadcast_in_dim3A_251 = vector.broadcast %jit3A_250 : i32 to vector<16xi32>
    %select_n3A_252 = arith.select %eq3A_249, %broadcast_in_dim3A_251, %scan3A_67#3 : vector<16xi1>, vector<16xi32>
    %reduce_min3A_253 = arith.constant true
    %reduce_min3A_254 = vector.broadcast %reduce_min3A_253 : i1 to vector<16xi1>
    %reduce_min3A_255 = arith.constant -2147483648 : i32
    %reduce_min3A_256 = vector.broadcast %reduce_min3A_255 : i32 to vector<16xi32>
    %reduce_min3A_257 = arith.xori %select_n3A_252, %reduce_min3A_256 : vector<16xi32>
    %reduce_min3A_258 = tpu.scan <min>, %reduce_min3A_257 masked %reduce_min3A_254 : vector<16xi32>, vector<16xi1> -> vector<16xi32>
    %reduce_min3A_259 = arith.xori %reduce_min3A_258, %reduce_min3A_256 : vector<16xi32>
    %reduce_min3A_260 = vector.extract %reduce_min3A_259[15] : i32 from vector<16xi32>
    %reduce_min3A_261 = arith.constant true
    %reduce_min3A_262 = vector.broadcast %reduce_min3A_261 : i1 to vector<16xi1>
    %reduce_min3A_263 = arith.constant -2147483648 : i32
    %reduce_min3A_264 = vector.broadcast %reduce_min3A_263 : i32 to vector<16xi32>
    %reduce_min3A_265 = arith.xori %scan3A_67#11, %reduce_min3A_264 : vector<16xi32>
    %reduce_min3A_266 = tpu.scan <min>, %reduce_min3A_265 masked %reduce_min3A_262 : vector<16xi32>, vector<16xi1> -> vector<16xi32>
    %reduce_min3A_267 = arith.xori %reduce_min3A_266, %reduce_min3A_264 : vector<16xi32>
    %reduce_min3A_268 = vector.extract %reduce_min3A_267[15] : i32 from vector<16xi32>
    %min3A_269 = arith.minsi %reduce_min3A_260, %reduce_min3A_268 : i32
    %eq3A_270 = arith.constant 3 : i32
    %eq3A_271 = vector.broadcast %eq3A_270 : i32 to vector<16xi32>
    %eq3A_272 = arith.cmpi eq, %iota3A, %eq3A_271 : vector<16xi32>
    %broadcast_in_dim3A_273 = vector.broadcast %reduce_min3A_247 : i32 to vector<16xi32>
    %select_n3A_274 = arith.select %eq3A_272, %broadcast_in_dim3A_273, %select_n3A_225 : vector<16xi1>, vector<16xi32>
    %eq3A_275 = arith.constant 11 : i32
    %eq3A_276 = vector.broadcast %eq3A_275 : i32 to vector<16xi32>
    %eq3A_277 = arith.cmpi eq, %iota3A, %eq3A_276 : vector<16xi32>
    %broadcast_in_dim3A_278 = vector.broadcast %min3A_269 : i32 to vector<16xi32>
    %select_n3A_279 = arith.select %eq3A_277, %broadcast_in_dim3A_278, %select_n3A_274 : vector<16xi1>, vector<16xi32>
    %eq3A_280 = arith.constant 6 : i32
    %eq3A_281 = vector.broadcast %eq3A_280 : i32 to vector<16xi32>
    %eq3A_282 = arith.cmpi eq, %iota3A, %eq3A_281 : vector<16xi32>
    %min3A_283 = arith.constant 4095 : i32
    %min3A_284 = arith.minsi %reduce_min3A_247, %min3A_283 : i32
    %broadcast_in_dim3A_285 = vector.broadcast %min3A_284 : i32 to vector<16xi32>
    %select_n3A_286 = arith.select %eq3A_282, %broadcast_in_dim3A_285, %select_n3A_239 : vector<16xi1>, vector<16xi32>
    %eq3A_287 = arith.constant 7 : i32
    %eq3A_288 = vector.broadcast %eq3A_287 : i32 to vector<16xi32>
    %eq3A_289 = arith.cmpi eq, %iota3A, %eq3A_288 : vector<16xi32>
    %min3A_290 = arith.constant 4095 : i32
    %min3A_291 = arith.minsi %min3A_269, %min3A_290 : i32
    %broadcast_in_dim3A_292 = vector.broadcast %min3A_291 : i32 to vector<16xi32>
    %select_n3A_293 = arith.select %eq3A_289, %broadcast_in_dim3A_292, %select_n3A_286 : vector<16xi1>, vector<16xi32>
    %reduce_min3A_294 = arith.constant true
    %reduce_min3A_295 = vector.broadcast %reduce_min3A_294 : i1 to vector<16xi1>
    %reduce_min3A_296 = arith.constant -2147483648 : i32
    %reduce_min3A_297 = vector.broadcast %reduce_min3A_296 : i32 to vector<16xi32>
    %reduce_min3A_298 = arith.xori %scan3A_67#4, %reduce_min3A_297 : vector<16xi32>
    %reduce_min3A_299 = tpu.scan <min>, %reduce_min3A_298 masked %reduce_min3A_295 : vector<16xi32>, vector<16xi1> -> vector<16xi32>
    %reduce_min3A_300 = arith.xori %reduce_min3A_299, %reduce_min3A_297 : vector<16xi32>
    %reduce_min3A_301 = vector.extract %reduce_min3A_300[15] : i32 from vector<16xi32>
    %eq3A_302 = vector.broadcast %reduce_min3A_301 : i32 to vector<16xi32>
    %eq3A_303 = arith.cmpi eq, %scan3A_67#4, %eq3A_302 : vector<16xi32>
    %jit3A_304 = arith.constant 2147483647 : i32
    %broadcast_in_dim3A_305 = vector.broadcast %jit3A_304 : i32 to vector<16xi32>
    %select_n3A_306 = arith.select %eq3A_303, %broadcast_in_dim3A_305, %scan3A_67#4 : vector<16xi1>, vector<16xi32>
    %reduce_min3A_307 = arith.constant true
    %reduce_min3A_308 = vector.broadcast %reduce_min3A_307 : i1 to vector<16xi1>
    %reduce_min3A_309 = arith.constant -2147483648 : i32
    %reduce_min3A_310 = vector.broadcast %reduce_min3A_309 : i32 to vector<16xi32>
    %reduce_min3A_311 = arith.xori %select_n3A_306, %reduce_min3A_310 : vector<16xi32>
    %reduce_min3A_312 = tpu.scan <min>, %reduce_min3A_311 masked %reduce_min3A_308 : vector<16xi32>, vector<16xi1> -> vector<16xi32>
    %reduce_min3A_313 = arith.xori %reduce_min3A_312, %reduce_min3A_310 : vector<16xi32>
    %reduce_min3A_314 = vector.extract %reduce_min3A_313[15] : i32 from vector<16xi32>
    %reduce_min3A_315 = arith.constant true
    %reduce_min3A_316 = vector.broadcast %reduce_min3A_315 : i1 to vector<16xi1>
    %reduce_min3A_317 = arith.constant -2147483648 : i32
    %reduce_min3A_318 = vector.broadcast %reduce_min3A_317 : i32 to vector<16xi32>
    %reduce_min3A_319 = arith.xori %scan3A_67#12, %reduce_min3A_318 : vector<16xi32>
    %reduce_min3A_320 = tpu.scan <min>, %reduce_min3A_319 masked %reduce_min3A_316 : vector<16xi32>, vector<16xi1> -> vector<16xi32>
    %reduce_min3A_321 = arith.xori %reduce_min3A_320, %reduce_min3A_318 : vector<16xi32>
    %reduce_min3A_322 = vector.extract %reduce_min3A_321[15] : i32 from vector<16xi32>
    %min3A_323 = arith.minsi %reduce_min3A_314, %reduce_min3A_322 : i32
    %eq3A_324 = arith.constant 4 : i32
    %eq3A_325 = vector.broadcast %eq3A_324 : i32 to vector<16xi32>
    %eq3A_326 = arith.cmpi eq, %iota3A, %eq3A_325 : vector<16xi32>
    %broadcast_in_dim3A_327 = vector.broadcast %reduce_min3A_301 : i32 to vector<16xi32>
    %select_n3A_328 = arith.select %eq3A_326, %broadcast_in_dim3A_327, %select_n3A_279 : vector<16xi1>, vector<16xi32>
    %eq3A_329 = arith.constant 12 : i32
    %eq3A_330 = vector.broadcast %eq3A_329 : i32 to vector<16xi32>
    %eq3A_331 = arith.cmpi eq, %iota3A, %eq3A_330 : vector<16xi32>
    %broadcast_in_dim3A_332 = vector.broadcast %min3A_323 : i32 to vector<16xi32>
    %select_n3A_333 = arith.select %eq3A_331, %broadcast_in_dim3A_332, %select_n3A_328 : vector<16xi1>, vector<16xi32>
    %eq3A_334 = arith.constant 8 : i32
    %eq3A_335 = vector.broadcast %eq3A_334 : i32 to vector<16xi32>
    %eq3A_336 = arith.cmpi eq, %iota3A, %eq3A_335 : vector<16xi32>
    %min3A_337 = arith.constant 4095 : i32
    %min3A_338 = arith.minsi %reduce_min3A_301, %min3A_337 : i32
    %broadcast_in_dim3A_339 = vector.broadcast %min3A_338 : i32 to vector<16xi32>
    %select_n3A_340 = arith.select %eq3A_336, %broadcast_in_dim3A_339, %select_n3A_293 : vector<16xi1>, vector<16xi32>
    %eq3A_341 = arith.constant 9 : i32
    %eq3A_342 = vector.broadcast %eq3A_341 : i32 to vector<16xi32>
    %eq3A_343 = arith.cmpi eq, %iota3A, %eq3A_342 : vector<16xi32>
    %min3A_344 = arith.constant 4095 : i32
    %min3A_345 = arith.minsi %min3A_323, %min3A_344 : i32
    %broadcast_in_dim3A_346 = vector.broadcast %min3A_345 : i32 to vector<16xi32>
    %select_n3A_347 = arith.select %eq3A_343, %broadcast_in_dim3A_346, %select_n3A_340 : vector<16xi1>, vector<16xi32>
    %reduce_min3A_348 = arith.constant true
    %reduce_min3A_349 = vector.broadcast %reduce_min3A_348 : i1 to vector<16xi1>
    %reduce_min3A_350 = arith.constant -2147483648 : i32
    %reduce_min3A_351 = vector.broadcast %reduce_min3A_350 : i32 to vector<16xi32>
    %reduce_min3A_352 = arith.xori %scan3A_67#5, %reduce_min3A_351 : vector<16xi32>
    %reduce_min3A_353 = tpu.scan <min>, %reduce_min3A_352 masked %reduce_min3A_349 : vector<16xi32>, vector<16xi1> -> vector<16xi32>
    %reduce_min3A_354 = arith.xori %reduce_min3A_353, %reduce_min3A_351 : vector<16xi32>
    %reduce_min3A_355 = vector.extract %reduce_min3A_354[15] : i32 from vector<16xi32>
    %eq3A_356 = vector.broadcast %reduce_min3A_355 : i32 to vector<16xi32>
    %eq3A_357 = arith.cmpi eq, %scan3A_67#5, %eq3A_356 : vector<16xi32>
    %jit3A_358 = arith.constant 2147483647 : i32
    %broadcast_in_dim3A_359 = vector.broadcast %jit3A_358 : i32 to vector<16xi32>
    %select_n3A_360 = arith.select %eq3A_357, %broadcast_in_dim3A_359, %scan3A_67#5 : vector<16xi1>, vector<16xi32>
    %reduce_min3A_361 = arith.constant true
    %reduce_min3A_362 = vector.broadcast %reduce_min3A_361 : i1 to vector<16xi1>
    %reduce_min3A_363 = arith.constant -2147483648 : i32
    %reduce_min3A_364 = vector.broadcast %reduce_min3A_363 : i32 to vector<16xi32>
    %reduce_min3A_365 = arith.xori %select_n3A_360, %reduce_min3A_364 : vector<16xi32>
    %reduce_min3A_366 = tpu.scan <min>, %reduce_min3A_365 masked %reduce_min3A_362 : vector<16xi32>, vector<16xi1> -> vector<16xi32>
    %reduce_min3A_367 = arith.xori %reduce_min3A_366, %reduce_min3A_364 : vector<16xi32>
    %reduce_min3A_368 = vector.extract %reduce_min3A_367[15] : i32 from vector<16xi32>
    %reduce_min3A_369 = arith.constant true
    %reduce_min3A_370 = vector.broadcast %reduce_min3A_369 : i1 to vector<16xi1>
    %reduce_min3A_371 = arith.constant -2147483648 : i32
    %reduce_min3A_372 = vector.broadcast %reduce_min3A_371 : i32 to vector<16xi32>
    %reduce_min3A_373 = arith.xori %scan3A_67#13, %reduce_min3A_372 : vector<16xi32>
    %reduce_min3A_374 = tpu.scan <min>, %reduce_min3A_373 masked %reduce_min3A_370 : vector<16xi32>, vector<16xi1> -> vector<16xi32>
    %reduce_min3A_375 = arith.xori %reduce_min3A_374, %reduce_min3A_372 : vector<16xi32>
    %reduce_min3A_376 = vector.extract %reduce_min3A_375[15] : i32 from vector<16xi32>
    %min3A_377 = arith.minsi %reduce_min3A_368, %reduce_min3A_376 : i32
    %eq3A_378 = arith.constant 5 : i32
    %eq3A_379 = vector.broadcast %eq3A_378 : i32 to vector<16xi32>
    %eq3A_380 = arith.cmpi eq, %iota3A, %eq3A_379 : vector<16xi32>
    %broadcast_in_dim3A_381 = vector.broadcast %reduce_min3A_355 : i32 to vector<16xi32>
    %select_n3A_382 = arith.select %eq3A_380, %broadcast_in_dim3A_381, %select_n3A_333 : vector<16xi1>, vector<16xi32>
    %eq3A_383 = arith.constant 13 : i32
    %eq3A_384 = vector.broadcast %eq3A_383 : i32 to vector<16xi32>
    %eq3A_385 = arith.cmpi eq, %iota3A, %eq3A_384 : vector<16xi32>
    %broadcast_in_dim3A_386 = vector.broadcast %min3A_377 : i32 to vector<16xi32>
    %select_n3A_387 = arith.select %eq3A_385, %broadcast_in_dim3A_386, %select_n3A_382 : vector<16xi1>, vector<16xi32>
    %eq3A_388 = arith.constant 10 : i32
    %eq3A_389 = vector.broadcast %eq3A_388 : i32 to vector<16xi32>
    %eq3A_390 = arith.cmpi eq, %iota3A, %eq3A_389 : vector<16xi32>
    %min3A_391 = arith.constant 4095 : i32
    %min3A_392 = arith.minsi %reduce_min3A_355, %min3A_391 : i32
    %broadcast_in_dim3A_393 = vector.broadcast %min3A_392 : i32 to vector<16xi32>
    %select_n3A_394 = arith.select %eq3A_390, %broadcast_in_dim3A_393, %select_n3A_347 : vector<16xi1>, vector<16xi32>
    %eq3A_395 = arith.constant 11 : i32
    %eq3A_396 = vector.broadcast %eq3A_395 : i32 to vector<16xi32>
    %eq3A_397 = arith.cmpi eq, %iota3A, %eq3A_396 : vector<16xi32>
    %min3A_398 = arith.constant 4095 : i32
    %min3A_399 = arith.minsi %min3A_377, %min3A_398 : i32
    %broadcast_in_dim3A_400 = vector.broadcast %min3A_399 : i32 to vector<16xi32>
    %select_n3A_401 = arith.select %eq3A_397, %broadcast_in_dim3A_400, %select_n3A_394 : vector<16xi1>, vector<16xi32>
    %reduce_min3A_402 = arith.constant true
    %reduce_min3A_403 = vector.broadcast %reduce_min3A_402 : i1 to vector<16xi1>
    %reduce_min3A_404 = arith.constant -2147483648 : i32
    %reduce_min3A_405 = vector.broadcast %reduce_min3A_404 : i32 to vector<16xi32>
    %reduce_min3A_406 = arith.xori %scan3A_67#6, %reduce_min3A_405 : vector<16xi32>
    %reduce_min3A_407 = tpu.scan <min>, %reduce_min3A_406 masked %reduce_min3A_403 : vector<16xi32>, vector<16xi1> -> vector<16xi32>
    %reduce_min3A_408 = arith.xori %reduce_min3A_407, %reduce_min3A_405 : vector<16xi32>
    %reduce_min3A_409 = vector.extract %reduce_min3A_408[15] : i32 from vector<16xi32>
    %eq3A_410 = vector.broadcast %reduce_min3A_409 : i32 to vector<16xi32>
    %eq3A_411 = arith.cmpi eq, %scan3A_67#6, %eq3A_410 : vector<16xi32>
    %jit3A_412 = arith.constant 2147483647 : i32
    %broadcast_in_dim3A_413 = vector.broadcast %jit3A_412 : i32 to vector<16xi32>
    %select_n3A_414 = arith.select %eq3A_411, %broadcast_in_dim3A_413, %scan3A_67#6 : vector<16xi1>, vector<16xi32>
    %reduce_min3A_415 = arith.constant true
    %reduce_min3A_416 = vector.broadcast %reduce_min3A_415 : i1 to vector<16xi1>
    %reduce_min3A_417 = arith.constant -2147483648 : i32
    %reduce_min3A_418 = vector.broadcast %reduce_min3A_417 : i32 to vector<16xi32>
    %reduce_min3A_419 = arith.xori %select_n3A_414, %reduce_min3A_418 : vector<16xi32>
    %reduce_min3A_420 = tpu.scan <min>, %reduce_min3A_419 masked %reduce_min3A_416 : vector<16xi32>, vector<16xi1> -> vector<16xi32>
    %reduce_min3A_421 = arith.xori %reduce_min3A_420, %reduce_min3A_418 : vector<16xi32>
    %reduce_min3A_422 = vector.extract %reduce_min3A_421[15] : i32 from vector<16xi32>
    %reduce_min3A_423 = arith.constant true
    %reduce_min3A_424 = vector.broadcast %reduce_min3A_423 : i1 to vector<16xi1>
    %reduce_min3A_425 = arith.constant -2147483648 : i32
    %reduce_min3A_426 = vector.broadcast %reduce_min3A_425 : i32 to vector<16xi32>
    %reduce_min3A_427 = arith.xori %scan3A_67#14, %reduce_min3A_426 : vector<16xi32>
    %reduce_min3A_428 = tpu.scan <min>, %reduce_min3A_427 masked %reduce_min3A_424 : vector<16xi32>, vector<16xi1> -> vector<16xi32>
    %reduce_min3A_429 = arith.xori %reduce_min3A_428, %reduce_min3A_426 : vector<16xi32>
    %reduce_min3A_430 = vector.extract %reduce_min3A_429[15] : i32 from vector<16xi32>
    %min3A_431 = arith.minsi %reduce_min3A_422, %reduce_min3A_430 : i32
    %eq3A_432 = arith.constant 6 : i32
    %eq3A_433 = vector.broadcast %eq3A_432 : i32 to vector<16xi32>
    %eq3A_434 = arith.cmpi eq, %iota3A, %eq3A_433 : vector<16xi32>
    %broadcast_in_dim3A_435 = vector.broadcast %reduce_min3A_409 : i32 to vector<16xi32>
    %select_n3A_436 = arith.select %eq3A_434, %broadcast_in_dim3A_435, %select_n3A_387 : vector<16xi1>, vector<16xi32>
    %eq3A_437 = arith.constant 14 : i32
    %eq3A_438 = vector.broadcast %eq3A_437 : i32 to vector<16xi32>
    %eq3A_439 = arith.cmpi eq, %iota3A, %eq3A_438 : vector<16xi32>
    %broadcast_in_dim3A_440 = vector.broadcast %min3A_431 : i32 to vector<16xi32>
    %select_n3A_441 = arith.select %eq3A_439, %broadcast_in_dim3A_440, %select_n3A_436 : vector<16xi1>, vector<16xi32>
    %eq3A_442 = arith.constant 12 : i32
    %eq3A_443 = vector.broadcast %eq3A_442 : i32 to vector<16xi32>
    %eq3A_444 = arith.cmpi eq, %iota3A, %eq3A_443 : vector<16xi32>
    %min3A_445 = arith.constant 4095 : i32
    %min3A_446 = arith.minsi %reduce_min3A_409, %min3A_445 : i32
    %broadcast_in_dim3A_447 = vector.broadcast %min3A_446 : i32 to vector<16xi32>
    %select_n3A_448 = arith.select %eq3A_444, %broadcast_in_dim3A_447, %select_n3A_401 : vector<16xi1>, vector<16xi32>
    %eq3A_449 = arith.constant 13 : i32
    %eq3A_450 = vector.broadcast %eq3A_449 : i32 to vector<16xi32>
    %eq3A_451 = arith.cmpi eq, %iota3A, %eq3A_450 : vector<16xi32>
    %min3A_452 = arith.constant 4095 : i32
    %min3A_453 = arith.minsi %min3A_431, %min3A_452 : i32
    %broadcast_in_dim3A_454 = vector.broadcast %min3A_453 : i32 to vector<16xi32>
    %select_n3A_455 = arith.select %eq3A_451, %broadcast_in_dim3A_454, %select_n3A_448 : vector<16xi1>, vector<16xi32>
    %reduce_min3A_456 = arith.constant true
    %reduce_min3A_457 = vector.broadcast %reduce_min3A_456 : i1 to vector<16xi1>
    %reduce_min3A_458 = arith.constant -2147483648 : i32
    %reduce_min3A_459 = vector.broadcast %reduce_min3A_458 : i32 to vector<16xi32>
    %reduce_min3A_460 = arith.xori %scan3A_67#7, %reduce_min3A_459 : vector<16xi32>
    %reduce_min3A_461 = tpu.scan <min>, %reduce_min3A_460 masked %reduce_min3A_457 : vector<16xi32>, vector<16xi1> -> vector<16xi32>
    %reduce_min3A_462 = arith.xori %reduce_min3A_461, %reduce_min3A_459 : vector<16xi32>
    %reduce_min3A_463 = vector.extract %reduce_min3A_462[15] : i32 from vector<16xi32>
    %eq3A_464 = vector.broadcast %reduce_min3A_463 : i32 to vector<16xi32>
    %eq3A_465 = arith.cmpi eq, %scan3A_67#7, %eq3A_464 : vector<16xi32>
    %jit3A_466 = arith.constant 2147483647 : i32
    %broadcast_in_dim3A_467 = vector.broadcast %jit3A_466 : i32 to vector<16xi32>
    %select_n3A_468 = arith.select %eq3A_465, %broadcast_in_dim3A_467, %scan3A_67#7 : vector<16xi1>, vector<16xi32>
    %reduce_min3A_469 = arith.constant true
    %reduce_min3A_470 = vector.broadcast %reduce_min3A_469 : i1 to vector<16xi1>
    %reduce_min3A_471 = arith.constant -2147483648 : i32
    %reduce_min3A_472 = vector.broadcast %reduce_min3A_471 : i32 to vector<16xi32>
    %reduce_min3A_473 = arith.xori %select_n3A_468, %reduce_min3A_472 : vector<16xi32>
    %reduce_min3A_474 = tpu.scan <min>, %reduce_min3A_473 masked %reduce_min3A_470 : vector<16xi32>, vector<16xi1> -> vector<16xi32>
    %reduce_min3A_475 = arith.xori %reduce_min3A_474, %reduce_min3A_472 : vector<16xi32>
    %reduce_min3A_476 = vector.extract %reduce_min3A_475[15] : i32 from vector<16xi32>
    %reduce_min3A_477 = arith.constant true
    %reduce_min3A_478 = vector.broadcast %reduce_min3A_477 : i1 to vector<16xi1>
    %reduce_min3A_479 = arith.constant -2147483648 : i32
    %reduce_min3A_480 = vector.broadcast %reduce_min3A_479 : i32 to vector<16xi32>
    %reduce_min3A_481 = arith.xori %scan3A_67#15, %reduce_min3A_480 : vector<16xi32>
    %reduce_min3A_482 = tpu.scan <min>, %reduce_min3A_481 masked %reduce_min3A_478 : vector<16xi32>, vector<16xi1> -> vector<16xi32>
    %reduce_min3A_483 = arith.xori %reduce_min3A_482, %reduce_min3A_480 : vector<16xi32>
    %reduce_min3A_484 = vector.extract %reduce_min3A_483[15] : i32 from vector<16xi32>
    %min3A_485 = arith.minsi %reduce_min3A_476, %reduce_min3A_484 : i32
    %eq3A_486 = arith.constant 7 : i32
    %eq3A_487 = vector.broadcast %eq3A_486 : i32 to vector<16xi32>
    %eq3A_488 = arith.cmpi eq, %iota3A, %eq3A_487 : vector<16xi32>
    %broadcast_in_dim3A_489 = vector.broadcast %reduce_min3A_463 : i32 to vector<16xi32>
    %select_n3A_490 = arith.select %eq3A_488, %broadcast_in_dim3A_489, %select_n3A_441 : vector<16xi1>, vector<16xi32>
    %eq3A_491 = arith.constant 15 : i32
    %eq3A_492 = vector.broadcast %eq3A_491 : i32 to vector<16xi32>
    %eq3A_493 = arith.cmpi eq, %iota3A, %eq3A_492 : vector<16xi32>
    %broadcast_in_dim3A_494 = vector.broadcast %min3A_485 : i32 to vector<16xi32>
    %select_n3A_495 = arith.select %eq3A_493, %broadcast_in_dim3A_494, %select_n3A_490 : vector<16xi1>, vector<16xi32>
    %eq3A_496 = arith.constant 14 : i32
    %eq3A_497 = vector.broadcast %eq3A_496 : i32 to vector<16xi32>
    %eq3A_498 = arith.cmpi eq, %iota3A, %eq3A_497 : vector<16xi32>
    %min3A_499 = arith.constant 4095 : i32
    %min3A_500 = arith.minsi %reduce_min3A_463, %min3A_499 : i32
    %broadcast_in_dim3A_501 = vector.broadcast %min3A_500 : i32 to vector<16xi32>
    %select_n3A_502 = arith.select %eq3A_498, %broadcast_in_dim3A_501, %select_n3A_455 : vector<16xi1>, vector<16xi32>
    %eq3A_503 = arith.constant 15 : i32
    %eq3A_504 = vector.broadcast %eq3A_503 : i32 to vector<16xi32>
    %eq3A_505 = arith.cmpi eq, %iota3A, %eq3A_504 : vector<16xi32>
    %min3A_506 = arith.constant 4095 : i32
    %min3A_507 = arith.minsi %min3A_485, %min3A_506 : i32
    %broadcast_in_dim3A_508 = vector.broadcast %min3A_507 : i32 to vector<16xi32>
    %select_n3A_509 = arith.select %eq3A_505, %broadcast_in_dim3A_508, %select_n3A_502 : vector<16xi1>, vector<16xi32>
    "tpu.trace_start"() <{level = 10 : i32, message = "p1_pub"}> : () -> ()
    %swap3A = arith.constant 0 : index
    %swap3A_510 = tpu.vector_load %arg13[%swap3A] {strides = array<i32>} : memref<16xi32, #tpu.memory_space<vmem>>, vector<16xi32>,
    tpu.vector_store %arg13[%swap3A], %select_n3A_509 {strides = array<i32>} : memref<16xi32, #tpu.memory_space<vmem>>, vector<16xi32>,
    %dma_start3A_511 = arith.constant 0 : i32
    %dma_start3A_512 = arith.constant 0 : i32
    %dma_start3A_513 = tpu.memref_slice %arg2[%dma_start3A_511, %dma_start3A_512] : memref<4096x32xf32, #tpu.memory_space<hbm>> -> memref<4096x32xf32, #tpu.memory_space<hbm>>
    tpu.enqueue_indirect_dma source(%dma_start3A_513 : memref<4096x32xf32, #tpu.memory_space<hbm>>) target(%arg10 : memref<16x32xf32, #tpu.memory_space<vmem>>) offsets(%arg13 : memref<16xi32, #tpu.memory_space<vmem>>) semaphore(%arg35 : memref<!tpu.dma_semaphore, #tpu.memory_space<semaphore_mem>>)
    %swap3A_514 = arith.constant 0 : index
    %swap3A_515 = tpu.vector_load %arg15[%swap3A_514] {strides = array<i32>} : memref<16xi32, #tpu.memory_space<vmem>>, vector<16xi32>,
    tpu.vector_store %arg15[%swap3A_514], %select_n3A_495 {strides = array<i32>} : memref<16xi32, #tpu.memory_space<vmem>>, vector<16xi32>,
    "tpu.region"() ({
      %run_scoped3A = tpu.sem_alloc : memref<!tpu.dma_semaphore, #tpu.memory_space<semaphore_mem>>
      %dma_start3A_552 = arith.constant 0 : i32
      %dma_start3A_553 = tpu.memref_slice %arg28[%arg1, %dma_start3A_552] : memref<16x16xi32, #tpu.memory_space<vmem_shared>> -> memref<1x16xi32, #tpu.memory_space<vmem_shared>>
      %dma_start3A_554 = tpu.memref_squeeze %dma_start3A_553 : memref<1x16xi32, #tpu.memory_space<vmem_shared>> -> memref<16xi32, #tpu.memory_space<vmem_shared>>
      %dma_start3A_555 = arith.constant 0 : i32
      %dma_start3A_556 = tpu.memref_slice %arg28[%arg1, %dma_start3A_555] : memref<16x16xi32, #tpu.memory_space<vmem_shared>> -> memref<1x16xi32, #tpu.memory_space<vmem_shared>>
      %dma_start3A_557 = tpu.memref_squeeze %dma_start3A_556 : memref<1x16xi32, #tpu.memory_space<vmem_shared>> -> memref<16xi32, #tpu.memory_space<vmem_shared>>
      tpu.enqueue_dma source(%arg15 : memref<16xi32, #tpu.memory_space<vmem>>) target(%dma_start3A_557 : memref<16xi32, #tpu.memory_space<vmem_shared>>) target_semaphore(%run_scoped3A : memref<!tpu.dma_semaphore, #tpu.memory_space<semaphore_mem>>)
      %dma_wait3A_558 = arith.constant 0 : i32
      %dma_wait3A_559 = tpu.memref_slice %arg28[%arg1, %dma_wait3A_558] : memref<16x16xi32, #tpu.memory_space<vmem_shared>> -> memref<1x16xi32, #tpu.memory_space<vmem_shared>>
      %dma_wait3A_560 = tpu.memref_squeeze %dma_wait3A_559 : memref<1x16xi32, #tpu.memory_space<vmem_shared>> -> memref<16xi32, #tpu.memory_space<vmem_shared>>
      %dma_wait3A_561 = arith.constant 0 : i32
      %dma_wait3A_562 = tpu.memref_slice %arg28[%arg1, %dma_wait3A_561] : memref<16x16xi32, #tpu.memory_space<vmem_shared>> -> memref<1x16xi32, #tpu.memory_space<vmem_shared>>
      %dma_wait3A_563 = tpu.memref_squeeze %dma_wait3A_562 : memref<1x16xi32, #tpu.memory_space<vmem_shared>> -> memref<16xi32, #tpu.memory_space<vmem_shared>>
      tpu.wait_dma2 semaphore(%run_scoped3A : memref<!tpu.dma_semaphore, #tpu.memory_space<semaphore_mem>>) src(%arg15 : memref<16xi32, #tpu.memory_space<vmem>>) dst(%dma_wait3A_563 : memref<16xi32, #tpu.memory_space<vmem_shared>>)
      tpu.yield
    }) : () -> ()
    %eq3A_516 = arith.constant 0 : i32
    %eq3A_517 = arith.cmpi eq, %arg1, %eq3A_516 : i32
    %convert_element_type3A = arith.extui %eq3A_517 : i1 to i32
    %cond3A = arith.constant 0 : i32
    %cond3A_518 = arith.cmpi ne, %convert_element_type3A, %cond3A : i32
    scf.if %cond3A_518 {
      %eq3A_552 = arith.constant 1 : i32
      %eq3A_553 = vector.broadcast %eq3A_552 : i32 to vector<16xi32>
      %eq3A_554 = arith.cmpi eq, %iota3A, %eq3A_553 : vector<16xi32>
      %min3A_555 = arith.constant 4095 : i32
      %min3A_556 = vector.broadcast %min3A_555 : i32 to vector<16xi32>
      %min3A_557 = arith.minsi %add3A_78, %min3A_556 : vector<16xi32>
      %select_n3A_558 = arith.select %eq3A_554, %min3A_557, %broadcast_in_dim3A_5 : vector<16xi1>, vector<16xi32>
      %swap3A_559 = arith.constant 0 : index
      %swap3A_560 = tpu.vector_load %arg14[%swap3A_559] {strides = array<i32>} : memref<16xi32, #tpu.memory_space<vmem>>, vector<16xi32>,
      tpu.vector_store %arg14[%swap3A_559], %select_n3A_558 {strides = array<i32>} : memref<16xi32, #tpu.memory_space<vmem>>, vector<16xi32>,
      %dma_start3A_561 = arith.constant 0 : i32
      %dma_start3A_562 = arith.constant 0 : i32
      %dma_start3A_563 = tpu.memref_slice %arg2[%dma_start3A_561, %dma_start3A_562] : memref<4096x32xf32, #tpu.memory_space<hbm>> -> memref<4096x32xf32, #tpu.memory_space<hbm>>
      tpu.enqueue_indirect_dma source(%dma_start3A_563 : memref<4096x32xf32, #tpu.memory_space<hbm>>) target(%arg11 : memref<16x32xf32, #tpu.memory_space<vmem>>) offsets(%arg14 : memref<16xi32, #tpu.memory_space<vmem>>) semaphore(%arg36 : memref<!tpu.dma_semaphore, #tpu.memory_space<semaphore_mem>>)
      %dma_wait3A_564 = arith.constant 0 : i32
      %dma_wait3A_565 = arith.constant 0 : i32
      %dma_wait3A_566 = tpu.memref_slice %arg2[%dma_wait3A_564, %dma_wait3A_565] : memref<4096x32xf32, #tpu.memory_space<hbm>> -> memref<4096x32xf32, #tpu.memory_space<hbm>>
      tpu.wait_indirect_dma semaphore(%arg36 : memref<!tpu.dma_semaphore, #tpu.memory_space<semaphore_mem>>) src(%dma_wait3A_566 : memref<4096x32xf32, #tpu.memory_space<hbm>>) dst(%arg11 : memref<16x32xf32, #tpu.memory_space<vmem>>)
      "tpu.region"() ({
        %run_scoped3A = tpu.sem_alloc : memref<!tpu.dma_semaphore, #tpu.memory_space<semaphore_mem>>
        %dma_start3A_567 = arith.constant 0 : i32
        %dma_start3A_568 = arith.constant 0 : i32
        %dma_start3A_569 = tpu.memref_slice %arg11[%dma_start3A_567, %dma_start3A_568] : memref<16x32xf32, #tpu.memory_space<vmem>> -> memref<2x32xf32, #tpu.memory_space<vmem>>
        %dma_start3A_570 = arith.constant 256 : i32
        %dma_start3A_571 = arith.constant 0 : i32
        %dma_start3A_572 = tpu.memref_slice %arg29[%dma_start3A_570, %dma_start3A_571] : memref<258x32xf32, #tpu.memory_space<vmem_shared>> -> memref<2x32xf32, #tpu.memory_space<vmem_shared>>
        %dma_start3A_573 = arith.constant 256 : i32
        %dma_start3A_574 = arith.constant 0 : i32
        %dma_start3A_575 = tpu.memref_slice %arg29[%dma_start3A_573, %dma_start3A_574] : memref<258x32xf32, #tpu.memory_space<vmem_shared>> -> memref<2x32xf32, #tpu.memory_space<vmem_shared>>
        %dma_start3A_576 = arith.constant 0 : i32
        %dma_start3A_577 = arith.constant 0 : i32
        %dma_start3A_578 = tpu.memref_slice %arg11[%dma_start3A_576, %dma_start3A_577] : memref<16x32xf32, #tpu.memory_space<vmem>> -> memref<2x32xf32, #tpu.memory_space<vmem>>
        tpu.enqueue_dma source(%dma_start3A_578 : memref<2x32xf32, #tpu.memory_space<vmem>>) target(%dma_start3A_575 : memref<2x32xf32, #tpu.memory_space<vmem_shared>>) target_semaphore(%run_scoped3A : memref<!tpu.dma_semaphore, #tpu.memory_space<semaphore_mem>>)
        %dma_wait3A_579 = arith.constant 0 : i32
        %dma_wait3A_580 = arith.constant 0 : i32
        %dma_wait3A_581 = tpu.memref_slice %arg11[%dma_wait3A_579, %dma_wait3A_580] : memref<16x32xf32, #tpu.memory_space<vmem>> -> memref<2x32xf32, #tpu.memory_space<vmem>>
        %dma_wait3A_582 = arith.constant 256 : i32
        %dma_wait3A_583 = arith.constant 0 : i32
        %dma_wait3A_584 = tpu.memref_slice %arg29[%dma_wait3A_582, %dma_wait3A_583] : memref<258x32xf32, #tpu.memory_space<vmem_shared>> -> memref<2x32xf32, #tpu.memory_space<vmem_shared>>
        %dma_wait3A_585 = arith.constant 256 : i32
        %dma_wait3A_586 = arith.constant 0 : i32
        %dma_wait3A_587 = tpu.memref_slice %arg29[%dma_wait3A_585, %dma_wait3A_586] : memref<258x32xf32, #tpu.memory_space<vmem_shared>> -> memref<2x32xf32, #tpu.memory_space<vmem_shared>>
        %dma_wait3A_588 = arith.constant 0 : i32
        %dma_wait3A_589 = arith.constant 0 : i32
        %dma_wait3A_590 = tpu.memref_slice %arg11[%dma_wait3A_588, %dma_wait3A_589] : memref<16x32xf32, #tpu.memory_space<vmem>> -> memref<2x32xf32, #tpu.memory_space<vmem>>
        tpu.wait_dma2 semaphore(%run_scoped3A : memref<!tpu.dma_semaphore, #tpu.memory_space<semaphore_mem>>) src(%dma_wait3A_590 : memref<2x32xf32, #tpu.memory_space<vmem>>) dst(%dma_wait3A_587 : memref<2x32xf32, #tpu.memory_space<vmem_shared>>)
        tpu.yield
      }) : () -> ()
    } else {
    }
    %dma_wait3A_519 = arith.constant 0 : i32
    %dma_wait3A_520 = arith.constant 0 : i32
    %dma_wait3A_521 = tpu.memref_slice %arg2[%dma_wait3A_519, %dma_wait3A_520] : memref<4096x32xf32, #tpu.memory_space<hbm>> -> memref<4096x32xf32, #tpu.memory_space<hbm>>
    tpu.wait_indirect_dma semaphore(%arg35 : memref<!tpu.dma_semaphore, #tpu.memory_space<semaphore_mem>>) src(%dma_wait3A_521 : memref<4096x32xf32, #tpu.memory_space<hbm>>) dst(%arg10 : memref<16x32xf32, #tpu.memory_space<vmem>>)
    %mul3A_522 = arith.constant 16 : i32
    %mul3A_523 = arith.muli %mul3A_522, %arg1 : i32
    "tpu.region"() ({
      %run_scoped3A = tpu.sem_alloc : memref<!tpu.dma_semaphore, #tpu.memory_space<semaphore_mem>>
      %dma_start3A_552 = arith.constant 0 : i32
      %dma_start3A_553 = tpu.memref_slice %arg29[%mul3A_523, %dma_start3A_552] : memref<258x32xf32, #tpu.memory_space<vmem_shared>> -> memref<16x32xf32, #tpu.memory_space<vmem_shared>>
      %dma_start3A_554 = arith.constant 0 : i32
      %dma_start3A_555 = tpu.memref_slice %arg29[%mul3A_523, %dma_start3A_554] : memref<258x32xf32, #tpu.memory_space<vmem_shared>> -> memref<16x32xf32, #tpu.memory_space<vmem_shared>>
      tpu.enqueue_dma source(%arg10 : memref<16x32xf32, #tpu.memory_space<vmem>>) target(%dma_start3A_555 : memref<16x32xf32, #tpu.memory_space<vmem_shared>>) target_semaphore(%run_scoped3A : memref<!tpu.dma_semaphore, #tpu.memory_space<semaphore_mem>>)
      %dma_wait3A_556 = arith.constant 0 : i32
      %dma_wait3A_557 = tpu.memref_slice %arg29[%mul3A_523, %dma_wait3A_556] : memref<258x32xf32, #tpu.memory_space<vmem_shared>> -> memref<16x32xf32, #tpu.memory_space<vmem_shared>>
      %dma_wait3A_558 = arith.constant 0 : i32
      %dma_wait3A_559 = tpu.memref_slice %arg29[%mul3A_523, %dma_wait3A_558] : memref<258x32xf32, #tpu.memory_space<vmem_shared>> -> memref<16x32xf32, #tpu.memory_space<vmem_shared>>
      tpu.wait_dma2 semaphore(%run_scoped3A : memref<!tpu.dma_semaphore, #tpu.memory_space<semaphore_mem>>) src(%arg10 : memref<16x32xf32, #tpu.memory_space<vmem>>) dst(%dma_wait3A_559 : memref<16x32xf32, #tpu.memory_space<vmem_shared>>)
      tpu.yield
    }) : () -> ()
    %barrier3A = arith.constant 0 : index
    tpu.barrier barrier_id(%barrier3A)
    "tpu.region"() ({
      %run_scoped3A = tpu.sem_alloc : memref<!tpu.dma_semaphore, #tpu.memory_space<semaphore_mem>>
      tpu.enqueue_dma source(%arg28 : memref<16x16xi32, #tpu.memory_space<vmem_shared>>) target(%arg16 : memref<16x16xi32, #tpu.memory_space<vmem>>) target_semaphore(%run_scoped3A : memref<!tpu.dma_semaphore, #tpu.memory_space<semaphore_mem>>)
      tpu.wait_dma2 semaphore(%run_scoped3A : memref<!tpu.dma_semaphore, #tpu.memory_space<semaphore_mem>>) src(%arg28 : memref<16x16xi32, #tpu.memory_space<vmem_shared>>) dst(%arg16 : memref<16x16xi32, #tpu.memory_space<vmem>>)
      tpu.yield
    }) : () -> ()
    "tpu.region"() ({
      %run_scoped3A = tpu.sem_alloc : memref<!tpu.dma_semaphore, #tpu.memory_space<semaphore_mem>>
      tpu.enqueue_dma source(%arg29 : memref<258x32xf32, #tpu.memory_space<vmem_shared>>) target(%arg12 : memref<258x32xf32, #tpu.memory_space<vmem>>) target_semaphore(%run_scoped3A : memref<!tpu.dma_semaphore, #tpu.memory_space<semaphore_mem>>)
      tpu.wait_dma2 semaphore(%run_scoped3A : memref<!tpu.dma_semaphore, #tpu.memory_space<semaphore_mem>>) src(%arg29 : memref<258x32xf32, #tpu.memory_space<vmem_shared>>) dst(%arg12 : memref<258x32xf32, #tpu.memory_space<vmem>>)
      tpu.yield
    }) : () -> ()
    "tpu.trace_stop"() : () -> ()
    "tpu.trace_start"() <{level = 10 : i32, message = "p2_idx"}> : () -> ()
    tpu.wait_dma2 semaphore(%arg33 : memref<!tpu.dma_semaphore, #tpu.memory_space<semaphore_mem>>) src(%arg4 : memref<4096xi32, #tpu.memory_space<hbm>>) dst(%arg8 : memref<4096xi32, #tpu.memory_space<vmem>>)
    %scan3A_524 = arith.constant 0 : i32
    %scan3A_525 = arith.constant 8 : i32
    %scan3A_526 = arith.addi %scan3A_524, %scan3A_525 : i32
    %scan3A_527 = arith.constant 1 : i32
    %scan3A_528:2 = scf.for %scan3A_552 = %scan3A_524 to %scan3A_526 step %scan3A_527 iter_args(%scan3A_553 = %broadcast_in_dim3A_5, %scan3A_554 = %broadcast_in_dim3A_5) -> (vector<16xi32>, vector<16xi32>)  : i32 {
      %mul3A_555 = arith.constant 16 : i32
      %mul3A_556 = arith.muli %scan3A_552, %mul3A_555 : i32
      %add3A_557 = arith.addi %mul3A_2, %mul3A_556 : i32
      %add3A_558 = vector.broadcast %add3A_557 : i32 to vector<16xi32>
      %add3A_559 = arith.addi %add3A_558, %iota3A : vector<16xi32>
      %get3A_560 = arith.index_cast %add3A_557 : i32 to index
      %get3A_561 = tpu.vector_load %arg7[%get3A_560] {strides = array<i32>} : memref<4096xi32, #tpu.memory_space<vmem>>, vector<16xi32>,
      %shift_right_logical3A = arith.constant 3 : i32
      %shift_right_logical3A_562 = vector.broadcast %shift_right_logical3A : i32 to vector<16xi32>
      %shift_right_logical3A_563 = arith.shrui %get3A_561, %shift_right_logical3A_562 : vector<16xi32>
      %and3A = arith.constant 7 : i32
      %and3A_564 = vector.broadcast %and3A : i32 to vector<16xi32>
      %and3A_565 = arith.andi %get3A_561, %and3A_564 : vector<16xi32>
      %gather3A = tpu.vector_load_idx %arg16[%shift_right_logical3A_563, %and3A_565] : memref<16x16xi32, #tpu.memory_space<vmem>>[vector<16xi32>, vector<16xi32>], vector<16xi32>,
      %add3A_566 = arith.constant 8 : i32
      %add3A_567 = vector.broadcast %add3A_566 : i32 to vector<16xi32>
      %add3A_568 = arith.addi %and3A_565, %add3A_567 : vector<16xi32>
      %gather3A_569 = tpu.vector_load_idx %arg16[%shift_right_logical3A_563, %add3A_568] : memref<16x16xi32, #tpu.memory_space<vmem>>[vector<16xi32>, vector<16xi32>], vector<16xi32>,
      %eq3A_570 = arith.cmpi eq, %gather3A, %add3A_559 : vector<16xi32>
      %select_n3A_571 = arith.select %eq3A_570, %gather3A_569, %gather3A : vector<16xi1>, vector<16xi32>
      %eq3A_572 = arith.cmpi eq, %get3A_561, %add3A_46 : vector<16xi32>
      %select_n3A_573 = arith.select %eq3A_572, %add3A_78, %broadcast_in_dim3A_5 : vector<16xi1>, vector<16xi32>
      %ne3A = arith.constant 2147483647 : i32
      %ne3A_574 = vector.broadcast %ne3A : i32 to vector<16xi32>
      %ne3A_575 = arith.cmpi ne, %gather3A_569, %ne3A_574 : vector<16xi32>
      %ne3A_576 = arith.constant 2147483647 : i32
      %ne3A_577 = vector.broadcast %ne3A_576 : i32 to vector<16xi32>
      %ne3A_578 = arith.cmpi ne, %add3A_78, %ne3A_577 : vector<16xi32>
      %and3A_579 = arith.andi %ne3A_575, %ne3A_578 : vector<16xi1>
      %select_n3A_580 = arith.select %and3A_579, %select_n3A_571, %add3A_559 : vector<16xi1>, vector<16xi32>
      %select_n3A_581 = arith.select %and3A_579, %select_n3A_573, %add3A_559 : vector<16xi1>, vector<16xi32>
      %mul3A_582 = arith.constant 2 : i32
      %mul3A_583 = vector.broadcast %mul3A_582 : i32 to vector<16xi32>
      %mul3A_584 = arith.muli %mul3A_583, %get3A_561 : vector<16xi32>
      %eq3A_585 = arith.cmpi eq, %gather3A, %add3A_559 : vector<16xi32>
      %select_n3A_586 = arith.select %eq3A_585, %broadcast_in_dim3A_7, %broadcast_in_dim3A_5 : vector<16xi1>, vector<16xi32>
      %add3A_587 = arith.addi %mul3A_584, %select_n3A_586 : vector<16xi32>
      %eq3A_588 = arith.cmpi eq, %get3A_561, %add3A_46 : vector<16xi32>
      %select_n3A_589 = arith.select %eq3A_588, %broadcast_in_dim3A_7, %broadcast_in_dim3A_5 : vector<16xi1>, vector<16xi32>
      %add3A_590 = arith.constant 256 : i32
      %add3A_591 = vector.broadcast %add3A_590 : i32 to vector<16xi32>
      %add3A_592 = arith.addi %select_n3A_589, %add3A_591 : vector<16xi32>
      %mul3A_593 = arith.constant 16 : i32
      %mul3A_594 = arith.muli %scan3A_552, %mul3A_593 : i32
      %swap3A_595 = arith.index_cast %mul3A_594 : i32 to index
      %swap3A_596 = tpu.vector_load %arg17[%swap3A_595] {strides = array<i32>} : memref<128xi32, #tpu.memory_space<vmem>>, vector<16xi32>,
      tpu.vector_store %arg17[%swap3A_595], %add3A_587 {strides = array<i32>} : memref<128xi32, #tpu.memory_space<vmem>>, vector<16xi32>,
      %mul3A_597 = arith.constant 16 : i32
      %mul3A_598 = arith.muli %scan3A_552, %mul3A_597 : i32
      %swap3A_599 = arith.index_cast %mul3A_598 : i32 to index
      %swap3A_600 = tpu.vector_load %arg18[%swap3A_599] {strides = array<i32>} : memref<128xi32, #tpu.memory_space<vmem>>, vector<16xi32>,
      tpu.vector_store %arg18[%swap3A_599], %add3A_592 {strides = array<i32>} : memref<128xi32, #tpu.memory_space<vmem>>, vector<16xi32>,
      %select_n3A_601 = arith.select %and3A_579, %broadcast_in_dim3A_7, %broadcast_in_dim3A_5 : vector<16xi1>, vector<16xi32>
      %mul3A_602 = arith.constant 16 : i32
      %mul3A_603 = arith.muli %scan3A_552, %mul3A_602 : i32
      %swap3A_604 = arith.index_cast %mul3A_603 : i32 to index
      %swap3A_605 = tpu.vector_load %arg19[%swap3A_604] {strides = array<i32>} : memref<128xi32, #tpu.memory_space<vmem>>, vector<16xi32>,
      tpu.vector_store %arg19[%swap3A_604], %select_n3A_601 {strides = array<i32>} : memref<128xi32, #tpu.memory_space<vmem>>, vector<16xi32>,
      %get3A_606 = arith.index_cast %add3A_557 : i32 to index
      %get3A_607 = tpu.vector_load %arg8[%get3A_606] {strides = array<i32>} : memref<4096xi32, #tpu.memory_space<vmem>>, vector<16xi32>,
      %gather3A_608 = tpu.vector_load_idx %arg8[%select_n3A_580] : memref<4096xi32, #tpu.memory_space<vmem>>[vector<16xi32>], vector<16xi32>,
      %gather3A_609 = tpu.vector_load_idx %arg8[%select_n3A_581] : memref<4096xi32, #tpu.memory_space<vmem>>[vector<16xi32>], vector<16xi32>,
      %eq3A_610 = arith.cmpi eq, %get3A_607, %gather3A_608 : vector<16xi32>
      %ne3A_611 = arith.cmpi ne, %get3A_607, %gather3A_609 : vector<16xi32>
      %and3A_612 = arith.andi %eq3A_610, %ne3A_611 : vector<16xi1>
      %select_n3A_613 = arith.select %and3A_612, %broadcast_in_dim3A_7, %broadcast_in_dim3A_5 : vector<16xi1>, vector<16xi32>
      %add3A_614 = arith.addi %scan3A_553, %select_n3A_613 : vector<16xi32>
      %select_n3A_615 = arith.select %eq3A_610, %broadcast_in_dim3A_7, %broadcast_in_dim3A_5 : vector<16xi1>, vector<16xi32>
      %add3A_616 = arith.addi %scan3A_554, %select_n3A_615 : vector<16xi32>
      scf.yield %add3A_614, %add3A_616 : vector<16xi32>, vector<16xi32>
    }
    %scan3A_529 = arith.constant 8 : i32
    "tpu.trace_stop"() : () -> ()
    "tpu.trace_start"() <{level = 10 : i32, message = "p2_dist"}> : () -> ()
    %dma_wait3A_530 = arith.constant 0 : i32
    %dma_wait3A_531 = tpu.memref_slice %arg2[%mul3A_2, %dma_wait3A_530] : memref<4096x32xf32, #tpu.memory_space<hbm>> -> memref<128x32xf32, #tpu.memory_space<hbm>>
    %dma_wait3A_532 = arith.constant 0 : i32
    %dma_wait3A_533 = tpu.memref_slice %arg2[%mul3A_2, %dma_wait3A_532] : memref<4096x32xf32, #tpu.memory_space<hbm>> -> memref<128x32xf32, #tpu.memory_space<hbm>>
    tpu.wait_dma2 semaphore(%arg34 : memref<!tpu.dma_semaphore, #tpu.memory_space<semaphore_mem>>) src(%dma_wait3A_533 : memref<128x32xf32, #tpu.memory_space<hbm>>) dst(%arg9 : memref<128x32xf32, #tpu.memory_space<vmem>>)
    %scan3A_534 = arith.constant 0 : i32
    %scan3A_535 = arith.constant 8 : i32
    %scan3A_536 = arith.addi %scan3A_534, %scan3A_535 : i32
    %scan3A_537 = arith.constant 1 : i32
    %scan3A_538 = scf.for %scan3A_552 = %scan3A_534 to %scan3A_536 step %scan3A_537 iter_args(%scan3A_553 = %broadcast_in_dim3A_3) -> (vector<16xf32>)  : i32 {
      %mul3A_554 = arith.constant 16 : i32
      %mul3A_555 = arith.muli %scan3A_552, %mul3A_554 : i32
      %add3A_556 = vector.broadcast %mul3A_555 : i32 to vector<16xi32>
      %add3A_557 = arith.addi %add3A_556, %iota3A : vector<16xi32>
      %mul3A_558 = arith.constant 16 : i32
      %mul3A_559 = arith.muli %scan3A_552, %mul3A_558 : i32
      %get3A_560 = arith.index_cast %mul3A_559 : i32 to index
      %get3A_561 = tpu.vector_load %arg17[%get3A_560] {strides = array<i32>} : memref<128xi32, #tpu.memory_space<vmem>>, vector<16xi32>,
      %mul3A_562 = arith.constant 16 : i32
      %mul3A_563 = arith.muli %scan3A_552, %mul3A_562 : i32
      %get3A_564 = arith.index_cast %mul3A_563 : i32 to index
      %get3A_565 = tpu.vector_load %arg18[%get3A_564] {strides = array<i32>} : memref<128xi32, #tpu.memory_space<vmem>>, vector<16xi32>,
      %mul3A_566 = arith.constant 16 : i32
      %mul3A_567 = arith.muli %scan3A_552, %mul3A_566 : i32
      %get3A_568 = arith.index_cast %mul3A_567 : i32 to index
      %get3A_569 = tpu.vector_load %arg19[%get3A_568] {strides = array<i32>} : memref<128xi32, #tpu.memory_space<vmem>>, vector<16xi32>,
      %eq3A_570 = arith.constant 1 : i32
      %eq3A_571 = vector.broadcast %eq3A_570 : i32 to vector<16xi32>
      %eq3A_572 = arith.cmpi eq, %get3A_569, %eq3A_571 : vector<16xi32>
      %add3A_573 = arith.constant 0 : i32
      %add3A_574 = vector.broadcast %add3A_573 : i32 to vector<16xi32>
      %add3A_575 = arith.addi %iota3A, %add3A_574 : vector<16xi32>
      %and3A = arith.constant 31 : i32
      %and3A_576 = vector.broadcast %and3A : i32 to vector<16xi32>
      %and3A_577 = arith.andi %add3A_575, %and3A_576 : vector<16xi32>
      %gather3A = tpu.vector_load_idx %arg9[%add3A_557, %and3A_577] : memref<128x32xf32, #tpu.memory_space<vmem>>[vector<16xi32>, vector<16xi32>], vector<16xf32>,
      %gather3A_578 = tpu.vector_load_idx %arg12[%get3A_561, %and3A_577] : memref<258x32xf32, #tpu.memory_space<vmem>>[vector<16xi32>, vector<16xi32>], vector<16xf32>,
      %gather3A_579 = tpu.vector_load_idx %arg12[%get3A_565, %and3A_577] : memref<258x32xf32, #tpu.memory_space<vmem>>[vector<16xi32>, vector<16xi32>], vector<16xf32>,
      %sub3A = arith.subf %gather3A, %gather3A_578 : vector<16xf32>
      %mul3A_580 = arith.mulf %sub3A, %sub3A : vector<16xf32>
      %add3A_581 = arith.addf %broadcast_in_dim3A_3, %mul3A_580 : vector<16xf32>
      %sub3A_582 = arith.subf %gather3A, %gather3A_579 : vector<16xf32>
      %mul3A_583 = arith.mulf %sub3A_582, %sub3A_582 : vector<16xf32>
      %add3A_584 = arith.addf %broadcast_in_dim3A_3, %mul3A_583 : vector<16xf32>
      %add3A_585 = arith.constant 1 : i32
      %add3A_586 = vector.broadcast %add3A_585 : i32 to vector<16xi32>
      %add3A_587 = arith.addi %iota3A, %add3A_586 : vector<16xi32>
      %and3A_588 = arith.constant 31 : i32
      %and3A_589 = vector.broadcast %and3A_588 : i32 to vector<16xi32>
      %and3A_590 = arith.andi %add3A_587, %and3A_589 : vector<16xi32>
      %gather3A_591 = tpu.vector_load_idx %arg9[%add3A_557, %and3A_590] : memref<128x32xf32, #tpu.memory_space<vmem>>[vector<16xi32>, vector<16xi32>], vector<16xf32>,
      %gather3A_592 = tpu.vector_load_idx %arg12[%get3A_561, %and3A_590] : memref<258x32xf32, #tpu.memory_space<vmem>>[vector<16xi32>, vector<16xi32>], vector<16xf32>,
      %gather3A_593 = tpu.vector_load_idx %arg12[%get3A_565, %and3A_590] : memref<258x32xf32, #tpu.memory_space<vmem>>[vector<16xi32>, vector<16xi32>], vector<16xf32>,
      %sub3A_594 = arith.subf %gather3A_591, %gather3A_592 : vector<16xf32>
      %mul3A_595 = arith.mulf %sub3A_594, %sub3A_594 : vector<16xf32>
      %add3A_596 = arith.addf %add3A_581, %mul3A_595 : vector<16xf32>
      %sub3A_597 = arith.subf %gather3A_591, %gather3A_593 : vector<16xf32>
      %mul3A_598 = arith.mulf %sub3A_597, %sub3A_597 : vector<16xf32>
      %add3A_599 = arith.addf %add3A_584, %mul3A_598 : vector<16xf32>
      %add3A_600 = arith.constant 2 : i32
      %add3A_601 = vector.broadcast %add3A_600 : i32 to vector<16xi32>
      %add3A_602 = arith.addi %iota3A, %add3A_601 : vector<16xi32>
      %and3A_603 = arith.constant 31 : i32
      %and3A_604 = vector.broadcast %and3A_603 : i32 to vector<16xi32>
      %and3A_605 = arith.andi %add3A_602, %and3A_604 : vector<16xi32>
      %gather3A_606 = tpu.vector_load_idx %arg9[%add3A_557, %and3A_605] : memref<128x32xf32, #tpu.memory_space<vmem>>[vector<16xi32>, vector<16xi32>], vector<16xf32>,
      %gather3A_607 = tpu.vector_load_idx %arg12[%get3A_561, %and3A_605] : memref<258x32xf32, #tpu.memory_space<vmem>>[vector<16xi32>, vector<16xi32>], vector<16xf32>,
      %gather3A_608 = tpu.vector_load_idx %arg12[%get3A_565, %and3A_605] : memref<258x32xf32, #tpu.memory_space<vmem>>[vector<16xi32>, vector<16xi32>], vector<16xf32>,
      %sub3A_609 = arith.subf %gather3A_606, %gather3A_607 : vector<16xf32>
      %mul3A_610 = arith.mulf %sub3A_609, %sub3A_609 : vector<16xf32>
      %add3A_611 = arith.addf %add3A_596, %mul3A_610 : vector<16xf32>
      %sub3A_612 = arith.subf %gather3A_606, %gather3A_608 : vector<16xf32>
      %mul3A_613 = arith.mulf %sub3A_612, %sub3A_612 : vector<16xf32>
      %add3A_614 = arith.addf %add3A_599, %mul3A_613 : vector<16xf32>
      %add3A_615 = arith.constant 3 : i32
      %add3A_616 = vector.broadcast %add3A_615 : i32 to vector<16xi32>
      %add3A_617 = arith.addi %iota3A, %add3A_616 : vector<16xi32>
      %and3A_618 = arith.constant 31 : i32
      %and3A_619 = vector.broadcast %and3A_618 : i32 to vector<16xi32>
      %and3A_620 = arith.andi %add3A_617, %and3A_619 : vector<16xi32>
      %gather3A_621 = tpu.vector_load_idx %arg9[%add3A_557, %and3A_620] : memref<128x32xf32, #tpu.memory_space<vmem>>[vector<16xi32>, vector<16xi32>], vector<16xf32>,
      %gather3A_622 = tpu.vector_load_idx %arg12[%get3A_561, %and3A_620] : memref<258x32xf32, #tpu.memory_space<vmem>>[vector<16xi32>, vector<16xi32>], vector<16xf32>,
      %gather3A_623 = tpu.vector_load_idx %arg12[%get3A_565, %and3A_620] : memref<258x32xf32, #tpu.memory_space<vmem>>[vector<16xi32>, vector<16xi32>], vector<16xf32>,
      %sub3A_624 = arith.subf %gather3A_621, %gather3A_622 : vector<16xf32>
      %mul3A_625 = arith.mulf %sub3A_624, %sub3A_624 : vector<16xf32>
      %add3A_626 = arith.addf %add3A_611, %mul3A_625 : vector<16xf32>
      %sub3A_627 = arith.subf %gather3A_621, %gather3A_623 : vector<16xf32>
      %mul3A_628 = arith.mulf %sub3A_627, %sub3A_627 : vector<16xf32>
      %add3A_629 = arith.addf %add3A_614, %mul3A_628 : vector<16xf32>
      %add3A_630 = arith.constant 4 : i32
      %add3A_631 = vector.broadcast %add3A_630 : i32 to vector<16xi32>
      %add3A_632 = arith.addi %iota3A, %add3A_631 : vector<16xi32>
      %and3A_633 = arith.constant 31 : i32
      %and3A_634 = vector.broadcast %and3A_633 : i32 to vector<16xi32>
      %and3A_635 = arith.andi %add3A_632, %and3A_634 : vector<16xi32>
      %gather3A_636 = tpu.vector_load_idx %arg9[%add3A_557, %and3A_635] : memref<128x32xf32, #tpu.memory_space<vmem>>[vector<16xi32>, vector<16xi32>], vector<16xf32>,
      %gather3A_637 = tpu.vector_load_idx %arg12[%get3A_561, %and3A_635] : memref<258x32xf32, #tpu.memory_space<vmem>>[vector<16xi32>, vector<16xi32>], vector<16xf32>,
      %gather3A_638 = tpu.vector_load_idx %arg12[%get3A_565, %and3A_635] : memref<258x32xf32, #tpu.memory_space<vmem>>[vector<16xi32>, vector<16xi32>], vector<16xf32>,
      %sub3A_639 = arith.subf %gather3A_636, %gather3A_637 : vector<16xf32>
      %mul3A_640 = arith.mulf %sub3A_639, %sub3A_639 : vector<16xf32>
      %add3A_641 = arith.addf %add3A_626, %mul3A_640 : vector<16xf32>
      %sub3A_642 = arith.subf %gather3A_636, %gather3A_638 : vector<16xf32>
      %mul3A_643 = arith.mulf %sub3A_642, %sub3A_642 : vector<16xf32>
      %add3A_644 = arith.addf %add3A_629, %mul3A_643 : vector<16xf32>
      %add3A_645 = arith.constant 5 : i32
      %add3A_646 = vector.broadcast %add3A_645 : i32 to vector<16xi32>
      %add3A_647 = arith.addi %iota3A, %add3A_646 : vector<16xi32>
      %and3A_648 = arith.constant 31 : i32
      %and3A_649 = vector.broadcast %and3A_648 : i32 to vector<16xi32>
      %and3A_650 = arith.andi %add3A_647, %and3A_649 : vector<16xi32>
      %gather3A_651 = tpu.vector_load_idx %arg9[%add3A_557, %and3A_650] : memref<128x32xf32, #tpu.memory_space<vmem>>[vector<16xi32>, vector<16xi32>], vector<16xf32>,
      %gather3A_652 = tpu.vector_load_idx %arg12[%get3A_561, %and3A_650] : memref<258x32xf32, #tpu.memory_space<vmem>>[vector<16xi32>, vector<16xi32>], vector<16xf32>,
      %gather3A_653 = tpu.vector_load_idx %arg12[%get3A_565, %and3A_650] : memref<258x32xf32, #tpu.memory_space<vmem>>[vector<16xi32>, vector<16xi32>], vector<16xf32>,
      %sub3A_654 = arith.subf %gather3A_651, %gather3A_652 : vector<16xf32>
      %mul3A_655 = arith.mulf %sub3A_654, %sub3A_654 : vector<16xf32>
      %add3A_656 = arith.addf %add3A_641, %mul3A_655 : vector<16xf32>
      %sub3A_657 = arith.subf %gather3A_651, %gather3A_653 : vector<16xf32>
      %mul3A_658 = arith.mulf %sub3A_657, %sub3A_657 : vector<16xf32>
      %add3A_659 = arith.addf %add3A_644, %mul3A_658 : vector<16xf32>
      %add3A_660 = arith.constant 6 : i32
      %add3A_661 = vector.broadcast %add3A_660 : i32 to vector<16xi32>
      %add3A_662 = arith.addi %iota3A, %add3A_661 : vector<16xi32>
      %and3A_663 = arith.constant 31 : i32
      %and3A_664 = vector.broadcast %and3A_663 : i32 to vector<16xi32>
      %and3A_665 = arith.andi %add3A_662, %and3A_664 : vector<16xi32>
      %gather3A_666 = tpu.vector_load_idx %arg9[%add3A_557, %and3A_665] : memref<128x32xf32, #tpu.memory_space<vmem>>[vector<16xi32>, vector<16xi32>], vector<16xf32>,
      %gather3A_667 = tpu.vector_load_idx %arg12[%get3A_561, %and3A_665] : memref<258x32xf32, #tpu.memory_space<vmem>>[vector<16xi32>, vector<16xi32>], vector<16xf32>,
      %gather3A_668 = tpu.vector_load_idx %arg12[%get3A_565, %and3A_665] : memref<258x32xf32, #tpu.memory_space<vmem>>[vector<16xi32>, vector<16xi32>], vector<16xf32>,
      %sub3A_669 = arith.subf %gather3A_666, %gather3A_667 : vector<16xf32>
      %mul3A_670 = arith.mulf %sub3A_669, %sub3A_669 : vector<16xf32>
      %add3A_671 = arith.addf %add3A_656, %mul3A_670 : vector<16xf32>
      %sub3A_672 = arith.subf %gather3A_666, %gather3A_668 : vector<16xf32>
      %mul3A_673 = arith.mulf %sub3A_672, %sub3A_672 : vector<16xf32>
      %add3A_674 = arith.addf %add3A_659, %mul3A_673 : vector<16xf32>
      %add3A_675 = arith.constant 7 : i32
      %add3A_676 = vector.broadcast %add3A_675 : i32 to vector<16xi32>
      %add3A_677 = arith.addi %iota3A, %add3A_676 : vector<16xi32>
      %and3A_678 = arith.constant 31 : i32
      %and3A_679 = vector.broadcast %and3A_678 : i32 to vector<16xi32>
      %and3A_680 = arith.andi %add3A_677, %and3A_679 : vector<16xi32>
      %gather3A_681 = tpu.vector_load_idx %arg9[%add3A_557, %and3A_680] : memref<128x32xf32, #tpu.memory_space<vmem>>[vector<16xi32>, vector<16xi32>], vector<16xf32>,
      %gather3A_682 = tpu.vector_load_idx %arg12[%get3A_561, %and3A_680] : memref<258x32xf32, #tpu.memory_space<vmem>>[vector<16xi32>, vector<16xi32>], vector<16xf32>,
      %gather3A_683 = tpu.vector_load_idx %arg12[%get3A_565, %and3A_680] : memref<258x32xf32, #tpu.memory_space<vmem>>[vector<16xi32>, vector<16xi32>], vector<16xf32>,
      %sub3A_684 = arith.subf %gather3A_681, %gather3A_682 : vector<16xf32>
      %mul3A_685 = arith.mulf %sub3A_684, %sub3A_684 : vector<16xf32>
      %add3A_686 = arith.addf %add3A_671, %mul3A_685 : vector<16xf32>
      %sub3A_687 = arith.subf %gather3A_681, %gather3A_683 : vector<16xf32>
      %mul3A_688 = arith.mulf %sub3A_687, %sub3A_687 : vector<16xf32>
      %add3A_689 = arith.addf %add3A_674, %mul3A_688 : vector<16xf32>
      %add3A_690 = arith.constant 8 : i32
      %add3A_691 = vector.broadcast %add3A_690 : i32 to vector<16xi32>
      %add3A_692 = arith.addi %iota3A, %add3A_691 : vector<16xi32>
      %and3A_693 = arith.constant 31 : i32
      %and3A_694 = vector.broadcast %and3A_693 : i32 to vector<16xi32>
      %and3A_695 = arith.andi %add3A_692, %and3A_694 : vector<16xi32>
      %gather3A_696 = tpu.vector_load_idx %arg9[%add3A_557, %and3A_695] : memref<128x32xf32, #tpu.memory_space<vmem>>[vector<16xi32>, vector<16xi32>], vector<16xf32>,
      %gather3A_697 = tpu.vector_load_idx %arg12[%get3A_561, %and3A_695] : memref<258x32xf32, #tpu.memory_space<vmem>>[vector<16xi32>, vector<16xi32>], vector<16xf32>,
      %gather3A_698 = tpu.vector_load_idx %arg12[%get3A_565, %and3A_695] : memref<258x32xf32, #tpu.memory_space<vmem>>[vector<16xi32>, vector<16xi32>], vector<16xf32>,
      %sub3A_699 = arith.subf %gather3A_696, %gather3A_697 : vector<16xf32>
      %mul3A_700 = arith.mulf %sub3A_699, %sub3A_699 : vector<16xf32>
      %add3A_701 = arith.addf %add3A_686, %mul3A_700 : vector<16xf32>
      %sub3A_702 = arith.subf %gather3A_696, %gather3A_698 : vector<16xf32>
      %mul3A_703 = arith.mulf %sub3A_702, %sub3A_702 : vector<16xf32>
      %add3A_704 = arith.addf %add3A_689, %mul3A_703 : vector<16xf32>
      %add3A_705 = arith.constant 9 : i32
      %add3A_706 = vector.broadcast %add3A_705 : i32 to vector<16xi32>
      %add3A_707 = arith.addi %iota3A, %add3A_706 : vector<16xi32>
      %and3A_708 = arith.constant 31 : i32
      %and3A_709 = vector.broadcast %and3A_708 : i32 to vector<16xi32>
      %and3A_710 = arith.andi %add3A_707, %and3A_709 : vector<16xi32>
      %gather3A_711 = tpu.vector_load_idx %arg9[%add3A_557, %and3A_710] : memref<128x32xf32, #tpu.memory_space<vmem>>[vector<16xi32>, vector<16xi32>], vector<16xf32>,
      %gather3A_712 = tpu.vector_load_idx %arg12[%get3A_561, %and3A_710] : memref<258x32xf32, #tpu.memory_space<vmem>>[vector<16xi32>, vector<16xi32>], vector<16xf32>,
      %gather3A_713 = tpu.vector_load_idx %arg12[%get3A_565, %and3A_710] : memref<258x32xf32, #tpu.memory_space<vmem>>[vector<16xi32>, vector<16xi32>], vector<16xf32>,
      %sub3A_714 = arith.subf %gather3A_711, %gather3A_712 : vector<16xf32>
      %mul3A_715 = arith.mulf %sub3A_714, %sub3A_714 : vector<16xf32>
      %add3A_716 = arith.addf %add3A_701, %mul3A_715 : vector<16xf32>
      %sub3A_717 = arith.subf %gather3A_711, %gather3A_713 : vector<16xf32>
      %mul3A_718 = arith.mulf %sub3A_717, %sub3A_717 : vector<16xf32>
      %add3A_719 = arith.addf %add3A_704, %mul3A_718 : vector<16xf32>
      %add3A_720 = arith.constant 10 : i32
      %add3A_721 = vector.broadcast %add3A_720 : i32 to vector<16xi32>
      %add3A_722 = arith.addi %iota3A, %add3A_721 : vector<16xi32>
      %and3A_723 = arith.constant 31 : i32
      %and3A_724 = vector.broadcast %and3A_723 : i32 to vector<16xi32>
      %and3A_725 = arith.andi %add3A_722, %and3A_724 : vector<16xi32>
      %gather3A_726 = tpu.vector_load_idx %arg9[%add3A_557, %and3A_725] : memref<128x32xf32, #tpu.memory_space<vmem>>[vector<16xi32>, vector<16xi32>], vector<16xf32>,
      %gather3A_727 = tpu.vector_load_idx %arg12[%get3A_561, %and3A_725] : memref<258x32xf32, #tpu.memory_space<vmem>>[vector<16xi32>, vector<16xi32>], vector<16xf32>,
      %gather3A_728 = tpu.vector_load_idx %arg12[%get3A_565, %and3A_725] : memref<258x32xf32, #tpu.memory_space<vmem>>[vector<16xi32>, vector<16xi32>], vector<16xf32>,
      %sub3A_729 = arith.subf %gather3A_726, %gather3A_727 : vector<16xf32>
      %mul3A_730 = arith.mulf %sub3A_729, %sub3A_729 : vector<16xf32>
      %add3A_731 = arith.addf %add3A_716, %mul3A_730 : vector<16xf32>
      %sub3A_732 = arith.subf %gather3A_726, %gather3A_728 : vector<16xf32>
      %mul3A_733 = arith.mulf %sub3A_732, %sub3A_732 : vector<16xf32>
      %add3A_734 = arith.addf %add3A_719, %mul3A_733 : vector<16xf32>
      %add3A_735 = arith.constant 11 : i32
      %add3A_736 = vector.broadcast %add3A_735 : i32 to vector<16xi32>
      %add3A_737 = arith.addi %iota3A, %add3A_736 : vector<16xi32>
      %and3A_738 = arith.constant 31 : i32
      %and3A_739 = vector.broadcast %and3A_738 : i32 to vector<16xi32>
      %and3A_740 = arith.andi %add3A_737, %and3A_739 : vector<16xi32>
      %gather3A_741 = tpu.vector_load_idx %arg9[%add3A_557, %and3A_740] : memref<128x32xf32, #tpu.memory_space<vmem>>[vector<16xi32>, vector<16xi32>], vector<16xf32>,
      %gather3A_742 = tpu.vector_load_idx %arg12[%get3A_561, %and3A_740] : memref<258x32xf32, #tpu.memory_space<vmem>>[vector<16xi32>, vector<16xi32>], vector<16xf32>,
      %gather3A_743 = tpu.vector_load_idx %arg12[%get3A_565, %and3A_740] : memref<258x32xf32, #tpu.memory_space<vmem>>[vector<16xi32>, vector<16xi32>], vector<16xf32>,
      %sub3A_744 = arith.subf %gather3A_741, %gather3A_742 : vector<16xf32>
      %mul3A_745 = arith.mulf %sub3A_744, %sub3A_744 : vector<16xf32>
      %add3A_746 = arith.addf %add3A_731, %mul3A_745 : vector<16xf32>
      %sub3A_747 = arith.subf %gather3A_741, %gather3A_743 : vector<16xf32>
      %mul3A_748 = arith.mulf %sub3A_747, %sub3A_747 : vector<16xf32>
      %add3A_749 = arith.addf %add3A_734, %mul3A_748 : vector<16xf32>
      %add3A_750 = arith.constant 12 : i32
      %add3A_751 = vector.broadcast %add3A_750 : i32 to vector<16xi32>
      %add3A_752 = arith.addi %iota3A, %add3A_751 : vector<16xi32>
      %and3A_753 = arith.constant 31 : i32
      %and3A_754 = vector.broadcast %and3A_753 : i32 to vector<16xi32>
      %and3A_755 = arith.andi %add3A_752, %and3A_754 : vector<16xi32>
      %gather3A_756 = tpu.vector_load_idx %arg9[%add3A_557, %and3A_755] : memref<128x32xf32, #tpu.memory_space<vmem>>[vector<16xi32>, vector<16xi32>], vector<16xf32>,
      %gather3A_757 = tpu.vector_load_idx %arg12[%get3A_561, %and3A_755] : memref<258x32xf32, #tpu.memory_space<vmem>>[vector<16xi32>, vector<16xi32>], vector<16xf32>,
      %gather3A_758 = tpu.vector_load_idx %arg12[%get3A_565, %and3A_755] : memref<258x32xf32, #tpu.memory_space<vmem>>[vector<16xi32>, vector<16xi32>], vector<16xf32>,
      %sub3A_759 = arith.subf %gather3A_756, %gather3A_757 : vector<16xf32>
      %mul3A_760 = arith.mulf %sub3A_759, %sub3A_759 : vector<16xf32>
      %add3A_761 = arith.addf %add3A_746, %mul3A_760 : vector<16xf32>
      %sub3A_762 = arith.subf %gather3A_756, %gather3A_758 : vector<16xf32>
      %mul3A_763 = arith.mulf %sub3A_762, %sub3A_762 : vector<16xf32>
      %add3A_764 = arith.addf %add3A_749, %mul3A_763 : vector<16xf32>
      %add3A_765 = arith.constant 13 : i32
      %add3A_766 = vector.broadcast %add3A_765 : i32 to vector<16xi32>
      %add3A_767 = arith.addi %iota3A, %add3A_766 : vector<16xi32>
      %and3A_768 = arith.constant 31 : i32
      %and3A_769 = vector.broadcast %and3A_768 : i32 to vector<16xi32>
      %and3A_770 = arith.andi %add3A_767, %and3A_769 : vector<16xi32>
      %gather3A_771 = tpu.vector_load_idx %arg9[%add3A_557, %and3A_770] : memref<128x32xf32, #tpu.memory_space<vmem>>[vector<16xi32>, vector<16xi32>], vector<16xf32>,
      %gather3A_772 = tpu.vector_load_idx %arg12[%get3A_561, %and3A_770] : memref<258x32xf32, #tpu.memory_space<vmem>>[vector<16xi32>, vector<16xi32>], vector<16xf32>,
      %gather3A_773 = tpu.vector_load_idx %arg12[%get3A_565, %and3A_770] : memref<258x32xf32, #tpu.memory_space<vmem>>[vector<16xi32>, vector<16xi32>], vector<16xf32>,
      %sub3A_774 = arith.subf %gather3A_771, %gather3A_772 : vector<16xf32>
      %mul3A_775 = arith.mulf %sub3A_774, %sub3A_774 : vector<16xf32>
      %add3A_776 = arith.addf %add3A_761, %mul3A_775 : vector<16xf32>
      %sub3A_777 = arith.subf %gather3A_771, %gather3A_773 : vector<16xf32>
      %mul3A_778 = arith.mulf %sub3A_777, %sub3A_777 : vector<16xf32>
      %add3A_779 = arith.addf %add3A_764, %mul3A_778 : vector<16xf32>
      %add3A_780 = arith.constant 14 : i32
      %add3A_781 = vector.broadcast %add3A_780 : i32 to vector<16xi32>
      %add3A_782 = arith.addi %iota3A, %add3A_781 : vector<16xi32>
      %and3A_783 = arith.constant 31 : i32
      %and3A_784 = vector.broadcast %and3A_783 : i32 to vector<16xi32>
      %and3A_785 = arith.andi %add3A_782, %and3A_784 : vector<16xi32>
      %gather3A_786 = tpu.vector_load_idx %arg9[%add3A_557, %and3A_785] : memref<128x32xf32, #tpu.memory_space<vmem>>[vector<16xi32>, vector<16xi32>], vector<16xf32>,
      %gather3A_787 = tpu.vector_load_idx %arg12[%get3A_561, %and3A_785] : memref<258x32xf32, #tpu.memory_space<vmem>>[vector<16xi32>, vector<16xi32>], vector<16xf32>,
      %gather3A_788 = tpu.vector_load_idx %arg12[%get3A_565, %and3A_785] : memref<258x32xf32, #tpu.memory_space<vmem>>[vector<16xi32>, vector<16xi32>], vector<16xf32>,
      %sub3A_789 = arith.subf %gather3A_786, %gather3A_787 : vector<16xf32>
      %mul3A_790 = arith.mulf %sub3A_789, %sub3A_789 : vector<16xf32>
      %add3A_791 = arith.addf %add3A_776, %mul3A_790 : vector<16xf32>
      %sub3A_792 = arith.subf %gather3A_786, %gather3A_788 : vector<16xf32>
      %mul3A_793 = arith.mulf %sub3A_792, %sub3A_792 : vector<16xf32>
      %add3A_794 = arith.addf %add3A_779, %mul3A_793 : vector<16xf32>
      %add3A_795 = arith.constant 15 : i32
      %add3A_796 = vector.broadcast %add3A_795 : i32 to vector<16xi32>
      %add3A_797 = arith.addi %iota3A, %add3A_796 : vector<16xi32>
      %and3A_798 = arith.constant 31 : i32
      %and3A_799 = vector.broadcast %and3A_798 : i32 to vector<16xi32>
      %and3A_800 = arith.andi %add3A_797, %and3A_799 : vector<16xi32>
      %gather3A_801 = tpu.vector_load_idx %arg9[%add3A_557, %and3A_800] : memref<128x32xf32, #tpu.memory_space<vmem>>[vector<16xi32>, vector<16xi32>], vector<16xf32>,
      %gather3A_802 = tpu.vector_load_idx %arg12[%get3A_561, %and3A_800] : memref<258x32xf32, #tpu.memory_space<vmem>>[vector<16xi32>, vector<16xi32>], vector<16xf32>,
      %gather3A_803 = tpu.vector_load_idx %arg12[%get3A_565, %and3A_800] : memref<258x32xf32, #tpu.memory_space<vmem>>[vector<16xi32>, vector<16xi32>], vector<16xf32>,
      %sub3A_804 = arith.subf %gather3A_801, %gather3A_802 : vector<16xf32>
      %mul3A_805 = arith.mulf %sub3A_804, %sub3A_804 : vector<16xf32>
      %add3A_806 = arith.addf %add3A_791, %mul3A_805 : vector<16xf32>
      %sub3A_807 = arith.subf %gather3A_801, %gather3A_803 : vector<16xf32>
      %mul3A_808 = arith.mulf %sub3A_807, %sub3A_807 : vector<16xf32>
      %add3A_809 = arith.addf %add3A_794, %mul3A_808 : vector<16xf32>
      %add3A_810 = arith.constant 16 : i32
      %add3A_811 = vector.broadcast %add3A_810 : i32 to vector<16xi32>
      %add3A_812 = arith.addi %iota3A, %add3A_811 : vector<16xi32>
      %and3A_813 = arith.constant 31 : i32
      %and3A_814 = vector.broadcast %and3A_813 : i32 to vector<16xi32>
      %and3A_815 = arith.andi %add3A_812, %and3A_814 : vector<16xi32>
      %gather3A_816 = tpu.vector_load_idx %arg9[%add3A_557, %and3A_815] : memref<128x32xf32, #tpu.memory_space<vmem>>[vector<16xi32>, vector<16xi32>], vector<16xf32>,
      %gather3A_817 = tpu.vector_load_idx %arg12[%get3A_561, %and3A_815] : memref<258x32xf32, #tpu.memory_space<vmem>>[vector<16xi32>, vector<16xi32>], vector<16xf32>,
      %gather3A_818 = tpu.vector_load_idx %arg12[%get3A_565, %and3A_815] : memref<258x32xf32, #tpu.memory_space<vmem>>[vector<16xi32>, vector<16xi32>], vector<16xf32>,
      %sub3A_819 = arith.subf %gather3A_816, %gather3A_817 : vector<16xf32>
      %mul3A_820 = arith.mulf %sub3A_819, %sub3A_819 : vector<16xf32>
      %add3A_821 = arith.addf %add3A_806, %mul3A_820 : vector<16xf32>
      %sub3A_822 = arith.subf %gather3A_816, %gather3A_818 : vector<16xf32>
      %mul3A_823 = arith.mulf %sub3A_822, %sub3A_822 : vector<16xf32>
      %add3A_824 = arith.addf %add3A_809, %mul3A_823 : vector<16xf32>
      %add3A_825 = arith.constant 17 : i32
      %add3A_826 = vector.broadcast %add3A_825 : i32 to vector<16xi32>
      %add3A_827 = arith.addi %iota3A, %add3A_826 : vector<16xi32>
      %and3A_828 = arith.constant 31 : i32
      %and3A_829 = vector.broadcast %and3A_828 : i32 to vector<16xi32>
      %and3A_830 = arith.andi %add3A_827, %and3A_829 : vector<16xi32>
      %gather3A_831 = tpu.vector_load_idx %arg9[%add3A_557, %and3A_830] : memref<128x32xf32, #tpu.memory_space<vmem>>[vector<16xi32>, vector<16xi32>], vector<16xf32>,
      %gather3A_832 = tpu.vector_load_idx %arg12[%get3A_561, %and3A_830] : memref<258x32xf32, #tpu.memory_space<vmem>>[vector<16xi32>, vector<16xi32>], vector<16xf32>,
      %gather3A_833 = tpu.vector_load_idx %arg12[%get3A_565, %and3A_830] : memref<258x32xf32, #tpu.memory_space<vmem>>[vector<16xi32>, vector<16xi32>], vector<16xf32>,
      %sub3A_834 = arith.subf %gather3A_831, %gather3A_832 : vector<16xf32>
      %mul3A_835 = arith.mulf %sub3A_834, %sub3A_834 : vector<16xf32>
      %add3A_836 = arith.addf %add3A_821, %mul3A_835 : vector<16xf32>
      %sub3A_837 = arith.subf %gather3A_831, %gather3A_833 : vector<16xf32>
      %mul3A_838 = arith.mulf %sub3A_837, %sub3A_837 : vector<16xf32>
      %add3A_839 = arith.addf %add3A_824, %mul3A_838 : vector<16xf32>
      %add3A_840 = arith.constant 18 : i32
      %add3A_841 = vector.broadcast %add3A_840 : i32 to vector<16xi32>
      %add3A_842 = arith.addi %iota3A, %add3A_841 : vector<16xi32>
      %and3A_843 = arith.constant 31 : i32
      %and3A_844 = vector.broadcast %and3A_843 : i32 to vector<16xi32>
      %and3A_845 = arith.andi %add3A_842, %and3A_844 : vector<16xi32>
      %gather3A_846 = tpu.vector_load_idx %arg9[%add3A_557, %and3A_845] : memref<128x32xf32, #tpu.memory_space<vmem>>[vector<16xi32>, vector<16xi32>], vector<16xf32>,
      %gather3A_847 = tpu.vector_load_idx %arg12[%get3A_561, %and3A_845] : memref<258x32xf32, #tpu.memory_space<vmem>>[vector<16xi32>, vector<16xi32>], vector<16xf32>,
      %gather3A_848 = tpu.vector_load_idx %arg12[%get3A_565, %and3A_845] : memref<258x32xf32, #tpu.memory_space<vmem>>[vector<16xi32>, vector<16xi32>], vector<16xf32>,
      %sub3A_849 = arith.subf %gather3A_846, %gather3A_847 : vector<16xf32>
      %mul3A_850 = arith.mulf %sub3A_849, %sub3A_849 : vector<16xf32>
      %add3A_851 = arith.addf %add3A_836, %mul3A_850 : vector<16xf32>
      %sub3A_852 = arith.subf %gather3A_846, %gather3A_848 : vector<16xf32>
      %mul3A_853 = arith.mulf %sub3A_852, %sub3A_852 : vector<16xf32>
      %add3A_854 = arith.addf %add3A_839, %mul3A_853 : vector<16xf32>
      %add3A_855 = arith.constant 19 : i32
      %add3A_856 = vector.broadcast %add3A_855 : i32 to vector<16xi32>
      %add3A_857 = arith.addi %iota3A, %add3A_856 : vector<16xi32>
      %and3A_858 = arith.constant 31 : i32
      %and3A_859 = vector.broadcast %and3A_858 : i32 to vector<16xi32>
      %and3A_860 = arith.andi %add3A_857, %and3A_859 : vector<16xi32>
      %gather3A_861 = tpu.vector_load_idx %arg9[%add3A_557, %and3A_860] : memref<128x32xf32, #tpu.memory_space<vmem>>[vector<16xi32>, vector<16xi32>], vector<16xf32>,
      %gather3A_862 = tpu.vector_load_idx %arg12[%get3A_561, %and3A_860] : memref<258x32xf32, #tpu.memory_space<vmem>>[vector<16xi32>, vector<16xi32>], vector<16xf32>,
      %gather3A_863 = tpu.vector_load_idx %arg12[%get3A_565, %and3A_860] : memref<258x32xf32, #tpu.memory_space<vmem>>[vector<16xi32>, vector<16xi32>], vector<16xf32>,
      %sub3A_864 = arith.subf %gather3A_861, %gather3A_862 : vector<16xf32>
      %mul3A_865 = arith.mulf %sub3A_864, %sub3A_864 : vector<16xf32>
      %add3A_866 = arith.addf %add3A_851, %mul3A_865 : vector<16xf32>
      %sub3A_867 = arith.subf %gather3A_861, %gather3A_863 : vector<16xf32>
      %mul3A_868 = arith.mulf %sub3A_867, %sub3A_867 : vector<16xf32>
      %add3A_869 = arith.addf %add3A_854, %mul3A_868 : vector<16xf32>
      %add3A_870 = arith.constant 20 : i32
      %add3A_871 = vector.broadcast %add3A_870 : i32 to vector<16xi32>
      %add3A_872 = arith.addi %iota3A, %add3A_871 : vector<16xi32>
      %and3A_873 = arith.constant 31 : i32
      %and3A_874 = vector.broadcast %and3A_873 : i32 to vector<16xi32>
      %and3A_875 = arith.andi %add3A_872, %and3A_874 : vector<16xi32>
      %gather3A_876 = tpu.vector_load_idx %arg9[%add3A_557, %and3A_875] : memref<128x32xf32, #tpu.memory_space<vmem>>[vector<16xi32>, vector<16xi32>], vector<16xf32>,
      %gather3A_877 = tpu.vector_load_idx %arg12[%get3A_561, %and3A_875] : memref<258x32xf32, #tpu.memory_space<vmem>>[vector<16xi32>, vector<16xi32>], vector<16xf32>,
      %gather3A_878 = tpu.vector_load_idx %arg12[%get3A_565, %and3A_875] : memref<258x32xf32, #tpu.memory_space<vmem>>[vector<16xi32>, vector<16xi32>], vector<16xf32>,
      %sub3A_879 = arith.subf %gather3A_876, %gather3A_877 : vector<16xf32>
      %mul3A_880 = arith.mulf %sub3A_879, %sub3A_879 : vector<16xf32>
      %add3A_881 = arith.addf %add3A_866, %mul3A_880 : vector<16xf32>
      %sub3A_882 = arith.subf %gather3A_876, %gather3A_878 : vector<16xf32>
      %mul3A_883 = arith.mulf %sub3A_882, %sub3A_882 : vector<16xf32>
      %add3A_884 = arith.addf %add3A_869, %mul3A_883 : vector<16xf32>
      %add3A_885 = arith.constant 21 : i32
      %add3A_886 = vector.broadcast %add3A_885 : i32 to vector<16xi32>
      %add3A_887 = arith.addi %iota3A, %add3A_886 : vector<16xi32>
      %and3A_888 = arith.constant 31 : i32
      %and3A_889 = vector.broadcast %and3A_888 : i32 to vector<16xi32>
      %and3A_890 = arith.andi %add3A_887, %and3A_889 : vector<16xi32>
      %gather3A_891 = tpu.vector_load_idx %arg9[%add3A_557, %and3A_890] : memref<128x32xf32, #tpu.memory_space<vmem>>[vector<16xi32>, vector<16xi32>], vector<16xf32>,
      %gather3A_892 = tpu.vector_load_idx %arg12[%get3A_561, %and3A_890] : memref<258x32xf32, #tpu.memory_space<vmem>>[vector<16xi32>, vector<16xi32>], vector<16xf32>,
      %gather3A_893 = tpu.vector_load_idx %arg12[%get3A_565, %and3A_890] : memref<258x32xf32, #tpu.memory_space<vmem>>[vector<16xi32>, vector<16xi32>], vector<16xf32>,
      %sub3A_894 = arith.subf %gather3A_891, %gather3A_892 : vector<16xf32>
      %mul3A_895 = arith.mulf %sub3A_894, %sub3A_894 : vector<16xf32>
      %add3A_896 = arith.addf %add3A_881, %mul3A_895 : vector<16xf32>
      %sub3A_897 = arith.subf %gather3A_891, %gather3A_893 : vector<16xf32>
      %mul3A_898 = arith.mulf %sub3A_897, %sub3A_897 : vector<16xf32>
      %add3A_899 = arith.addf %add3A_884, %mul3A_898 : vector<16xf32>
      %add3A_900 = arith.constant 22 : i32
      %add3A_901 = vector.broadcast %add3A_900 : i32 to vector<16xi32>
      %add3A_902 = arith.addi %iota3A, %add3A_901 : vector<16xi32>
      %and3A_903 = arith.constant 31 : i32
      %and3A_904 = vector.broadcast %and3A_903 : i32 to vector<16xi32>
      %and3A_905 = arith.andi %add3A_902, %and3A_904 : vector<16xi32>
      %gather3A_906 = tpu.vector_load_idx %arg9[%add3A_557, %and3A_905] : memref<128x32xf32, #tpu.memory_space<vmem>>[vector<16xi32>, vector<16xi32>], vector<16xf32>,
      %gather3A_907 = tpu.vector_load_idx %arg12[%get3A_561, %and3A_905] : memref<258x32xf32, #tpu.memory_space<vmem>>[vector<16xi32>, vector<16xi32>], vector<16xf32>,
      %gather3A_908 = tpu.vector_load_idx %arg12[%get3A_565, %and3A_905] : memref<258x32xf32, #tpu.memory_space<vmem>>[vector<16xi32>, vector<16xi32>], vector<16xf32>,
      %sub3A_909 = arith.subf %gather3A_906, %gather3A_907 : vector<16xf32>
      %mul3A_910 = arith.mulf %sub3A_909, %sub3A_909 : vector<16xf32>
      %add3A_911 = arith.addf %add3A_896, %mul3A_910 : vector<16xf32>
      %sub3A_912 = arith.subf %gather3A_906, %gather3A_908 : vector<16xf32>
      %mul3A_913 = arith.mulf %sub3A_912, %sub3A_912 : vector<16xf32>
      %add3A_914 = arith.addf %add3A_899, %mul3A_913 : vector<16xf32>
      %add3A_915 = arith.constant 23 : i32
      %add3A_916 = vector.broadcast %add3A_915 : i32 to vector<16xi32>
      %add3A_917 = arith.addi %iota3A, %add3A_916 : vector<16xi32>
      %and3A_918 = arith.constant 31 : i32
      %and3A_919 = vector.broadcast %and3A_918 : i32 to vector<16xi32>
      %and3A_920 = arith.andi %add3A_917, %and3A_919 : vector<16xi32>
      %gather3A_921 = tpu.vector_load_idx %arg9[%add3A_557, %and3A_920] : memref<128x32xf32, #tpu.memory_space<vmem>>[vector<16xi32>, vector<16xi32>], vector<16xf32>,
      %gather3A_922 = tpu.vector_load_idx %arg12[%get3A_561, %and3A_920] : memref<258x32xf32, #tpu.memory_space<vmem>>[vector<16xi32>, vector<16xi32>], vector<16xf32>,
      %gather3A_923 = tpu.vector_load_idx %arg12[%get3A_565, %and3A_920] : memref<258x32xf32, #tpu.memory_space<vmem>>[vector<16xi32>, vector<16xi32>], vector<16xf32>,
      %sub3A_924 = arith.subf %gather3A_921, %gather3A_922 : vector<16xf32>
      %mul3A_925 = arith.mulf %sub3A_924, %sub3A_924 : vector<16xf32>
      %add3A_926 = arith.addf %add3A_911, %mul3A_925 : vector<16xf32>
      %sub3A_927 = arith.subf %gather3A_921, %gather3A_923 : vector<16xf32>
      %mul3A_928 = arith.mulf %sub3A_927, %sub3A_927 : vector<16xf32>
      %add3A_929 = arith.addf %add3A_914, %mul3A_928 : vector<16xf32>
      %add3A_930 = arith.constant 24 : i32
      %add3A_931 = vector.broadcast %add3A_930 : i32 to vector<16xi32>
      %add3A_932 = arith.addi %iota3A, %add3A_931 : vector<16xi32>
      %and3A_933 = arith.constant 31 : i32
      %and3A_934 = vector.broadcast %and3A_933 : i32 to vector<16xi32>
      %and3A_935 = arith.andi %add3A_932, %and3A_934 : vector<16xi32>
      %gather3A_936 = tpu.vector_load_idx %arg9[%add3A_557, %and3A_935] : memref<128x32xf32, #tpu.memory_space<vmem>>[vector<16xi32>, vector<16xi32>], vector<16xf32>,
      %gather3A_937 = tpu.vector_load_idx %arg12[%get3A_561, %and3A_935] : memref<258x32xf32, #tpu.memory_space<vmem>>[vector<16xi32>, vector<16xi32>], vector<16xf32>,
      %gather3A_938 = tpu.vector_load_idx %arg12[%get3A_565, %and3A_935] : memref<258x32xf32, #tpu.memory_space<vmem>>[vector<16xi32>, vector<16xi32>], vector<16xf32>,
      %sub3A_939 = arith.subf %gather3A_936, %gather3A_937 : vector<16xf32>
      %mul3A_940 = arith.mulf %sub3A_939, %sub3A_939 : vector<16xf32>
      %add3A_941 = arith.addf %add3A_926, %mul3A_940 : vector<16xf32>
      %sub3A_942 = arith.subf %gather3A_936, %gather3A_938 : vector<16xf32>
      %mul3A_943 = arith.mulf %sub3A_942, %sub3A_942 : vector<16xf32>
      %add3A_944 = arith.addf %add3A_929, %mul3A_943 : vector<16xf32>
      %add3A_945 = arith.constant 25 : i32
      %add3A_946 = vector.broadcast %add3A_945 : i32 to vector<16xi32>
      %add3A_947 = arith.addi %iota3A, %add3A_946 : vector<16xi32>
      %and3A_948 = arith.constant 31 : i32
      %and3A_949 = vector.broadcast %and3A_948 : i32 to vector<16xi32>
      %and3A_950 = arith.andi %add3A_947, %and3A_949 : vector<16xi32>
      %gather3A_951 = tpu.vector_load_idx %arg9[%add3A_557, %and3A_950] : memref<128x32xf32, #tpu.memory_space<vmem>>[vector<16xi32>, vector<16xi32>], vector<16xf32>,
      %gather3A_952 = tpu.vector_load_idx %arg12[%get3A_561, %and3A_950] : memref<258x32xf32, #tpu.memory_space<vmem>>[vector<16xi32>, vector<16xi32>], vector<16xf32>,
      %gather3A_953 = tpu.vector_load_idx %arg12[%get3A_565, %and3A_950] : memref<258x32xf32, #tpu.memory_space<vmem>>[vector<16xi32>, vector<16xi32>], vector<16xf32>,
      %sub3A_954 = arith.subf %gather3A_951, %gather3A_952 : vector<16xf32>
      %mul3A_955 = arith.mulf %sub3A_954, %sub3A_954 : vector<16xf32>
      %add3A_956 = arith.addf %add3A_941, %mul3A_955 : vector<16xf32>
      %sub3A_957 = arith.subf %gather3A_951, %gather3A_953 : vector<16xf32>
      %mul3A_958 = arith.mulf %sub3A_957, %sub3A_957 : vector<16xf32>
      %add3A_959 = arith.addf %add3A_944, %mul3A_958 : vector<16xf32>
      %add3A_960 = arith.constant 26 : i32
      %add3A_961 = vector.broadcast %add3A_960 : i32 to vector<16xi32>
      %add3A_962 = arith.addi %iota3A, %add3A_961 : vector<16xi32>
      %and3A_963 = arith.constant 31 : i32
      %and3A_964 = vector.broadcast %and3A_963 : i32 to vector<16xi32>
      %and3A_965 = arith.andi %add3A_962, %and3A_964 : vector<16xi32>
      %gather3A_966 = tpu.vector_load_idx %arg9[%add3A_557, %and3A_965] : memref<128x32xf32, #tpu.memory_space<vmem>>[vector<16xi32>, vector<16xi32>], vector<16xf32>,
      %gather3A_967 = tpu.vector_load_idx %arg12[%get3A_561, %and3A_965] : memref<258x32xf32, #tpu.memory_space<vmem>>[vector<16xi32>, vector<16xi32>], vector<16xf32>,
      %gather3A_968 = tpu.vector_load_idx %arg12[%get3A_565, %and3A_965] : memref<258x32xf32, #tpu.memory_space<vmem>>[vector<16xi32>, vector<16xi32>], vector<16xf32>,
      %sub3A_969 = arith.subf %gather3A_966, %gather3A_967 : vector<16xf32>
      %mul3A_970 = arith.mulf %sub3A_969, %sub3A_969 : vector<16xf32>
      %add3A_971 = arith.addf %add3A_956, %mul3A_970 : vector<16xf32>
      %sub3A_972 = arith.subf %gather3A_966, %gather3A_968 : vector<16xf32>
      %mul3A_973 = arith.mulf %sub3A_972, %sub3A_972 : vector<16xf32>
      %add3A_974 = arith.addf %add3A_959, %mul3A_973 : vector<16xf32>
      %add3A_975 = arith.constant 27 : i32
      %add3A_976 = vector.broadcast %add3A_975 : i32 to vector<16xi32>
      %add3A_977 = arith.addi %iota3A, %add3A_976 : vector<16xi32>
      %and3A_978 = arith.constant 31 : i32
      %and3A_979 = vector.broadcast %and3A_978 : i32 to vector<16xi32>
      %and3A_980 = arith.andi %add3A_977, %and3A_979 : vector<16xi32>
      %gather3A_981 = tpu.vector_load_idx %arg9[%add3A_557, %and3A_980] : memref<128x32xf32, #tpu.memory_space<vmem>>[vector<16xi32>, vector<16xi32>], vector<16xf32>,
      %gather3A_982 = tpu.vector_load_idx %arg12[%get3A_561, %and3A_980] : memref<258x32xf32, #tpu.memory_space<vmem>>[vector<16xi32>, vector<16xi32>], vector<16xf32>,
      %gather3A_983 = tpu.vector_load_idx %arg12[%get3A_565, %and3A_980] : memref<258x32xf32, #tpu.memory_space<vmem>>[vector<16xi32>, vector<16xi32>], vector<16xf32>,
      %sub3A_984 = arith.subf %gather3A_981, %gather3A_982 : vector<16xf32>
      %mul3A_985 = arith.mulf %sub3A_984, %sub3A_984 : vector<16xf32>
      %add3A_986 = arith.addf %add3A_971, %mul3A_985 : vector<16xf32>
      %sub3A_987 = arith.subf %gather3A_981, %gather3A_983 : vector<16xf32>
      %mul3A_988 = arith.mulf %sub3A_987, %sub3A_987 : vector<16xf32>
      %add3A_989 = arith.addf %add3A_974, %mul3A_988 : vector<16xf32>
      %add3A_990 = arith.constant 28 : i32
      %add3A_991 = vector.broadcast %add3A_990 : i32 to vector<16xi32>
      %add3A_992 = arith.addi %iota3A, %add3A_991 : vector<16xi32>
      %and3A_993 = arith.constant 31 : i32
      %and3A_994 = vector.broadcast %and3A_993 : i32 to vector<16xi32>
      %and3A_995 = arith.andi %add3A_992, %and3A_994 : vector<16xi32>
      %gather3A_996 = tpu.vector_load_idx %arg9[%add3A_557, %and3A_995] : memref<128x32xf32, #tpu.memory_space<vmem>>[vector<16xi32>, vector<16xi32>], vector<16xf32>,
      %gather3A_997 = tpu.vector_load_idx %arg12[%get3A_561, %and3A_995] : memref<258x32xf32, #tpu.memory_space<vmem>>[vector<16xi32>, vector<16xi32>], vector<16xf32>,
      %gather3A_998 = tpu.vector_load_idx %arg12[%get3A_565, %and3A_995] : memref<258x32xf32, #tpu.memory_space<vmem>>[vector<16xi32>, vector<16xi32>], vector<16xf32>,
      %sub3A_999 = arith.subf %gather3A_996, %gather3A_997 : vector<16xf32>
      %mul3A_1000 = arith.mulf %sub3A_999, %sub3A_999 : vector<16xf32>
      %add3A_1001 = arith.addf %add3A_986, %mul3A_1000 : vector<16xf32>
      %sub3A_1002 = arith.subf %gather3A_996, %gather3A_998 : vector<16xf32>
      %mul3A_1003 = arith.mulf %sub3A_1002, %sub3A_1002 : vector<16xf32>
      %add3A_1004 = arith.addf %add3A_989, %mul3A_1003 : vector<16xf32>
      %add3A_1005 = arith.constant 29 : i32
      %add3A_1006 = vector.broadcast %add3A_1005 : i32 to vector<16xi32>
      %add3A_1007 = arith.addi %iota3A, %add3A_1006 : vector<16xi32>
      %and3A_1008 = arith.constant 31 : i32
      %and3A_1009 = vector.broadcast %and3A_1008 : i32 to vector<16xi32>
      %and3A_1010 = arith.andi %add3A_1007, %and3A_1009 : vector<16xi32>
      %gather3A_1011 = tpu.vector_load_idx %arg9[%add3A_557, %and3A_1010] : memref<128x32xf32, #tpu.memory_space<vmem>>[vector<16xi32>, vector<16xi32>], vector<16xf32>,
      %gather3A_1012 = tpu.vector_load_idx %arg12[%get3A_561, %and3A_1010] : memref<258x32xf32, #tpu.memory_space<vmem>>[vector<16xi32>, vector<16xi32>], vector<16xf32>,
      %gather3A_1013 = tpu.vector_load_idx %arg12[%get3A_565, %and3A_1010] : memref<258x32xf32, #tpu.memory_space<vmem>>[vector<16xi32>, vector<16xi32>], vector<16xf32>,
      %sub3A_1014 = arith.subf %gather3A_1011, %gather3A_1012 : vector<16xf32>
      %mul3A_1015 = arith.mulf %sub3A_1014, %sub3A_1014 : vector<16xf32>
      %add3A_1016 = arith.addf %add3A_1001, %mul3A_1015 : vector<16xf32>
      %sub3A_1017 = arith.subf %gather3A_1011, %gather3A_1013 : vector<16xf32>
      %mul3A_1018 = arith.mulf %sub3A_1017, %sub3A_1017 : vector<16xf32>
      %add3A_1019 = arith.addf %add3A_1004, %mul3A_1018 : vector<16xf32>
      %add3A_1020 = arith.constant 30 : i32
      %add3A_1021 = vector.broadcast %add3A_1020 : i32 to vector<16xi32>
      %add3A_1022 = arith.addi %iota3A, %add3A_1021 : vector<16xi32>
      %and3A_1023 = arith.constant 31 : i32
      %and3A_1024 = vector.broadcast %and3A_1023 : i32 to vector<16xi32>
      %and3A_1025 = arith.andi %add3A_1022, %and3A_1024 : vector<16xi32>
      %gather3A_1026 = tpu.vector_load_idx %arg9[%add3A_557, %and3A_1025] : memref<128x32xf32, #tpu.memory_space<vmem>>[vector<16xi32>, vector<16xi32>], vector<16xf32>,
      %gather3A_1027 = tpu.vector_load_idx %arg12[%get3A_561, %and3A_1025] : memref<258x32xf32, #tpu.memory_space<vmem>>[vector<16xi32>, vector<16xi32>], vector<16xf32>,
      %gather3A_1028 = tpu.vector_load_idx %arg12[%get3A_565, %and3A_1025] : memref<258x32xf32, #tpu.memory_space<vmem>>[vector<16xi32>, vector<16xi32>], vector<16xf32>,
      %sub3A_1029 = arith.subf %gather3A_1026, %gather3A_1027 : vector<16xf32>
      %mul3A_1030 = arith.mulf %sub3A_1029, %sub3A_1029 : vector<16xf32>
      %add3A_1031 = arith.addf %add3A_1016, %mul3A_1030 : vector<16xf32>
      %sub3A_1032 = arith.subf %gather3A_1026, %gather3A_1028 : vector<16xf32>
      %mul3A_1033 = arith.mulf %sub3A_1032, %sub3A_1032 : vector<16xf32>
      %add3A_1034 = arith.addf %add3A_1019, %mul3A_1033 : vector<16xf32>
      %add3A_1035 = arith.constant 31 : i32
      %add3A_1036 = vector.broadcast %add3A_1035 : i32 to vector<16xi32>
      %add3A_1037 = arith.addi %iota3A, %add3A_1036 : vector<16xi32>
      %and3A_1038 = arith.constant 31 : i32
      %and3A_1039 = vector.broadcast %and3A_1038 : i32 to vector<16xi32>
      %and3A_1040 = arith.andi %add3A_1037, %and3A_1039 : vector<16xi32>
      %gather3A_1041 = tpu.vector_load_idx %arg9[%add3A_557, %and3A_1040] : memref<128x32xf32, #tpu.memory_space<vmem>>[vector<16xi32>, vector<16xi32>], vector<16xf32>,
      %gather3A_1042 = tpu.vector_load_idx %arg12[%get3A_561, %and3A_1040] : memref<258x32xf32, #tpu.memory_space<vmem>>[vector<16xi32>, vector<16xi32>], vector<16xf32>,
      %gather3A_1043 = tpu.vector_load_idx %arg12[%get3A_565, %and3A_1040] : memref<258x32xf32, #tpu.memory_space<vmem>>[vector<16xi32>, vector<16xi32>], vector<16xf32>,
      %sub3A_1044 = arith.subf %gather3A_1041, %gather3A_1042 : vector<16xf32>
      %mul3A_1045 = arith.mulf %sub3A_1044, %sub3A_1044 : vector<16xf32>
      %add3A_1046 = arith.addf %add3A_1031, %mul3A_1045 : vector<16xf32>
      %sub3A_1047 = arith.subf %gather3A_1041, %gather3A_1043 : vector<16xf32>
      %mul3A_1048 = arith.mulf %sub3A_1047, %sub3A_1047 : vector<16xf32>
      %add3A_1049 = arith.addf %add3A_1034, %mul3A_1048 : vector<16xf32>
      %sub3A_1050 = arith.subf %add3A_1046, %add3A_1049 : vector<16xf32>
      %add3A_1051 = arith.constant 1.000000e+00 : f32
      %add3A_1052 = vector.broadcast %add3A_1051 : f32 to vector<16xf32>
      %add3A_1053 = arith.addf %sub3A_1050, %add3A_1052 : vector<16xf32>
      %max3A = arith.constant 0.000000e+00 : f32
      %max3A_1054 = vector.broadcast %max3A : f32 to vector<16xf32>
      %max3A_1055 = arith.maximumf %add3A_1053, %max3A_1054 : vector<16xf32>
      %jit3A_1056 = arith.constant 1.000000e+00 : f32
      %broadcast_in_dim3A_1057 = vector.broadcast %jit3A_1056 : f32 to vector<16xf32>
      %select_n3A_1058 = arith.select %eq3A_572, %max3A_1055, %broadcast_in_dim3A_1057 : vector<16xi1>, vector<16xf32>
      %add3A_1059 = arith.addf %scan3A_553, %select_n3A_1058 : vector<16xf32>
      scf.yield %add3A_1059 : vector<16xf32>
    }
    %scan3A_539 = arith.constant 8 : i32
    "tpu.trace_stop"() : () -> ()
    "tpu.trace_start"() <{level = 10 : i32, message = "p3_red"}> : () -> ()
    %swap3A_540 = arith.constant 0 : index
    %swap3A_541 = tpu.vector_load %arg20[%swap3A_540] {strides = array<i32>} : memref<16xf32, #tpu.memory_space<vmem>>, vector<16xf32>,
    tpu.vector_store %arg20[%swap3A_540], %scan3A_538 {strides = array<i32>} : memref<16xf32, #tpu.memory_space<vmem>>, vector<16xf32>,
    %swap3A_542 = arith.constant 0 : index
    %swap3A_543 = tpu.vector_load %arg21[%swap3A_542] {strides = array<i32>} : memref<16xi32, #tpu.memory_space<vmem>>, vector<16xi32>,
    tpu.vector_store %arg21[%swap3A_542], %scan3A_528#0 {strides = array<i32>} : memref<16xi32, #tpu.memory_space<vmem>>, vector<16xi32>,
    %swap3A_544 = arith.constant 0 : index
    %swap3A_545 = tpu.vector_load %arg22[%swap3A_544] {strides = array<i32>} : memref<16xi32, #tpu.memory_space<vmem>>, vector<16xi32>,
    tpu.vector_store %arg22[%swap3A_544], %scan3A_528#1 {strides = array<i32>} : memref<16xi32, #tpu.memory_space<vmem>>, vector<16xi32>,
    "tpu.region"() ({
      %run_scoped3A = tpu.sem_alloc : memref<!tpu.dma_semaphore, #tpu.memory_space<semaphore_mem>>
      %dma_start3A_552 = arith.constant 0 : i32
      %dma_start3A_553 = tpu.memref_slice %arg30[%arg1, %dma_start3A_552] : memref<16x16xf32, #tpu.memory_space<vmem_shared>> -> memref<1x16xf32, #tpu.memory_space<vmem_shared>>
      %dma_start3A_554 = tpu.memref_squeeze %dma_start3A_553 : memref<1x16xf32, #tpu.memory_space<vmem_shared>> -> memref<16xf32, #tpu.memory_space<vmem_shared>>
      %dma_start3A_555 = arith.constant 0 : i32
      %dma_start3A_556 = tpu.memref_slice %arg30[%arg1, %dma_start3A_555] : memref<16x16xf32, #tpu.memory_space<vmem_shared>> -> memref<1x16xf32, #tpu.memory_space<vmem_shared>>
      %dma_start3A_557 = tpu.memref_squeeze %dma_start3A_556 : memref<1x16xf32, #tpu.memory_space<vmem_shared>> -> memref<16xf32, #tpu.memory_space<vmem_shared>>
      tpu.enqueue_dma source(%arg20 : memref<16xf32, #tpu.memory_space<vmem>>) target(%dma_start3A_557 : memref<16xf32, #tpu.memory_space<vmem_shared>>) target_semaphore(%run_scoped3A : memref<!tpu.dma_semaphore, #tpu.memory_space<semaphore_mem>>)
      %dma_wait3A_558 = arith.constant 0 : i32
      %dma_wait3A_559 = tpu.memref_slice %arg30[%arg1, %dma_wait3A_558] : memref<16x16xf32, #tpu.memory_space<vmem_shared>> -> memref<1x16xf32, #tpu.memory_space<vmem_shared>>
      %dma_wait3A_560 = tpu.memref_squeeze %dma_wait3A_559 : memref<1x16xf32, #tpu.memory_space<vmem_shared>> -> memref<16xf32, #tpu.memory_space<vmem_shared>>
      %dma_wait3A_561 = arith.constant 0 : i32
      %dma_wait3A_562 = tpu.memref_slice %arg30[%arg1, %dma_wait3A_561] : memref<16x16xf32, #tpu.memory_space<vmem_shared>> -> memref<1x16xf32, #tpu.memory_space<vmem_shared>>
      %dma_wait3A_563 = tpu.memref_squeeze %dma_wait3A_562 : memref<1x16xf32, #tpu.memory_space<vmem_shared>> -> memref<16xf32, #tpu.memory_space<vmem_shared>>
      tpu.wait_dma2 semaphore(%run_scoped3A : memref<!tpu.dma_semaphore, #tpu.memory_space<semaphore_mem>>) src(%arg20 : memref<16xf32, #tpu.memory_space<vmem>>) dst(%dma_wait3A_563 : memref<16xf32, #tpu.memory_space<vmem_shared>>)
      tpu.yield
    }) : () -> ()
    "tpu.region"() ({
      %run_scoped3A = tpu.sem_alloc : memref<!tpu.dma_semaphore, #tpu.memory_space<semaphore_mem>>
      %dma_start3A_552 = arith.constant 0 : i32
      %dma_start3A_553 = tpu.memref_slice %arg31[%arg1, %dma_start3A_552] : memref<16x16xi32, #tpu.memory_space<vmem_shared>> -> memref<1x16xi32, #tpu.memory_space<vmem_shared>>
      %dma_start3A_554 = tpu.memref_squeeze %dma_start3A_553 : memref<1x16xi32, #tpu.memory_space<vmem_shared>> -> memref<16xi32, #tpu.memory_space<vmem_shared>>
      %dma_start3A_555 = arith.constant 0 : i32
      %dma_start3A_556 = tpu.memref_slice %arg31[%arg1, %dma_start3A_555] : memref<16x16xi32, #tpu.memory_space<vmem_shared>> -> memref<1x16xi32, #tpu.memory_space<vmem_shared>>
      %dma_start3A_557 = tpu.memref_squeeze %dma_start3A_556 : memref<1x16xi32, #tpu.memory_space<vmem_shared>> -> memref<16xi32, #tpu.memory_space<vmem_shared>>
      tpu.enqueue_dma source(%arg21 : memref<16xi32, #tpu.memory_space<vmem>>) target(%dma_start3A_557 : memref<16xi32, #tpu.memory_space<vmem_shared>>) target_semaphore(%run_scoped3A : memref<!tpu.dma_semaphore, #tpu.memory_space<semaphore_mem>>)
      %dma_wait3A_558 = arith.constant 0 : i32
      %dma_wait3A_559 = tpu.memref_slice %arg31[%arg1, %dma_wait3A_558] : memref<16x16xi32, #tpu.memory_space<vmem_shared>> -> memref<1x16xi32, #tpu.memory_space<vmem_shared>>
      %dma_wait3A_560 = tpu.memref_squeeze %dma_wait3A_559 : memref<1x16xi32, #tpu.memory_space<vmem_shared>> -> memref<16xi32, #tpu.memory_space<vmem_shared>>
      %dma_wait3A_561 = arith.constant 0 : i32
      %dma_wait3A_562 = tpu.memref_slice %arg31[%arg1, %dma_wait3A_561] : memref<16x16xi32, #tpu.memory_space<vmem_shared>> -> memref<1x16xi32, #tpu.memory_space<vmem_shared>>
      %dma_wait3A_563 = tpu.memref_squeeze %dma_wait3A_562 : memref<1x16xi32, #tpu.memory_space<vmem_shared>> -> memref<16xi32, #tpu.memory_space<vmem_shared>>
      tpu.wait_dma2 semaphore(%run_scoped3A : memref<!tpu.dma_semaphore, #tpu.memory_space<semaphore_mem>>) src(%arg21 : memref<16xi32, #tpu.memory_space<vmem>>) dst(%dma_wait3A_563 : memref<16xi32, #tpu.memory_space<vmem_shared>>)
      tpu.yield
    }) : () -> ()
    "tpu.region"() ({
      %run_scoped3A = tpu.sem_alloc : memref<!tpu.dma_semaphore, #tpu.memory_space<semaphore_mem>>
      %dma_start3A_552 = arith.constant 0 : i32
      %dma_start3A_553 = tpu.memref_slice %arg32[%arg1, %dma_start3A_552] : memref<16x16xi32, #tpu.memory_space<vmem_shared>> -> memref<1x16xi32, #tpu.memory_space<vmem_shared>>
      %dma_start3A_554 = tpu.memref_squeeze %dma_start3A_553 : memref<1x16xi32, #tpu.memory_space<vmem_shared>> -> memref<16xi32, #tpu.memory_space<vmem_shared>>
      %dma_start3A_555 = arith.constant 0 : i32
      %dma_start3A_556 = tpu.memref_slice %arg32[%arg1, %dma_start3A_555] : memref<16x16xi32, #tpu.memory_space<vmem_shared>> -> memref<1x16xi32, #tpu.memory_space<vmem_shared>>
      %dma_start3A_557 = tpu.memref_squeeze %dma_start3A_556 : memref<1x16xi32, #tpu.memory_space<vmem_shared>> -> memref<16xi32, #tpu.memory_space<vmem_shared>>
      tpu.enqueue_dma source(%arg22 : memref<16xi32, #tpu.memory_space<vmem>>) target(%dma_start3A_557 : memref<16xi32, #tpu.memory_space<vmem_shared>>) target_semaphore(%run_scoped3A : memref<!tpu.dma_semaphore, #tpu.memory_space<semaphore_mem>>)
      %dma_wait3A_558 = arith.constant 0 : i32
      %dma_wait3A_559 = tpu.memref_slice %arg32[%arg1, %dma_wait3A_558] : memref<16x16xi32, #tpu.memory_space<vmem_shared>> -> memref<1x16xi32, #tpu.memory_space<vmem_shared>>
      %dma_wait3A_560 = tpu.memref_squeeze %dma_wait3A_559 : memref<1x16xi32, #tpu.memory_space<vmem_shared>> -> memref<16xi32, #tpu.memory_space<vmem_shared>>
      %dma_wait3A_561 = arith.constant 0 : i32
      %dma_wait3A_562 = tpu.memref_slice %arg32[%arg1, %dma_wait3A_561] : memref<16x16xi32, #tpu.memory_space<vmem_shared>> -> memref<1x16xi32, #tpu.memory_space<vmem_shared>>
      %dma_wait3A_563 = tpu.memref_squeeze %dma_wait3A_562 : memref<1x16xi32, #tpu.memory_space<vmem_shared>> -> memref<16xi32, #tpu.memory_space<vmem_shared>>
      tpu.wait_dma2 semaphore(%run_scoped3A : memref<!tpu.dma_semaphore, #tpu.memory_space<semaphore_mem>>) src(%arg22 : memref<16xi32, #tpu.memory_space<vmem>>) dst(%dma_wait3A_563 : memref<16xi32, #tpu.memory_space<vmem_shared>>)
      tpu.yield
    }) : () -> ()
    %barrier3A_546 = arith.constant 0 : index
    tpu.barrier barrier_id(%barrier3A_546)
    %eq3A_547 = arith.constant 0 : i32
    %eq3A_548 = arith.cmpi eq, %arg1, %eq3A_547 : i32
    %convert_element_type3A_549 = arith.extui %eq3A_548 : i1 to i32
    %cond3A_550 = arith.constant 0 : i32
    %cond3A_551 = arith.cmpi ne, %convert_element_type3A_549, %cond3A_550 : i32
    scf.if %cond3A_551 {
      "tpu.region"() ({
        %run_scoped3A = tpu.sem_alloc : memref<!tpu.dma_semaphore, #tpu.memory_space<semaphore_mem>>
        tpu.enqueue_dma source(%arg30 : memref<16x16xf32, #tpu.memory_space<vmem_shared>>) target(%arg23 : memref<16x16xf32, #tpu.memory_space<vmem>>) target_semaphore(%run_scoped3A : memref<!tpu.dma_semaphore, #tpu.memory_space<semaphore_mem>>)
        tpu.wait_dma2 semaphore(%run_scoped3A : memref<!tpu.dma_semaphore, #tpu.memory_space<semaphore_mem>>) src(%arg30 : memref<16x16xf32, #tpu.memory_space<vmem_shared>>) dst(%arg23 : memref<16x16xf32, #tpu.memory_space<vmem>>)
        tpu.yield
      }) : () -> ()
      "tpu.region"() ({
        %run_scoped3A = tpu.sem_alloc : memref<!tpu.dma_semaphore, #tpu.memory_space<semaphore_mem>>
        tpu.enqueue_dma source(%arg31 : memref<16x16xi32, #tpu.memory_space<vmem_shared>>) target(%arg24 : memref<16x16xi32, #tpu.memory_space<vmem>>) target_semaphore(%run_scoped3A : memref<!tpu.dma_semaphore, #tpu.memory_space<semaphore_mem>>)
        tpu.wait_dma2 semaphore(%run_scoped3A : memref<!tpu.dma_semaphore, #tpu.memory_space<semaphore_mem>>) src(%arg31 : memref<16x16xi32, #tpu.memory_space<vmem_shared>>) dst(%arg24 : memref<16x16xi32, #tpu.memory_space<vmem>>)
        tpu.yield
      }) : () -> ()
      "tpu.region"() ({
        %run_scoped3A = tpu.sem_alloc : memref<!tpu.dma_semaphore, #tpu.memory_space<semaphore_mem>>
        tpu.enqueue_dma source(%arg32 : memref<16x16xi32, #tpu.memory_space<vmem_shared>>) target(%arg25 : memref<16x16xi32, #tpu.memory_space<vmem>>) target_semaphore(%run_scoped3A : memref<!tpu.dma_semaphore, #tpu.memory_space<semaphore_mem>>)
        tpu.wait_dma2 semaphore(%run_scoped3A : memref<!tpu.dma_semaphore, #tpu.memory_space<semaphore_mem>>) src(%arg32 : memref<16x16xi32, #tpu.memory_space<vmem_shared>>) dst(%arg25 : memref<16x16xi32, #tpu.memory_space<vmem>>)
        tpu.yield
      }) : () -> ()
      %get3A_552 = arith.constant 0 : i32
      %get3A_553 = arith.index_cast %get3A_552 : i32 to index
      %get3A_554 = arith.constant 0 : index
      %get3A_555 = tpu.vector_load %arg23[%get3A_553, %get3A_554] {strides = array<i32>} : memref<16x16xf32, #tpu.memory_space<vmem>>, vector<16xf32>,
      %get3A_556 = arith.constant 1 : i32
      %get3A_557 = arith.index_cast %get3A_556 : i32 to index
      %get3A_558 = arith.constant 0 : index
      %get3A_559 = tpu.vector_load %arg23[%get3A_557, %get3A_558] {strides = array<i32>} : memref<16x16xf32, #tpu.memory_space<vmem>>, vector<16xf32>,
      %get3A_560 = arith.constant 2 : i32
      %get3A_561 = arith.index_cast %get3A_560 : i32 to index
      %get3A_562 = arith.constant 0 : index
      %get3A_563 = tpu.vector_load %arg23[%get3A_561, %get3A_562] {strides = array<i32>} : memref<16x16xf32, #tpu.memory_space<vmem>>, vector<16xf32>,
      %get3A_564 = arith.constant 3 : i32
      %get3A_565 = arith.index_cast %get3A_564 : i32 to index
      %get3A_566 = arith.constant 0 : index
      %get3A_567 = tpu.vector_load %arg23[%get3A_565, %get3A_566] {strides = array<i32>} : memref<16x16xf32, #tpu.memory_space<vmem>>, vector<16xf32>,
      %get3A_568 = arith.constant 4 : i32
      %get3A_569 = arith.index_cast %get3A_568 : i32 to index
      %get3A_570 = arith.constant 0 : index
      %get3A_571 = tpu.vector_load %arg23[%get3A_569, %get3A_570] {strides = array<i32>} : memref<16x16xf32, #tpu.memory_space<vmem>>, vector<16xf32>,
      %get3A_572 = arith.constant 5 : i32
      %get3A_573 = arith.index_cast %get3A_572 : i32 to index
      %get3A_574 = arith.constant 0 : index
      %get3A_575 = tpu.vector_load %arg23[%get3A_573, %get3A_574] {strides = array<i32>} : memref<16x16xf32, #tpu.memory_space<vmem>>, vector<16xf32>,
      %get3A_576 = arith.constant 6 : i32
      %get3A_577 = arith.index_cast %get3A_576 : i32 to index
      %get3A_578 = arith.constant 0 : index
      %get3A_579 = tpu.vector_load %arg23[%get3A_577, %get3A_578] {strides = array<i32>} : memref<16x16xf32, #tpu.memory_space<vmem>>, vector<16xf32>,
      %get3A_580 = arith.constant 7 : i32
      %get3A_581 = arith.index_cast %get3A_580 : i32 to index
      %get3A_582 = arith.constant 0 : index
      %get3A_583 = tpu.vector_load %arg23[%get3A_581, %get3A_582] {strides = array<i32>} : memref<16x16xf32, #tpu.memory_space<vmem>>, vector<16xf32>,
      %get3A_584 = arith.constant 8 : i32
      %get3A_585 = arith.index_cast %get3A_584 : i32 to index
      %get3A_586 = arith.constant 0 : index
      %get3A_587 = tpu.vector_load %arg23[%get3A_585, %get3A_586] {strides = array<i32>} : memref<16x16xf32, #tpu.memory_space<vmem>>, vector<16xf32>,
      %get3A_588 = arith.constant 9 : i32
      %get3A_589 = arith.index_cast %get3A_588 : i32 to index
      %get3A_590 = arith.constant 0 : index
      %get3A_591 = tpu.vector_load %arg23[%get3A_589, %get3A_590] {strides = array<i32>} : memref<16x16xf32, #tpu.memory_space<vmem>>, vector<16xf32>,
      %get3A_592 = arith.constant 10 : i32
      %get3A_593 = arith.index_cast %get3A_592 : i32 to index
      %get3A_594 = arith.constant 0 : index
      %get3A_595 = tpu.vector_load %arg23[%get3A_593, %get3A_594] {strides = array<i32>} : memref<16x16xf32, #tpu.memory_space<vmem>>, vector<16xf32>,
      %get3A_596 = arith.constant 11 : i32
      %get3A_597 = arith.index_cast %get3A_596 : i32 to index
      %get3A_598 = arith.constant 0 : index
      %get3A_599 = tpu.vector_load %arg23[%get3A_597, %get3A_598] {strides = array<i32>} : memref<16x16xf32, #tpu.memory_space<vmem>>, vector<16xf32>,
      %get3A_600 = arith.constant 12 : i32
      %get3A_601 = arith.index_cast %get3A_600 : i32 to index
      %get3A_602 = arith.constant 0 : index
      %get3A_603 = tpu.vector_load %arg23[%get3A_601, %get3A_602] {strides = array<i32>} : memref<16x16xf32, #tpu.memory_space<vmem>>, vector<16xf32>,
      %get3A_604 = arith.constant 13 : i32
      %get3A_605 = arith.index_cast %get3A_604 : i32 to index
      %get3A_606 = arith.constant 0 : index
      %get3A_607 = tpu.vector_load %arg23[%get3A_605, %get3A_606] {strides = array<i32>} : memref<16x16xf32, #tpu.memory_space<vmem>>, vector<16xf32>,
      %get3A_608 = arith.constant 14 : i32
      %get3A_609 = arith.index_cast %get3A_608 : i32 to index
      %get3A_610 = arith.constant 0 : index
      %get3A_611 = tpu.vector_load %arg23[%get3A_609, %get3A_610] {strides = array<i32>} : memref<16x16xf32, #tpu.memory_space<vmem>>, vector<16xf32>,
      %get3A_612 = arith.constant 15 : i32
      %get3A_613 = arith.index_cast %get3A_612 : i32 to index
      %get3A_614 = arith.constant 0 : index
      %get3A_615 = tpu.vector_load %arg23[%get3A_613, %get3A_614] {strides = array<i32>} : memref<16x16xf32, #tpu.memory_space<vmem>>, vector<16xf32>,
      %add3A_616 = arith.addf %get3A_555, %get3A_559 : vector<16xf32>
      %add3A_617 = arith.addf %get3A_563, %get3A_567 : vector<16xf32>
      %add3A_618 = arith.addf %get3A_571, %get3A_575 : vector<16xf32>
      %add3A_619 = arith.addf %get3A_579, %get3A_583 : vector<16xf32>
      %add3A_620 = arith.addf %get3A_587, %get3A_591 : vector<16xf32>
      %add3A_621 = arith.addf %get3A_595, %get3A_599 : vector<16xf32>
      %add3A_622 = arith.addf %get3A_603, %get3A_607 : vector<16xf32>
      %add3A_623 = arith.addf %get3A_611, %get3A_615 : vector<16xf32>
      %add3A_624 = arith.addf %add3A_616, %add3A_617 : vector<16xf32>
      %add3A_625 = arith.addf %add3A_618, %add3A_619 : vector<16xf32>
      %add3A_626 = arith.addf %add3A_620, %add3A_621 : vector<16xf32>
      %add3A_627 = arith.addf %add3A_622, %add3A_623 : vector<16xf32>
      %add3A_628 = arith.addf %add3A_624, %add3A_625 : vector<16xf32>
      %add3A_629 = arith.addf %add3A_626, %add3A_627 : vector<16xf32>
      %add3A_630 = arith.addf %add3A_628, %add3A_629 : vector<16xf32>
      %get3A_631 = arith.constant 0 : i32
      %get3A_632 = arith.index_cast %get3A_631 : i32 to index
      %get3A_633 = arith.constant 0 : index
      %get3A_634 = tpu.vector_load %arg24[%get3A_632, %get3A_633] {strides = array<i32>} : memref<16x16xi32, #tpu.memory_space<vmem>>, vector<16xi32>,
      %add3A_635 = arith.addi %broadcast_in_dim3A_5, %get3A_634 : vector<16xi32>
      %get3A_636 = arith.constant 0 : i32
      %get3A_637 = arith.index_cast %get3A_636 : i32 to index
      %get3A_638 = arith.constant 0 : index
      %get3A_639 = tpu.vector_load %arg25[%get3A_637, %get3A_638] {strides = array<i32>} : memref<16x16xi32, #tpu.memory_space<vmem>>, vector<16xi32>,
      %add3A_640 = arith.addi %broadcast_in_dim3A_5, %get3A_639 : vector<16xi32>
      %get3A_641 = arith.constant 1 : i32
      %get3A_642 = arith.index_cast %get3A_641 : i32 to index
      %get3A_643 = arith.constant 0 : index
      %get3A_644 = tpu.vector_load %arg24[%get3A_642, %get3A_643] {strides = array<i32>} : memref<16x16xi32, #tpu.memory_space<vmem>>, vector<16xi32>,
      %add3A_645 = arith.addi %add3A_635, %get3A_644 : vector<16xi32>
      %get3A_646 = arith.constant 1 : i32
      %get3A_647 = arith.index_cast %get3A_646 : i32 to index
      %get3A_648 = arith.constant 0 : index
      %get3A_649 = tpu.vector_load %arg25[%get3A_647, %get3A_648] {strides = array<i32>} : memref<16x16xi32, #tpu.memory_space<vmem>>, vector<16xi32>,
      %add3A_650 = arith.addi %add3A_640, %get3A_649 : vector<16xi32>
      %get3A_651 = arith.constant 2 : i32
      %get3A_652 = arith.index_cast %get3A_651 : i32 to index
      %get3A_653 = arith.constant 0 : index
      %get3A_654 = tpu.vector_load %arg24[%get3A_652, %get3A_653] {strides = array<i32>} : memref<16x16xi32, #tpu.memory_space<vmem>>, vector<16xi32>,
      %add3A_655 = arith.addi %add3A_645, %get3A_654 : vector<16xi32>
      %get3A_656 = arith.constant 2 : i32
      %get3A_657 = arith.index_cast %get3A_656 : i32 to index
      %get3A_658 = arith.constant 0 : index
      %get3A_659 = tpu.vector_load %arg25[%get3A_657, %get3A_658] {strides = array<i32>} : memref<16x16xi32, #tpu.memory_space<vmem>>, vector<16xi32>,
      %add3A_660 = arith.addi %add3A_650, %get3A_659 : vector<16xi32>
      %get3A_661 = arith.constant 3 : i32
      %get3A_662 = arith.index_cast %get3A_661 : i32 to index
      %get3A_663 = arith.constant 0 : index
      %get3A_664 = tpu.vector_load %arg24[%get3A_662, %get3A_663] {strides = array<i32>} : memref<16x16xi32, #tpu.memory_space<vmem>>, vector<16xi32>,
      %add3A_665 = arith.addi %add3A_655, %get3A_664 : vector<16xi32>
      %get3A_666 = arith.constant 3 : i32
      %get3A_667 = arith.index_cast %get3A_666 : i32 to index
      %get3A_668 = arith.constant 0 : index
      %get3A_669 = tpu.vector_load %arg25[%get3A_667, %get3A_668] {strides = array<i32>} : memref<16x16xi32, #tpu.memory_space<vmem>>, vector<16xi32>,
      %add3A_670 = arith.addi %add3A_660, %get3A_669 : vector<16xi32>
      %get3A_671 = arith.constant 4 : i32
      %get3A_672 = arith.index_cast %get3A_671 : i32 to index
      %get3A_673 = arith.constant 0 : index
      %get3A_674 = tpu.vector_load %arg24[%get3A_672, %get3A_673] {strides = array<i32>} : memref<16x16xi32, #tpu.memory_space<vmem>>, vector<16xi32>,
      %add3A_675 = arith.addi %add3A_665, %get3A_674 : vector<16xi32>
      %get3A_676 = arith.constant 4 : i32
      %get3A_677 = arith.index_cast %get3A_676 : i32 to index
      %get3A_678 = arith.constant 0 : index
      %get3A_679 = tpu.vector_load %arg25[%get3A_677, %get3A_678] {strides = array<i32>} : memref<16x16xi32, #tpu.memory_space<vmem>>, vector<16xi32>,
      %add3A_680 = arith.addi %add3A_670, %get3A_679 : vector<16xi32>
      %get3A_681 = arith.constant 5 : i32
      %get3A_682 = arith.index_cast %get3A_681 : i32 to index
      %get3A_683 = arith.constant 0 : index
      %get3A_684 = tpu.vector_load %arg24[%get3A_682, %get3A_683] {strides = array<i32>} : memref<16x16xi32, #tpu.memory_space<vmem>>, vector<16xi32>,
      %add3A_685 = arith.addi %add3A_675, %get3A_684 : vector<16xi32>
      %get3A_686 = arith.constant 5 : i32
      %get3A_687 = arith.index_cast %get3A_686 : i32 to index
      %get3A_688 = arith.constant 0 : index
      %get3A_689 = tpu.vector_load %arg25[%get3A_687, %get3A_688] {strides = array<i32>} : memref<16x16xi32, #tpu.memory_space<vmem>>, vector<16xi32>,
      %add3A_690 = arith.addi %add3A_680, %get3A_689 : vector<16xi32>
      %get3A_691 = arith.constant 6 : i32
      %get3A_692 = arith.index_cast %get3A_691 : i32 to index
      %get3A_693 = arith.constant 0 : index
      %get3A_694 = tpu.vector_load %arg24[%get3A_692, %get3A_693] {strides = array<i32>} : memref<16x16xi32, #tpu.memory_space<vmem>>, vector<16xi32>,
      %add3A_695 = arith.addi %add3A_685, %get3A_694 : vector<16xi32>
      %get3A_696 = arith.constant 6 : i32
      %get3A_697 = arith.index_cast %get3A_696 : i32 to index
      %get3A_698 = arith.constant 0 : index
      %get3A_699 = tpu.vector_load %arg25[%get3A_697, %get3A_698] {strides = array<i32>} : memref<16x16xi32, #tpu.memory_space<vmem>>, vector<16xi32>,
      %add3A_700 = arith.addi %add3A_690, %get3A_699 : vector<16xi32>
      %get3A_701 = arith.constant 7 : i32
      %get3A_702 = arith.index_cast %get3A_701 : i32 to index
      %get3A_703 = arith.constant 0 : index
      %get3A_704 = tpu.vector_load %arg24[%get3A_702, %get3A_703] {strides = array<i32>} : memref<16x16xi32, #tpu.memory_space<vmem>>, vector<16xi32>,
      %add3A_705 = arith.addi %add3A_695, %get3A_704 : vector<16xi32>
      %get3A_706 = arith.constant 7 : i32
      %get3A_707 = arith.index_cast %get3A_706 : i32 to index
      %get3A_708 = arith.constant 0 : index
      %get3A_709 = tpu.vector_load %arg25[%get3A_707, %get3A_708] {strides = array<i32>} : memref<16x16xi32, #tpu.memory_space<vmem>>, vector<16xi32>,
      %add3A_710 = arith.addi %add3A_700, %get3A_709 : vector<16xi32>
      %get3A_711 = arith.constant 8 : i32
      %get3A_712 = arith.index_cast %get3A_711 : i32 to index
      %get3A_713 = arith.constant 0 : index
      %get3A_714 = tpu.vector_load %arg24[%get3A_712, %get3A_713] {strides = array<i32>} : memref<16x16xi32, #tpu.memory_space<vmem>>, vector<16xi32>,
      %add3A_715 = arith.addi %add3A_705, %get3A_714 : vector<16xi32>
      %get3A_716 = arith.constant 8 : i32
      %get3A_717 = arith.index_cast %get3A_716 : i32 to index
      %get3A_718 = arith.constant 0 : index
      %get3A_719 = tpu.vector_load %arg25[%get3A_717, %get3A_718] {strides = array<i32>} : memref<16x16xi32, #tpu.memory_space<vmem>>, vector<16xi32>,
      %add3A_720 = arith.addi %add3A_710, %get3A_719 : vector<16xi32>
      %get3A_721 = arith.constant 9 : i32
      %get3A_722 = arith.index_cast %get3A_721 : i32 to index
      %get3A_723 = arith.constant 0 : index
      %get3A_724 = tpu.vector_load %arg24[%get3A_722, %get3A_723] {strides = array<i32>} : memref<16x16xi32, #tpu.memory_space<vmem>>, vector<16xi32>,
      %add3A_725 = arith.addi %add3A_715, %get3A_724 : vector<16xi32>
      %get3A_726 = arith.constant 9 : i32
      %get3A_727 = arith.index_cast %get3A_726 : i32 to index
      %get3A_728 = arith.constant 0 : index
      %get3A_729 = tpu.vector_load %arg25[%get3A_727, %get3A_728] {strides = array<i32>} : memref<16x16xi32, #tpu.memory_space<vmem>>, vector<16xi32>,
      %add3A_730 = arith.addi %add3A_720, %get3A_729 : vector<16xi32>
      %get3A_731 = arith.constant 10 : i32
      %get3A_732 = arith.index_cast %get3A_731 : i32 to index
      %get3A_733 = arith.constant 0 : index
      %get3A_734 = tpu.vector_load %arg24[%get3A_732, %get3A_733] {strides = array<i32>} : memref<16x16xi32, #tpu.memory_space<vmem>>, vector<16xi32>,
      %add3A_735 = arith.addi %add3A_725, %get3A_734 : vector<16xi32>
      %get3A_736 = arith.constant 10 : i32
      %get3A_737 = arith.index_cast %get3A_736 : i32 to index
      %get3A_738 = arith.constant 0 : index
      %get3A_739 = tpu.vector_load %arg25[%get3A_737, %get3A_738] {strides = array<i32>} : memref<16x16xi32, #tpu.memory_space<vmem>>, vector<16xi32>,
      %add3A_740 = arith.addi %add3A_730, %get3A_739 : vector<16xi32>
      %get3A_741 = arith.constant 11 : i32
      %get3A_742 = arith.index_cast %get3A_741 : i32 to index
      %get3A_743 = arith.constant 0 : index
      %get3A_744 = tpu.vector_load %arg24[%get3A_742, %get3A_743] {strides = array<i32>} : memref<16x16xi32, #tpu.memory_space<vmem>>, vector<16xi32>,
      %add3A_745 = arith.addi %add3A_735, %get3A_744 : vector<16xi32>
      %get3A_746 = arith.constant 11 : i32
      %get3A_747 = arith.index_cast %get3A_746 : i32 to index
      %get3A_748 = arith.constant 0 : index
      %get3A_749 = tpu.vector_load %arg25[%get3A_747, %get3A_748] {strides = array<i32>} : memref<16x16xi32, #tpu.memory_space<vmem>>, vector<16xi32>,
      %add3A_750 = arith.addi %add3A_740, %get3A_749 : vector<16xi32>
      %get3A_751 = arith.constant 12 : i32
      %get3A_752 = arith.index_cast %get3A_751 : i32 to index
      %get3A_753 = arith.constant 0 : index
      %get3A_754 = tpu.vector_load %arg24[%get3A_752, %get3A_753] {strides = array<i32>} : memref<16x16xi32, #tpu.memory_space<vmem>>, vector<16xi32>,
      %add3A_755 = arith.addi %add3A_745, %get3A_754 : vector<16xi32>
      %get3A_756 = arith.constant 12 : i32
      %get3A_757 = arith.index_cast %get3A_756 : i32 to index
      %get3A_758 = arith.constant 0 : index
      %get3A_759 = tpu.vector_load %arg25[%get3A_757, %get3A_758] {strides = array<i32>} : memref<16x16xi32, #tpu.memory_space<vmem>>, vector<16xi32>,
      %add3A_760 = arith.addi %add3A_750, %get3A_759 : vector<16xi32>
      %get3A_761 = arith.constant 13 : i32
      %get3A_762 = arith.index_cast %get3A_761 : i32 to index
      %get3A_763 = arith.constant 0 : index
      %get3A_764 = tpu.vector_load %arg24[%get3A_762, %get3A_763] {strides = array<i32>} : memref<16x16xi32, #tpu.memory_space<vmem>>, vector<16xi32>,
      %add3A_765 = arith.addi %add3A_755, %get3A_764 : vector<16xi32>
      %get3A_766 = arith.constant 13 : i32
      %get3A_767 = arith.index_cast %get3A_766 : i32 to index
      %get3A_768 = arith.constant 0 : index
      %get3A_769 = tpu.vector_load %arg25[%get3A_767, %get3A_768] {strides = array<i32>} : memref<16x16xi32, #tpu.memory_space<vmem>>, vector<16xi32>,
      %add3A_770 = arith.addi %add3A_760, %get3A_769 : vector<16xi32>
      %get3A_771 = arith.constant 14 : i32
      %get3A_772 = arith.index_cast %get3A_771 : i32 to index
      %get3A_773 = arith.constant 0 : index
      %get3A_774 = tpu.vector_load %arg24[%get3A_772, %get3A_773] {strides = array<i32>} : memref<16x16xi32, #tpu.memory_space<vmem>>, vector<16xi32>,
      %add3A_775 = arith.addi %add3A_765, %get3A_774 : vector<16xi32>
      %get3A_776 = arith.constant 14 : i32
      %get3A_777 = arith.index_cast %get3A_776 : i32 to index
      %get3A_778 = arith.constant 0 : index
      %get3A_779 = tpu.vector_load %arg25[%get3A_777, %get3A_778] {strides = array<i32>} : memref<16x16xi32, #tpu.memory_space<vmem>>, vector<16xi32>,
      %add3A_780 = arith.addi %add3A_770, %get3A_779 : vector<16xi32>
      %get3A_781 = arith.constant 15 : i32
      %get3A_782 = arith.index_cast %get3A_781 : i32 to index
      %get3A_783 = arith.constant 0 : index
      %get3A_784 = tpu.vector_load %arg24[%get3A_782, %get3A_783] {strides = array<i32>} : memref<16x16xi32, #tpu.memory_space<vmem>>, vector<16xi32>,
      %add3A_785 = arith.addi %add3A_775, %get3A_784 : vector<16xi32>
      %get3A_786 = arith.constant 15 : i32
      %get3A_787 = arith.index_cast %get3A_786 : i32 to index
      %get3A_788 = arith.constant 0 : index
      %get3A_789 = tpu.vector_load %arg25[%get3A_787, %get3A_788] {strides = array<i32>} : memref<16x16xi32, #tpu.memory_space<vmem>>, vector<16xi32>,
      %add3A_790 = arith.addi %add3A_780, %get3A_789 : vector<16xi32>
      %swap3A_791 = arith.constant 0 : index
      %swap3A_792 = tpu.vector_load %arg26[%swap3A_791] {strides = array<i32>} : memref<16xf32, #tpu.memory_space<vmem>>, vector<16xf32>,
      tpu.vector_store %arg26[%swap3A_791], %add3A_630 {strides = array<i32>} : memref<16xf32, #tpu.memory_space<vmem>>, vector<16xf32>,
      %xor3A = arith.constant 8 : i32
      %xor3A_793 = vector.broadcast %xor3A : i32 to vector<16xi32>
      %xor3A_794 = arith.xori %iota3A, %xor3A_793 : vector<16xi32>
      %gather3A = tpu.vector_load_idx %arg26[%xor3A_794] : memref<16xf32, #tpu.memory_space<vmem>>[vector<16xi32>], vector<16xf32>,
      %add3A_795 = arith.addf %add3A_630, %gather3A : vector<16xf32>
      %swap3A_796 = arith.constant 0 : index
      %swap3A_797 = tpu.vector_load %arg26[%swap3A_796] {strides = array<i32>} : memref<16xf32, #tpu.memory_space<vmem>>, vector<16xf32>,
      tpu.vector_store %arg26[%swap3A_796], %add3A_795 {strides = array<i32>} : memref<16xf32, #tpu.memory_space<vmem>>, vector<16xf32>,
      %xor3A_798 = arith.constant 4 : i32
      %xor3A_799 = vector.broadcast %xor3A_798 : i32 to vector<16xi32>
      %xor3A_800 = arith.xori %iota3A, %xor3A_799 : vector<16xi32>
      %gather3A_801 = tpu.vector_load_idx %arg26[%xor3A_800] : memref<16xf32, #tpu.memory_space<vmem>>[vector<16xi32>], vector<16xf32>,
      %add3A_802 = arith.addf %add3A_795, %gather3A_801 : vector<16xf32>
      %swap3A_803 = arith.constant 0 : index
      %swap3A_804 = tpu.vector_load %arg26[%swap3A_803] {strides = array<i32>} : memref<16xf32, #tpu.memory_space<vmem>>, vector<16xf32>,
      tpu.vector_store %arg26[%swap3A_803], %add3A_802 {strides = array<i32>} : memref<16xf32, #tpu.memory_space<vmem>>, vector<16xf32>,
      %xor3A_805 = arith.constant 2 : i32
      %xor3A_806 = vector.broadcast %xor3A_805 : i32 to vector<16xi32>
      %xor3A_807 = arith.xori %iota3A, %xor3A_806 : vector<16xi32>
      %gather3A_808 = tpu.vector_load_idx %arg26[%xor3A_807] : memref<16xf32, #tpu.memory_space<vmem>>[vector<16xi32>], vector<16xf32>,
      %add3A_809 = arith.addf %add3A_802, %gather3A_808 : vector<16xf32>
      %swap3A_810 = arith.constant 0 : index
      %swap3A_811 = tpu.vector_load %arg26[%swap3A_810] {strides = array<i32>} : memref<16xf32, #tpu.memory_space<vmem>>, vector<16xf32>,
      tpu.vector_store %arg26[%swap3A_810], %add3A_809 {strides = array<i32>} : memref<16xf32, #tpu.memory_space<vmem>>, vector<16xf32>,
      %xor3A_812 = arith.constant 1 : i32
      %xor3A_813 = vector.broadcast %xor3A_812 : i32 to vector<16xi32>
      %xor3A_814 = arith.xori %iota3A, %xor3A_813 : vector<16xi32>
      %gather3A_815 = tpu.vector_load_idx %arg26[%xor3A_814] : memref<16xf32, #tpu.memory_space<vmem>>[vector<16xi32>], vector<16xf32>,
      %add3A_816 = arith.addf %add3A_809, %gather3A_815 : vector<16xf32>
      %reduce_sum3A = arith.constant true
      %reduce_sum3A_817 = vector.broadcast %reduce_sum3A : i1 to vector<16xi1>
      %reduce_sum3A_818 = tpu.scan <sum>, %add3A_785 masked %reduce_sum3A_817 : vector<16xi32>, vector<16xi1> -> vector<16xi32>
      %reduce_sum3A_819 = vector.extract %reduce_sum3A_818[15] : i32 from vector<16xi32>
      %reduce_sum3A_820 = arith.constant true
      %reduce_sum3A_821 = vector.broadcast %reduce_sum3A_820 : i1 to vector<16xi1>
      %reduce_sum3A_822 = tpu.scan <sum>, %add3A_790 masked %reduce_sum3A_821 : vector<16xi32>, vector<16xi1> -> vector<16xi32>
      %reduce_sum3A_823 = vector.extract %reduce_sum3A_822[15] : i32 from vector<16xi32>
      %eq3A_824 = arith.constant 0 : i32
      %eq3A_825 = vector.broadcast %eq3A_824 : i32 to vector<16xi32>
      %eq3A_826 = arith.cmpi eq, %iota3A, %eq3A_825 : vector<16xi32>
      %mul3A_827 = arith.constant 2.44140625E-4 : f32
      %mul3A_828 = vector.broadcast %mul3A_827 : f32 to vector<16xf32>
      %mul3A_829 = arith.mulf %add3A_816, %mul3A_828 : vector<16xf32>
      %jit3A_830 = arith.constant 0.000000e+00 : f32
      %broadcast_in_dim3A_831 = vector.broadcast %jit3A_830 : f32 to vector<16xf32>
      %select_n3A_832 = arith.select %eq3A_826, %mul3A_829, %broadcast_in_dim3A_831 : vector<16xi1>, vector<16xf32>
      %swap3A_833 = arith.constant 0 : index
      %swap3A_834 = tpu.vector_load %arg26[%swap3A_833] {strides = array<i32>} : memref<16xf32, #tpu.memory_space<vmem>>, vector<16xf32>,
      tpu.vector_store %arg26[%swap3A_833], %select_n3A_832 {strides = array<i32>} : memref<16xf32, #tpu.memory_space<vmem>>, vector<16xf32>,
      %eq3A_835 = arith.constant 0 : i32
      %eq3A_836 = vector.broadcast %eq3A_835 : i32 to vector<16xi32>
      %eq3A_837 = arith.cmpi eq, %iota3A, %eq3A_836 : vector<16xi32>
      %eq3A_838 = arith.constant 1 : i32
      %eq3A_839 = vector.broadcast %eq3A_838 : i32 to vector<16xi32>
      %eq3A_840 = arith.cmpi eq, %iota3A, %eq3A_839 : vector<16xi32>
      %jit3A_841 = arith.constant 0 : i32
      %broadcast_in_dim3A_842 = vector.broadcast %reduce_sum3A_823 : i32 to vector<16xi32>
      %broadcast_in_dim3A_843 = vector.broadcast %jit3A_841 : i32 to vector<16xi32>
      %select_n3A_844 = arith.select %eq3A_840, %broadcast_in_dim3A_842, %broadcast_in_dim3A_843 : vector<16xi1>, vector<16xi32>
      %broadcast_in_dim3A_845 = vector.broadcast %reduce_sum3A_819 : i32 to vector<16xi32>
      %select_n3A_846 = arith.select %eq3A_837, %broadcast_in_dim3A_845, %select_n3A_844 : vector<16xi1>, vector<16xi32>
      %swap3A_847 = arith.constant 0 : index
      %swap3A_848 = tpu.vector_load %arg27[%swap3A_847] {strides = array<i32>} : memref<16xi32, #tpu.memory_space<vmem>>, vector<16xi32>,
      tpu.vector_store %arg27[%swap3A_847], %select_n3A_846 {strides = array<i32>} : memref<16xi32, #tpu.memory_space<vmem>>, vector<16xi32>,
      "tpu.region"() ({
        %run_scoped3A = tpu.sem_alloc : memref<!tpu.dma_semaphore, #tpu.memory_space<semaphore_mem>>
        %dma_start3A_849 = arith.constant 0 : i32
        %dma_start3A_850 = tpu.memref_slice %arg5[%arg0, %dma_start3A_849] : memref<2x16xf32, #tpu.memory_space<hbm>> -> memref<1x16xf32, #tpu.memory_space<hbm>>
        %dma_start3A_851 = tpu.memref_squeeze %dma_start3A_850 : memref<1x16xf32, #tpu.memory_space<hbm>> -> memref<16xf32, #tpu.memory_space<hbm>>
        %dma_start3A_852 = arith.constant 0 : i32
        %dma_start3A_853 = tpu.memref_slice %arg5[%arg0, %dma_start3A_852] : memref<2x16xf32, #tpu.memory_space<hbm>> -> memref<1x16xf32, #tpu.memory_space<hbm>>
        %dma_start3A_854 = tpu.memref_squeeze %dma_start3A_853 : memref<1x16xf32, #tpu.memory_space<hbm>> -> memref<16xf32, #tpu.memory_space<hbm>>
        tpu.enqueue_dma source(%arg26 : memref<16xf32, #tpu.memory_space<vmem>>) target(%dma_start3A_854 : memref<16xf32, #tpu.memory_space<hbm>>) target_semaphore(%run_scoped3A : memref<!tpu.dma_semaphore, #tpu.memory_space<semaphore_mem>>)
        %dma_wait3A_855 = arith.constant 0 : i32
        %dma_wait3A_856 = tpu.memref_slice %arg5[%arg0, %dma_wait3A_855] : memref<2x16xf32, #tpu.memory_space<hbm>> -> memref<1x16xf32, #tpu.memory_space<hbm>>
        %dma_wait3A_857 = tpu.memref_squeeze %dma_wait3A_856 : memref<1x16xf32, #tpu.memory_space<hbm>> -> memref<16xf32, #tpu.memory_space<hbm>>
        %dma_wait3A_858 = arith.constant 0 : i32
        %dma_wait3A_859 = tpu.memref_slice %arg5[%arg0, %dma_wait3A_858] : memref<2x16xf32, #tpu.memory_space<hbm>> -> memref<1x16xf32, #tpu.memory_space<hbm>>
        %dma_wait3A_860 = tpu.memref_squeeze %dma_wait3A_859 : memref<1x16xf32, #tpu.memory_space<hbm>> -> memref<16xf32, #tpu.memory_space<hbm>>
        tpu.wait_dma2 semaphore(%run_scoped3A : memref<!tpu.dma_semaphore, #tpu.memory_space<semaphore_mem>>) src(%arg26 : memref<16xf32, #tpu.memory_space<vmem>>) dst(%dma_wait3A_860 : memref<16xf32, #tpu.memory_space<hbm>>)
        tpu.yield
      }) : () -> ()
      "tpu.region"() ({
        %run_scoped3A = tpu.sem_alloc : memref<!tpu.dma_semaphore, #tpu.memory_space<semaphore_mem>>
        %dma_start3A_849 = arith.constant 0 : i32
        %dma_start3A_850 = tpu.memref_slice %arg6[%arg0, %dma_start3A_849] : memref<2x16xi32, #tpu.memory_space<hbm>> -> memref<1x16xi32, #tpu.memory_space<hbm>>
        %dma_start3A_851 = tpu.memref_squeeze %dma_start3A_850 : memref<1x16xi32, #tpu.memory_space<hbm>> -> memref<16xi32, #tpu.memory_space<hbm>>
        %dma_start3A_852 = arith.constant 0 : i32
        %dma_start3A_853 = tpu.memref_slice %arg6[%arg0, %dma_start3A_852] : memref<2x16xi32, #tpu.memory_space<hbm>> -> memref<1x16xi32, #tpu.memory_space<hbm>>
        %dma_start3A_854 = tpu.memref_squeeze %dma_start3A_853 : memref<1x16xi32, #tpu.memory_space<hbm>> -> memref<16xi32, #tpu.memory_space<hbm>>
        tpu.enqueue_dma source(%arg27 : memref<16xi32, #tpu.memory_space<vmem>>) target(%dma_start3A_854 : memref<16xi32, #tpu.memory_space<hbm>>) target_semaphore(%run_scoped3A : memref<!tpu.dma_semaphore, #tpu.memory_space<semaphore_mem>>)
        %dma_wait3A_855 = arith.constant 0 : i32
        %dma_wait3A_856 = tpu.memref_slice %arg6[%arg0, %dma_wait3A_855] : memref<2x16xi32, #tpu.memory_space<hbm>> -> memref<1x16xi32, #tpu.memory_space<hbm>>
        %dma_wait3A_857 = tpu.memref_squeeze %dma_wait3A_856 : memref<1x16xi32, #tpu.memory_space<hbm>> -> memref<16xi32, #tpu.memory_space<hbm>>
        %dma_wait3A_858 = arith.constant 0 : i32
        %dma_wait3A_859 = tpu.memref_slice %arg6[%arg0, %dma_wait3A_858] : memref<2x16xi32, #tpu.memory_space<hbm>> -> memref<1x16xi32, #tpu.memory_space<hbm>>
        %dma_wait3A_860 = tpu.memref_squeeze %dma_wait3A_859 : memref<1x16xi32, #tpu.memory_space<hbm>> -> memref<16xi32, #tpu.memory_space<hbm>>
        tpu.wait_dma2 semaphore(%run_scoped3A : memref<!tpu.dma_semaphore, #tpu.memory_space<semaphore_mem>>) src(%arg27 : memref<16xi32, #tpu.memory_space<vmem>>) dst(%dma_wait3A_860 : memref<16xi32, #tpu.memory_space<hbm>>)
        tpu.yield
      }) : () -> ()
    } else {
    }
    "tpu.trace_stop"() : () -> ()
    return
  }
}

</mosaic_0001>

<sc_bundles>
// kernel: _triplet_sc.3.cloned.1.call-start
scs
__scs_entry_jumppad:
0x0: {  	(pc) =	sbr.rel $0x88, $3  }
0x1: {  	(tag) =	ssettag $0x0;
	lr =	simm.s32 $0x1  }
0x2: {  	[smem:$0x3F9E] =	sst lr;
	_ =	strace $0xD0000000  }
0x3: {  	_ = 	snop  }
0x4: {  	_ = 	snop  }
0x5: {  	_ = 	snop  }
0x6: {  	_ = 	snop  }
0x7: {  	_ = 	snop  }
__scs_overlays_trampoline_lowered:
0x8: {  	[smem:$0x3FAD] =	sst s0  }
0x9: {  	[smem:$0x3FAE] =	sst s1  }
0xa: {  	[smem:$0x3FAF] =	sst s2  }
0xb: {  	[smem:$0x3FB0] =	sst s3  }
0xc: {  	[smem:$0x3FB1] =	sst s4  }
0xd: {  	[smem:$0x3FB2] =	sst s5  }
0xe: {  	[smem:$0x3FB3] =	sst s6  }
0xf: {  	[smem:$0x3FB4] =	sst s7  }
0x10: {  	[smem:$0x3FB5] =	sst s8  }
0x11: {  	[smem:$0x3FB6] =	sst s9;
	s0 =	simm.s32 @!p0 $0x0  }
0x12: {  	s1 =	sld [smem:$0x3F9C];
	s0 =	simm.s32 @p0 $0x1  }
0x13: {  	[smem:$0x3FB7] =	sst s0;
	s0 =	simm.s32 @!p1 $0x0  }
0x14: {  	s2 =	sld [smem:$0x3F9B];
	s0 =	simm.s32 @p1 $0x1  }
0x15: {  	[smem:$0x3FB8] =	sst s0;
	s0 =	simm.s32 @!p2 $0x0  }
0x16: {  	s3 =	sld [smem:$0x3FDB];
	s0 =	simm.s32 @p2 $0x1  }
0x17: {  	s4 =	simm.s32 $0x1BF5;
	[smem:$0x3FBA] =	sst s0  }
0x18: {  	s0 =	sld [smem:$0x3F9D];
	_ =	swait.ge [sflag:s4], $0x0  }
0x19: {  	s7 =	sld [smem:$0x3F9E]  }
0x1a: {  	s8 =	sadd.s32 $0xFFFFE003, lr  }
0x1b: {  	s9 =	sadd.s32 $0xFFFFFEF7, lr;
	s5 =	simm.s32 $0xFFFFFFFF;
	p2 =	slt.u32 s8, $0xFFFFF086  }
0x1c: {  	p1 =	slt.u32 s9, $0xF7A;
	s5 =	simm.s32 @!p2 $0x0  }
0x1d: {  	s5 =	simm.s32 @p1 $0x1;
	p0 =	seq.s32 s7, s2  }
0x1e: {  	s7 =	smul.u32 @!p0 $0xF7A, s2;
	p2 =	seq.s32 @!p0 s5, $0x0  }
0x1f: {  	s9 =	smul.u32 $0xF7A, s1;
	s8 =	simm.s32 @!p0 $0x1BF5;
	p2 =	por !p2, p0  }
0x20: {  	[sflag:s8] =	ssyncset.s32 @!p0 $0xFFFFF086;
	s6 =	sadd.s32 @!p0 s3, s7;
	s7 =	simm.s32 @!p0 $0x108  }
0x21: {  	s3 =	sadd.s32 s3, s9;
	s6 =	sadd.s32 @!p0 $0x88, s6;
	s7 =	simm.s32 @p2 $0x1082  }
0x22: {  	[simem:s7], [sflag:s8] =	dma.local @!p0 [hbm:s6], $0xF7A  }
0x23: {  	s9 =	sor.u32 $0xD0000000, s2;
	s6 =	simm.s32 $0x108;
	_ =	swait.ge @!p0 [sflag:s8], $0x0  }
0x24: {  	s3 =	sadd.s32 $0x88, s3;
	s6 =	simm.s32 @!p1 $0x1082;
	[sflag:s4] =	ssyncset.s32 $0xFFFFF086  }
0x25: {  	[simem:s6], [sflag:s4] =	dma.local [hbm:s3], $0xF7A  }
0x26: {  	[smem:$0x3F9E] =	sst s1;
	(tag) =	ssettag s2;
	_ =	strace s9  }
0x27: {  	s1 =	sld [smem:$0x3FAE]  }
0x28: {  	s2 =	sld [smem:$0x3FAF]  }
0x29: {  	s4 =	sld [smem:$0x3FB1]  }
0x2a: {  	p0 =	seq.s32 s5, $0x0;
	s5 =	sld [smem:$0x3FB2]  }
0x2b: {  	s6 =	sld [smem:$0x3FB3]  }
0x2c: {  	s7 =	sld [smem:$0x3FB4]  }
0x2d: {  	s3 =	simm.s32 $0x108;
	s8 =	sld [smem:$0x3FB5]  }
0x2e: {  	s3 =	simm.s32 @!p0 $0x1082;
	s9 =	sld [smem:$0x3FB6]  }
0x2f: {  	lr =	sadd.s32 s0, s3;
	s0 =	sld [smem:$0x3FAD]  }
0x30: {  	s3 =	sld [smem:$0x3FB0]  }
0x31: {  	[smem:$0x3FB9] =	sst s10  }
0x32: {  	s10 =	sld [smem:$0x3FB7];
	_ =	sdelay $0x3  }
0x33: {  	p0 =	seq.s32 s10, $0x1;
	s10 =	sld [smem:$0x3FB9];
	_ =	sdelay $0x3  }
0x34: {  	[smem:$0x3FB9] =	sst s10  }
0x35: {  	s10 =	sld [smem:$0x3FB8];
	_ =	sdelay $0x3  }
0x36: {  	p1 =	seq.s32 s10, $0x1;
	s10 =	sld [smem:$0x3FB9];
	_ =	sdelay $0x3  }
0x37: {  	[smem:$0x3FB9] =	sst s10  }
0x38: {  	s10 =	sld [smem:$0x3FBA]  }
0x39: {  	_ = 	snop;
	(pc) =	sbr.ind lr, $3  }
0x3a: {  	_ = 	snop  }
0x3b: {  	_ = 	snop  }
0x3c: {  	p2 =	seq.s32 s10, $0x1;
	s10 =	sld [smem:$0x3FB9]  }
0x3d: {  	_ =	shalt  }
0x3e: {  	_ =	shalt  }
0x3f: {  	_ =	shalt  }
0x40: {  	_ =	shalt  }
0x41: {  	_ =	shalt  }
0x42: {  	_ =	shalt  }
0x43: {  	_ =	shalt  }
0x44: {  	_ =	shalt  }
0x45: {  	_ =	shalt  }
0x46: {  	_ =	shalt  }
0x47: {  	_ =	shalt  }
0x48: {  	_ =	shalt  }
0x49: {  	_ =	shalt  }
0x4a: {  	_ =	shalt  }
0x4b: {  	_ =	shalt  }
0x4c: {  	_ =	shalt  }
0x4d: {  	_ =	shalt  }
0x4e: {  	_ =	shalt  }
0x4f: {  	_ =	shalt  }
0x50: {  	_ =	shalt  }
0x51: {  	_ =	shalt  }
0x52: {  	_ =	shalt  }
0x53: {  	_ =	shalt  }
0x54: {  	_ =	shalt  }
0x55: {  	_ =	shalt  }
0x56: {  	_ =	shalt  }
0x57: {  	_ =	shalt  }
0x58: {  	_ =	shalt  }
0x59: {  	_ =	shalt  }
0x5a: {  	_ =	shalt  }
0x5b: {  	_ =	shalt  }
0x5c: {  	_ =	shalt  }
0x5d: {  	_ =	shalt  }
0x5e: {  	_ =	shalt  }
0x5f: {  	_ =	shalt  }
0x60: {  	_ =	shalt  }
0x61: {  	_ =	shalt  }
0x62: {  	_ =	shalt  }
0x63: {  	_ =	shalt  }
0x64: {  	_ =	shalt  }
0x65: {  	_ =	shalt  }
0x66: {  	_ =	shalt  }
0x67: {  	_ =	shalt  }
0x68: {  	_ =	shalt  }
0x69: {  	_ =	shalt  }
0x6a: {  	_ =	shalt  }
0x6b: {  	_ =	shalt  }
0x6c: {  	_ =	shalt  }
0x6d: {  	_ =	shalt  }
0x6e: {  	_ =	shalt  }
0x6f: {  	_ =	shalt  }
0x70: {  	_ =	shalt  }
0x71: {  	_ =	shalt  }
0x72: {  	_ =	shalt  }
0x73: {  	_ =	shalt  }
0x74: {  	_ =	shalt  }
0x75: {  	_ =	shalt  }
0x76: {  	_ =	shalt  }
0x77: {  	_ =	shalt  }
0x78: {  	_ =	shalt  }
0x79: {  	_ =	shalt  }
0x7a: {  	_ =	shalt  }
0x7b: {  	_ =	shalt  }
0x7c: {  	_ =	shalt  }
0x7d: {  	_ =	shalt  }
0x7e: {  	_ =	shalt  }
0x7f: {  	_ =	shalt  }
0x80: {  	_ =	shalt  }
0x81: {  	_ =	shalt  }
0x82: {  	_ =	shalt  }
0x83: {  	_ =	shalt  }
0x84: {  	_ =	shalt  }
0x85: {  	_ =	shalt  }
0x86: {  	_ =	shalt  }
0x87: {  	_ =	shalt  }
.Lfunc_end0:
.L_simem_size_0:
called_computation_lowered:
.L_overlay_start_0:
0x88: {  	s2 =	sld [smem:$0x3FD9]  }
0x89: {  	s3 =	sld [smem:$0x3FFE];
	_ =	sdelay $0x1  }
0x8a: {  	s1 =	srdreg.scid  }
0x8b: {  	s0 =	sand.u32 $0x1, s1  }
0x8c: {  	s14 =	sshll.u32 s0, $0xA;
	s2 =	sadd.s32 s3, s2  }
0x8d: {  	s2 =	sadd.s32 s2, s14  }
0x8e: {  	[smem:$0x3FC5] =	sst s2  }
0x8f: {  	_ = 	snop  }
0x90: {  	s2 =	sld [smem:$0x3FD0];
	_ =	sdelay $0x1  }
0x91: {  	s15 =	sld [smem:$0x3FC8]  }
0x92: {  	s5 =	simm.s32 $0xA;
	s6 =	simm.s32 $0x10;
	s4 =	sld [smem:$0x3FC7]  }
0x93: {  	[smem:s6], [sflag:s5] =	dma.local [hbm:s2], $0x1  }
0x94: {  	_ =	swait.eq [sflag:s5], $0x1  }
0x95: {  	[sflag:s5] =	ssyncset.done $0x0  }
0x96: {  	[sflag:s5] =	ssyncadd.s32 $0xFFFFFFFF  }
0x97: {  	s16 =	sld [smem:$0x10];
	(tm) =	ssettm $0x1  }
0x98: {  	s17 =	sld [smem:$0x3FFB];
	_ =	sdelay $0x3  }
0x99: {  	_ =	strace s17  }
0x9a: {  	s5 =	sld [smem:$0x3FFC];
	_ =	sdelay $0x3  }
0x9b: {  	_ =	strace s5  }
0x9c: {  	s5 =	sld [smem:$0x3FFD];
	_ =	sdelay $0x3  }
0x9d: {  	_ =	strace s5  }
0x9e: {  	_ =	strace $0x8FFFFFFF  }
0x9f: {  	s18 =	sld [smem:$0x3FDB];
	_ =	sdelay $0x1  }
0xa0: {  	s19 =	simm.s32 $_scs_section_size  }
0xa1: {  	s7 =	simm.s32 $_size__tile_overlayer_lowered;
	s8 =	simm.s32 $_tile_overlayer_lowered  }
0xa2: {  	s22 =	simm.s32 $0x1BFF;
	s21 =	sshll.u32 s8, $0x1;
	s5 =	sadd.s32 s19, s18  }
0xa3: {  	s9 =	simm.s32 $0x0;
	s20 =	sshll.u32 s7, $0x1;
	s7 =	sadd.s32 s21, s5  }
0xa4: {  	[timem:s9], [sflag:s22] =	dma.local [hbm:s7], s20  }
0xa5: {  	_ =	swait.ge [sflag:s22], s20  }
0xa6: {  	s6 =	ssub.s32 $0x0, s20;
	[sflag:s22] =	ssyncset.done $0x0  }
0xa7: {  	[sflag:s22] =	ssyncadd.s32 s6;
	_ =	sdelay $0x1  }
0xa8: {  	s23 =	simm.s32 $0x1B8B  }
0xa9: {  	_ =	swait.ge [sflag:s23], $0x1  }
0xaa: {  	[sflag:s23] =	ssyncset.done $0x0  }
0xab: {  	s25 =	simm.s32 $0x1B8E;
	s24 =	sld [smem:$0x3FFE];
	[sflag:s23] =	ssyncadd.s32 $0xFFFFFFFF  }
0xac: {  	s26 =	simm.s32 $execute0_lowered;
	[smem:$0x3FD2] =	sst s25  }
0xad: {  	s7 =	sshll.u32 s26, $0x1;
	_ =	strace $0x80000046;
	[dreg:$0x1] =	wrdreg $0xFFFFFFFF  }
0xae: {  	s28 =	simm.s32 $_size_execute0_lowered;
	s5 =	sadd.s32 s5, s7;
	[dreg:$0x0] =	wrdreg $0x0  }
0xaf: {  	s7 =	sshll.u32 s28, $0x1;
	[dreg:$0x2] =	wrdreg s5  }
0xb0: {  	[dreg:$0x3] =	wrdreg s7  }
0xb1: {  	[dreg:$0x4] =	wrdreg $0xC0  }
0xb2: {  	_ =	task [dreg:s9], $0x5FFFF  }
0xb3: {  	[dreg:$0x1] =	wrdreg $0xFFFFFFFF  }
0xb4: {  	[dreg:$0x0] =	wrdreg $0x60  }
0xb5: {  	[dreg:$0x2] =	wrdreg s24  }
0xb6: {  	[dreg:$0x3] =	wrdreg s15  }
0xb7: {  	[dreg:$0x4] =	wrdreg s4  }
0xb8: {  	[dreg:$0x5] =	wrdreg s16  }
0xb9: {  	[dreg:$0x6] =	wrdreg $0x5A400  }
0xba: {  	[dreg:$0x7] =	wrdreg $0x5A500  }
0xbb: {  	[dreg:$0x8] =	wrdreg $0x5C580  }
0xbc: {  	[dreg:$0x9] =	wrdreg $0x5C680  }
0xbd: {  	[dreg:$0xa] =	wrdreg $0x5C780  }
0xbe: {  	[dreg:$0xb] =	wrdreg $0x9  }
0xbf: {  	_ =	task.clear_ibuf [dreg:s9], $0xCFFFF;
	_ =	strace $0x90000046  }
0xc0: {  	s29 =	simm.s32 $0x9;
	_ =	strace $0x8000004E  }
0xc1: {  	_ =	swait.ge [sflag:s29], $0x1  }
0xc2: {  	[sflag:s29] =	ssyncadd.s32 $0xFFFFFFFF  }
0xc3: {  	_ =	strace $0x9000004E  }
0xc4: {  	_ =	sfence  }
0xc5: {  	s30 =	sld [smem:$0x0];
	_ =	sdelay $0x2  }
0xc6: {  	s31 =	sshll.u32 s1, $0xD;
	s1 =	sshrl.u32 s1, $0x2  }
0xc7: {  	s3 =	sand.u32 $0x4000, s31;
	s1 =	sadd.s32 s1, s30  }
0xc8: {  	s0 =	sor.u32 s3, s0;
	s1 =	sshll.u32 s1, $0x11  }
0xc9: {  	s0 =	sor.u32 s1, s0  }
0xca: {  	s0 =	sadd.s32 $0x8F2B, s0  }
0xcb: {  	[sflag:s0] =	ssyncadd.remote.s32 $0x1  }
0xcc: {  	_ =	sfence.sel $0xFFFF  }
0xcd: {  	[dreg:$0x0] =	wrdreg $0xFFFFFFFF;
	(pc) =	sbr.abs _section_cstart, $3  }
0xce: {  	[dreg:$0x1] =	wrdreg $0xFFFFFFFF  }
0xcf: {  	_ =	task.clear_ibuf [dreg:s9], $0x2FFFF;
	_ =	strace $0x9FFFFFFF  }
0xd0: {  	(tm) =	ssettm $0x7FFFFFFF  }
0xd1: {  	_ =	shalt  }
tec
execute0_lowered:
.L_overlay_start_1:
0x0: {  	(tag) =	ssettag $0x1  }
0x1: {  	v0 =	vimm.s32 $0x14131211;
	v1 =	vimm.s32 $0x18171615  }
0x2: {  	v2 =	vimm.s32 $0x1F1E1D;
	v55 =	vimm.s32 $0x15141312;
	v56 =	vimm.s32 $0x19181716  }
0x3: {  	v3 =	vimm.s32 $0x32107654;
	v57 =	vimm.s32 $0x1001F1E;
	v58 =	vimm.s32 $0x201001F  }
0x4: {  	v4 =	vimm.s32 $0x43218765;
	v5 =	vimm.s32 $0x1F1E1D1C;
	v60 =	vimm.s32 $0x54329876  }
0x5: {  	vm8 =	vcmask $0x2F10;
	v62 =	vimm.s32 $0xB0A0908;
	v63 =	vimm.s32 $0x6543A987  }
0x6: {  	v7 =	vimm.s32 $0xC0B0A09;
	v8 =	vimm.s32 $0xD0C0B0A;
	v9 =	vimm.s32 $0xE0D0C0B  }
0x7: {  	vm15 =	vcmask $0x1F10;
	v17 =	vimm.s32 $0x3020100;
	v3 =	vunpack.c.l.s4.s8 v3  }
0x8: {  	v18 =	vimm.s32 $0x17161514;
	v0 =	vunpack.c.0.s8.s32 v0;
	v10 =	vunpack.c.0.s8.s32 v1  }
0x9: {  	v11 =	vunpack.c.0.s8.s32 v2;
	v12 =	vunpack.c.0.s8.s32 v56;
	v6 =	vunpack.c.0.s8.s32 v3  }
0xa: {  	v13 =	vunpack.c.0.s8.s32 v57;
	v59 =	vunpack.c.l.s4.s8 v4;
	v2 =	vunpack.c.l.s4.s8 v60  }
0xb: {  	v14 =	vunpack.c.0.s8.s32 v58;
	[tilespmem:$0x1FDC0] =	vst v6;
	v61 =	vand.u32 $0xF, v6;
	v6 =	vunpack.c.l.s4.s8 v63  }
0xc: {  	v15 =	vunpack.c.0.s8.s32 v5;
	v3 =	vunpack.c.0.s8.s32 v59;
	v2 =	vunpack.c.0.s8.s32 v2  }
0xd: {  	v7 =	vunpack.c.0.s8.s32 v7;
	v8 =	vunpack.c.0.s8.s32 v8;
	v6 =	vunpack.c.0.s8.s32 v6  }
0xe: {  	v9 =	vunpack.c.0.s8.s32 v9;
	v3 =	vand.u32 $0xF, v3;
	v2 =	vand.u32 $0xF, v2  }
0xf: {  	v4 =	vsel vm8, v61, v15;
	v3 =	vsel vm8, v3, v11;
	v6 =	vand.u32 $0xF, v6  }
0x10: {  	[tilespmem:$0x1FDD0] =	vst v10;
	v2 =	vsel vm8, v2, v13;
	v6 =	vsel vm8, v6, v14;
	vm8 =	vcmask $0x3F30  }
0x11: {  	s25 =	rddreg [dreg:$0x0];
	v1 =	vunpack.c.0.s8.s32 v55;
	v0 =	vsel vm15, v10, v0;
	[tilespmem:$0x1FE00] =	vst v12;
	v52 =	vsel vm8, v7, v3  }
0x12: {  	s9 =	rddreg [dreg:$0x1];
	[tilespmem:$0x1FE50] =	vst v15;
	v54 =	vsel vm8, v8, v2;
	v55 =	vsel vm8, v9, v6;
	v6 =	vimm.s32 $0x1C1B1A19  }
0x13: {  	s26 =	rddreg [dreg:$0x3];
	[tilespmem:$0x1FDE0] =	vst v0;
	v8 =	vsel vm15, v12, v1;
	v9 =	vimm.s32 $0x1D1C1B1A;
	v7 =	vunpack.c.0.s8.s32 v6  }
0x14: {  	s11 =	rddreg [dreg:$0x4];
	v10 =	vimm.s32 $0x16151413;
	v12 =	vimm.s32 $0x1A191817;
	[tilespmem:$0x1FE10] =	vst v8;
	v0 =	vunpack.c.0.s8.s32 v9  }
0x15: {  	s12 =	rddreg [dreg:$0x5];
	v19 =	vimm.s32 $0x1B1A1918;
	v1 =	vunpack.c.0.s8.s32 v10;
	v16 =	vunpack.c.0.s8.s32 v12;
	[tilespmem:$0x1FDF0] =	vst v7  }
0x16: {  	s13 =	rddreg [dreg:$0x6];
	v23 =	vimm.s32 $0x4030201;
	v24 =	vimm.s32 $0x5040302;
	[tilespmem:$0x1FE20] =	vst v0  }
0x17: {  	s14 =	rddreg [dreg:$0x7];
	s8 =	simm.s32 $0x0;
	v25 =	vimm.s32 $0x6050403;
	v21 =	vunpack.c.0.s8.s32 v19;
	[tilespmem:$0x1FE30] =	vst v16;
	v1 =	vsel vm15, v16, v1  }
0x18: {  	v40 =	vimm.s32 $0xA9876543;
	v5 =	vunpack.c.0.s8.s32 v62;
	[smem:$0x7FF] =	sst s8;
	v3 =	vunpack.c.0.s8.s32 v23;
	[tilespmem:$0x1FE40] =	vst v1  }
0x19: {  	s15 =	rddreg [dreg:$0x8];
	v53 =	vimm.s32 $0xBA98FEDC;
	_ =	strace $0x80000047;
	[tilespmem:$0x1FE60] =	vst v21  }
0x1a: {  	v51 =	vsel vm8, v5, v4;
	v4 =	vunpack.c.0.s8.s32 v24;
	v27 =	vsel vm15, v3, v11;
	[tilespmem:$0x1FE80] =	vst v11  }
0x1b: {  	v20 =	vunpack.c.0.s8.s32 v18;
	v2 =	vunpack.c.0.s8.s32 v17;
	v5 =	vunpack.c.l.s4.s8 v40;
	[tilespmem:$0x1FE90] =	vst v27  }
0x1c: {  	v26 =	vunpack.c.0.s8.s32 v25;
	v58 =	vunpack.c.l.s4.s8 v53;
	v28 =	vsel vm15, v4, v13;
	[tilespmem:$0x1FEA0] =	vst v13  }
0x1d: {  	v2 =	vsel vm15, v2, v15;
	v5 =	vunpack.c.0.s8.s32 v5;
	v0 =	vsel vm15, v21, v20;
	[tilespmem:$0x1FEB0] =	vst v28  }
0x1e: {  	v56 =	vcombine.low v0, v2;
	v0 =	vsel vm15, v26, v14;
	[tilespmem:$0x1FEC0] =	vst v14  }
0x1f: {  	s0 =	stileid.u32;
	s28 =	srdreg.scid;
	v61 =	vunpack.c.0.s8.s32 v58;
	v60 =	vand.u32 $0xF, v5;
	[tilespmem:$0x1FED0] =	vst v0  }
0x20: {  	v22 =	vimm.s32 $0x1E1D1C1B;
	v29 =	vimm.s32 $0x76543210;
	s29 =	simm.s32 $0x0;
	s1 =	sshll.u32 s0, $0x3;
	s24 =	sshllo.u32 s0, $0x3;
	[tilespmem:$0x1FF10] =	vst v60  }
0x21: {  	v31 =	vimm.s32 $0xDCFE98BA;
	s16 =	sadd.s32 $0x800, s25;
	s10 =	sshll.u32 s0, $0x9;
	s2 =	sor.u32 $0x1, s1;
	v35 =	vmov s1;
	[tilespmem:$0x1FF30] =	vst v61  }
0x22: {  	v32 =	vimm.s32 $0x87654321;
	v33 =	vimm.s32 $0x54761032;
	s17 =	sadd.s32 $0x100, s9;
	s19 =	sshll.u32 s0, $0x4;
	s3 =	sor.u32 $0x2, s1;
	v36 =	vmov s2;
	[tilespmem:$0x1FF60] =	vst v35  }
0x23: {  	v34 =	vimm.s32 $0x98765432;
	s21 =	sadd.s32 $0x2000, s12;
	s22 =	sor.u32 $0x3, s1;
	v37 =	vmov s3;
	s3 =	sand.u32 $0x1, s28;
	[tilespmem:$0x1FF70] =	vst v36  }
0x24: {  	v47 =	vimm.s32 $0xEFCDAB89;
	s23 =	sor.u32 $0x4, s1;
	s4 =	sor.u32 $0x5, s1;
	v38 =	vmov s22;
	s7 =	sshll.u32 s3, $0xD;
	[tilespmem:$0x1FF80] =	vst v37  }
0x25: {  	v48 =	vimm.s32 $0x67452301;
	v30 =	vunpack.c.l.s4.s8 v29;
	s1 =	sor.u32 $0x6, s1;
	v39 =	vmov s23;
	s30 =	sshll.u32 s3, $0x1;
	s31 =	sor.u32 s10, s7;
	[tilespmem:$0x1FF90] =	vst v38  }
0x26: {  	v43 =	vmov s24;
	v41 =	vmov s4;
	v42 =	vmov s1;
	s1 =	sadd.s32 s26, s30;
	s26 =	sshrl.u32 s31, $0x2;
	[dreg:$0xb] =	wrdreg s17;
	[tilespmem:$0x1FFA0] =	vst v39  }
0x27: {  	s18 =	sadd.s32 s16, s31;
	s31 =	sor.u32 $0x1000, s26;
	v46 =	vmov s26;
	v6 =	vunpack.c.l.s4.s8 v47;
	v1 =	vunpack.c.0.s8.s32 v22;
	[dreg:$0xa] =	wrdreg s16;
	[tilespmem:$0x1FFB0] =	vst v41  }
0x28: {  	p0 =	sne.s32 s0, $0x0;
	s20 =	sadd.s32 s19, s11;
	v47 =	vmov s31;
	v3 =	vunpack.c.l.s4.s8 v33;
	v4 =	vunpack.c.l.s4.s8 v34;
	[dreg:$0xc] =	wrdreg s18;
	[tilespmem:$0x1FFC0] =	vst v42  }
0x29: {  	s24 =	sadd.s32 s19, s14;
	s22 =	sadd.s32 s10, s12;
	v7 =	vunpack.c.l.s4.s8 v48;
	v6 =	vunpack.c.0.s8.s32 v6;
	[dreg:$0xd] =	wrdreg s20;
	[tilespmem:$0x1FE70] =	vst v1;
	v1 =	vunpack.c.l.s4.s8 v31  }
0x2a: {  	s23 =	sadd.s32 s19, s13;
	s4 =	simm.s32 $0x10;
	v2 =	vunpack.c.l.s4.s8 v32;
	v3 =	vunpack.c.0.s8.s32 v3;
	v4 =	vunpack.c.0.s8.s32 v4;
	[dreg:$0xe] =	wrdreg s21;
	[tilespmem:$0x1FFD0] =	vst v43  }
0x2b: {  	s5 =	ssub.s32 $0x2, s3;
	s28 =	sshll.u32 s3, $0xB;
	[dreg:$0xf] =	wrdreg s22;
	v7 =	vunpack.c.0.s8.s32 v7;
	v0 =	vunpack.c.0.s8.s32 v30;
	[tilespmem:$0x1FFE0] =	vst v46;
	v1 =	vunpack.c.0.s8.s32 v1  }
0x2c: {  	v49 =	vimm.s32 $0xFEDCBA98;
	s6 =	sshrl.u32 s5, $0x1;
	s2 =	sadd.s32 s30, s25;
	[dreg:$0x10] =	wrdreg s23;
	[tilespmem:$0x1FFF0] =	vst v47;
	v2 =	vunpack.c.0.s8.s32 v2;
	v59 =	vand.u32 $0xF, v4  }
0x2d: {  	s7 =	sadd.s32 s19, s15;
	s30 =	sshll.u32 s0, $0x7;
	[dreg:$0x11] =	wrdreg s24;
	v6 =	vcombine.low v7, v6;
	[tilespmem:$0x1FEE0] =	vst v0;
	v1 =	vcombine.low v3, v1;
	v3 =	vunpack.c.l.s4.s8 v49  }
.Ltmp0:
0x2e: {  	vm0 =	vmmov $0x1;
	s2 =	sadd.s32 $0x4800, s2;
	[dreg:$0x12] =	wrdreg s7;
	[tilespmem:$0x1FF00] =	vst v59;
	v2 =	vand.u32 $0xF, v2;
	(pc) =	sbr.rel .LBB2_1-.Ltmp0, $4  }
0x2f: {  	v50 =	vlaneseq.u32;
	s5 =	ssub.s32 s5, s6;
	s6 =	simm.s32 $0x7;
	[dreg:$0x13] =	wrdreg s2;
	[tilespmem:$0x1FEF0] =	vst v2;
	v63 =	vand.u32 $0xF, v6;
	v57 =	vunpack.c.0.s8.s32 v3  }
0x30: {  	vm1 =	vcmask $0x704;
	vm4 =	vcmask $0x1310;
	s25 =	smax.u32 s5, $0x1;
	s5 =	simm.s32 $0x5470;
	[dreg:$0x14] =	wrdreg s1;
	[tilespmem:$0x1FF50] =	vst v63;
	v62 =	vand.u32 $0xF, v1  }
0x31: {  	vm5 =	vcmask $0x1714;
	vm6 =	vcmask $0x1B18;
	[dreg:$0x15] =	wrdreg s25;
	s2 =	sor.u32 s30, s28;
	s23 =	simm.s32 $0x1000;
	[tilespmem:$0x1FF40] =	vst v62;
	v0 =	vand.u32 $0xF, v57  }
0x32: {  	vm7 =	vcmask $0x1F1C;
	v44 =	vimm.s32 $0x0;
	v45 =	vimm.s32 $0x100;
	s24 =	simm.s32 $0x2000;
	s7 =	simm.s32 $0x3400;
	[dreg:$0x16] =	wrdreg s2;
	[tilespmem:$0x1FF20] =	vst v0  }
.LBB2_11:
0x33: {  	s29 =	sadd.s32 $0x1, s29;
	s0 =	rddreg [dreg:$0x15];
	_ =	strace $0x9000004D  }
0x34: {  	p1 =	sne.s32 s29, s0;
	v38 =	vld [tilespmem:$0x1FF90]  }
.Ltmp1:
0x35: {  	v39 =	vld [tilespmem:$0x1FFA0];
	(pc) =	sbr.rel @!p1 .LBB2_12-.Ltmp1, $4  }
0x36: {  	v41 =	vld [tilespmem:$0x1FFB0]  }
0x37: {  	v43 =	vld [tilespmem:$0x1FFD0]  }
0x38: {  	v46 =	vld [tilespmem:$0x1FFE0]  }
0x39: {  	v44 =	vimm.s32 $0x0;
	v45 =	vimm.s32 $0x100;
	v47 =	vld [tilespmem:$0x1FFF0]  }
.LBB2_1:
0x3a: {  	_ =	strace $0x80000048  }
0x3b: {  	s0 =	rddreg [dreg:$0x1]  }
0x3c: {  	[tilespmem:s8], [sflag:$0x5] =	stream.linear.gather [hbm4b:s0+s8], $0x800, $0x200038;
	[tilespmem:$0x5C88] =	vst v63  }
0x3d: {  	s1 =	simm.s32 $0x800;
	s22 =	rddreg [dreg:$0xb]  }
0x3e: {  	[tilespmem:s1], [sflag:$0x6] =	stream.linear.gather [hbm4b:s22+s8], $0x800, $0x200038;
	[tilespmem:$0x5C88] =	vst v63  }
0x3f: {  	s25 =	rddreg [dreg:$0x2]  }
0x40: {  	[tilespmem:s23], [sflag:$0x1] =	stream.linear.gather [hbm4b:s25+s8], $0x1000, $0x200038;
	[tilespmem:$0x5C88] =	vst v63  }
0x41: {  	s28 =	simm.s32 $0x5;
	s26 =	rddreg [dreg:$0xc]  }
0x42: {  	[tilespmem:s24], [sflag:$0x2] =	stream.linear.gather [hbm4b:s26+s8], $0x1000, $0x200038;
	[tilespmem:$0x5C88] =	vst v63  }
0x43: {  	_ =	swait.ge [sflag:s28], $0x800  }
0x44: {  	[sflag:s28] =	ssyncset.done $0x0  }
0x45: {  	[sflag:s28] =	ssyncadd.s32 $0xFFFFF800  }
0x46: {  	_ =	strace $0x90000048  }
0x47: {  	v0 =	vld [tilespmem:$0x0];
	_ =	sdelay $0x4  }
0x48: {  	v0 =	vnsel vm0, $0x7FFFFFFF, v0  }
0x49: {  	v0 =	vxor.u32 $0x80000000, v0  }
0x4a: {  	(xrf0) =	vmin.scan.msk.u32 $0xffff, v0;
	_ =	sdelay $0x5  }
0x4b: {  	v0, _, _ =	vpop (xrf0)  }
0x4c: {  	(v2sf) =	vpush v0, $0xF;
	_ =	sdelay $0xe  }
0x4d: {  	s30 =	spop (v2sf)  }
0x4e: {  	_ =	strace $0x80000049  }
0x4f: {  	v2 =	vld [tilespmem:s4+$0xFFFFFFF0];
	_ =	sdelay $0x1  }
0x50: {  	v5 =	vld [tilespmem:s4+$0x0]  }
0x51: {  	s31 =	simm.s32 $0x10;
	v7 =	vor.u32 s8, v50;
	v0 =	vimm.s32 $0x7FFFFFFF  }
0x52: {  	v8 =	vor.u32 s31, v50;
	vm3 =	vlt.s32 v0, v7;
	s0 =	sxor.u32 $0x80000000, s30  }
0x53: {  	v1 =	vsel vm3, v0, v7;
	v40 =	vmov s0;
	vm10 =	veq.s32 v2, v35  }
0x54: {  	vm11 =	veq.s32 v2, v36;
	vm12 =	veq.s32 v2, v40;
	vm13 =	veq.s32 v2, v38  }
0x55: {  	vm14 =	veq.s32 v2, v39;
	vm9 =	veq.s32 v5, v40;
	vm8 =	veq.s32 v2, v42  }
0x56: {  	vm2 =	veq.s32 v2, v43;
	v4 =	vnsel vm11, $0x7FFFFFFF, v7;
	v9 =	vnsel vm8, $0x7FFFFFFF, v7  }
0x57: {  	v6 =	vnsel vm13, $0x7FFFFFFF, v7;
	v1 =	vsel vm12, v0, v1;
	vm11 =	veq.s32 v5, v42  }
0x58: {  	v14 =	vnsel vm10, $0x7FFFFFFF, v7;
	v16 =	vnsel vm2, $0x7FFFFFFF, v7;
	v17 =	vnsel vm14, $0x7FFFFFFF, v7  }
0x59: {  	vm14 =	veq.s32 v5, v41;
	vm3 =	vlt.s32 v0, v9;
	vm8 =	vlt.s32 v0, v4  }
0x5a: {  	vm12 =	vlt.s32 v1, v8;
	vm13 =	vlt.s32 v0, v6;
	vm2 =	vlt.s32 v0, v16  }
0x5b: {  	v19 =	vnsel vm11, $0x7FFFFFFF, v8;
	v13 =	vsel vm8, v4, v0;
	v3 =	vsel vm12, v1, v8  }
0x5c: {  	v10 =	vsel vm8, v0, v4;
	v11 =	vsel vm13, v6, v0;
	vm8 =	veq.s32 v5, v39  }
0x5d: {  	v4 =	vsel vm13, v0, v6;
	v12 =	vsel vm3, v9, v0;
	v9 =	vsel vm3, v0, v9  }
0x5e: {  	vm3 =	veq.s32 v5, v37;
	vm12 =	veq.s32 v5, v36;
	v23 =	vsel vm2, v0, v16  }
0x5f: {  	vm10 =	vlt.s32 v0, v11;
	v6 =	vnsel vm8, $0x7FFFFFFF, v8;
	vm8 =	vlt.s32 v0, v12  }
0x60: {  	vm13 =	vlt.s32 v0, v13;
	v25 =	vnsel vm3, $0x7FFFFFFF, v8;
	vm3 =	veq.s32 v2, v41  }
0x61: {  	v21 =	vnsel vm12, $0x7FFFFFFF, v8;
	v11 =	vsel vm10, v0, v11;
	vm10 =	vlt.s32 v0, v17  }
0x62: {  	v24 =	vsel vm8, v0, v12;
	vm8 =	veq.s32 v5, v35;
	v20 =	vsel vm13, v0, v13  }
0x63: {  	v15 =	vsel vm10, v17, v0;
	v12 =	vsel vm10, v0, v17;
	vm10 =	veq.s32 v5, v43  }
0x64: {  	v17 =	vsel vm2, v16, v0;
	vm2 =	veq.s32 v5, v38;
	v5 =	vnsel vm14, $0x7FFFFFFF, v8  }
0x65: {  	v27 =	vnsel vm8, $0x7FFFFFFF, v8;
	vm8 =	vlt.s32 v0, v14;
	vm11 =	vlt.s32 v0, v15  }
0x66: {  	v16 =	vnsel vm2, $0x7FFFFFFF, v8;
	v26 =	vnsel vm10, $0x7FFFFFFF, v8;
	vm2 =	veq.s32 v2, v37  }
0x67: {  	vm10 =	vlt.s32 v12, v6;
	v13 =	vsel vm8, v14, v0;
	v14 =	vsel vm8, v0, v14  }
0x68: {  	v2 =	vnsel vm2, $0x7FFFFFFF, v7;
	v7 =	vnsel vm3, $0x7FFFFFFF, v7;
	v18 =	vsel vm10, v6, v12  }
0x69: {  	vm8 =	vlt.s32 v0, v13;
	vm13 =	vlt.s32 v23, v26;
	vm2 =	vlt.s32 v0, v2  }
0x6a: {  	vm3 =	vlt.s32 v0, v7;
	v28 =	vsel vm8, v0, v13;
	v13 =	vsel vm13, v23, v26  }
0x6b: {  	v26 =	vsel vm13, v26, v23;
	v22 =	vsel vm2, v2, v0;
	v2 =	vsel vm2, v0, v2  }
0x6c: {  	v8 =	vsel vm3, v7, v0;
	vm2 =	vlt.s32 v0, v17;
	v30 =	vsel vm3, v0, v7  }
0x6d: {  	vm12 =	vlt.s32 v0, v22;
	vm8 =	vlt.s32 v0, v8;
	vm3 =	vlt.s32 v2, v25  }
0x6e: {  	vm14 =	vlt.s32 v30, v5;
	v31 =	vsel vm2, v0, v17;
	v29 =	vsel vm12, v0, v22  }
0x6f: {  	v22 =	vsel vm8, v0, v8;
	vm12 =	vlt.s32 v10, v21;
	vm8 =	vlt.s32 v14, v27  }
0x70: {  	v7 =	vsel vm3, v25, v2;
	v8 =	vsel vm3, v2, v25;
	v23 =	vsel vm8, v27, v14  }
0x71: {  	vm3 =	vlt.s32 v29, v7;
	v14 =	vsel vm8, v14, v27;
	vm2 =	vlt.s32 v28, v23  }
0x72: {  	v2 =	vsel vm3, v29, v7;
	v7 =	vsel vm2, v28, v23;
	vm2 =	vlt.s32 v9, v19  }
0x73: {  	v25 =	vsel vm12, v21, v10;
	v23 =	vsel vm14, v5, v30;
	v17 =	vsel vm2, v19, v9  }
0x74: {  	v19 =	vsel vm2, v9, v19;
	v9 =	vsel vm14, v30, v5;
	vm2 =	vlt.s32 v24, v17  }
0x75: {  	vm14 =	vlt.s32 v4, v16;
	v17 =	vsel vm2, v24, v17;
	vm2 =	vlt.s32 v31, v26  }
0x76: {  	s1 =	simm.s32 $0x30;
	s0 =	simm.s32 $0x20;
	vm13 =	vlt.s32 v22, v23;
	v24 =	vsel vm14, v16, v4;
	v5 =	vsel vm2, v31, v26  }
.LBB2_2:
0x77: {  	v26 =	vld [tilespmem:s1+$0xFFFFFFF0];
	p1 =	sne.s32 s0, $0x7E0;
	v0 =	vsel vm11, v0, v15;
	v10 =	vsel vm12, v10, v21;
	vm2 =	vlt.s32 v11, v24;
	s2 =	smov.u32 s0;
	s0 =	sadd.s32 $0x20, s0  }
0x78: {  	vm3 =	vlt.s32 v20, v25;
	v22 =	vsel vm13, v22, v23;
	v21 =	vld [tilespmem:s1+$0x0];
	vm8 =	vlt.s32 v0, v18  }
0x79: {  	v20 =	vsel vm3, v20, v25;
	v11 =	vsel vm2, v11, v24;
	v0 =	vsel vm8, v0, v18  }
0x7a: {  	v4 =	vsel vm14, v4, v16;
	v12 =	vsel vm10, v12, v6;
	v1 =	vsel vm9, v1, v3;
	s3 =	sadd.s32 $0x10, s2  }
0x7b: {  	v18 =	vor.u32 s2, v50;
	v23 =	vor.u32 s3, v50  }
0x7c: {  	vm2 =	veq.s32 v26, v35;
	vm3 =	veq.s32 v26, v36;
	vm8 =	veq.s32 v26, v40  }
0x7d: {  	vm11 =	veq.s32 v26, v38;
	vm10 =	veq.s32 v26, v39;
	vm9 =	veq.s32 v21, v40  }
0x7e: {  	vm14 =	vlt.s32 v1, v18;
	vm12 =	veq.s32 v26, v42;
	vm13 =	veq.s32 v26, v43  }
0x7f: {  	v3 =	vsel vm14, v1, v18;
	v6 =	vnsel vm3, $0x7FFFFFFF, v18;
	v15 =	vnsel vm12, $0x7FFFFFFF, v18  }
0x80: {  	v16 =	vnsel vm11, $0x7FFFFFFF, v18;
	v1 =	vsel vm8, v1, v3;
	vm3 =	vlt.s32 v19, v15  }
0x81: {  	vm11 =	veq.s32 v21, v42;
	vm8 =	vlt.s32 v10, v6;
	vm12 =	vlt.s32 v1, v23  }
0x82: {  	vm14 =	vlt.s32 v4, v16;
	v24 =	vsel vm8, v6, v10;
	v3 =	vsel vm12, v1, v23  }
0x83: {  	v10 =	vsel vm8, v10, v6;
	v25 =	vsel vm14, v16, v4;
	vm8 =	veq.s32 v21, v39  }
0x84: {  	v27 =	vnsel vm2, $0x7FFFFFFF, v18;
	v4 =	vsel vm14, v4, v16;
	vm2 =	vlt.s32 v11, v25  }
0x85: {  	v28 =	vnsel vm13, $0x7FFFFFFF, v18;
	v16 =	vsel vm3, v15, v19;
	v6 =	vnsel vm8, $0x7FFFFFFF, v23  }
0x86: {  	v19 =	vsel vm3, v19, v15;
	vm3 =	vlt.s32 v13, v28;
	vm8 =	veq.s32 v21, v37  }
0x87: {  	v11 =	vsel vm2, v11, v25;
	v25 =	vnsel vm10, $0x7FFFFFFF, v18;
	vm2 =	vlt.s32 v17, v16  }
0x88: {  	v29 =	vnsel vm11, $0x7FFFFFFF, v23;
	vm10 =	vlt.s32 v12, v25;
	v17 =	vsel vm2, v17, v16  }
0x89: {  	vm12 =	veq.s32 v21, v36;
	vm2 =	veq.s32 v21, v35;
	v15 =	vsel vm10, v25, v12  }
0x8a: {  	vm13 =	vlt.s32 v20, v24;
	v12 =	vsel vm10, v12, v25;
	vm10 =	veq.s32 v21, v43  }
0x8b: {  	vm14 =	veq.s32 v21, v41;
	v25 =	vsel vm3, v28, v13;
	vm11 =	vlt.s32 v0, v15  }
0x8c: {  	v30 =	vnsel vm14, $0x7FFFFFFF, v23;
	v28 =	vsel vm3, v13, v28;
	vm3 =	veq.s32 v21, v38  }
0x8d: {  	v31 =	vnsel vm8, $0x7FFFFFFF, v23;
	v16 =	vnsel vm3, $0x7FFFFFFF, v23;
	v32 =	vnsel vm10, $0x7FFFFFFF, v23  }
0x8e: {  	vm8 =	veq.s32 v26, v41;
	vm3 =	veq.s32 v26, v37;
	vm10 =	vlt.s32 v12, v6  }
0x8f: {  	v26 =	vnsel vm8, $0x7FFFFFFF, v18;
	v13 =	vnsel vm3, $0x7FFFFFFF, v18;
	v18 =	vsel vm10, v6, v12  }
0x90: {  	v33 =	vnsel vm2, $0x7FFFFFFF, v23;
	vm8 =	vlt.s32 v9, v26;
	vm3 =	vlt.s32 v8, v13  }
0x91: {  	vm2 =	vlt.s32 v14, v27;
	v21 =	vnsel vm12, $0x7FFFFFFF, v23;
	v34 =	vsel vm3, v13, v8  }
0x92: {  	v20 =	vsel vm13, v20, v24;
	v23 =	vsel vm8, v26, v9;
	v8 =	vsel vm3, v8, v13  }
0x93: {  	v13 =	vsel vm2, v27, v14;
	v14 =	vsel vm2, v14, v27;
	vm2 =	vlt.s32 v5, v25  }
0x94: {  	vm13 =	vlt.s32 v28, v32;
	vm3 =	vlt.s32 v7, v13;
	vm12 =	vlt.s32 v2, v34  }
0x95: {  	v7 =	vsel vm3, v7, v13;
	vm3 =	vlt.s32 v22, v23;
	v13 =	vsel vm13, v28, v32  }
0x96: {  	v27 =	vsel vm13, v32, v28;
	v2 =	vsel vm12, v2, v34;
	v22 =	vsel vm3, v22, v23  }
0x97: {  	v9 =	vsel vm8, v9, v26;
	vm12 =	vlt.s32 v10, v21;
	vm3 =	vlt.s32 v8, v31  }
0x98: {  	vm8 =	vlt.s32 v14, v33;
	v23 =	vsel vm3, v31, v8;
	v8 =	vsel vm3, v8, v31  }
0x99: {  	vm14 =	vlt.s32 v9, v30;
	v24 =	vsel vm8, v33, v14;
	vm3 =	vlt.s32 v2, v23  }
0x9a: {  	v5 =	vsel vm2, v5, v25;
	vm2 =	vlt.s32 v7, v24;
	v2 =	vsel vm3, v2, v23  }
.Ltmp2:
0x9b: {  	v7 =	vsel vm2, v7, v24;
	vm2 =	vlt.s32 v19, v29;
	v23 =	vsel vm14, v30, v9;
	(pc) =	sbr.rel @p1 .LBB2_2-.Ltmp2, $4  }
0x9c: {  	v24 =	vsel vm2, v29, v19;
	v19 =	vsel vm2, v19, v29;
	vm13 =	vlt.s32 v22, v23  }
0x9d: {  	v14 =	vsel vm8, v14, v33;
	v9 =	vsel vm14, v9, v30;
	vm2 =	vlt.s32 v17, v24  }
0x9e: {  	vm14 =	vlt.s32 v4, v16;
	v17 =	vsel vm2, v17, v24;
	vm2 =	vlt.s32 v5, v27  }
0x9f: {  	s1 =	sadd.s32 $0x20, s1;
	v25 =	vsel vm12, v21, v10;
	v24 =	vsel vm14, v16, v4;
	v5 =	vsel vm2, v5, v27  }
0xa0: {  	s0 =	simm.s32 $0x6  }
0xa1: {  	_ =	swait.ge [sflag:s0], $0x800  }
0xa2: {  	[sflag:s0] =	ssyncset.done $0x0  }
0xa3: {  	s30 =	simm.s32 $0x810;
	[sflag:s0] =	ssyncadd.s32 $0xFFFFF800  }
0xa4: {  	v0 =	vsel vm11, v0, v15;
	v10 =	vsel vm12, v10, v21;
	v21 =	vld [tilespmem:s30+$0xFFFFFFF0]  }
0xa5: {  	vm2 =	vlt.s32 v11, v24;
	vm3 =	vlt.s32 v20, v25;
	v27 =	vsel vm13, v22, v23  }
0xa6: {  	v4 =	vsel vm14, v4, v16;
	s31 =	simm.s32 $0x800;
	v1 =	vsel vm9, v1, v3;
	vm8 =	vlt.s32 v0, v18;
	v26 =	vld [tilespmem:s30+$0x0]  }
0xa7: {  	s1 =	simm.s32 $0x810;
	v20 =	vsel vm3, v20, v25;
	v11 =	vsel vm2, v11, v24;
	v22 =	vor.u32 s31, v50  }
0xa8: {  	v23 =	vor.u32 s1, v50;
	v0 =	vsel vm8, v0, v18;
	vm14 =	vlt.s32 v1, v22  }
0xa9: {  	v18 =	vsel vm10, v12, v6;
	v12 =	vsel vm14, v1, v22;
	vm2 =	veq.s32 v21, v35  }
0xaa: {  	vm3 =	veq.s32 v21, v36;
	vm8 =	veq.s32 v21, v40;
	vm10 =	veq.s32 v21, v38  }
0xab: {  	vm11 =	veq.s32 v21, v39;
	vm9 =	veq.s32 v26, v40;
	vm12 =	veq.s32 v21, v42  }
0xac: {  	vm13 =	veq.s32 v21, v43;
	v3 =	vnsel vm3, $0x7FFFFFFF, v22;
	v6 =	vnsel vm12, $0x7FFFFFFF, v22  }
0xad: {  	v24 =	vnsel vm10, $0x7FFFFFFF, v22;
	v12 =	vsel vm8, v1, v12;
	vm10 =	veq.s32 v26, v42  }
0xae: {  	v25 =	vnsel vm2, $0x7FFFFFFF, v22;
	v28 =	vnsel vm13, $0x7FFFFFFF, v22;
	vm3 =	vlt.s32 v19, v6  }
0xaf: {  	vm8 =	vlt.s32 v10, v3;
	vm12 =	vlt.s32 v12, v23;
	vm14 =	vlt.s32 v4, v24  }
0xb0: {  	v30 =	vnsel vm10, $0x7FFFFFFF, v23;
	v1 =	vsel vm8, v3, v10;
	v15 =	vsel vm12, v12, v23  }
0xb1: {  	v16 =	vsel vm8, v10, v3;
	v10 =	vsel vm14, v24, v4;
	vm8 =	veq.s32 v26, v39  }
0xb2: {  	v4 =	vsel vm14, v4, v24;
	v24 =	vsel vm3, v6, v19;
	v29 =	vsel vm3, v19, v6  }
0xb3: {  	vm3 =	vlt.s32 v13, v28;
	vm12 =	veq.s32 v26, v36;
	vm14 =	veq.s32 v26, v41  }
0xb4: {  	vm2 =	vlt.s32 v11, v10;
	v3 =	vnsel vm8, $0x7FFFFFFF, v23;
	vm8 =	veq.s32 v26, v37  }
0xb5: {  	vm13 =	vlt.s32 v20, v1;
	v19 =	vsel vm3, v28, v13;
	v28 =	vsel vm3, v13, v28  }
0xb6: {  	vm3 =	veq.s32 v26, v38;
	v6 =	vsel vm2, v11, v10;
	v11 =	vnsel vm11, $0x7FFFFFFF, v22  }
0xb7: {  	vm2 =	vlt.s32 v17, v24;
	v31 =	vnsel vm8, $0x7FFFFFFF, v23;
	vm8 =	veq.s32 v21, v41  }
0xb8: {  	vm11 =	vlt.s32 v18, v11;
	v24 =	vsel vm2, v17, v24;
	vm2 =	veq.s32 v26, v35  }
0xb9: {  	v17 =	vnsel vm3, $0x7FFFFFFF, v23;
	vm3 =	veq.s32 v21, v37;
	v21 =	vnsel vm8, $0x7FFFFFFF, v22  }
0xba: {  	v10 =	vsel vm11, v11, v18;
	v11 =	vsel vm11, v18, v11;
	vm11 =	veq.s32 v26, v43  }
0xbb: {  	v26 =	vnsel vm14, $0x7FFFFFFF, v23;
	v18 =	vnsel vm3, $0x7FFFFFFF, v22;
	vm8 =	vlt.s32 v9, v21  }
0xbc: {  	v33 =	vnsel vm2, $0x7FFFFFFF, v23;
	vm2 =	vlt.s32 v14, v25;
	v22 =	vsel vm13, v20, v1  }
0xbd: {  	vm10 =	vlt.s32 v0, v10;
	v32 =	vnsel vm11, $0x7FFFFFFF, v23;
	vm11 =	vlt.s32 v11, v3  }
0xbe: {  	vm3 =	vlt.s32 v8, v18;
	v23 =	vnsel vm12, $0x7FFFFFFF, v23;
	v1 =	vsel vm2, v25, v14  }
0xbf: {  	v14 =	vsel vm2, v14, v25;
	vm2 =	vlt.s32 v5, v19;
	v25 =	vsel vm8, v9, v21  }
0xc0: {  	v13 =	vsel vm11, v3, v11;
	v34 =	vsel vm3, v18, v8;
	v8 =	vsel vm3, v8, v18  }
0xc1: {  	v18 =	vsel vm8, v21, v9;
	vm3 =	vlt.s32 v7, v1;
	vm13 =	vlt.s32 v28, v32  }
0xc2: {  	vm14 =	vlt.s32 v16, v23;
	vm8 =	vlt.s32 v14, v33;
	v63 =	vsel vm2, v5, v19  }
0xc3: {  	vm12 =	vlt.s32 v2, v34;
	v20 =	vsel vm3, v7, v1;
	vm3 =	vlt.s32 v27, v18  }
0xc4: {  	v1 =	vsel vm13, v28, v32;
	v9 =	vsel vm8, v33, v14;
	v21 =	vsel vm8, v14, v33  }
0xc5: {  	v2 =	vsel vm12, v2, v34;
	v18 =	vsel vm3, v27, v18;
	v27 =	vsel vm13, v32, v28  }
0xc6: {  	vm3 =	vlt.s32 v8, v31;
	vm13 =	vlt.s32 v25, v26;
	vm2 =	vlt.s32 v20, v9  }
0xc7: {  	v7 =	vsel vm3, v31, v8;
	v8 =	vsel vm3, v8, v31;
	v19 =	vsel vm2, v20, v9  }
0xc8: {  	v20 =	vsel vm13, v26, v25;
	vm2 =	vlt.s32 v29, v30;
	vm3 =	vlt.s32 v2, v7  }
0xc9: {  	v5 =	vsel vm13, v25, v26;
	v7 =	vsel vm3, v2, v7;
	v2 =	vsel vm2, v30, v29  }
0xca: {  	vm13 =	vlt.s32 v4, v17;
	v9 =	vsel vm2, v29, v30;
	vm2 =	vlt.s32 v24, v2  }
0xcb: {  	v25 =	vsel vm14, v23, v16;
	v14 =	vsel vm2, v24, v2;
	vm2 =	vlt.s32 v63, v27  }
0xcc: {  	s1 =	simm.s32 $0x830;
	s0 =	simm.s32 $0x820;
	vm12 =	vlt.s32 v18, v20;
	v24 =	vsel vm13, v17, v4;
	v2 =	vsel vm2, v63, v27  }
.LBB2_4:
0xcd: {  	v26 =	vld [tilespmem:s1+$0xFFFFFFF0];
	p1 =	sne.s32 s0, $0xFE0;
	v0 =	vsel vm10, v0, v10;
	v10 =	vsel vm14, v16, v23;
	vm2 =	vlt.s32 v6, v24;
	s2 =	smov.u32 s0;
	s0 =	sadd.s32 $0x20, s0  }
0xce: {  	vm3 =	vlt.s32 v22, v25;
	v18 =	vsel vm12, v18, v20;
	v23 =	vld [tilespmem:s1+$0x0];
	vm8 =	vlt.s32 v0, v13  }
0xcf: {  	v20 =	vsel vm3, v22, v25;
	v6 =	vsel vm2, v6, v24;
	v0 =	vsel vm8, v0, v13  }
0xd0: {  	v4 =	vsel vm13, v4, v17;
	v11 =	vsel vm11, v11, v3;
	v3 =	vsel vm9, v12, v15;
	s3 =	sadd.s32 $0x10, s2  }
0xd1: {  	v13 =	vor.u32 s2, v50;
	v22 =	vor.u32 s3, v50  }
0xd2: {  	vm2 =	veq.s32 v26, v35;
	vm3 =	veq.s32 v26, v36;
	vm8 =	veq.s32 v26, v40  }
0xd3: {  	vm11 =	veq.s32 v26, v38;
	vm10 =	veq.s32 v26, v39;
	vm9 =	veq.s32 v23, v40  }
0xd4: {  	vm14 =	vlt.s32 v3, v13;
	vm12 =	veq.s32 v26, v42;
	vm13 =	veq.s32 v26, v43  }
0xd5: {  	v12 =	vsel vm14, v3, v13;
	v16 =	vnsel vm3, $0x7FFFFFFF, v13;
	v17 =	vnsel vm12, $0x7FFFFFFF, v13  }
0xd6: {  	v24 =	vnsel vm11, $0x7FFFFFFF, v13;
	v12 =	vsel vm8, v3, v12;
	vm3 =	vlt.s32 v9, v17  }
0xd7: {  	vm11 =	veq.s32 v23, v42;
	vm8 =	vlt.s32 v10, v16;
	vm12 =	vlt.s32 v12, v22  }
0xd8: {  	vm14 =	vlt.s32 v4, v24;
	v25 =	vsel vm8, v16, v10;
	v15 =	vsel vm12, v12, v22  }
0xd9: {  	v16 =	vsel vm8, v10, v16;
	v10 =	vsel vm14, v24, v4;
	vm8 =	veq.s32 v23, v39  }
0xda: {  	v27 =	vnsel vm2, $0x7FFFFFFF, v13;
	v4 =	vsel vm14, v4, v24;
	vm2 =	vlt.s32 v6, v10  }
0xdb: {  	v28 =	vnsel vm13, $0x7FFFFFFF, v13;
	v24 =	vsel vm3, v17, v9;
	v3 =	vnsel vm8, $0x7FFFFFFF, v22  }
0xdc: {  	v9 =	vsel vm3, v9, v17;
	vm3 =	vlt.s32 v1, v28;
	vm8 =	veq.s32 v23, v37  }
0xdd: {  	v17 =	vnsel vm10, $0x7FFFFFFF, v13;
	v6 =	vsel vm2, v6, v10;
	vm2 =	vlt.s32 v14, v24  }
0xde: {  	vm10 =	vlt.s32 v11, v17;
	v14 =	vsel vm2, v14, v24;
	v24 =	vnsel vm11, $0x7FFFFFFF, v22  }
0xdf: {  	vm12 =	veq.s32 v23, v36;
	v10 =	vsel vm10, v17, v11;
	vm2 =	veq.s32 v23, v35  }
0xe0: {  	vm13 =	vlt.s32 v20, v25;
	v11 =	vsel vm10, v11, v17;
	vm11 =	veq.s32 v23, v43  }
0xe1: {  	vm14 =	veq.s32 v23, v41;
	v29 =	vsel vm3, v28, v1;
	vm10 =	vlt.s32 v0, v10  }
0xe2: {  	v28 =	vsel vm3, v1, v28;
	vm3 =	veq.s32 v23, v38;
	v30 =	vnsel vm14, $0x7FFFFFFF, v22  }
0xe3: {  	v31 =	vnsel vm8, $0x7FFFFFFF, v22;
	v17 =	vnsel vm3, $0x7FFFFFFF, v22;
	v32 =	vnsel vm11, $0x7FFFFFFF, v22  }
0xe4: {  	vm3 =	veq.s32 v26, v37;
	vm8 =	veq.s32 v26, v41;
	vm11 =	vlt.s32 v11, v3  }
0xe5: {  	v1 =	vnsel vm3, $0x7FFFFFFF, v13;
	v26 =	vnsel vm8, $0x7FFFFFFF, v13;
	v13 =	vsel vm11, v3, v11  }
0xe6: {  	vm3 =	vlt.s32 v8, v1;
	vm8 =	vlt.s32 v5, v26;
	v33 =	vnsel vm2, $0x7FFFFFFF, v22  }
0xe7: {  	v23 =	vnsel vm12, $0x7FFFFFFF, v22;
	vm2 =	vlt.s32 v21, v27;
	v34 =	vsel vm3, v1, v8  }
0xe8: {  	v22 =	vsel vm13, v20, v25;
	v8 =	vsel vm3, v8, v1;
	v20 =	vsel vm8, v26, v5  }
0xe9: {  	v1 =	vsel vm2, v27, v21;
	v21 =	vsel vm2, v21, v27;
	vm2 =	vlt.s32 v2, v29  }
0xea: {  	vm13 =	vlt.s32 v28, v32;
	vm3 =	vlt.s32 v19, v1;
	vm12 =	vlt.s32 v7, v34  }
0xeb: {  	v19 =	vsel vm3, v19, v1;
	vm3 =	vlt.s32 v18, v20;
	v1 =	vsel vm13, v28, v32  }
0xec: {  	v27 =	vsel vm13, v32, v28;
	v7 =	vsel vm12, v7, v34;
	v18 =	vsel vm3, v18, v20  }
0xed: {  	vm14 =	vlt.s32 v16, v23;
	v5 =	vsel vm8, v5, v26;
	vm3 =	vlt.s32 v8, v31  }
0xee: {  	vm8 =	vlt.s32 v21, v33;
	v20 =	vsel vm3, v31, v8;
	v8 =	vsel vm3, v8, v31  }
0xef: {  	v25 =	vsel vm8, v33, v21;
	vm13 =	vlt.s32 v5, v30;
	vm3 =	vlt.s32 v7, v20  }
0xf0: {  	v2 =	vsel vm2, v2, v29;
	vm2 =	vlt.s32 v19, v25;
	v7 =	vsel vm3, v7, v20  }
.Ltmp3:
0xf1: {  	v19 =	vsel vm2, v19, v25;
	vm2 =	vlt.s32 v9, v24;
	v20 =	vsel vm13, v30, v5;
	(pc) =	sbr.rel @p1 .LBB2_4-.Ltmp3, $4  }
0xf2: {  	v25 =	vsel vm2, v24, v9;
	v9 =	vsel vm2, v9, v24;
	vm12 =	vlt.s32 v18, v20  }
0xf3: {  	v21 =	vsel vm8, v21, v33;
	v5 =	vsel vm13, v5, v30;
	vm2 =	vlt.s32 v14, v25  }
0xf4: {  	vm13 =	vlt.s32 v4, v17;
	v14 =	vsel vm2, v14, v25;
	vm2 =	vlt.s32 v2, v27  }
0xf5: {  	s1 =	sadd.s32 $0x20, s1;
	v25 =	vsel vm14, v23, v16;
	v24 =	vsel vm13, v17, v4;
	v2 =	vsel vm2, v2, v27  }
0xf6: {  	v12 =	vsel vm9, v12, v15  }
0xf7: {  	_ =	strace $0x90000049;
	v12 =	vxor.u32 $0x80000000, v12  }
0xf8: {  	v32 =	vxor.u32 $0x80000000, v21;
	(xrf0) =	vmin.scan.msk.u32 $0xffff, v12  }
0xf9: {  	(xrf0) =	vmin.scan.msk.u32 $0xffff, v32;
	_ =	sdelay $0x4  }
0xfa: {  	v33, _, _ =	vpop (xrf0)  }
0xfb: {  	(v2sf) =	vpush v33, $0xF;
	v34, _, _ =	vpop (xrf0)  }
0xfc: {  	(v2sf) =	vpush v34, $0xF;
	_ =	sdelay $0xd  }
0xfd: {  	s0 =	spop (v2sf)  }
0xfe: {  	s1 =	spop (v2sf)  }
0xff: {  	s1 =	sxor.u32 $0x80000000, s1  }
0x100: {  	vm2 =	veq.s32 v21, s1  }
0x101: {  	v12 =	vsel vm2, $0xFFFFFFFF, v32  }
0x102: {  	v35 =	vsel vm14, v16, v23;
	v36 =	vxor.u32 $0x80000000, v19;
	(xrf0) =	vmin.scan.msk.u32 $0xffff, v12  }
0x103: {  	v37 =	vxor.u32 $0x80000000, v35;
	(xrf0) =	vmin.scan.msk.u32 $0xffff, v36  }
0x104: {  	(xrf0) =	vmin.scan.msk.u32 $0xffff, v37;
	_ =	sdelay $0x3  }
0x105: {  	v38, _, _ =	vpop (xrf0)  }
0x106: {  	(v2sf) =	vpush v38, $0xF;
	v39, _, _ =	vpop (xrf0)  }
0x107: {  	(v2sf) =	vpush v39, $0xF;
	v41, _, _ =	vpop (xrf0)  }
0x108: {  	(v2sf) =	vpush v41, $0xF;
	_ =	sdelay $0xc  }
0x109: {  	s12 =	spop (v2sf)  }
0x10a: {  	s13 =	spop (v2sf)  }
0x10b: {  	s2 =	spop (v2sf)  }
0x10c: {  	s2 =	sxor.u32 $0x80000000, s2  }
0x10d: {  	vm2 =	vlt.s32 v22, v25;
	vm3 =	veq.s32 v35, s2  }
0x10e: {  	v42 =	vsel vm2, v22, v25;
	v12 =	vsel vm3, $0xFFFFFFFF, v37  }
0x10f: {  	v43 =	vxor.u32 $0x80000000, v42;
	(xrf0) =	vmin.scan.msk.u32 $0xffff, v12  }
0x110: {  	v48 =	vxor.u32 $0x80000000, v8;
	(xrf0) =	vmin.scan.msk.u32 $0xffff, v43  }
0x111: {  	(xrf0) =	vmin.scan.msk.u32 $0xffff, v48;
	_ =	sdelay $0x3  }
0x112: {  	v49, _, _ =	vpop (xrf0)  }
0x113: {  	(v2sf) =	vpush v49, $0xF;
	v53, _, _ =	vpop (xrf0)  }
0x114: {  	(v2sf) =	vpush v53, $0xF;
	v57, _, _ =	vpop (xrf0)  }
0x115: {  	(v2sf) =	vpush v57, $0xF;
	_ =	sdelay $0xc  }
0x116: {  	s30 =	spop (v2sf)  }
0x117: {  	s15 =	spop (v2sf)  }
0x118: {  	s3 =	spop (v2sf)  }
0x119: {  	s31 =	sxor.u32 $0x80000000, s3  }
0x11a: {  	vm2 =	veq.s32 v8, s31  }
0x11b: {  	v8 =	vsel vm2, $0xFFFFFFFF, v48  }
0x11c: {  	v4 =	vsel vm13, v4, v17;
	v7 =	vxor.u32 $0x80000000, v7;
	(xrf0) =	vmin.scan.msk.u32 $0xffff, v8  }
0x11d: {  	v58 =	vxor.u32 $0x80000000, v4;
	(xrf0) =	vmin.scan.msk.u32 $0xffff, v7  }
0x11e: {  	(xrf0) =	vmin.scan.msk.u32 $0xffff, v58;
	_ =	sdelay $0x3  }
0x11f: {  	v8, _, _ =	vpop (xrf0)  }
0x120: {  	(v2sf) =	vpush v8, $0xF;
	v8, _, _ =	vpop (xrf0)  }
0x121: {  	(v2sf) =	vpush v8, $0xF;
	v8, _, _ =	vpop (xrf0)  }
0x122: {  	(v2sf) =	vpush v8, $0xF;
	_ =	sdelay $0xc  }
0x123: {  	s16 =	spop (v2sf)  }
0x124: {  	s17 =	spop (v2sf)  }
0x125: {  	s20 =	spop (v2sf)  }
0x126: {  	s3 =	sxor.u32 $0x80000000, s20  }
0x127: {  	vm2 =	vlt.s32 v6, v24;
	vm3 =	veq.s32 v4, s3  }
0x128: {  	v4 =	vsel vm2, v6, v24;
	v59 =	vsel vm3, $0xFFFFFFFF, v58  }
0x129: {  	v3 =	vsel vm11, v11, v3;
	v4 =	vxor.u32 $0x80000000, v4;
	(xrf0) =	vmin.scan.msk.u32 $0xffff, v59  }
0x12a: {  	(xrf0) =	vmin.scan.msk.u32 $0xffff, v4;
	v4 =	vxor.u32 $0x80000000, v3  }
0x12b: {  	(xrf0) =	vmin.scan.msk.u32 $0xffff, v4;
	_ =	sdelay $0x3  }
0x12c: {  	v6, _, _ =	vpop (xrf0)  }
0x12d: {  	(v2sf) =	vpush v6, $0xF;
	v60, _, _ =	vpop (xrf0)  }
0x12e: {  	(v2sf) =	vpush v60, $0xF;
	v61, _, _ =	vpop (xrf0)  }
0x12f: {  	(v2sf) =	vpush v61, $0xF;
	_ =	sdelay $0xc  }
0x130: {  	s20 =	spop (v2sf)  }
0x131: {  	s25 =	spop (v2sf)  }
0x132: {  	s4 =	spop (v2sf)  }
0x133: {  	v0 =	vsel vm10, v0, v10;
	s22 =	sxor.u32 $0x80000000, s4  }
0x134: {  	vm2 =	vlt.s32 v0, v13;
	vm3 =	veq.s32 v3, s22  }
0x135: {  	v0 =	vsel vm2, v0, v13;
	v3 =	vsel vm3, $0xFFFFFFFF, v4  }
0x136: {  	v0 =	vxor.u32 $0x80000000, v0;
	(xrf0) =	vmin.scan.msk.u32 $0xffff, v3  }
0x137: {  	(xrf0) =	vmin.scan.msk.u32 $0xffff, v0;
	v0 =	vxor.u32 $0x80000000, v5  }
0x138: {  	(xrf0) =	vmin.scan.msk.u32 $0xffff, v0;
	_ =	sdelay $0x3  }
0x139: {  	v3, _, _ =	vpop (xrf0)  }
0x13a: {  	(v2sf) =	vpush v3, $0xF;
	v3, _, _ =	vpop (xrf0)  }
0x13b: {  	(v2sf) =	vpush v3, $0xF;
	v3, _, _ =	vpop (xrf0)  }
0x13c: {  	(v2sf) =	vpush v3, $0xF;
	_ =	sdelay $0xc  }
0x13d: {  	s26 =	spop (v2sf)  }
0x13e: {  	s28 =	spop (v2sf)  }
0x13f: {  	s21 =	spop (v2sf)  }
0x140: {  	s10 =	sxor.u32 $0x80000000, s21  }
0x141: {  	vm2 =	veq.s32 v5, s10  }
0x142: {  	v3 =	vsel vm12, v18, v20;
	v0 =	vsel vm2, $0xFFFFFFFF, v0  }
0x143: {  	(xrf0) =	vmin.scan.msk.u32 $0xffff, v0;
	v0 =	vxor.u32 $0x80000000, v3  }
0x144: {  	(xrf0) =	vmin.scan.msk.u32 $0xffff, v0;
	v0 =	vxor.u32 $0x80000000, v9  }
0x145: {  	(xrf0) =	vmin.scan.msk.u32 $0xffff, v0;
	_ =	sdelay $0x3  }
0x146: {  	v3, _, _ =	vpop (xrf0)  }
0x147: {  	(v2sf) =	vpush v3, $0xF;
	v3, _, _ =	vpop (xrf0)  }
0x148: {  	(v2sf) =	vpush v3, $0xF;
	v3, _, _ =	vpop (xrf0)  }
0x149: {  	(v2sf) =	vpush v3, $0xF;
	_ =	sdelay $0xc  }
0x14a: {  	s4 =	spop (v2sf)  }
0x14b: {  	s18 =	spop (v2sf)  }
0x14c: {  	s11 =	spop (v2sf)  }
0x14d: {  	s11 =	sxor.u32 $0x80000000, s11  }
0x14e: {  	vm2 =	veq.s32 v9, s11  }
0x14f: {  	v0 =	vsel vm2, $0xFFFFFFFF, v0  }
0x150: {  	(xrf0) =	vmin.scan.msk.u32 $0xffff, v0;
	v0 =	vxor.u32 $0x80000000, v14  }
0x151: {  	(xrf0) =	vmin.scan.msk.u32 $0xffff, v0;
	v0 =	vxor.u32 $0x80000000, v1  }
0x152: {  	(xrf0) =	vmin.scan.msk.u32 $0xffff, v0;
	_ =	sdelay $0x3  }
0x153: {  	v3, _, _ =	vpop (xrf0)  }
0x154: {  	(v2sf) =	vpush v3, $0xF;
	v3, _, _ =	vpop (xrf0)  }
0x155: {  	(v2sf) =	vpush v3, $0xF;
	v3, _, _ =	vpop (xrf0)  }
0x156: {  	(v2sf) =	vpush v3, $0xF;
	_ =	sdelay $0xc  }
0x157: {  	s19 =	spop (v2sf)  }
0x158: {  	s9 =	spop (v2sf)  }
0x159: {  	s14 =	spop (v2sf)  }
0x15a: {  	s14 =	sxor.u32 $0x80000000, s14  }
0x15b: {  	vm2 =	veq.s32 v1, s14  }
0x15c: {  	v0 =	vsel vm2, $0xFFFFFFFF, v0  }
0x15d: {  	(xrf0) =	vmin.scan.msk.u32 $0xffff, v0;
	v0 =	vxor.u32 $0x80000000, v2  }
0x15e: {  	(xrf0) =	vmin.scan.msk.u32 $0xffff, v0;
	_ =	sdelay $0x4  }
0x15f: {  	v0, _, _ =	vpop (xrf0)  }
0x160: {  	(v2sf) =	vpush v0, $0xF;
	v0, _, _ =	vpop (xrf0)  }
0x161: {  	(v2sf) =	vpush v0, $0xF;
	_ =	sdelay $0x2  }
0x162: {  	s21 =	sxor.u32 $0x80000000, s12;
	s12 =	sxor.u32 $0x80000000, s13  }
0x163: {  	p1 =	slt.s32 s21, s12  }
0x164: {  	s13 =	sxor.u32 $0x80000000, s15;
	s12 =	smov.u32 @p1 s21;
	s21 =	sxor.u32 $0x80000000, s30;
	vm2 =	veq.s32 v50, $0x8;
	v0 =	vmov s1  }
0x165: {  	s16 =	sxor.u32 $0x80000000, s16;
	s15 =	sxor.u32 $0x80000000, s17;
	p1 =	slt.s32 s21, s13;
	v0 =	vsel vm2, s12, v0  }
0x166: {  	s13 =	smov.u32 @p1 s21;
	p1 =	slt.s32 s16, s15;
	vm2 =	veq.s32 v50, $0x9;
	v0 =	vsel vm1, s2, v0  }
0x167: {  	vm3 =	vcmask $0xB08;
	s17 =	sxor.u32 $0x80000000, s20;
	s15 =	smov.u32 @p1 s16;
	s16 =	sxor.u32 $0x80000000, s25;
	v0 =	vsel vm2, s13, v0  }
0x168: {  	p1 =	slt.s32 s17, s16;
	vm2 =	veq.s32 v50, $0xA;
	v0 =	vsel vm3, s31, v0  }
0x169: {  	vm8 =	vcmask $0xF0C;
	s20 =	sxor.u32 $0x80000000, s26;
	s16 =	smov.u32 @p1 s17;
	s17 =	sxor.u32 $0x80000000, s28;
	v0 =	vsel vm2, s15, v0  }
0x16a: {  	p1 =	slt.s32 s20, s17;
	s4 =	sxor.u32 $0x80000000, s4;
	s18 =	sxor.u32 $0x80000000, s18;
	vm2 =	veq.s32 v50, $0xB;
	v0 =	vsel vm8, s3, v0  }
0x16b: {  	s17 =	smov.u32 @p1 s20;
	p1 =	slt.s32 s4, s18;
	v0 =	vsel vm2, s16, v0  }
0x16c: {  	s18 =	smov.u32 @p1 s4;
	vm2 =	veq.s32 v50, $0xC;
	v0 =	vsel vm4, s22, v0  }
0x16d: {  	s4 =	sxor.u32 $0x80000000, s19;
	s9 =	sxor.u32 $0x80000000, s9;
	v0 =	vsel vm2, s17, v0;
	s28 =	spop (v2sf)  }
0x16e: {  	p1 =	slt.s32 s4, s9;
	vm2 =	veq.s32 v50, $0xD;
	v0 =	vsel vm5, s10, v0;
	s30 =	spop (v2sf)  }
0x16f: {  	s9 =	smov.u32 @p1 s4;
	v0 =	vsel vm2, s18, v0;
	s4 =	sxor.u32 $0x80000000, s28;
	s19 =	sxor.u32 $0x80000000, s30  }
0x170: {  	vm2 =	veq.s32 v50, $0xE;
	v0 =	vsel vm6, s11, v0;
	p1 =	slt.s32 s4, s19  }
0x171: {  	v0 =	vsel vm2, s9, v0;
	s19 =	smov.u32 @p1 s4  }
0x172: {  	vm2 =	veq.s32 v50, $0xF;
	v0 =	vsel vm7, s14, v0;
	p1 =	slt.s32 s19, $0xFFF  }
0x173: {  	v0 =	vsel vm2, s19, v0;
	s19 =	simm.s32 @!p1 $0xFFF;
	p1 =	slt.s32 s1, $0xFFF  }
0x174: {  	vm2 =	vcmask $0x300;
	v1 =	vmov s19;
	s1 =	simm.s32 @!p1 $0xFFF;
	p1 =	slt.s32 s12, $0xFFF  }
0x175: {  	v1 =	vsel vm2, s1, v1;
	s12 =	simm.s32 @!p1 $0xFFF;
	p1 =	slt.s32 s2, $0xFFF  }
0x176: {  	v1 =	vsel vm1, s12, v1;
	s2 =	simm.s32 @!p1 $0xFFF;
	p1 =	slt.s32 s13, $0xFFF  }
0x177: {  	v1 =	vsel vm3, s2, v1;
	s13 =	simm.s32 @!p1 $0xFFF;
	p1 =	slt.s32 s31, $0xFFF  }
0x178: {  	v1 =	vsel vm8, s13, v1;
	s31 =	simm.s32 @!p1 $0xFFF;
	p1 =	slt.s32 s15, $0xFFF  }
0x179: {  	v1 =	vsel vm4, s31, v1;
	s15 =	simm.s32 @!p1 $0xFFF;
	p1 =	slt.s32 s3, $0xFFF  }
0x17a: {  	v1 =	vsel vm5, s15, v1;
	s3 =	simm.s32 @!p1 $0xFFF;
	p1 =	slt.s32 s16, $0xFFF  }
0x17b: {  	v1 =	vsel vm6, s3, v1;
	s16 =	simm.s32 @!p1 $0xFFF;
	p1 =	slt.s32 s22, $0xFFF  }
0x17c: {  	vm2 =	vcmask $0x2320;
	v1 =	vsel vm7, s16, v1;
	s22 =	simm.s32 @!p1 $0xFFF;
	p1 =	slt.s32 s17, $0xFFF  }
0x17d: {  	v1 =	vsel vm2, s22, v1;
	s17 =	simm.s32 @!p1 $0xFFF;
	p1 =	slt.s32 s10, $0xFFF;
	vm2 =	vcmask $0x2724  }
0x17e: {  	v1 =	vsel vm2, s17, v1;
	s10 =	simm.s32 @!p1 $0xFFF;
	p1 =	slt.s32 s18, $0xFFF;
	vm2 =	vcmask $0x2B28  }
0x17f: {  	v1 =	vsel vm2, s10, v1;
	s18 =	simm.s32 @!p1 $0xFFF;
	p1 =	slt.s32 s11, $0xFFF;
	vm2 =	vcmask $0x2F2C  }
0x180: {  	v1 =	vsel vm2, s18, v1;
	s11 =	simm.s32 @!p1 $0xFFF;
	p1 =	slt.s32 s9, $0xFFF;
	vm2 =	vcmask $0x3330  }
0x181: {  	v1 =	vsel vm2, s11, v1;
	s9 =	simm.s32 @!p1 $0xFFF;
	p1 =	slt.s32 s14, $0xFFF;
	vm2 =	vcmask $0x3734  }
0x182: {  	s14 =	simm.s32 @!p1 $0xFFF;
	v1 =	vsel vm2, s9, v1;
	vm2 =	vcmask $0x3B38  }
0x183: {  	_ =	strace $0x8000004A;
	s4 =	simm.s32 $0x10;
	v1 =	vsel vm2, s14, v1  }
0x184: {  	s19 =	simm.s32 $0x3000;
	s3 =	rddreg [dreg:$0xa];
	s18 =	simm.s32 $0x5440;
	[tilespmem:$0x5440] =	vst v1  }
0x185: {  	[tilespmem:s19], [sflag:$0x3] =	stream.indirect.gather [hbm4b:s3+s4], $0x20, s18, s4, $0x2000b8;
	[tilespmem:$0x5C88] =	vst v63  }
0x186: {  	s0 =	sxor.u32 $0x80000000, s0;
	s21 =	simm.s32 $0x5460;
	s20 =	rddreg [dreg:$0xd];
	[tilespmem:$0x5460] =	vst v0  }
0x187: {  	v0 =	vmov s0;
	[spmem:s20] =	stream.linear.scatter [tilespmem:s21], [sflag:$0x7], $0x10, $0x200038;
	[tilespmem:$0x5C88] =	vst v63  }
0x188: {  	vm2 =	vlt.s32 @!p0 v0, $0xFFF;
	_ =	swait.ge [sflag:s6], $0x10  }
0x189: {  	v1 =	vnsel @!p0 vm2, $0xFFF, v0;
	vm2 =	vcmask @!p0 $0x308;
	[sflag:s6] =	ssyncset.done $0x0  }
0x18a: {  	v1 =	vsel @!p0 vm2, $0x0, v1;
	[sflag:s6] =	ssyncadd.s32 $0xFFFFFFF0  }
0x18b: {  	s1 =	simm.s32 @!p0 $0x5450;
	s2 =	simm.s32 @!p0 $0x3200;
	s0 =	simm.s32 @!p0 $0x10;
	[tilespmem:$0x5450] =	vst @!p0 v1  }
0x18c: {  	[tilespmem:s2], [sflag:$0x4] =	stream.indirect.gather @!p0 [hbm4b:s3+s0], $0x20, s1, s0, $0x2000b8;
	[tilespmem:$0x5C88] =	vst v63  }
0x18d: {  	s0 =	simm.s32 @!p0 $0x4  }
0x18e: {  	_ =	swait.ge @!p0 [sflag:s0], $0x200  }
0x18f: {  	[sflag:s0] =	ssyncset.done @!p0 $0x0  }
0x190: {  	[sflag:s0] =	ssyncadd.s32 @!p0 $0xFFFFFE00;
	s0 =	rddreg [dreg:$0xe]  }
0x191: {  	[spmem:s0] =	stream.linear.scatter @!p0 [tilespmem:s2], [sflag:$0x7], $0x40, $0x200038;
	[tilespmem:$0x5C88] =	vst v63  }
0x192: {  	s0 =	simm.s32 @!p0 $0x7  }
0x193: {  	_ =	swait.ge @!p0 [sflag:s0], $0x40  }
0x194: {  	[sflag:s0] =	ssyncset.done @!p0 $0x0  }
0x195: {  	s22 =	simm.s32 $0x3;
	[sflag:s0] =	ssyncadd.s32 @!p0 $0xFFFFFFC0  }
0x196: {  	_ =	swait.ge [sflag:s22], $0x200  }
0x197: {  	[sflag:s22] =	ssyncset.done $0x0  }
0x198: {  	s25 =	rddreg [dreg:$0xf];
	[sflag:s22] =	ssyncadd.s32 $0xFFFFFE00  }
0x199: {  	[spmem:s25] =	stream.linear.scatter [tilespmem:s19], [sflag:$0x7], $0x200, $0x200038;
	[tilespmem:$0x5C88] =	vst v63  }
0x19a: {  	_ =	swait.ge [sflag:s6], $0x200  }
0x19b: {  	[sflag:s6] =	ssyncset.done $0x0  }
0x19c: {  	[sflag:s6] =	ssyncadd.s32 $0xFFFFFE00  }
0x19d: {  	[bflag:$0x0] =	sbarrier.arrive $0xFFFF  }
0x19e: {  	s26 =	rddreg [dreg:$0x4]  }
0x19f: {  	[tilespmem:s5], [sflag:$0x7] =	stream.linear.gather [spmem:s26], $0x100, $0x200038;
	[tilespmem:$0x5C88] =	vst v63  }
0x1a0: {  	_ =	swait.ge [sflag:s6], $0x100  }
0x1a1: {  	[sflag:s6] =	ssyncset.done $0x0  }
0x1a2: {  	[sflag:s6] =	ssyncadd.s32 $0xFFFFFF00  }
0x1a3: {  	s28 =	rddreg [dreg:$0x5]  }
0x1a4: {  	[tilespmem:s7], [sflag:$0x7] =	stream.linear.gather [spmem:s28], $0x2040, $0x200038;
	[tilespmem:$0x5C88] =	vst v63  }
0x1a5: {  	_ =	swait.ge [sflag:s6], $0x2040  }
0x1a6: {  	[sflag:s6] =	ssyncset.done $0x0  }
0x1a7: {  	[sflag:s6] =	ssyncadd.s32 $0xFFFFDFC0  }
0x1a8: {  	_ =	strace $0x9000004A  }
0x1a9: {  	s30 =	simm.s32 $0x1;
	_ =	strace $0x8000004B  }
0x1aa: {  	_ =	swait.ge [sflag:s30], $0x1000  }
0x1ab: {  	[sflag:s30] =	ssyncset.done $0x0  }
0x1ac: {  	s31 =	simm.s32 $0x0;
	[sflag:s30] =	ssyncadd.s32 $0xFFFFF000  }
0x1ad: {  	v1 =	vld.idx.msk [tilespmem:v46+s31+$0x0 ss:$0x1], $0xffff;
	_ =	sdelay $0x4  }
0x1ae: {  	v2 =	vshll.u32 v1, $0x1  }
0x1af: {  	v3 =	vand.u32 $0x7, v1;
	v4 =	vand.u32 $0xFFFFFFF0, v2  }
0x1b0: {  	v3 =	vor.u32 v3, v4  }
0x1b1: {  	v4 =	vor.u32 $0x8, v3;
	_ =	sdelay $0x3  }
0x1b2: {  	v3 =	vld.idx.msk [tilespmem:v3+s5+$0x0], $0xffff  }
0x1b3: {  	v4 =	vld.idx.msk [tilespmem:v4+s5+$0x0], $0xffff;
	_ =	sdelay $0x1  }
0x1b4: {  	s2 =	rddreg [dreg:$0x16]  }
0x1b5: {  	v5 =	vor.u32 s2, v50  }
0x1b6: {  	vm10 =	vne.s32 v0, $0x7FFFFFFF;
	vm3 =	veq.s32 v3, v5  }
0x1b7: {  	vm2 =	veq.s32 v1, v40;
	v1 =	vsel vm3, v4, v3;
	vm8 =	vne.s32 v4, $0x7FFFFFFF  }
0x1b8: {  	v3 =	vsel vm3, $0x1, v44;
	v4 =	vsel vm2, $0x101, v45;
	vm3 =	vmand vm10, vm8  }
0x1b9: {  	[tilespmem:s31+$0x55F0] =	vst v4;
	v4 =	vnsel vm2, $0x0, v0;
	v2 =	vor.u32 v3, v2;
	v1 =	vsel vm3, v1, v5  }
0x1ba: {  	v3 =	vsel vm3, v4, v5;
	[tilespmem:s31+$0x5570] =	vst v2;
	v2 =	vsel vm3, $0x1, v44  }
0x1bb: {  	s0 =	simm.s32 $0x10;
	[tilespmem:s31+$0x5670] =	vst v2  }
0x1bc: {  	v4 =	vld.idx.msk [tilespmem:v46+s0+$0x0 ss:$0x1], $0xffff  }
0x1bd: {  	v2 =	vld.idx.msk [tilespmem:v47+s31+$0x0 ss:$0x1], $0xffff  }
0x1be: {  	v5 =	vld.idx.msk [tilespmem:v1+s23+$0x0], $0xffff  }
0x1bf: {  	v3 =	vld.idx.msk [tilespmem:v3+s23+$0x0], $0xffff;
	_ =	sdelay $0x2  }
0x1c0: {  	v1 =	vshll.u32 v4, $0x1  }
0x1c1: {  	v62 =	vand.u32 $0x7, v4;
	v63 =	vand.u32 $0xFFFFFFF0, v1  }
0x1c2: {  	vm2 =	veq.s32 v2, v5;
	vm3 =	vne.s32 v2, v3;
	v2 =	vor.u32 v62, v63  }
0x1c3: {  	v10 =	vimm.s32 $0x0;
	v5 =	vsel vm2, $0x1, v44;
	v3 =	vor.u32 $0x8, v2  }
0x1c4: {  	s1 =	simm.s32 $0x80;
	vm11 =	veq.s32 v4, v40;
	vm9 =	vmand vm2, vm3;
	v9 =	vadd.s32 v5, v10  }
.LBB2_6:
0x1c5: {  	p1 =	sne.s32 s1, $0x1C0  }
0x1c6: {  	v4 =	vsel vm9, $0x1, v44;
	s2 =	sadd.s32 $0x10, s2;
	s3 =	smov.u32 s1;
	s1 =	sadd.s32 $0x40, s1  }
0x1c7: {  	v2 =	vld.idx.msk [tilespmem:v2+s5+$0x0], $0xffff;
	v10 =	vadd.s32 v4, v10  }
0x1c8: {  	v4 =	vsel vm11, $0x101, v45;
	v3 =	vld.idx.msk [tilespmem:v3+s5+$0x0], $0xffff  }
0x1c9: {  	[tilespmem:s0+$0x55F0] =	vst v4;
	_ =	sdelay $0x2  }
0x1ca: {  	v4 =	vor.u32 s2, v50  }
0x1cb: {  	vm2 =	veq.s32 v2, v4  }
0x1cc: {  	v2 =	vsel vm2, v3, v2;
	vm3 =	vne.s32 v3, $0x7FFFFFFF;
	v3 =	vsel vm2, $0x1, v44  }
0x1cd: {  	v5 =	vnsel vm11, $0x0, v0;
	vm2 =	vmand vm10, vm3;
	v1 =	vor.u32 v3, v1  }
0x1ce: {  	v2 =	vsel vm2, v2, v4;
	v3 =	vsel vm2, v5, v4;
	[tilespmem:s0+$0x5570] =	vst v1;
	v1 =	vsel vm2, $0x1, v44  }
0x1cf: {  	s3 =	sshra.s32 s3, $0x2;
	[tilespmem:s0+$0x5670] =	vst v1  }
0x1d0: {  	v4 =	vld.idx.msk [tilespmem:v46+s3+$0x0 ss:$0x1], $0xffff  }
0x1d1: {  	v5 =	vld.idx.msk [tilespmem:v47+s0+$0x0 ss:$0x1], $0xffff;
	s0 =	smov.u32 s3;
	_ =	sdelay $0x1  }
0x1d2: {  	v6 =	vld.idx.msk [tilespmem:v2+s23+$0x0], $0xffff  }
0x1d3: {  	v7 =	vld.idx.msk [tilespmem:v3+s23+$0x0], $0xffff;
	_ =	sdelay $0x1  }
0x1d4: {  	v1 =	vshll.u32 v4, $0x1;
	vm11 =	veq.s32 v4, v40  }
.Ltmp4:
0x1d5: {  	v2 =	vand.u32 $0x7, v4;
	v3 =	vand.u32 $0xFFFFFFF0, v1;
	(pc) =	sbr.rel @p1 .LBB2_6-.Ltmp4, $4  }
0x1d6: {  	v2 =	vor.u32 v2, v3  }
0x1d7: {  	v3 =	vor.u32 $0x8, v2;
	vm2 =	veq.s32 v5, v6  }
0x1d8: {  	vm3 =	vne.s32 v5, v7;
	v4 =	vsel vm2, $0x1, v44  }
0x1d9: {  	vm9 =	vmand vm2, vm3;
	v9 =	vadd.s32 v4, v9  }
0x1da: {  	_ =	sdelay $0x3  }
0x1db: {  	v2 =	vld.idx.msk [tilespmem:v2+s5+$0x0], $0xffff  }
0x1dc: {  	v3 =	vld.idx.msk [tilespmem:v3+s5+$0x0], $0xffff;
	_ =	sdelay $0x1  }
0x1dd: {  	s1 =	sadd.s32 $0x10, s2  }
0x1de: {  	v4 =	vor.u32 s1, v50  }
0x1df: {  	v5 =	vsel vm11, $0x101, v45;
	vm2 =	veq.s32 v2, v4  }
0x1e0: {  	vm3 =	vne.s32 v3, $0x7FFFFFFF;
	v2 =	vsel vm2, v3, v2;
	v3 =	vsel vm2, $0x1, v44  }
0x1e1: {  	v0 =	vnsel vm11, $0x0, v0;
	[tilespmem:s0+$0x55F0] =	vst v5;
	vm3 =	vmand vm10, vm3;
	v1 =	vor.u32 v3, v1  }
0x1e2: {  	v3 =	vsel vm3, v0, v4;
	v0 =	vsel vm3, $0x1, v44;
	[tilespmem:s0+$0x5570] =	vst v1  }
0x1e3: {  	[tilespmem:s0+$0x5670] =	vst v0  }
0x1e4: {  	v2 =	vsel vm3, v2, v4;
	v0 =	vld.idx.msk [tilespmem:v47+s0+$0x0 ss:$0x1], $0xffff;
	_ =	sdelay $0x4  }
0x1e5: {  	[tilespmem:$0x1FB50] =	vst v0;
	v0 =	vld.idx.msk [tilespmem:v2+s23+$0x0], $0xffff;
	_ =	sdelay $0x4  }
0x1e6: {  	[tilespmem:$0x1FB60] =	vst v0;
	v0 =	vld.idx.msk [tilespmem:v3+s23+$0x0], $0xffff;
	_ =	sdelay $0x4  }
0x1e7: {  	[tilespmem:$0x1FB80] =	vst v0;
	v0 =	vmul.u32 $0x20, v50  }
0x1e8: {  	_ =	strace $0x9000004B  }
0x1e9: {  	s25 =	simm.s32 $0x2;
	_ =	strace $0x8000004C;
	[tilespmem:$0x1FB00] =	vst v0  }
0x1ea: {  	_ =	swait.ge [sflag:s25], $0x1000  }
0x1eb: {  	v4 =	vld [tilespmem:$0x1FEC0]  }
0x1ec: {  	v7 =	vld [tilespmem:$0x1FE70];
	_ =	sdelay $0x3  }
0x1ed: {  	v25 =	vld [tilespmem:$0x1FDF0]  }
0x1ee: {  	s22 =	simm.s32 $0x0;
	v15 =	vsel vm15, v4, v7;
	v4 =	vld [tilespmem:$0x1FE80]  }
0x1ef: {  	v3 =	vmov s22  }
0x1f0: {  	v3 =	vshll.u32 v3, $0x5  }
0x1f1: {  	v18 =	vor.u32 v0, v3;
	v3 =	vld [tilespmem:$0x1FEA0]  }
0x1f2: {  	v5 =	vld [tilespmem:$0x1FE20]  }
0x1f3: {  	v21 =	vsel vm15, v4, v25;
	v4 =	vld [tilespmem:$0x1FF00];
	_ =	sdelay $0x3  }
0x1f4: {  	v6 =	vld [tilespmem:$0x1FE60];
	v20 =	vsel vm15, v3, v5  }
0x1f5: {  	v61 =	vcombine.low v20, v4;
	v4 =	vld [tilespmem:$0x1FE50];
	_ =	sdelay $0x4  }
0x1f6: {  	v6 =	vsel vm15, v4, v6;
	v4 =	vld [tilespmem:$0x1FEF0];
	_ =	sdelay $0x4  }
0x1f7: {  	v59 =	vcombine.low v21, v4;
	v4 =	vld [tilespmem:$0x1FE00]  }
0x1f8: {  	[sflag:s25] =	ssyncset.done $0x0;
	v13 =	vld [tilespmem:$0x1FEE0]  }
0x1f9: {  	s26 =	simm.s32 $0x5570;
	[sflag:s25] =	ssyncadd.s32 $0xFFFFF000  }
0x1fa: {  	s28 =	simm.s32 $0x55F0;
	v8 =	vld [tilespmem:s26+$0x0]  }
0x1fb: {  	v16 =	vld [tilespmem:s28+$0x0]  }
0x1fc: {  	v14 =	vsel vm15, v5, v4;
	v4 =	vld [tilespmem:$0x1FE30]  }
0x1fd: {  	v2 =	vcombine.low v6, v13;
	v6 =	vld [tilespmem:$0x1FED0];
	_ =	sdelay $0x1  }
0x1fe: {  	v62 =	vld [tilespmem:$0x1FE40]  }
0x1ff: {  	v3 =	vld [tilespmem:$0x1FF10]  }
0x200: {  	v23 =	vor.u32 v50, v18;
	v13 =	vshll.u32 v8, $0x5;
	v8 =	vld [tilespmem:$0x1FDD0];
	v12 =	vsel vm15, v7, v4  }
0x201: {  	v29 =	vadd.s32 $0x2, v50;
	v63 =	vcombine.low v12, v6;
	v12 =	vshll.u32 v16, $0x5;
	v16 =	vld [tilespmem:$0x1FE90]  }
0x202: {  	v53 =	vadd.s32 $0x5, v50;
	v22 =	vor.u32 v29, v18  }
0x203: {  	v28 =	vadd.s32 $0x1, v50;
	v33 =	vadd.s32 $0x4, v50;
	v34 =	vor.u32 v53, v18  }
0x204: {  	v24 =	vor.u32 v28, v18;
	v0 =	vcombine.low v62, v15;
	v32 =	vor.u32 v33, v13  }
0x205: {  	v60 =	vcombine.low v15, v3;
	v15 =	vld.idx.msk [tilespmem:v23+s24+$0x0], $0xffff;
	v36 =	vor.u32 v53, v13;
	v25 =	vsel vm15, v25, v8  }
0x206: {  	[tilespmem:$0x1FD00] =	vst v28;
	v23 =	vor.u32 v28, v12;
	v39 =	vcombine.low v25, v16;
	v25 =	vor.u32 v28, v13;
	v28 =	vld [tilespmem:$0x1FE10]  }
0x207: {  	v22 =	vld.idx.msk [tilespmem:v22+s24+$0x0], $0xffff;
	v11 =	vor.u32 v60, v18  }
0x208: {  	v34 =	vld.idx.msk [tilespmem:v34+s24+$0x0], $0xffff  }
0x209: {  	v32 =	vld.idx.msk [tilespmem:v32+s7+$0x0], $0xffff;
	v27 =	vor.u32 v50, v12  }
0x20a: {  	v36 =	vld.idx.msk [tilespmem:v36+s7+$0x0], $0xffff  }
0x20b: {  	v26 =	vor.u32 v50, v13;
	v42 =	vcombine.low v28, v20;
	v28 =	vld [tilespmem:$0x1FDE0]  }
0x20c: {  	v6 =	vld.idx.msk [tilespmem:v11+s24+$0x0], $0xffff  }
0x20d: {  	v30 =	vadd.s32 $0x3, v50;
	v46 =	vadd.s32 $0xF, v50;
	v11 =	vld [tilespmem:$0x1FEB0]  }
0x20e: {  	v45 =	vor.u32 $0x10, v50;
	v31 =	vor.u32 v33, v18;
	[tilespmem:$0x1FCF0] =	vst v33;
	v33 =	vor.u32 v33, v12;
	v27 =	vld.idx.msk [tilespmem:v27+s7+$0x0], $0xffff  }
0x20f: {  	v58 =	vadd.s32 $0xD, v50;
	v37 =	vadd.s32 $0xB, v50;
	v20 =	vld.idx.msk [tilespmem:v24+s24+$0x0], $0xffff;
	v24 =	vor.u32 v29, v13  }
0x210: {  	v49 =	vadd.s32 $0xC, v50;
	v43 =	vcombine.low v28, v21;
	v21 =	vld.idx.msk [tilespmem:v26+s7+$0x0], $0xffff;
	v26 =	vor.u32 v29, v12  }
0x211: {  	v57 =	vadd.s32 $0xA, v50;
	v38 =	vadd.s32 $0x7, v50;
	v25 =	vld.idx.msk [tilespmem:v25+s7+$0x0], $0xffff;
	v28 =	vor.u32 v30, v18  }
0x212: {  	v48 =	vadd.s32 $0x6, v50;
	v41 =	vadd.s32 $0x8, v50;
	[tilespmem:$0x1FCD0] =	vst v29;
	v23 =	vld.idx.msk [tilespmem:v23+s7+$0x0], $0xffff;
	v29 =	vor.u32 v30, v13  }
0x213: {  	v47 =	vadd.s32 $0xE, v50;
	v35 =	vor.u32 v48, v18;
	[tilespmem:$0x1FCE0] =	vst v30;
	v33 =	vld.idx.msk [tilespmem:v33+s7+$0x0], $0xffff;
	v30 =	vor.u32 v30, v12  }
0x214: {  	[tilespmem:$0x1FC50] =	vst v37;
	v62 =	vadd.s32 $0x9, v50;
	v3 =	vor.u32 v55, v18;
	v36 =	vsub.f32 v34, v36;
	v24 =	vld.idx.msk [tilespmem:v24+s7+$0x0], $0xffff  }
0x215: {  	v17 =	vor.u32 v61, v18;
	v19 =	vor.u32 v59, v18;
	v5 =	vor.u32 v52, v18;
	v26 =	vld.idx.msk [tilespmem:v26+s7+$0x0], $0xffff  }
0x216: {  	v36 =	vmul.f32 v36, v36;
	v4 =	vor.u32 v54, v18;
	v25 =	vsub.f32 v20, v25;
	v28 =	vld.idx.msk [tilespmem:v28+s24+$0x0], $0xffff  }
0x217: {  	v7 =	vor.u32 v51, v18;
	v40 =	vcombine.low v14, v11;
	v29 =	vld.idx.msk [tilespmem:v29+s7+$0x0], $0xffff;
	v21 =	vsub.f32 v15, v21  }
0x218: {  	v20 =	vsub.f32 v20, v23;
	v25 =	vmul.f32 v25, v25;
	v30 =	vld.idx.msk [tilespmem:v30+s7+$0x0], $0xffff;
	v15 =	vsub.f32 v15, v27  }
0x219: {  	v27 =	vld.idx.msk [tilespmem:v31+s24+$0x0], $0xffff;
	v31 =	vor.u32 v53, v12;
	v24 =	vsub.f32 v22, v24;
	v21 =	vmul.f32 v21, v21  }
0x21a: {  	v3 =	vld.idx.msk [tilespmem:v3+s24+$0x0], $0xffff;
	v23 =	vor.u32 v48, v13;
	v20 =	vmul.f32 v20, v20;
	v15 =	vmul.f32 v15, v15  }
0x21b: {  	v8 =	vld.idx.msk [tilespmem:v17+s24+$0x0], $0xffff;
	v24 =	vmul.f32 v24, v24;
	v21 =	vadd.f32 v25, v21;
	v25 =	vor.u32 v38, v13  }
0x21c: {  	v5 =	vld.idx.msk [tilespmem:v5+s24+$0x0], $0xffff;
	v15 =	vadd.f32 v20, v15;
	v22 =	vsub.f32 v22, v26;
	v26 =	vor.u32 v48, v12  }
0x21d: {  	v20 =	vld.idx.msk [tilespmem:v35+s24+$0x0], $0xffff;
	v29 =	vsub.f32 v28, v29;
	v28 =	vsub.f32 v28, v30;
	v30 =	vor.u32 v38, v18  }
0x21e: {  	v35 =	vor.u32 v38, v12;
	v31 =	vld.idx.msk [tilespmem:v31+s7+$0x0], $0xffff;
	v32 =	vsub.f32 v27, v32;
	v27 =	vsub.f32 v27, v33  }
0x21f: {  	v23 =	vld.idx.msk [tilespmem:v23+s7+$0x0], $0xffff;
	v33 =	vor.u32 v41, v18;
	v21 =	vadd.f32 v24, v21;
	v29 =	vmul.f32 v29, v29  }
0x220: {  	v14 =	vor.u32 v2, v18;
	v24 =	vor.u32 v41, v13;
	v22 =	vmul.f32 v22, v22;
	v25 =	vld.idx.msk [tilespmem:v25+s7+$0x0], $0xffff  }
0x221: {  	v28 =	vmul.f32 v28, v28;
	v21 =	vadd.f32 v29, v21;
	v29 =	vor.u32 v62, v13;
	v26 =	vld.idx.msk [tilespmem:v26+s7+$0x0], $0xffff  }
0x222: {  	v32 =	vmul.f32 v32, v32;
	v15 =	vadd.f32 v22, v15;
	v22 =	vld.idx.msk [tilespmem:v30+s24+$0x0], $0xffff;
	v30 =	vor.u32 v41, v12  }
0x223: {  	v16 =	vor.u32 v63, v18;
	v35 =	vld.idx.msk [tilespmem:v35+s7+$0x0], $0xffff;
	v31 =	vsub.f32 v34, v31;
	v34 =	vor.u32 v62, v18  }
0x224: {  	v15 =	vadd.f32 v28, v15;
	v28 =	vld.idx.msk [tilespmem:v33+s24+$0x0], $0xffff;
	v33 =	vor.u32 v62, v12;
	v21 =	vadd.f32 v32, v21  }
0x225: {  	v27 =	vmul.f32 v27, v27;
	v23 =	vsub.f32 v20, v23;
	v24 =	vld.idx.msk [tilespmem:v24+s7+$0x0], $0xffff;
	v32 =	vor.u32 v57, v13  }
0x226: {  	v31 =	vmul.f32 v31, v31;
	v21 =	vadd.f32 v36, v21;
	v36 =	vor.u32 v37, v13;
	v29 =	vld.idx.msk [tilespmem:v29+s7+$0x0], $0xffff  }
0x227: {  	v15 =	vadd.f32 v27, v15;
	v20 =	vsub.f32 v20, v26;
	v26 =	vor.u32 v57, v18;
	v30 =	vld.idx.msk [tilespmem:v30+s7+$0x0], $0xffff  }
0x228: {  	v23 =	vmul.f32 v23, v23;
	v27 =	vld.idx.msk [tilespmem:v34+s24+$0x0], $0xffff;
	v34 =	vor.u32 v57, v12;
	v25 =	vsub.f32 v22, v25  }
0x229: {  	v22 =	vsub.f32 v22, v35;
	v35 =	vor.u32 v37, v18;
	v15 =	vadd.f32 v31, v15;
	v33 =	vld.idx.msk [tilespmem:v33+s7+$0x0], $0xffff  }
0x22a: {  	v31 =	vor.u32 v37, v12;
	v24 =	vsub.f32 v28, v24;
	v32 =	vld.idx.msk [tilespmem:v32+s7+$0x0], $0xffff;
	v20 =	vmul.f32 v20, v20  }
0x22b: {  	v21 =	vadd.f32 v23, v21;
	v23 =	vor.u32 v49, v13;
	v25 =	vmul.f32 v25, v25;
	v36 =	vld.idx.msk [tilespmem:v36+s7+$0x0], $0xffff  }
0x22c: {  	v22 =	vmul.f32 v22, v22;
	v24 =	vmul.f32 v24, v24;
	v15 =	vadd.f32 v20, v15;
	v26 =	vld.idx.msk [tilespmem:v26+s24+$0x0], $0xffff  }
0x22d: {  	v21 =	vadd.f32 v25, v21;
	v28 =	vsub.f32 v28, v30;
	v30 =	vor.u32 v49, v18;
	v34 =	vld.idx.msk [tilespmem:v34+s7+$0x0], $0xffff  }
0x22e: {  	v25 =	vor.u32 v58, v13;
	v20 =	vld.idx.msk [tilespmem:v35+s24+$0x0], $0xffff;
	v35 =	vor.u32 v49, v12;
	v29 =	vsub.f32 v27, v29  }
0x22f: {  	v31 =	vld.idx.msk [tilespmem:v31+s7+$0x0], $0xffff;
	v27 =	vsub.f32 v27, v33;
	v33 =	vor.u32 v58, v18;
	v15 =	vadd.f32 v22, v15  }
0x230: {  	v11 =	vld.idx.msk [tilespmem:v19+s24+$0x0], $0xffff;
	v21 =	vadd.f32 v24, v21;
	v28 =	vmul.f32 v28, v28;
	v29 =	vmul.f32 v29, v29  }
0x231: {  	v17 =	vor.u32 v40, v18;
	v23 =	vld.idx.msk [tilespmem:v23+s7+$0x0], $0xffff;
	v24 =	vor.u32 v47, v13;
	v27 =	vmul.f32 v27, v27  }
0x232: {  	v15 =	vadd.f32 v28, v15;
	v21 =	vadd.f32 v29, v21;
	v22 =	vld.idx.msk [tilespmem:v30+s24+$0x0], $0xffff;
	v30 =	vor.u32 v58, v12  }
0x233: {  	v25 =	vld.idx.msk [tilespmem:v25+s7+$0x0], $0xffff;
	v32 =	vsub.f32 v26, v32;
	v26 =	vsub.f32 v26, v34;
	v34 =	vor.u32 v47, v18  }
0x234: {  	v35 =	vld.idx.msk [tilespmem:v35+s7+$0x0], $0xffff;
	v36 =	vsub.f32 v20, v36;
	v20 =	vsub.f32 v20, v31;
	v31 =	vor.u32 v46, v18  }
0x235: {  	v29 =	vor.u32 v46, v13;
	v28 =	vld.idx.msk [tilespmem:v33+s24+$0x0], $0xffff;
	v33 =	vor.u32 v47, v12;
	v32 =	vmul.f32 v32, v32  }
0x236: {  	v15 =	vadd.f32 v27, v15;
	v24 =	vld.idx.msk [tilespmem:v24+s7+$0x0], $0xffff;
	v26 =	vmul.f32 v26, v26;
	v36 =	vmul.f32 v36, v36  }
0x237: {  	v20 =	vmul.f32 v20, v20;
	v21 =	vadd.f32 v32, v21;
	v32 =	vor.u32 v45, v13;
	v30 =	vld.idx.msk [tilespmem:v30+s7+$0x0], $0xffff  }
0x238: {  	v15 =	vadd.f32 v26, v15;
	v27 =	vld.idx.msk [tilespmem:v34+s24+$0x0], $0xffff;
	v34 =	vor.u32 v46, v12;
	v23 =	vsub.f32 v22, v23  }
0x239: {  	v22 =	vsub.f32 v22, v35;
	v35 =	vor.u32 v45, v18;
	v26 =	vld.idx.msk [tilespmem:v31+s24+$0x0], $0xffff;
	v31 =	vor.u32 v45, v12  }
0x23a: {  	v33 =	vld.idx.msk [tilespmem:v33+s7+$0x0], $0xffff;
	v25 =	vsub.f32 v28, v25;
	v21 =	vadd.f32 v36, v21;
	v23 =	vmul.f32 v23, v23  }
0x23b: {  	v29 =	vld.idx.msk [tilespmem:v29+s7+$0x0], $0xffff;
	v36 =	vor.u32 v43, v13;
	v15 =	vadd.f32 v20, v15;
	v22 =	vmul.f32 v22, v22  }
0x23c: {  	v19 =	vor.u32 v39, v18;
	v32 =	vld.idx.msk [tilespmem:v32+s7+$0x0], $0xffff;
	v21 =	vadd.f32 v23, v21;
	v23 =	vor.u32 v42, v13  }
0x23d: {  	v25 =	vmul.f32 v25, v25;
	v15 =	vadd.f32 v22, v15;
	v22 =	vor.u32 v42, v12;
	v34 =	vld.idx.msk [tilespmem:v34+s7+$0x0], $0xffff  }
0x23e: {  	v28 =	vsub.f32 v28, v30;
	v30 =	vor.u32 v43, v18;
	v20 =	vld.idx.msk [tilespmem:v35+s24+$0x0], $0xffff;
	v24 =	vsub.f32 v27, v24  }
0x23f: {  	v35 =	vor.u32 v43, v12;
	v31 =	vld.idx.msk [tilespmem:v31+s7+$0x0], $0xffff;
	v27 =	vsub.f32 v27, v33;
	v33 =	vor.u32 v42, v18  }
0x240: {  	v36 =	vld.idx.msk [tilespmem:v36+s7+$0x0], $0xffff;
	v21 =	vadd.f32 v25, v21;
	v28 =	vmul.f32 v28, v28;
	v24 =	vmul.f32 v24, v24  }
0x241: {  	v29 =	vsub.f32 v26, v29;
	v25 =	vor.u32 v0, v13;
	v27 =	vmul.f32 v27, v27;
	v23 =	vld.idx.msk [tilespmem:v23+s7+$0x0], $0xffff  }
0x242: {  	v28 =	vadd.f32 v28, v15;
	v21 =	vadd.f32 v24, v21;
	v24 =	vor.u32 v56, v13;
	v22 =	vld.idx.msk [tilespmem:v22+s7+$0x0], $0xffff  }
0x243: {  	v30 =	vld.idx.msk [tilespmem:v30+s24+$0x0], $0xffff;
	v26 =	vsub.f32 v26, v34;
	v34 =	vor.u32 v56, v18;
	v18 =	vor.u32 v0, v18  }
0x244: {  	v37 =	vor.u32 v0, v12;
	v29 =	vmul.f32 v29, v29;
	v35 =	vld.idx.msk [tilespmem:v35+s7+$0x0], $0xffff;
	v32 =	vsub.f32 v20, v32  }
0x245: {  	v20 =	vsub.f32 v20, v31;
	v31 =	vor.u32 v56, v12;
	v33 =	vld.idx.msk [tilespmem:v33+s24+$0x0], $0xffff;
	v27 =	vadd.f32 v27, v28  }
0x246: {  	v25 =	vld.idx.msk [tilespmem:v25+s7+$0x0], $0xffff;
	v21 =	vadd.f32 v29, v21;
	v26 =	vmul.f32 v26, v26;
	v32 =	vmul.f32 v32, v32  }
0x247: {  	v15 =	vor.u32 v55, v13;
	v24 =	vld.idx.msk [tilespmem:v24+s7+$0x0], $0xffff  }
0x248: {  	v29 =	vor.u32 v39, v13;
	v26 =	vadd.f32 v26, v27;
	v21 =	vadd.f32 v32, v21;
	v28 =	vld.idx.msk [tilespmem:v18+s24+$0x0], $0xffff  }
0x249: {  	v20 =	vmul.f32 v20, v20;
	v36 =	vsub.f32 v30, v36;
	v30 =	vsub.f32 v30, v35;
	v35 =	vld.idx.msk [tilespmem:v37+s7+$0x0], $0xffff  }
0x24a: {  	v32 =	vor.u32 v40, v13;
	v18 =	vor.u32 v55, v12;
	v27 =	vld.idx.msk [tilespmem:v34+s24+$0x0], $0xffff;
	v34 =	vor.u32 v39, v12  }
0x24b: {  	v31 =	vld.idx.msk [tilespmem:v31+s7+$0x0], $0xffff;
	v23 =	vsub.f32 v33, v23;
	v22 =	vsub.f32 v33, v22;
	v33 =	vor.u32 v52, v13  }
0x24c: {  	v7 =	vld.idx.msk [tilespmem:v7+s24+$0x0], $0xffff;
	v20 =	vadd.f32 v20, v26;
	v36 =	vmul.f32 v36, v36;
	v30 =	vmul.f32 v30, v30  }
0x24d: {  	v19 =	vld.idx.msk [tilespmem:v19+s24+$0x0], $0xffff;
	v26 =	vor.u32 v40, v12;
	v23 =	vmul.f32 v23, v23;
	v22 =	vmul.f32 v22, v22  }
0x24e: {  	v29 =	vld.idx.msk [tilespmem:v29+s7+$0x0], $0xffff;
	v21 =	vadd.f32 v36, v21;
	v36 =	vor.u32 v63, v13;
	v20 =	vadd.f32 v30, v20  }
0x24f: {  	v17 =	vld.idx.msk [tilespmem:v17+s24+$0x0], $0xffff;
	v30 =	vor.u32 v63, v12;
	v25 =	vsub.f32 v28, v25;
	v28 =	vsub.f32 v28, v35  }
0x250: {  	v35 =	vor.u32 v54, v13;
	v34 =	vld.idx.msk [tilespmem:v34+s7+$0x0], $0xffff;
	v24 =	vsub.f32 v27, v24;
	v27 =	vsub.f32 v27, v31  }
0x251: {  	v32 =	vld.idx.msk [tilespmem:v32+s7+$0x0], $0xffff;
	v31 =	vor.u32 v54, v12;
	v21 =	vadd.f32 v23, v21;
	v23 =	vor.u32 v2, v13  }
0x252: {  	v26 =	vld.idx.msk [tilespmem:v26+s7+$0x0], $0xffff;
	v20 =	vadd.f32 v22, v20;
	v22 =	vor.u32 v2, v12;
	v25 =	vmul.f32 v25, v25  }
0x253: {  	v16 =	vld.idx.msk [tilespmem:v16+s24+$0x0], $0xffff;
	v29 =	vsub.f32 v19, v29;
	v28 =	vmul.f32 v28, v28;
	v24 =	vmul.f32 v24, v24  }
0x254: {  	v14 =	vld.idx.msk [tilespmem:v14+s24+$0x0], $0xffff;
	v27 =	vmul.f32 v27, v27;
	v21 =	vadd.f32 v25, v21;
	v25 =	vor.u32 v59, v12  }
0x255: {  	v29 =	vmul.f32 v29, v29;
	v36 =	vld.idx.msk [tilespmem:v36+s7+$0x0], $0xffff;
	v19 =	vsub.f32 v19, v34;
	v34 =	vor.u32 v59, v13  }
0x256: {  	v30 =	vld.idx.msk [tilespmem:v30+s7+$0x0], $0xffff;
	v20 =	vadd.f32 v28, v20;
	v28 =	vor.u32 v61, v13;
	v32 =	vsub.f32 v17, v32  }
0x257: {  	v17 =	vsub.f32 v17, v26;
	v26 =	vor.u32 v61, v12;
	v23 =	vld.idx.msk [tilespmem:v23+s7+$0x0], $0xffff;
	v21 =	vadd.f32 v24, v21  }
0x258: {  	v24 =	vor.u32 v51, v13;
	v13 =	vor.u32 v60, v13;
	v22 =	vld.idx.msk [tilespmem:v22+s7+$0x0], $0xffff;
	v20 =	vadd.f32 v27, v20  }
0x259: {  	v27 =	vor.u32 v60, v12;
	v32 =	vmul.f32 v32, v32;
	v19 =	vmul.f32 v19, v19;
	v25 =	vld.idx.msk [tilespmem:v25+s7+$0x0], $0xffff  }
0x25a: {  	v21 =	vadd.f32 v29, v21;
	v17 =	vmul.f32 v17, v17;
	v36 =	vsub.f32 v16, v36;
	v34 =	vld.idx.msk [tilespmem:v34+s7+$0x0], $0xffff  }
0x25b: {  	v16 =	vsub.f32 v16, v30;
	v30 =	vor.u32 v51, v12;
	v28 =	vld.idx.msk [tilespmem:v28+s7+$0x0], $0xffff;
	v19 =	vadd.f32 v19, v20  }
0x25c: {  	v21 =	vadd.f32 v32, v21;
	v26 =	vld.idx.msk [tilespmem:v26+s7+$0x0], $0xffff;
	v20 =	vmul.f32 v36, v36;
	v23 =	vsub.f32 v14, v23  }
0x25d: {  	v13 =	vld.idx.msk [tilespmem:v13+s7+$0x0], $0xffff;
	v14 =	vsub.f32 v14, v22;
	v17 =	vadd.f32 v17, v19;
	v16 =	vmul.f32 v16, v16  }
0x25e: {  	v12 =	vor.u32 v52, v12;
	v22 =	vld.idx.msk [tilespmem:v27+s7+$0x0], $0xffff;
	v32 =	vmul.f32 v23, v23;
	v20 =	vadd.f32 v20, v21  }
0x25f: {  	v24 =	vld.idx.msk [tilespmem:v24+s7+$0x0], $0xffff;
	v16 =	vadd.f32 v16, v17;
	v14 =	vmul.f32 v14, v14;
	v23 =	vsub.f32 v11, v34  }
0x260: {  	v17 =	vld.idx.msk [tilespmem:v30+s7+$0x0], $0xffff;
	v11 =	vsub.f32 v11, v25;
	v19 =	vadd.f32 v32, v20  }
0x261: {  	v4 =	vld.idx.msk [tilespmem:v4+s24+$0x0], $0xffff;
	v14 =	vadd.f32 v14, v16;
	v21 =	vmul.f32 v23, v23;
	v23 =	vsub.f32 v8, v28  }
0x262: {  	v16 =	vld.idx.msk [tilespmem:v33+s7+$0x0], $0xffff;
	v13 =	vsub.f32 v6, v13;
	v8 =	vsub.f32 v8, v26;
	v11 =	vmul.f32 v11, v11  }
0x263: {  	v12 =	vld.idx.msk [tilespmem:v12+s7+$0x0], $0xffff;
	v6 =	vsub.f32 v6, v22;
	v20 =	vmul.f32 v23, v23;
	v19 =	vadd.f32 v21, v19  }
0x264: {  	v22 =	vld.idx.msk [tilespmem:v35+s7+$0x0], $0xffff;
	v11 =	vadd.f32 v11, v14;
	v8 =	vmul.f32 v8, v8;
	v14 =	vsub.f32 v7, v24  }
0x265: {  	v7 =	vsub.f32 v7, v17;
	v17 =	vadd.f32 v20, v19;
	v20 =	vld.idx.msk [tilespmem:v31+s7+$0x0], $0xffff  }
0x266: {  	s30 =	simm.s32 $0x10;
	v15 =	vld.idx.msk [tilespmem:v15+s7+$0x0], $0xffff;
	v6 =	vmul.f32 v6, v6;
	v8 =	vadd.f32 v8, v11  }
0x267: {  	v18 =	vld.idx.msk [tilespmem:v18+s7+$0x0], $0xffff;
	v21 =	vmov s30;
	v16 =	vsub.f32 v5, v16  }
0x268: {  	v5 =	vsub.f32 v5, v12;
	v7 =	vmul.f32 v7, v7;
	v6 =	vadd.f32 v6, v8  }
0x269: {  	v36 =	vshll.u32 v21, $0x5;
	v21 =	vsub.f32 v4, v22  }
0x26a: {  	v1 =	vld [tilespmem:$0x1FB00];
	v5 =	vmul.f32 v5, v5;
	v6 =	vadd.f32 v7, v6;
	v4 =	vsub.f32 v4, v20  }
0x26b: {  	v15 =	vsub.f32 v3, v15  }
0x26c: {  	v3 =	vsub.f32 v3, v18;
	v5 =	vadd.f32 v5, v6;
	v4 =	vmul.f32 v4, v4;
	_ =	sdelay $0x1  }
0x26d: {  	v3 =	vmul.f32 v3, v3;
	v4 =	vadd.f32 v4, v5  }
0x26e: {  	v11 =	vor.u32 v1, v36;
	v1 =	vld [tilespmem:$0x1FB60]  }
0x26f: {  	[tilespmem:$0x1FB30] =	vst v0;
	v3 =	vadd.f32 v3, v4;
	v4 =	vor.u32 v0, v11;
	v0 =	vld [tilespmem:$0x1FB50]  }
0x270: {  	v13 =	vmul.f32 v13, v13;
	_ =	sdelay $0x1  }
0x271: {  	v14 =	vmul.f32 v14, v14;
	v12 =	vadd.f32 v13, v17  }
0x272: {  	v16 =	vmul.f32 v16, v16  }
0x273: {  	v12 =	vadd.f32 v14, v12;
	v6 =	vor.u32 v63, v11;
	vm2 =	veq.s32 v0, v1;
	v1 =	vld [tilespmem:$0x1FB80]  }
0x274: {  	v18 =	vor.u32 v56, v11  }
0x275: {  	v37 =	vmul.f32 v21, v21;
	v12 =	vadd.f32 v16, v12  }
0x276: {  	s31 =	simm.s32 $0x5670;
	v13 =	vor.u32 v54, v11  }
0x277: {  	v15 =	vmul.f32 v15, v15;
	v8 =	vld [tilespmem:s31+$0x0];
	v16 =	vadd.f32 v37, v12  }
0x278: {  	v36 =	vld.idx.msk [tilespmem:v6+s24+$0x0], $0xffff;
	vm3 =	vne.s32 v0, v1;
	v0 =	vsel vm2, $0x1, v44  }
0x279: {  	[tilespmem:$0x1FCC0] =	vst v38;
	v15 =	vadd.f32 v15, v16;
	v6 =	vld.idx.msk [tilespmem:v18+s24+$0x0], $0xffff;
	v0 =	vadd.s32 v0, v9  }
0x27a: {  	v38 =	vmov v2;
	v5 =	vor.u32 v39, v11;
	[tilespmem:$0x1FBD0] =	vst v0;
	v0 =	vld.idx.msk [tilespmem:v4+s24+$0x0], $0xffff  }
0x27b: {  	v28 =	vld.idx.msk [tilespmem:v13+s24+$0x0], $0xffff;
	v13 =	vor.u32 v2, v11;
	v2 =	vsub.f32 v15, v3;
	v3 =	vor.u32 v43, v11;
	_ =	sdelay $0x1  }
0x27c: {  	v2 =	vadd.f32 $1.000000000e+00, v2  }
0x27d: {  	v7 =	vor.u32 v61, v11;
	[tilespmem:$0x1FBC0] =	vst v6;
	vm2 =	vmand vm2, vm3  }
0x27e: {  	v5 =	vld.idx.msk [tilespmem:v5+s24+$0x0], $0xffff;
	v6 =	vsel vm2, $0x1, v44;
	vm2 =	veq.s32 v8, $0x1;
	[tilespmem:$0x1FBF0] =	vst v0;
	v0 =	vmax.f32 v2, $0.0e+00  }
0x27f: {  	v8 =	vnsel vm2, $0x3F800000, v0;
	v0 =	vld.idx.msk [tilespmem:v3+s24+$0x0], $0xffff;
	_ =	sdelay $0x2  }
0x280: {  	v33 =	vld.idx.msk [tilespmem:v7+s24+$0x0], $0xffff;
	v7 =	vsel vm9, $0x1, v44  }
0x281: {  	v7 =	vadd.s32 v7, v10;
	[tilespmem:$0x1FBA0] =	vst v5  }
0x282: {  	[tilespmem:$0x1FC30] =	vst v0;
	v0 =	vadd.s32 v6, v7  }
0x283: {  	v5 =	vor.u32 v46, v11;
	[tilespmem:$0x1FC40] =	vst v0;
	v0 =	vld [tilespmem:$0x1FC50];
	_ =	sdelay $0x4  }
0x284: {  	v3 =	vor.u32 v0, v11;
	v0 =	vld.idx.msk [tilespmem:v5+s24+$0x0], $0xffff;
	_ =	sdelay $0x4  }
0x285: {  	[tilespmem:$0x1FC90] =	vst v0;
	v0 =	vld [tilespmem:$0x1FCC0];
	_ =	sdelay $0x3  }
0x286: {  	[tilespmem:$0x1FB90] =	vst v45;
	v19 =	vor.u32 v55, v11  }
0x287: {  	[tilespmem:$0x1FBB0] =	vst v46;
	v21 =	vor.u32 v0, v11;
	v0 =	vld [tilespmem:$0x1FCD0]  }
0x288: {  	s0 =	simm.s32 $0x5600;
	[tilespmem:$0x1FBE0] =	vst v47;
	v22 =	vor.u32 v51, v11  }
0x289: {  	s1 =	simm.s32 $0x5580;
	[tilespmem:$0x1FC00] =	vst v58;
	v26 =	vld [tilespmem:s0+$0x0];
	v17 =	vor.u32 v52, v11  }
0x28a: {  	[tilespmem:$0x1FC20] =	vst v49;
	v23 =	vld [tilespmem:s1+$0x0];
	v14 =	vor.u32 v60, v11  }
0x28b: {  	[tilespmem:$0x1FC60] =	vst v41;
	v27 =	vld.idx.msk [tilespmem:v19+s24+$0x0], $0xffff;
	v10 =	vor.u32 v42, v11  }
0x28c: {  	[tilespmem:$0x1FC80] =	vst v57;
	v31 =	vor.u32 v0, v11;
	v0 =	vld [tilespmem:$0x1FCE0]  }
0x28d: {  	[tilespmem:$0x1FCA0] =	vst v53;
	v20 =	vor.u32 v59, v11;
	v30 =	vld.idx.msk [tilespmem:v22+s24+$0x0], $0xffff  }
0x28e: {  	[tilespmem:$0x1FCB0] =	vst v48;
	v29 =	vld.idx.msk [tilespmem:v17+s24+$0x0], $0xffff  }
0x28f: {  	[tilespmem:$0x1FC70] =	vst v62;
	v17 =	vor.u32 v40, v11;
	v32 =	vld.idx.msk [tilespmem:v14+s24+$0x0], $0xffff  }
0x290: {  	v2 =	vld.idx.msk [tilespmem:v10+s24+$0x0], $0xffff;
	v10 =	vor.u32 v49, v11;
	v49 =	vor.u32 v62, v11;
	v62 =	vor.u32 v57, v11  }
0x291: {  	[tilespmem:$0x1FD50] =	vst v60;
	v24 =	vor.u32 v0, v11;
	v0 =	vld [tilespmem:$0x1FCF0]  }
0x292: {  	[tilespmem:$0x1FD80] =	vst v61;
	v34 =	vld.idx.msk [tilespmem:v20+s24+$0x0], $0xffff;
	v1 =	vor.u32 v45, v11  }
0x293: {  	[tilespmem:$0x1FD70] =	vst v59;
	v35 =	vld.idx.msk [tilespmem:v13+s24+$0x0], $0xffff  }
0x294: {  	[tilespmem:$0x1FB20] =	vst v39;
	v16 =	vor.u32 v47, v11;
	v39 =	vld.idx.msk [tilespmem:v17+s24+$0x0], $0xffff  }
0x295: {  	[tilespmem:$0x1FD90] =	vst v63;
	v4 =	vor.u32 v58, v11;
	v45 =	vld.idx.msk [tilespmem:v62+s24+$0x0], $0xffff  }
0x296: {  	[tilespmem:$0x1FC10] =	vst v2;
	v2 =	vimm.f32 $0.0e+00;
	v22 =	vor.u32 v0, v11;
	v0 =	vld [tilespmem:$0x1FD00]  }
0x297: {  	[tilespmem:$0x1FB10] =	vst v40;
	v25 =	vadd.f32 v8, v2;
	v2 =	vld.idx.msk [tilespmem:v1+s24+$0x0], $0xffff;
	v1 =	vor.u32 v41, v11  }
0x298: {  	[tilespmem:$0x1FB40] =	vst v42;
	v42 =	vor.u32 v48, v11;
	v48 =	vld.idx.msk [tilespmem:v49+s24+$0x0], $0xffff  }
0x299: {  	[tilespmem:$0x1FB70] =	vst v43;
	v40 =	vor.u32 v50, v11;
	v47 =	vshll.u32 v23, $0x5;
	v6 =	vld.idx.msk [tilespmem:v16+s24+$0x0], $0xffff  }
0x29a: {  	v37 =	vor.u32 v55, v47;
	v15 =	vor.u32 v53, v11;
	v58 =	vor.u32 v52, v47;
	v7 =	vld.idx.msk [tilespmem:v4+s24+$0x0], $0xffff  }
0x29b: {  	[tilespmem:$0x1FDB0] =	vst v38;
	v8 =	vld.idx.msk [tilespmem:v10+s24+$0x0], $0xffff;
	v5 =	vshll.u32 v26, $0x5;
	v41 =	vor.u32 v0, v11;
	v0 =	vor.u32 v51, v47  }
0x29c: {  	v57 =	vor.u32 v54, v47;
	v49 =	vld.idx.msk [tilespmem:v1+s24+$0x0], $0xffff;
	[tilespmem:$0x1FD10] =	vst v0;
	v0 =	vor.u32 v51, v5  }
0x29d: {  	v26 =	vor.u32 v55, v5;
	v43 =	vor.u32 v54, v5;
	[tilespmem:$0x1FD20] =	vst v0;
	v0 =	vor.u32 v61, v47  }
0x29e: {  	v46 =	vor.u32 v52, v5;
	v44 =	vld.idx.msk [tilespmem:v3+s24+$0x0], $0xffff;
	[tilespmem:$0x1FD30] =	vst v0;
	v0 =	vor.u32 v60, v47  }
0x29f: {  	v62 =	vor.u32 v59, v5;
	v53 =	vld.idx.msk [tilespmem:v21+s24+$0x0], $0xffff;
	[tilespmem:$0x1FD40] =	vst v0;
	v0 =	vor.u32 v59, v47  }
0x2a0: {  	v61 =	vor.u32 v61, v5;
	v60 =	vor.u32 v60, v5;
	[tilespmem:$0x1FD60] =	vst v0;
	v0 =	vor.u32 v63, v47  }
0x2a1: {  	s2 =	simm.s32 $0x20;
	v59 =	vld.idx.msk [tilespmem:v42+s24+$0x0], $0xffff;
	v42 =	vor.u32 v38, v47;
	v38 =	vor.u32 v38, v5;
	[tilespmem:$0x1FDA0] =	vst v0  }
.LBB2_8:
0x2a2: {  	v0 =	vld [tilespmem:$0x1FB10];
	_ =	sdelay $0x4  }
0x2a3: {  	v1 =	vor.u32 v0, v47;
	v0 =	vor.u32 v0, v5  }
0x2a4: {  	[tilespmem:$0x1F9E0] =	vst v0;
	v0 =	vld [tilespmem:$0x1FD90];
	_ =	sdelay $0x4  }
0x2a5: {  	v0 =	vor.u32 v0, v5  }
0x2a6: {  	[tilespmem:$0x1F9F0] =	vst v0;
	v0 =	vld [tilespmem:$0x1FB20];
	_ =	sdelay $0x4  }
0x2a7: {  	v3 =	vor.u32 v0, v47;
	v0 =	vor.u32 v0, v5  }
0x2a8: {  	[tilespmem:$0x1F9C0] =	vst v0;
	v0 =	vor.u32 v56, v47  }
0x2a9: {  	[tilespmem:$0x1F990] =	vst v0;
	v0 =	vor.u32 v56, v5  }
0x2aa: {  	[tilespmem:$0x1F9A0] =	vst v0;
	v0 =	vld [tilespmem:$0x1FB30];
	_ =	sdelay $0x1  }
0x2ab: {  	[tilespmem:$0x1F9D0] =	vst v1;
	v1 =	vld [tilespmem:$0x1FCE0]  }
0x2ac: {  	[tilespmem:$0x1FA10] =	vst v38  }
0x2ad: {  	[tilespmem:$0x1FA90] =	vst v32;
	v38 =	vld.idx.msk [tilespmem:v15+s24+$0x0], $0xffff  }
0x2ae: {  	v32 =	vld.idx.msk [tilespmem:v24+s24+$0x0], $0xffff;
	v24 =	vor.u32 v50, v5;
	[tilespmem:$0x1F9B0] =	vst v3;
	v3 =	vor.u32 v0, v47  }
0x2af: {  	[tilespmem:$0x1F970] =	vst v3;
	v3 =	vld [tilespmem:$0x1FD00]  }
0x2b0: {  	v15 =	vor.u32 v1, v47;
	v63 =	vor.u32 v1, v5;
	v1 =	vld [tilespmem:$0x1FBE0]  }
0x2b1: {  	[tilespmem:$0x1FA60] =	vst v33;
	v33 =	vld.idx.msk [tilespmem:v31+s24+$0x0], $0xffff;
	v0 =	vor.u32 v0, v5  }
0x2b2: {  	[tilespmem:$0x1F980] =	vst v0;
	v0 =	vld [tilespmem:$0x1FB40]  }
0x2b3: {  	v12 =	vld.idx.msk [tilespmem:v24+s7+$0x0], $0xffff  }
0x2b4: {  	[tilespmem:$0x1FAD0] =	vst v26;
	v23 =	vor.u32 v3, v47;
	v26 =	vor.u32 v3, v5;
	v3 =	vld [tilespmem:$0x1FB70]  }
0x2b5: {  	v31 =	vor.u32 v1, v47;
	v24 =	vor.u32 v1, v5;
	v1 =	vld [tilespmem:$0x1FCF0];
	_ =	sdelay $0x1  }
0x2b6: {  	[tilespmem:$0x1FA20] =	vst v62;
	v4 =	vor.u32 v0, v47  }
0x2b7: {  	v16 =	vld.idx.msk [tilespmem:v22+s24+$0x0], $0xffff;
	v22 =	vor.u32 v50, v47;
	[tilespmem:$0x1F950] =	vst v4;
	v4 =	vor.u32 v0, v5  }
0x2b8: {  	[tilespmem:$0x1F960] =	vst v4;
	v4 =	vor.u32 v3, v47;
	v62 =	vor.u32 v3, v5;
	v3 =	vld [tilespmem:$0x1FCD0]  }
0x2b9: {  	[tilespmem:$0x1FA70] =	vst v46;
	v46 =	vor.u32 v1, v47;
	v18 =	vor.u32 v1, v5;
	v1 =	vld [tilespmem:$0x1FC20];
	_ =	sdelay $0x1  }
0x2ba: {  	[tilespmem:$0x1FA40] =	vst v60;
	v60 =	vmov v36;
	v36 =	vld.idx.msk [tilespmem:v40+s24+$0x0], $0xffff  }
0x2bb: {  	v11 =	vld.idx.msk [tilespmem:v22+s7+$0x0], $0xffff  }
0x2bc: {  	[tilespmem:$0x1FAE0] =	vst v28;
	v28 =	vor.u32 v3, v47;
	v10 =	vor.u32 v3, v5;
	v3 =	vld [tilespmem:$0x1FBB0]  }
0x2bd: {  	v14 =	vor.u32 v1, v47;
	v19 =	vor.u32 v1, v5;
	v1 =	vld [tilespmem:$0x1FCA0]  }
0x2be: {  	[tilespmem:$0x1FAF0] =	vst v27;
	v27 =	vld.idx.msk [tilespmem:v15+s7+$0x0], $0xffff  }
0x2bf: {  	[tilespmem:$0x1FAB0] =	vst v37;
	v37 =	vld.idx.msk [tilespmem:v46+s7+$0x0], $0xffff  }
0x2c0: {  	v46 =	vld [tilespmem:$0x1FCC0]  }
0x2c1: {  	[tilespmem:$0x1FAA0] =	vst v43;
	v22 =	vor.u32 v3, v47;
	v43 =	vor.u32 v3, v5;
	v3 =	vld [tilespmem:$0x1FC00]  }
0x2c2: {  	[tilespmem:$0x1FAC0] =	vst v30;
	v21 =	vor.u32 v1, v47;
	v30 =	vor.u32 v1, v5;
	v1 =	vld [tilespmem:$0x1FC80]  }
0x2c3: {  	v0 =	vmov v25;
	v25 =	vld.idx.msk [tilespmem:v41+s24+$0x0], $0xffff  }
0x2c4: {  	v41 =	vmov v35;
	v35 =	vld.idx.msk [tilespmem:v63+s7+$0x0], $0xffff  }
0x2c5: {  	[tilespmem:$0x1F940] =	vst v4;
	v4 =	vld [tilespmem:$0x1FB90]  }
0x2c6: {  	[tilespmem:$0x1FA80] =	vst v57;
	v57 =	vor.u32 v3, v47;
	v13 =	vor.u32 v3, v5;
	v3 =	vld [tilespmem:$0x1FC50]  }
0x2c7: {  	[tilespmem:$0x1FA30] =	vst v61;
	v23 =	vld.idx.msk [tilespmem:v23+s7+$0x0], $0xffff  }
0x2c8: {  	[tilespmem:$0x1FA00] =	vst v42;
	v26 =	vld.idx.msk [tilespmem:v26+s7+$0x0], $0xffff  }
0x2c9: {  	[tilespmem:$0x1FA50] =	vst v58;
	v20 =	vmov v39;
	v58 =	vmov v56;
	v11 =	vsub.f32 v36, v11;
	v63 =	vld [tilespmem:$0x1FC60]  }
0x2ca: {  	v40 =	vmovc v34;
	v12 =	vsub.f32 v36, v12;
	v15 =	vor.u32 v4, v47;
	v42 =	vor.u32 v4, v5;
	v4 =	vld [tilespmem:$0x1FCB0]  }
0x2cb: {  	v61 =	vmovc v29;
	v11 =	vmul.f32 v11, v11;
	v50 =	vor.u32 v3, v47;
	v39 =	vor.u32 v3, v5;
	v3 =	vld [tilespmem:$0x1FC70]  }
0x2cc: {  	v9 =	vmovc v54;
	v12 =	vmul.f32 v12, v12;
	v56 =	vmov v55;
	v27 =	vsub.f32 v32, v27;
	v10 =	vld.idx.msk [tilespmem:v10+s7+$0x0], $0xffff  }
0x2cd: {  	v17 =	vor.u32 v1, v47;
	v23 =	vsub.f32 v25, v23;
	v25 =	vsub.f32 v25, v26;
	v28 =	vld.idx.msk [tilespmem:v28+s7+$0x0], $0xffff  }
0x2ce: {  	v55 =	vmovc v51;
	v51 =	vor.u32 v1, v5;
	v54 =	vor.u32 v63, v47;
	v32 =	vsub.f32 v32, v35  }
0x2cf: {  	v18 =	vld.idx.msk [tilespmem:v18+s7+$0x0], $0xffff;
	v23 =	vmul.f32 v23, v23;
	v25 =	vmul.f32 v25, v25;
	v29 =	vor.u32 v4, v5  }
0x2d0: {  	v34 =	vmovc v52;
	v52 =	vor.u32 v4, v47;
	v1 =	vor.u32 v3, v47;
	v47 =	vor.u32 v46, v47  }
0x2d1: {  	v26 =	vor.u32 v46, v5;
	v11 =	vadd.f32 v23, v11;
	v10 =	vsub.f32 v33, v10  }
0x2d2: {  	v30 =	vld.idx.msk [tilespmem:v30+s7+$0x0], $0xffff;
	v12 =	vadd.f32 v25, v12;
	v28 =	vsub.f32 v33, v28  }
0x2d3: {  	v21 =	vld.idx.msk [tilespmem:v21+s7+$0x0], $0xffff;
	v25 =	vmul.f32 v27, v27;
	v4 =	vor.u32 v63, v5;
	v10 =	vmul.f32 v10, v10  }
0x2d4: {  	v27 =	vsub.f32 v16, v37;
	v16 =	vsub.f32 v16, v18;
	v29 =	vld.idx.msk [tilespmem:v29+s7+$0x0], $0xffff;
	v28 =	vmul.f32 v28, v28  }
0x2d5: {  	v10 =	vadd.f32 v10, v12;
	v12 =	vmul.f32 v32, v32;
	v3 =	vor.u32 v3, v5;
	v23 =	vld.idx.msk [tilespmem:v47+s7+$0x0], $0xffff  }
0x2d6: {  	v11 =	vadd.f32 v28, v11;
	v47 =	vld.idx.msk [tilespmem:v26+s7+$0x0], $0xffff  }
0x2d7: {  	v33 =	vld.idx.msk [tilespmem:v52+s7+$0x0], $0xffff;
	v28 =	vsub.f32 v38, v30;
	v10 =	vadd.f32 v12, v10;
	v12 =	vmul.f32 v16, v16  }
0x2d8: {  	v4 =	vld.idx.msk [tilespmem:v4+s7+$0x0], $0xffff;
	v11 =	vadd.f32 v25, v11  }
0x2d9: {  	v25 =	vsub.f32 v59, v29;
	v10 =	vadd.f32 v12, v10;
	v12 =	vmul.f32 v28, v28;
	v26 =	vld.idx.msk [tilespmem:v54+s7+$0x0], $0xffff  }
0x2da: {  	v21 =	vsub.f32 v38, v21;
	v27 =	vmul.f32 v27, v27;
	v3 =	vld.idx.msk [tilespmem:v3+s7+$0x0], $0xffff  }
0x2db: {  	v10 =	vadd.f32 v12, v10;
	v12 =	vmul.f32 v25, v25;
	v18 =	vsub.f32 v53, v47  }
0x2dc: {  	v16 =	vmul.f32 v21, v21;
	v21 =	vsub.f32 v59, v33;
	v11 =	vadd.f32 v27, v11;
	v27 =	vld.idx.msk [tilespmem:v51+s7+$0x0], $0xffff  }
0x2dd: {  	v14 =	vld.idx.msk [tilespmem:v14+s7+$0x0], $0xffff;
	v4 =	vsub.f32 v49, v4;
	v10 =	vadd.f32 v12, v10;
	v12 =	vmul.f32 v18, v18  }
0x2de: {  	v21 =	vmul.f32 v21, v21;
	v11 =	vadd.f32 v16, v11;
	v5 =	vsub.f32 v49, v26;
	v26 =	vld.idx.msk [tilespmem:v39+s7+$0x0], $0xffff  }
0x2df: {  	v4 =	vmul.f32 v4, v4;
	v25 =	vmovc v0;
	v0 =	vld [tilespmem:$0x1F940];
	v3 =	vsub.f32 v48, v3;
	v10 =	vadd.f32 v12, v10  }
0x2e0: {  	v19 =	vld.idx.msk [tilespmem:v19+s7+$0x0], $0xffff;
	v11 =	vadd.f32 v21, v11  }
0x2e1: {  	v21 =	vsub.f32 v45, v27;
	v3 =	vmul.f32 v3, v3;
	v4 =	vadd.f32 v4, v10;
	_ =	sdelay $0x1  }
0x2e2: {  	v12 =	vld.idx.msk [tilespmem:v57+s7+$0x0], $0xffff;
	v57 =	vsub.f32 v44, v26;
	v3 =	vadd.f32 v3, v4;
	v4 =	vmul.f32 v21, v21  }
0x2e3: {  	v14 =	vsub.f32 v8, v14  }
0x2e4: {  	v8 =	vsub.f32 v8, v19;
	v3 =	vadd.f32 v4, v3;
	v4 =	vmul.f32 v57, v57  }
0x2e5: {  	v1 =	vld.idx.msk [tilespmem:v1+s7+$0x0], $0xffff  }
0x2e6: {  	v23 =	vsub.f32 v53, v23;
	v3 =	vadd.f32 v4, v3;
	v4 =	vmul.f32 v8, v8;
	v8 =	vld.idx.msk [tilespmem:v0+s7+$0x0], $0xffff  }
0x2e7: {  	v0 =	vld [tilespmem:$0x1F950]  }
0x2e8: {  	v13 =	vld.idx.msk [tilespmem:v13+s7+$0x0], $0xffff;
	v23 =	vmul.f32 v23, v23;
	_ =	sdelay $0x1  }
0x2e9: {  	v1 =	vsub.f32 v48, v1;
	v53 =	vmul.f32 v5, v5;
	v11 =	vadd.f32 v23, v11;
	_ =	sdelay $0x1  }
0x2ea: {  	v17 =	vld.idx.msk [tilespmem:v17+s7+$0x0], $0xffff;
	v1 =	vmul.f32 v1, v1;
	v11 =	vadd.f32 v53, v11  }
0x2eb: {  	v59 =	vld.idx.msk [tilespmem:v43+s7+$0x0], $0xffff;
	v12 =	vsub.f32 v7, v12;
	v7 =	vsub.f32 v7, v13  }
0x2ec: {  	v1 =	vadd.f32 v1, v11;
	v11 =	vld.idx.msk [tilespmem:v22+s7+$0x0], $0xffff  }
0x2ed: {  	v3 =	vadd.f32 v4, v3;
	v4 =	vmul.f32 v7, v7;
	v7 =	vld.idx.msk [tilespmem:v0+s7+$0x0], $0xffff  }
0x2ee: {  	v0 =	vld [tilespmem:$0x1FC90];
	_ =	sdelay $0x1  }
0x2ef: {  	v16 =	vld.idx.msk [tilespmem:v50+s7+$0x0], $0xffff;
	_ =	sdelay $0x1  }
0x2f0: {  	v17 =	vsub.f32 v45, v17  }
0x2f1: {  	v11 =	vsub.f32 v0, v11;
	v5 =	vsub.f32 v0, v59;
	v0 =	vld [tilespmem:$0x1F960];
	_ =	sdelay $0x1  }
0x2f2: {  	v17 =	vmul.f32 v17, v17;
	v16 =	vsub.f32 v44, v16;
	_ =	sdelay $0x1  }
0x2f3: {  	v16 =	vmul.f32 v16, v16;
	v1 =	vadd.f32 v17, v1;
	_ =	sdelay $0x1  }
0x2f4: {  	v14 =	vmul.f32 v14, v14;
	v1 =	vadd.f32 v16, v1  }
0x2f5: {  	v23 =	vld.idx.msk [tilespmem:v24+s7+$0x0], $0xffff  }
0x2f6: {  	v1 =	vadd.f32 v14, v1;
	v14 =	vld.idx.msk [tilespmem:v0+s7+$0x0], $0xffff  }
0x2f7: {  	v0 =	vld [tilespmem:$0x1F970]  }
0x2f8: {  	v10 =	vld.idx.msk [tilespmem:v31+s7+$0x0], $0xffff;
	_ =	sdelay $0x4  }
0x2f9: {  	v15 =	vld.idx.msk [tilespmem:v15+s7+$0x0], $0xffff;
	v10 =	vsub.f32 v6, v10;
	v6 =	vsub.f32 v6, v23  }
0x2fa: {  	v54 =	vmov v9;
	v9 =	vld [tilespmem:$0x1F9A0]  }
0x2fb: {  	v3 =	vadd.f32 v4, v3;
	v4 =	vmul.f32 v6, v6;
	v6 =	vld.idx.msk [tilespmem:v0+s7+$0x0], $0xffff  }
0x2fc: {  	v0 =	vld [tilespmem:$0x1F980];
	_ =	sdelay $0x1  }
0x2fd: {  	v12 =	vmul.f32 v12, v12  }
0x2fe: {  	v13 =	vld.idx.msk [tilespmem:v42+s7+$0x0], $0xffff  }
0x2ff: {  	v10 =	vmul.f32 v10, v10;
	v1 =	vadd.f32 v12, v1;
	v12 =	vsub.f32 v2, v15;
	_ =	sdelay $0x1  }
0x300: {  	v1 =	vadd.f32 v10, v1;
	v10 =	vmul.f32 v12, v12;
	v12 =	vld.idx.msk [tilespmem:v9+s7+$0x0], $0xffff  }
0x301: {  	v9 =	vld [tilespmem:$0x1FC10]  }
0x302: {  	v2 =	vsub.f32 v2, v13;
	v13 =	vld.idx.msk [tilespmem:v0+s7+$0x0], $0xffff  }
0x303: {  	v0 =	vld [tilespmem:$0x1F990];
	_ =	sdelay $0x3  }
0x304: {  	v11 =	vmul.f32 v11, v11  }
0x305: {  	v7 =	vsub.f32 v9, v7  }
0x306: {  	v1 =	vadd.f32 v11, v1;
	v11 =	vsub.f32 v9, v14;
	v9 =	vld [tilespmem:$0x1F9C0]  }
0x307: {  	v16 =	vld.idx.msk [tilespmem:v62+s7+$0x0], $0xffff  }
0x308: {  	v3 =	vadd.f32 v4, v3;
	v4 =	vmul.f32 v5, v5;
	v5 =	vld.idx.msk [tilespmem:v0+s7+$0x0], $0xffff  }
0x309: {  	v0 =	vld [tilespmem:$0x1FC30];
	_ =	sdelay $0x1  }
0x30a: {  	v2 =	vmul.f32 v2, v2;
	v3 =	vadd.f32 v4, v3;
	v4 =	vld [tilespmem:$0x1F9B0];
	_ =	sdelay $0x1  }
0x30b: {  	v2 =	vadd.f32 v2, v3;
	v3 =	vld [tilespmem:$0x1F9D0]  }
0x30c: {  	v14 =	vld.idx.msk [tilespmem:v9+s7+$0x0], $0xffff;
	v8 =	vsub.f32 v0, v8;
	v0 =	vsub.f32 v0, v16  }
0x30d: {  	v9 =	vld [tilespmem:$0x1FBF0]  }
0x30e: {  	v0 =	vmul.f32 v0, v0  }
0x30f: {  	v1 =	vadd.f32 v10, v1;
	v10 =	vld [tilespmem:$0x1F9E0]  }
0x310: {  	v0 =	vadd.f32 v0, v2;
	v2 =	vmul.f32 v11, v11;
	v11 =	vld [tilespmem:$0x1FBC0]  }
0x311: {  	v4 =	vld.idx.msk [tilespmem:v4+s7+$0x0], $0xffff  }
0x312: {  	v6 =	vsub.f32 v9, v6;
	v9 =	vsub.f32 v9, v13;
	v13 =	vld [tilespmem:$0x1FA10];
	v8 =	vmul.f32 v8, v8  }
0x313: {  	v3 =	vld.idx.msk [tilespmem:v3+s7+$0x0], $0xffff  }
0x314: {  	v7 =	vmul.f32 v7, v7;
	v1 =	vadd.f32 v8, v1;
	v8 =	vld [tilespmem:$0x1FDA0]  }
0x315: {  	v5 =	vsub.f32 v11, v5;
	v11 =	vsub.f32 v11, v12;
	v12 =	vld [tilespmem:$0x1F9F0]  }
0x316: {  	v1 =	vadd.f32 v7, v1;
	v7 =	vld [tilespmem:$0x1FA00]  }
0x317: {  	v0 =	vadd.f32 v2, v0;
	v2 =	vmul.f32 v9, v9;
	v9 =	vld [tilespmem:$0x1FBA0]  }
0x318: {  	v10 =	vld.idx.msk [tilespmem:v10+s7+$0x0], $0xffff  }
0x319: {  	v6 =	vmul.f32 v6, v6;
	v0 =	vadd.f32 v2, v0;
	v2 =	vmul.f32 v11, v11;
	v11 =	vld [tilespmem:$0x1FA20]  }
0x31a: {  	v13 =	vld.idx.msk [tilespmem:v13+s7+$0x0], $0xffff  }
0x31b: {  	v1 =	vadd.f32 v6, v1;
	v6 =	vld [tilespmem:$0x1FD60]  }
0x31c: {  	v5 =	vmul.f32 v5, v5;
	v4 =	vsub.f32 v9, v4;
	v8 =	vld.idx.msk [tilespmem:v8+s7+$0x0], $0xffff  }
0x31d: {  	v12 =	vld.idx.msk [tilespmem:v12+s7+$0x0], $0xffff  }
0x31e: {  	v4 =	vmul.f32 v4, v4;
	v1 =	vadd.f32 v5, v1;
	v5 =	vld [tilespmem:$0x1FD30]  }
0x31f: {  	v9 =	vsub.f32 v9, v14;
	v7 =	vld.idx.msk [tilespmem:v7+s7+$0x0], $0xffff  }
0x320: {  	v3 =	vsub.f32 v20, v3;
	v1 =	vadd.f32 v4, v1;
	v4 =	vld [tilespmem:$0x1FD40]  }
0x321: {  	v10 =	vsub.f32 v20, v10;
	v0 =	vadd.f32 v2, v0;
	v2 =	vmul.f32 v9, v9;
	v11 =	vld.idx.msk [tilespmem:v11+s7+$0x0], $0xffff  }
0x322: {  	v3 =	vmul.f32 v3, v3;
	v9 =	vsub.f32 v60, v12;
	v12 =	vld [tilespmem:$0x1FA30]  }
0x323: {  	v0 =	vadd.f32 v2, v0;
	v2 =	vmul.f32 v10, v10;
	v10 =	vsub.f32 v41, v13;
	v13 =	vld [tilespmem:$0x1FA40]  }
0x324: {  	v6 =	vld.idx.msk [tilespmem:v6+s7+$0x0], $0xffff;
	v8 =	vsub.f32 v60, v8  }
0x325: {  	v1 =	vadd.f32 v3, v1;
	v3 =	vld [tilespmem:$0x1FD10]  }
0x326: {  	v8 =	vmul.f32 v8, v8;
	v5 =	vld.idx.msk [tilespmem:v5+s7+$0x0], $0xffff  }
0x327: {  	v0 =	vadd.f32 v2, v0;
	v2 =	vmul.f32 v9, v9;
	v9 =	vsub.f32 v40, v11;
	v11 =	vld [tilespmem:$0x1FD20]  }
0x328: {  	v1 =	vadd.f32 v8, v1;
	v8 =	vld [tilespmem:$0x1FA50]  }
0x329: {  	v0 =	vadd.f32 v2, v0;
	v2 =	vmul.f32 v10, v10;
	v10 =	vld [tilespmem:$0x1FA60]  }
0x32a: {  	v12 =	vld.idx.msk [tilespmem:v12+s7+$0x0], $0xffff  }
0x32b: {  	v4 =	vld.idx.msk [tilespmem:v4+s7+$0x0], $0xffff  }
0x32c: {  	v13 =	vld.idx.msk [tilespmem:v13+s7+$0x0], $0xffff  }
0x32d: {  	v7 =	vsub.f32 v41, v7;
	v3 =	vld.idx.msk [tilespmem:v3+s7+$0x0], $0xffff  }
0x32e: {  	v6 =	vsub.f32 v40, v6;
	v0 =	vadd.f32 v2, v0;
	v2 =	vmul.f32 v9, v9;
	v9 =	vld [tilespmem:$0x1FA90]  }
0x32f: {  	v7 =	vmul.f32 v7, v7;
	v5 =	vsub.f32 v10, v5;
	v11 =	vld.idx.msk [tilespmem:v11+s7+$0x0], $0xffff;
	v10 =	vsub.f32 v10, v12  }
0x330: {  	v6 =	vmul.f32 v6, v6;
	v12 =	vld [tilespmem:$0x1FA70]  }
0x331: {  	v1 =	vadd.f32 v7, v1;
	v0 =	vadd.f32 v2, v0;
	v2 =	vmul.f32 v10, v10;
	v10 =	vld [tilespmem:$0x1FAC0]  }
0x332: {  	v7 =	vld [tilespmem:$0x1FA80]  }
0x333: {  	v1 =	vadd.f32 v6, v1;
	v6 =	vld [tilespmem:$0x1FAB0];
	_ =	sdelay $0x1  }
0x334: {  	v4 =	vsub.f32 v9, v4;
	v9 =	vsub.f32 v9, v13;
	v13 =	vld [tilespmem:$0x1FAA0]  }
0x335: {  	v3 =	vsub.f32 v10, v3;
	v10 =	vsub.f32 v10, v11;
	v11 =	vld [tilespmem:$0x1FAD0]  }
0x336: {  	v8 =	vld.idx.msk [tilespmem:v8+s7+$0x0], $0xffff  }
0x337: {  	v12 =	vld.idx.msk [tilespmem:v12+s7+$0x0], $0xffff;
	_ =	sdelay $0x1  }
0x338: {  	v7 =	vld.idx.msk [tilespmem:v7+s7+$0x0], $0xffff;
	v5 =	vmul.f32 v5, v5  }
0x339: {  	v6 =	vld.idx.msk [tilespmem:v6+s7+$0x0], $0xffff;
	v0 =	vadd.f32 v2, v0;
	v2 =	vmul.f32 v9, v9  }
0x33a: {  	v1 =	vadd.f32 v5, v1;
	v5 =	vsub.f32 v61, v8;
	v9 =	vld [tilespmem:$0x1FAE0]  }
0x33b: {  	v13 =	vld.idx.msk [tilespmem:v13+s7+$0x0], $0xffff;
	v0 =	vadd.f32 v2, v0;
	v2 =	vmul.f32 v10, v10;
	v8 =	vsub.f32 v61, v12  }
0x33c: {  	v4 =	vmul.f32 v4, v4;
	v11 =	vld.idx.msk [tilespmem:v11+s7+$0x0], $0xffff  }
0x33d: {  	v0 =	vadd.f32 v2, v0;
	v2 =	vmul.f32 v8, v8;
	v8 =	vld [tilespmem:$0x1FAF0]  }
0x33e: {  	v1 =	vadd.f32 v4, v1  }
0x33f: {  	v4 =	vmul.f32 v5, v5;
	v3 =	vmul.f32 v3, v3;
	v5 =	vsub.f32 v9, v7  }
0x340: {  	v7 =	vsub.f32 v9, v13  }
0x341: {  	v1 =	vadd.f32 v3, v1;
	v3 =	vmul.f32 v5, v5;
	v0 =	vadd.f32 v2, v0  }
0x342: {  	v2 =	vmul.f32 v7, v7;
	v5 =	vsub.f32 v8, v6;
	v6 =	vsub.f32 v8, v11;
	_ =	sdelay $0x1  }
0x343: {  	v0 =	vadd.f32 v2, v0;
	v2 =	vmul.f32 v6, v6;
	_ =	sdelay $0x1  }
0x344: {  	v1 =	vadd.f32 v4, v1;
	v0 =	vadd.f32 v2, v0;
	v2 =	vld [tilespmem:$0x1FB00];
	_ =	sdelay $0x1  }
0x345: {  	v1 =	vadd.f32 v3, v1;
	v4 =	vmul.f32 v5, v5  }
0x346: {  	v3 =	vmov s2  }
0x347: {  	s31 =	sadd.s32 $0x10, s31;
	v3 =	vshll.u32 v3, $0x5;
	v1 =	vadd.f32 v4, v1  }
0x348: {  	v3 =	vor.u32 v2, v3;
	v2 =	vld [tilespmem:s31+$0x0]  }
0x349: {  	v0 =	vsub.f32 v1, v0  }
0x34a: {  	v21 =	vld [tilespmem:$0x1FDB0]  }
0x34b: {  	v0 =	vadd.f32 $1.000000000e+00, v0;
	_ =	sdelay $0x1  }
0x34c: {  	v0 =	vmax.f32 v0, $0.0e+00;
	vm2 =	veq.s32 v2, $0x1  }
0x34d: {  	v0 =	vnsel vm2, $0x3F800000, v0  }
0x34e: {  	v25 =	vadd.f32 v0, v25;
	v0 =	vor.u32 v21, v3;
	_ =	sdelay $0x3  }
0x34f: {  	v20 =	vld [tilespmem:$0x1FD90];
	v1 =	vor.u32 v54, v3  }
0x350: {  	v35 =	vld.idx.msk [tilespmem:v0+s24+$0x0], $0xffff  }
0x351: {  	v0 =	vld [tilespmem:$0x1FB40];
	_ =	sdelay $0x2  }
0x352: {  	v28 =	vld.idx.msk [tilespmem:v1+s24+$0x0], $0xffff;
	v1 =	vor.u32 v20, v3;
	_ =	sdelay $0x1  }
0x353: {  	v0 =	vor.u32 v0, v3;
	_ =	sdelay $0x1  }
0x354: {  	v51 =	vmov v55  }
0x355: {  	v6 =	vor.u32 v51, v3;
	v36 =	vld.idx.msk [tilespmem:v1+s24+$0x0], $0xffff  }
0x356: {  	v1 =	vld [tilespmem:$0x1FB70]  }
0x357: {  	v0 =	vld.idx.msk [tilespmem:v0+s24+$0x0], $0xffff;
	_ =	sdelay $0x2  }
0x358: {  	v30 =	vld.idx.msk [tilespmem:v6+s24+$0x0], $0xffff  }
0x359: {  	v6 =	vld [tilespmem:$0x1FB20]  }
0x35a: {  	v1 =	vor.u32 v1, v3;
	[tilespmem:$0x1FC10] =	vst v0;
	v0 =	vld [tilespmem:$0x1FC20];
	_ =	sdelay $0x3  }
0x35b: {  	v6 =	vor.u32 v6, v3  }
0x35c: {  	v11 =	vor.u32 v0, v3;
	v0 =	vld.idx.msk [tilespmem:v1+s24+$0x0], $0xffff;
	_ =	sdelay $0x3  }
0x35d: {  	v6 =	vld.idx.msk [tilespmem:v6+s24+$0x0], $0xffff  }
0x35e: {  	[tilespmem:$0x1FC30] =	vst v0;
	v0 =	vld [tilespmem:$0x1FC50];
	_ =	sdelay $0x3  }
0x35f: {  	[tilespmem:$0x1FBA0] =	vst v6;
	v6 =	vld [tilespmem:$0x1FBB0]  }
0x360: {  	v1 =	vor.u32 v0, v3;
	v0 =	vld [tilespmem:$0x1FC70];
	_ =	sdelay $0x4  }
0x361: {  	v6 =	vor.u32 v6, v3;
	v13 =	vor.u32 v0, v3;
	v0 =	vld [tilespmem:$0x1FC80];
	_ =	sdelay $0x2  }
0x362: {  	v18 =	vld [tilespmem:$0x1FD80];
	_ =	sdelay $0x1  }
0x363: {  	v55 =	vmov v56;
	v14 =	vor.u32 v0, v3;
	v0 =	vld.idx.msk [tilespmem:v6+s24+$0x0], $0xffff  }
0x364: {  	v19 =	vld [tilespmem:$0x1FD70];
	v4 =	vor.u32 v55, v3  }
0x365: {  	v5 =	vor.u32 v34, v3  }
0x366: {  	v2 =	vor.u32 v18, v3  }
0x367: {  	v9 =	vld [tilespmem:$0x1FD50]  }
0x368: {  	[tilespmem:$0x1FC90] =	vst v0;
	v0 =	vld [tilespmem:$0x1FCA0]  }
0x369: {  	v27 =	vld.idx.msk [tilespmem:v4+s24+$0x0], $0xffff;
	v4 =	vor.u32 v19, v3  }
0x36a: {  	v29 =	vld.idx.msk [tilespmem:v5+s24+$0x0], $0xffff  }
0x36b: {  	v33 =	vld.idx.msk [tilespmem:v2+s24+$0x0], $0xffff;
	v2 =	vor.u32 v58, v3  }
0x36c: {  	v5 =	vld [tilespmem:$0x1FB10]  }
0x36d: {  	v15 =	vor.u32 v0, v3;
	v0 =	vld [tilespmem:$0x1FCB0]  }
0x36e: {  	v52 =	vmov v34;
	v34 =	vld.idx.msk [tilespmem:v4+s24+$0x0], $0xffff  }
0x36f: {  	v4 =	vld [tilespmem:$0x1FB30]  }
0x370: {  	v2 =	vld.idx.msk [tilespmem:v2+s24+$0x0], $0xffff;
	_ =	sdelay $0x1  }
0x371: {  	v16 =	vor.u32 v0, v3;
	v0 =	vld [tilespmem:$0x1FCD0]  }
0x372: {  	v7 =	vor.u32 v9, v3  }
0x373: {  	v5 =	vor.u32 v5, v3  }
0x374: {  	v4 =	vor.u32 v4, v3;
	[tilespmem:$0x1FBC0] =	vst v2;
	v2 =	vld [tilespmem:$0x1FBE0];
	_ =	sdelay $0x1  }
0x375: {  	v31 =	vor.u32 v0, v3;
	v0 =	vld [tilespmem:$0x1FCE0]  }
0x376: {  	v32 =	vld.idx.msk [tilespmem:v7+s24+$0x0], $0xffff  }
0x377: {  	v39 =	vld.idx.msk [tilespmem:v5+s24+$0x0], $0xffff  }
0x378: {  	v7 =	vor.u32 v2, v3;
	v2 =	vld.idx.msk [tilespmem:v4+s24+$0x0], $0xffff  }
0x379: {  	v5 =	vld [tilespmem:$0x1FB90]  }
0x37a: {  	v24 =	vor.u32 v0, v3;
	v0 =	vld [tilespmem:$0x1FCF0]  }
0x37b: {  	s1 =	sadd.s32 $0x10, s1  }
0x37c: {  	v8 =	vld [tilespmem:s1+$0x0];
	v12 =	vor.u32 v63, v3  }
0x37d: {  	s0 =	sadd.s32 $0x10, s0;
	v17 =	vor.u32 v46, v3;
	[tilespmem:$0x1FBF0] =	vst v2;
	v2 =	vld [tilespmem:$0x1FC00]  }
0x37e: {  	v10 =	vld [tilespmem:s0+$0x0];
	v5 =	vor.u32 v5, v3  }
0x37f: {  	v22 =	vor.u32 v0, v3;
	v0 =	vld [tilespmem:$0x1FD00];
	_ =	sdelay $0x1  }
0x380: {  	v56 =	vmov v58;
	v50 =	vlaneseq.u32;
	v47 =	vshll.u32 v8, $0x5;
	v49 =	vld.idx.msk [tilespmem:v12+s24+$0x0], $0xffff  }
0x381: {  	v37 =	vor.u32 v55, v47;
	v57 =	vor.u32 v54, v47;
	v53 =	vld.idx.msk [tilespmem:v17+s24+$0x0], $0xffff;
	v4 =	vor.u32 v2, v3  }
0x382: {  	v42 =	vor.u32 v21, v47;
	v40 =	vor.u32 v50, v3;
	v58 =	vor.u32 v52, v47;
	v2 =	vld.idx.msk [tilespmem:v5+s24+$0x0], $0xffff  }
0x383: {  	v5 =	vshll.u32 v10, $0x5;
	v8 =	vld.idx.msk [tilespmem:v11+s24+$0x0], $0xffff;
	v41 =	vor.u32 v0, v3;
	v0 =	vor.u32 v51, v47  }
0x384: {  	p1 =	sne.s32 s2, $0x70;
	v26 =	vor.u32 v55, v5;
	v44 =	vld.idx.msk [tilespmem:v1+s24+$0x0], $0xffff;
	[tilespmem:$0x1FD10] =	vst v0;
	v0 =	vor.u32 v51, v5  }
.Ltmp5:
0x385: {  	v43 =	vor.u32 v54, v5;
	v6 =	vld.idx.msk [tilespmem:v7+s24+$0x0], $0xffff;
	[tilespmem:$0x1FD20] =	vst v0;
	v0 =	vor.u32 v18, v47;
	(pc) =	sbr.rel @p1 .LBB2_8-.Ltmp5, $4  }
0x386: {  	v46 =	vor.u32 v52, v5;
	v7 =	vld.idx.msk [tilespmem:v4+s24+$0x0], $0xffff;
	[tilespmem:$0x1FD30] =	vst v0;
	v0 =	vor.u32 v9, v47  }
0x387: {  	v60 =	vor.u32 v9, v5;
	v48 =	vld.idx.msk [tilespmem:v13+s24+$0x0], $0xffff;
	[tilespmem:$0x1FD40] =	vst v0;
	v0 =	vor.u32 v19, v47  }
0x388: {  	v62 =	vor.u32 v19, v5;
	v45 =	vld.idx.msk [tilespmem:v14+s24+$0x0], $0xffff;
	[tilespmem:$0x1FD60] =	vst v0;
	v0 =	vor.u32 v20, v47  }
0x389: {  	s2 =	sadd.s32 $0x10, s2;
	v61 =	vor.u32 v18, v5;
	v38 =	vor.u32 v21, v5;
	v59 =	vld.idx.msk [tilespmem:v16+s24+$0x0], $0xffff;
	[tilespmem:$0x1FDA0] =	vst v0  }
0x38a: {  	_ =	sdelay $0x2  }
0x38b: {  	v0 =	vld [tilespmem:$0x1FD00]  }
0x38c: {  	v13 =	vld.idx.msk [tilespmem:v41+s24+$0x0], $0xffff  }
0x38d: {  	v41 =	vld [tilespmem:$0x1FCD0]  }
0x38e: {  	v4 =	vld.idx.msk [tilespmem:v31+s24+$0x0], $0xffff  }
0x38f: {  	v11 =	vld.idx.msk [tilespmem:v40+s24+$0x0], $0xffff  }
0x390: {  	v63 =	vld [tilespmem:$0x1FCE0];
	v10 =	vor.u32 v0, v47  }
0x391: {  	v9 =	vld [tilespmem:$0x1FCF0];
	v12 =	vor.u32 v0, v5  }
0x392: {  	v21 =	vld.idx.msk [tilespmem:v24+s24+$0x0], $0xffff;
	v14 =	vor.u32 v41, v47  }
0x393: {  	v24 =	vld [tilespmem:$0x1FCA0];
	v16 =	vor.u32 v41, v5  }
0x394: {  	v1 =	vor.u32 v50, v47;
	v40 =	vld [tilespmem:$0x1FCB0]  }
0x395: {  	v3 =	vor.u32 v50, v5;
	v10 =	vld.idx.msk [tilespmem:v10+s7+$0x0], $0xffff  }
0x396: {  	v12 =	vld.idx.msk [tilespmem:v12+s7+$0x0], $0xffff  }
0x397: {  	v14 =	vld.idx.msk [tilespmem:v14+s7+$0x0], $0xffff  }
0x398: {  	v19 =	vor.u32 v9, v47;
	v16 =	vld.idx.msk [tilespmem:v16+s7+$0x0], $0xffff  }
0x399: {  	v1 =	vld.idx.msk [tilespmem:v1+s7+$0x0], $0xffff;
	v23 =	vor.u32 v9, v5  }
0x39a: {  	v3 =	vld.idx.msk [tilespmem:v3+s7+$0x0], $0xffff;
	v18 =	vor.u32 v63, v5  }
0x39b: {  	v17 =	vor.u32 v63, v47;
	v41 =	vor.u32 v40, v47;
	v63 =	vor.u32 v40, v5;
	v40 =	vld [tilespmem:$0x1FC60]  }
0x39c: {  	v10 =	vsub.f32 v13, v10;
	v12 =	vsub.f32 v13, v12;
	v13 =	vld.idx.msk [tilespmem:v22+s24+$0x0], $0xffff  }
0x39d: {  	v14 =	vsub.f32 v4, v14;
	v4 =	vsub.f32 v4, v16;
	v16 =	vld.idx.msk [tilespmem:v19+s7+$0x0], $0xffff  }
0x39e: {  	v19 =	vld.idx.msk [tilespmem:v23+s7+$0x0], $0xffff  }
0x39f: {  	v1 =	vsub.f32 v11, v1;
	v3 =	vsub.f32 v11, v3;
	v11 =	vld.idx.msk [tilespmem:v18+s7+$0x0], $0xffff;
	v18 =	vor.u32 v24, v47  }
0x3a0: {  	v15 =	vld.idx.msk [tilespmem:v15+s24+$0x0], $0xffff  }
0x3a1: {  	v31 =	vor.u32 v24, v5;
	v22 =	vld [tilespmem:$0x1FCC0]  }
0x3a2: {  	v17 =	vld.idx.msk [tilespmem:v17+s7+$0x0], $0xffff;
	v3 =	vmul.f32 v3, v3;
	v12 =	vmul.f32 v12, v12  }
0x3a3: {  	v16 =	vsub.f32 v13, v16;
	v13 =	vsub.f32 v13, v19;
	v19 =	vld.idx.msk [tilespmem:v41+s7+$0x0], $0xffff;
	v41 =	vor.u32 v40, v47  }
0x3a4: {  	v1 =	vmul.f32 v1, v1;
	v18 =	vld.idx.msk [tilespmem:v18+s7+$0x0], $0xffff;
	v10 =	vmul.f32 v10, v10  }
0x3a5: {  	v23 =	vld [tilespmem:$0x1FC70];
	v4 =	vmul.f32 v4, v4;
	v3 =	vadd.f32 v12, v3  }
0x3a6: {  	v14 =	vmul.f32 v14, v14;
	v1 =	vadd.f32 v10, v1;
	v10 =	vld.idx.msk [tilespmem:v31+s7+$0x0], $0xffff;
	v31 =	vor.u32 v22, v5  }
0x3a7: {  	v11 =	vsub.f32 v21, v11;
	v3 =	vadd.f32 v4, v3;
	v4 =	vld.idx.msk [tilespmem:v63+s7+$0x0], $0xffff  }
0x3a8: {  	v1 =	vadd.f32 v14, v1;
	v63 =	vor.u32 v40, v5;
	v14 =	vld.idx.msk [tilespmem:v41+s7+$0x0], $0xffff  }
0x3a9: {  	v17 =	vsub.f32 v21, v17;
	v11 =	vmul.f32 v11, v11;
	v12 =	vor.u32 v22, v47;
	v41 =	vld [tilespmem:$0x1FC80];
	_ =	sdelay $0x1  }
0x3aa: {  	v17 =	vmul.f32 v17, v17;
	v24 =	vor.u32 v23, v47;
	v3 =	vadd.f32 v11, v3;
	v11 =	vld.idx.msk [tilespmem:v31+s7+$0x0], $0xffff  }
0x3ab: {  	v18 =	vsub.f32 v15, v18;
	v16 =	vmul.f32 v16, v16;
	v31 =	vor.u32 v23, v5;
	v23 =	vld [tilespmem:$0x1FC50]  }
0x3ac: {  	v13 =	vmul.f32 v13, v13;
	v1 =	vadd.f32 v17, v1;
	v10 =	vsub.f32 v15, v10;
	v40 =	vld.idx.msk [tilespmem:v63+s7+$0x0], $0xffff  }
0x3ad: {  	v12 =	vld.idx.msk [tilespmem:v12+s7+$0x0], $0xffff;
	v19 =	vsub.f32 v59, v19;
	v4 =	vsub.f32 v59, v4;
	v59 =	vor.u32 v41, v47  }
0x3ae: {  	v46 =	vld.idx.msk [tilespmem:v46+s7+$0x0], $0xffff;
	v3 =	vadd.f32 v13, v3;
	v10 =	vmul.f32 v10, v10;
	v63 =	vor.u32 v41, v5  }
0x3af: {  	v18 =	vmul.f32 v18, v18;
	v15 =	vld.idx.msk [tilespmem:v24+s7+$0x0], $0xffff  }
0x3b0: {  	v1 =	vadd.f32 v16, v1;
	v3 =	vadd.f32 v10, v3;
	v10 =	vld.idx.msk [tilespmem:v31+s7+$0x0], $0xffff;
	v24 =	vor.u32 v23, v47  }
0x3b1: {  	v31 =	vor.u32 v23, v5;
	v13 =	vsub.f32 v49, v40;
	v40 =	vld [tilespmem:$0x1FC20]  }
0x3b2: {  	v1 =	vadd.f32 v18, v1;
	v19 =	vmul.f32 v19, v19;
	v12 =	vsub.f32 v53, v12;
	v16 =	vld.idx.msk [tilespmem:v59+s7+$0x0], $0xffff  }
0x3b3: {  	v11 =	vsub.f32 v53, v11;
	v53 =	vld.idx.msk [tilespmem:v63+s7+$0x0], $0xffff  }
0x3b4: {  	v1 =	vadd.f32 v19, v1;
	v12 =	vmul.f32 v12, v12;
	v59 =	vld [tilespmem:$0x1FC00]  }
0x3b5: {  	v14 =	vsub.f32 v49, v14;
	v17 =	vld.idx.msk [tilespmem:v24+s7+$0x0], $0xffff  }
0x3b6: {  	v15 =	vsub.f32 v48, v15;
	v1 =	vadd.f32 v12, v1;
	v24 =	vld.idx.msk [tilespmem:v31+s7+$0x0], $0xffff  }
0x3b7: {  	v31 =	vmul.f32 v14, v14;
	v41 =	vor.u32 v40, v47;
	v49 =	vor.u32 v40, v5;
	v40 =	vld [tilespmem:$0x1FBE0]  }
0x3b8: {  	v9 =	vld [tilespmem:$0x1FB70]  }
0x3b9: {  	v21 =	vld [tilespmem:$0x1FBA0];
	v15 =	vmul.f32 v15, v15;
	v1 =	vadd.f32 v31, v1  }
0x3ba: {  	v63 =	vor.u32 v59, v47;
	v16 =	vsub.f32 v45, v16;
	v19 =	vsub.f32 v45, v53;
	v53 =	vld [tilespmem:$0x1FBB0]  }
0x3bb: {  	v22 =	vld.idx.msk [tilespmem:v42+s7+$0x0], $0xffff;
	v4 =	vmul.f32 v4, v4;
	v23 =	vor.u32 v59, v5  }
0x3bc: {  	v1 =	vadd.f32 v15, v1;
	v14 =	vld.idx.msk [tilespmem:v41+s7+$0x0], $0xffff;
	v41 =	vor.u32 v40, v47;
	v20 =	vmul.f32 v16, v16  }
0x3bd: {  	v3 =	vadd.f32 v4, v3;
	v10 =	vsub.f32 v48, v10;
	v48 =	vor.u32 v40, v5;
	v4 =	vld.idx.msk [tilespmem:v49+s7+$0x0], $0xffff  }
0x3be: {  	v11 =	vmul.f32 v11, v11;
	v1 =	vadd.f32 v20, v1;
	v20 =	vld [tilespmem:$0x1FB30]  }
0x3bf: {  	v17 =	vsub.f32 v44, v17;
	v49 =	vld.idx.msk [tilespmem:v63+s7+$0x0], $0xffff;
	v59 =	vor.u32 v53, v47  }
0x3c0: {  	v3 =	vadd.f32 v11, v3;
	v23 =	vld.idx.msk [tilespmem:v23+s7+$0x0], $0xffff  }
0x3c1: {  	v11 =	vsub.f32 v44, v24;
	v63 =	vor.u32 v53, v5;
	v24 =	vld.idx.msk [tilespmem:v41+s7+$0x0], $0xffff;
	v41 =	vmul.f32 v17, v17  }
0x3c2: {  	v40 =	vld.idx.msk [tilespmem:v48+s7+$0x0], $0xffff  }
0x3c3: {  	v13 =	vmul.f32 v13, v13;
	v1 =	vadd.f32 v41, v1;
	v41 =	vld [tilespmem:$0x1FC90]  }
0x3c4: {  	v44 =	vld.idx.msk [tilespmem:v59+s7+$0x0], $0xffff  }
0x3c5: {  	v3 =	vadd.f32 v13, v3;
	v10 =	vmul.f32 v10, v10;
	v13 =	vsub.f32 v7, v49;
	v49 =	vld [tilespmem:$0x1FB90]  }
0x3c6: {  	v48 =	vld.idx.msk [tilespmem:v63+s7+$0x0], $0xffff  }
0x3c7: {  	v3 =	vadd.f32 v10, v3;
	v45 =	vsub.f32 v7, v23;
	v63 =	vor.u32 v9, v47;
	v23 =	vld.idx.msk [tilespmem:v38+s7+$0x0], $0xffff  }
0x3c8: {  	v38 =	vld [tilespmem:$0x1FD30];
	v10 =	vsub.f32 v6, v24;
	v6 =	vsub.f32 v6, v40;
	v40 =	vor.u32 v9, v5  }
0x3c9: {  	v14 =	vsub.f32 v8, v14;
	v24 =	vld [tilespmem:$0x1FB40]  }
0x3ca: {  	v31 =	vmul.f32 v19, v19;
	v53 =	vor.u32 v49, v47;
	v15 =	vsub.f32 v41, v44;
	v44 =	vld [tilespmem:$0x1FB10]  }
0x3cb: {  	v11 =	vmul.f32 v11, v11;
	v14 =	vmul.f32 v14, v14;
	v0 =	vsub.f32 v41, v48;
	v48 =	vld [tilespmem:$0x1FD90]  }
0x3cc: {  	v4 =	vsub.f32 v8, v4;
	v7 =	vmul.f32 v45, v45;
	v45 =	vor.u32 v20, v47;
	v8 =	vld.idx.msk [tilespmem:v63+s7+$0x0], $0xffff  }
0x3cd: {  	v3 =	vadd.f32 v31, v3;
	v1 =	vadd.f32 v14, v1;
	v59 =	vor.u32 v49, v5;
	v14 =	vld.idx.msk [tilespmem:v40+s7+$0x0], $0xffff  }
0x3ce: {  	v49 =	vor.u32 v20, v5;
	v31 =	vor.u32 v24, v47;
	v17 =	vor.u32 v24, v5;
	v24 =	vld [tilespmem:$0x1FD60]  }
0x3cf: {  	v3 =	vadd.f32 v11, v3;
	v11 =	vld.idx.msk [tilespmem:v53+s7+$0x0], $0xffff  }
0x3d0: {  	v4 =	vmul.f32 v4, v4;
	v53 =	vld [tilespmem:$0x1FB20]  }
0x3d1: {  	v41 =	vld.idx.msk [tilespmem:v45+s7+$0x0], $0xffff  }
0x3d2: {  	v3 =	vadd.f32 v4, v3;
	v16 =	vld.idx.msk [tilespmem:v59+s7+$0x0], $0xffff  }
0x3d3: {  	v18 =	vor.u32 v44, v5;
	v45 =	vld.idx.msk [tilespmem:v49+s7+$0x0], $0xffff  }
0x3d4: {  	v13 =	vmul.f32 v13, v13;
	v3 =	vadd.f32 v7, v3;
	v4 =	vld.idx.msk [tilespmem:v31+s7+$0x0], $0xffff  }
0x3d5: {  	v12 =	vor.u32 v44, v47;
	v59 =	vor.u32 v56, v47;
	v7 =	vor.u32 v53, v47;
	v47 =	vld [tilespmem:$0x1FC30]  }
0x3d6: {  	v31 =	vld.idx.msk [tilespmem:v17+s7+$0x0], $0xffff  }
0x3d7: {  	v10 =	vmul.f32 v10, v10;
	v1 =	vadd.f32 v13, v1;
	v63 =	vor.u32 v53, v5;
	v53 =	vld [tilespmem:$0x1FC10]  }
0x3d8: {  	v6 =	vmul.f32 v6, v6;
	v20 =	vor.u32 v56, v5;
	v40 =	vsub.f32 v2, v16;
	v16 =	vld.idx.msk [tilespmem:v18+s7+$0x0], $0xffff  }
0x3d9: {  	v1 =	vadd.f32 v10, v1;
	v15 =	vmul.f32 v15, v15;
	v11 =	vsub.f32 v2, v11;
	v18 =	vld [tilespmem:$0x1FDA0]  }
0x3da: {  	v3 =	vadd.f32 v6, v3;
	v44 =	vmul.f32 v0, v0;
	v0 =	vsub.f32 v47, v14;
	v14 =	vld [tilespmem:$0x1FBF0]  }
0x3db: {  	v1 =	vadd.f32 v15, v1;
	v17 =	vld [tilespmem:$0x1FBC0];
	v11 =	vmul.f32 v11, v11;
	v8 =	vsub.f32 v47, v8  }
0x3dc: {  	v19 =	vor.u32 v48, v5;
	v3 =	vadd.f32 v44, v3;
	v48 =	vld.idx.msk [tilespmem:v59+s7+$0x0], $0xffff;
	v2 =	vmul.f32 v40, v40  }
0x3dd: {  	v49 =	vld.idx.msk [tilespmem:v20+s7+$0x0], $0xffff;
	v1 =	vadd.f32 v11, v1;
	v4 =	vsub.f32 v53, v4;
	v8 =	vmul.f32 v8, v8  }
0x3de: {  	v2 =	vadd.f32 v2, v3;
	v10 =	vsub.f32 v53, v31;
	v59 =	vld.idx.msk [tilespmem:v7+s7+$0x0], $0xffff;
	v0 =	vmul.f32 v0, v0  }
0x3df: {  	v63 =	vld.idx.msk [tilespmem:v63+s7+$0x0], $0xffff;
	v4 =	vmul.f32 v4, v4;
	v1 =	vadd.f32 v8, v1;
	v6 =	vsub.f32 v14, v41  }
0x3e0: {  	v15 =	vld.idx.msk [tilespmem:v12+s7+$0x0], $0xffff;
	v9 =	vmul.f32 v10, v10;
	v0 =	vadd.f32 v0, v2;
	v8 =	vsub.f32 v14, v45  }
0x3e1: {  	v20 =	vld.idx.msk [tilespmem:v19+s7+$0x0], $0xffff;
	v5 =	vsub.f32 v17, v48;
	v1 =	vadd.f32 v4, v1;
	v6 =	vmul.f32 v6, v6  }
0x3e2: {  	v10 =	vsub.f32 v17, v49;
	v0 =	vadd.f32 v9, v0;
	v9 =	vld.idx.msk [tilespmem:v18+s7+$0x0], $0xffff;
	v8 =	vmul.f32 v8, v8  }
0x3e3: {  	v40 =	vld [tilespmem:$0x1FD40];
	v5 =	vmul.f32 v5, v5;
	v3 =	vsub.f32 v21, v59;
	v1 =	vadd.f32 v6, v1  }
0x3e4: {  	v42 =	vld [tilespmem:$0x1FD10];
	v10 =	vmul.f32 v10, v10;
	v7 =	vsub.f32 v21, v63;
	v0 =	vadd.f32 v8, v0  }
0x3e5: {  	v44 =	vld [tilespmem:$0x1FD20];
	v2 =	vsub.f32 v39, v15;
	v3 =	vmul.f32 v3, v3;
	v1 =	vadd.f32 v5, v1  }
0x3e6: {  	v4 =	vsub.f32 v39, v16;
	v7 =	vmul.f32 v7, v7;
	v0 =	vadd.f32 v10, v0;
	v10 =	vld.idx.msk [tilespmem:v24+s7+$0x0], $0xffff  }
0x3e7: {  	v31 =	vld.idx.msk [tilespmem:v62+s7+$0x0], $0xffff;
	v2 =	vmul.f32 v2, v2;
	v9 =	vsub.f32 v36, v9;
	v1 =	vadd.f32 v3, v1  }
0x3e8: {  	v4 =	vmul.f32 v4, v4;
	v6 =	vsub.f32 v36, v20;
	v0 =	vadd.f32 v7, v0;
	v7 =	vld.idx.msk [tilespmem:v38+s7+$0x0], $0xffff  }
0x3e9: {  	v39 =	vld.idx.msk [tilespmem:v61+s7+$0x0], $0xffff;
	v8 =	vsub.f32 v35, v22;
	v9 =	vmul.f32 v9, v9;
	v1 =	vadd.f32 v2, v1  }
0x3ea: {  	v41 =	vld.idx.msk [tilespmem:v60+s7+$0x0], $0xffff;
	v5 =	vsub.f32 v35, v23;
	v6 =	vmul.f32 v6, v6;
	v0 =	vadd.f32 v4, v0  }
0x3eb: {  	v8 =	vmul.f32 v8, v8;
	v4 =	vld.idx.msk [tilespmem:v40+s7+$0x0], $0xffff;
	v10 =	vsub.f32 v34, v10;
	v1 =	vadd.f32 v9, v1  }
0x3ec: {  	v3 =	vsub.f32 v34, v31;
	v5 =	vmul.f32 v5, v5;
	v0 =	vadd.f32 v6, v0;
	v6 =	vld.idx.msk [tilespmem:v42+s7+$0x0], $0xffff  }
0x3ed: {  	v10 =	vmul.f32 v10, v10;
	v7 =	vsub.f32 v33, v7;
	v1 =	vadd.f32 v8, v1;
	v8 =	vld.idx.msk [tilespmem:v44+s7+$0x0], $0xffff  }
0x3ee: {  	v45 =	vld.idx.msk [tilespmem:v58+s7+$0x0], $0xffff;
	v2 =	vsub.f32 v33, v39;
	v3 =	vmul.f32 v3, v3;
	v0 =	vadd.f32 v5, v0  }
0x3ef: {  	v47 =	vld.idx.msk [tilespmem:v57+s7+$0x0], $0xffff;
	v9 =	vsub.f32 v32, v41;
	v7 =	vmul.f32 v7, v7;
	v1 =	vadd.f32 v10, v1  }
0x3f0: {  	v48 =	vld.idx.msk [tilespmem:v43+s7+$0x0], $0xffff;
	v2 =	vmul.f32 v2, v2;
	v4 =	vsub.f32 v32, v4;
	v0 =	vadd.f32 v3, v0  }
0x3f1: {  	v53 =	vld.idx.msk [tilespmem:v26+s7+$0x0], $0xffff;
	v9 =	vmul.f32 v9, v9;
	v6 =	vsub.f32 v30, v6;
	v1 =	vadd.f32 v7, v1  }
0x3f2: {  	v49 =	vld.idx.msk [tilespmem:v37+s7+$0x0], $0xffff;
	v4 =	vmul.f32 v4, v4;
	v0 =	vadd.f32 v2, v0;
	v8 =	vsub.f32 v30, v8  }
0x3f3: {  	v5 =	vsub.f32 v29, v45;
	v10 =	vsub.f32 v29, v46;
	v6 =	vmul.f32 v6, v6  }
0x3f4: {  	v1 =	vadd.f32 v4, v1;
	v0 =	vadd.f32 v9, v0;
	v8 =	vmul.f32 v8, v8  }
0x3f5: {  	v57 =	vsub.f32 v28, v48;
	v5 =	vmul.f32 v5, v5;
	v3 =	vsub.f32 v28, v47  }
0x3f6: {  	v58 =	vmul.f32 v10, v10;
	v1 =	vadd.f32 v6, v1;
	v0 =	vadd.f32 v8, v0  }
0x3f7: {  	v59 =	vmul.f32 v57, v57;
	v2 =	vsub.f32 v27, v49;
	v4 =	vsub.f32 v27, v53  }
0x3f8: {  	v3 =	vmul.f32 v3, v3;
	v1 =	vadd.f32 v5, v1;
	v0 =	vadd.f32 v58, v0  }
0x3f9: {  	v2 =	vmul.f32 v2, v2  }
0x3fa: {  	v60 =	vmul.f32 v4, v4;
	v1 =	vadd.f32 v3, v1;
	v0 =	vadd.f32 v59, v0;
	_ =	sdelay $0x1  }
0x3fb: {  	s0 =	sadd.s32 $0x10, s31;
	v1 =	vadd.f32 v2, v1;
	v0 =	vadd.f32 v60, v0  }
0x3fc: {  	v61 =	vld [tilespmem:s0+$0x0];
	_ =	strace $0x9000004C  }
0x3fd: {  	_ =	strace $0x8000004D;
	v0 =	vsub.f32 v1, v0  }
0x3fe: {  	v62 =	vld [tilespmem:$0x1FC40]  }
0x3ff: {  	v63 =	vld [tilespmem:$0x1FBD0];
	v0 =	vadd.f32 $1.000000000e+00, v0;
	_ =	sdelay $0x1  }
0x400: {  	vm2 =	veq.s32 v61, $0x1;
	v0 =	vmax.f32 v0, $0.0e+00  }
0x401: {  	v0 =	vnsel vm2, $0x3F800000, v0  }
0x402: {  	[tilespmem:$0x5700] =	vst v62;
	v0 =	vadd.f32 v0, v25  }
0x403: {  	[tilespmem:$0x5710] =	vst v63  }
0x404: {  	s1 =	simm.s32 $0x56F0;
	s25 =	rddreg [dreg:$0x10];
	[tilespmem:$0x56F0] =	vst v0  }
0x405: {  	[spmem:s25] =	stream.linear.scatter [tilespmem:s1], [sflag:$0x7], $0x10, $0x200038;
	[tilespmem:$0x5C88] =	vst v63  }
0x406: {  	_ =	swait.ge [sflag:s6], $0x10  }
0x407: {  	[sflag:s6] =	ssyncset.done $0x0  }
0x408: {  	s28 =	simm.s32 $0x5700;
	s26 =	rddreg [dreg:$0x11];
	[sflag:s6] =	ssyncadd.s32 $0xFFFFFFF0  }
0x409: {  	[spmem:s26] =	stream.linear.scatter [tilespmem:s28], [sflag:$0x7], $0x10, $0x200038;
	[tilespmem:$0x5C88] =	vst v63  }
0x40a: {  	_ =	swait.ge [sflag:s6], $0x10  }
0x40b: {  	[sflag:s6] =	ssyncset.done $0x0  }
0x40c: {  	s31 =	simm.s32 $0x5710;
	s30 =	rddreg [dreg:$0x12];
	[sflag:s6] =	ssyncadd.s32 $0xFFFFFFF0  }
0x40d: {  	[spmem:s30] =	stream.linear.scatter [tilespmem:s31], [sflag:$0x7], $0x10, $0x200038;
	[tilespmem:$0x5C88] =	vst v63  }
0x40e: {  	_ =	swait.ge [sflag:s6], $0x10  }
0x40f: {  	[sflag:s6] =	ssyncset.done $0x0  }
0x410: {  	[sflag:s6] =	ssyncadd.s32 $0xFFFFFFF0  }
.Ltmp6:
0x411: {  	[bflag:$0x0] =	sbarrier.arrive $0xFFFF;
	(pc) =	sbr.rel @p0 .LBB2_11-.Ltmp6, $4  }
0x412: {  	v35 =	vld [tilespmem:$0x1FF60]  }
0x413: {  	v36 =	vld [tilespmem:$0x1FF70]  }
0x414: {  	v37 =	vld [tilespmem:$0x1FF80]  }
0x415: {  	v42 =	vld [tilespmem:$0x1FFC0]  }
0x416: {  	s0 =	rddreg [dreg:$0x6];
	s1 =	simm.s32 $0x5720  }
0x417: {  	[tilespmem:s1], [sflag:$0x7] =	stream.linear.gather [spmem:s0], $0x100, $0x200038;
	[tilespmem:$0x5C88] =	vst v63  }
0x418: {  	_ =	swait.ge [sflag:s6], $0x100  }
0x419: {  	[sflag:s6] =	ssyncset.done $0x0  }
0x41a: {  	[sflag:s6] =	ssyncadd.s32 $0xFFFFFF00  }
0x41b: {  	s21 =	simm.s32 $0x5820;
	s20 =	rddreg [dreg:$0x7]  }
0x41c: {  	[tilespmem:s21], [sflag:$0x7] =	stream.linear.gather [spmem:s20], $0x100, $0x200038;
	[tilespmem:$0x5C88] =	vst v63  }
0x41d: {  	_ =	swait.ge [sflag:s6], $0x100  }
0x41e: {  	[sflag:s6] =	ssyncset.done $0x0  }
0x41f: {  	[sflag:s6] =	ssyncadd.s32 $0xFFFFFF00  }
0x420: {  	s25 =	simm.s32 $0x5920;
	s22 =	rddreg [dreg:$0x8]  }
0x421: {  	[tilespmem:s25], [sflag:$0x7] =	stream.linear.gather [spmem:s22], $0x100, $0x200038;
	[tilespmem:$0x5C88] =	vst v63  }
0x422: {  	_ =	swait.ge [sflag:s6], $0x100  }
0x423: {  	v28 =	vld [tilespmem:$0x1FEE0]  }
0x424: {  	v29 =	vld [tilespmem:$0x1FF20]  }
0x425: {  	[sflag:s6] =	ssyncset.done $0x0;
	v40 =	vld [tilespmem:$0x1FDC0]  }
0x426: {  	v20 =	vld [tilespmem:$0x1FF30];
	[sflag:s6] =	ssyncadd.s32 $0xFFFFFF00  }
0x427: {  	v0 =	vld [tilespmem:$0x5720]  }
0x428: {  	v1 =	vld [tilespmem:$0x5730]  }
0x429: {  	v2 =	vld [tilespmem:$0x5740]  }
0x42a: {  	v3 =	vld [tilespmem:$0x5750]  }
0x42b: {  	v4 =	vld [tilespmem:$0x5760]  }
0x42c: {  	v5 =	vld [tilespmem:$0x5770]  }
0x42d: {  	v6 =	vld [tilespmem:$0x5780]  }
0x42e: {  	v7 =	vld [tilespmem:$0x5790]  }
0x42f: {  	v8 =	vld [tilespmem:$0x57A0]  }
0x430: {  	v9 =	vld [tilespmem:$0x57B0]  }
0x431: {  	v10 =	vld [tilespmem:$0x57C0]  }
0x432: {  	v11 =	vld [tilespmem:$0x57D0]  }
0x433: {  	v12 =	vld [tilespmem:$0x57E0]  }
0x434: {  	v13 =	vld [tilespmem:$0x57F0]  }
0x435: {  	v14 =	vld [tilespmem:$0x5800]  }
0x436: {  	v15 =	vld [tilespmem:$0x5810]  }
0x437: {  	v16 =	vld [tilespmem:$0x5820]  }
0x438: {  	v17 =	vld [tilespmem:$0x5920]  }
0x439: {  	v18 =	vld [tilespmem:$0x5830]  }
0x43a: {  	v19 =	vld [tilespmem:$0x5930]  }
0x43b: {  	v45 =	vld [tilespmem:$0x5940]  }
0x43c: {  	v48 =	vld [tilespmem:$0x5850]  }
0x43d: {  	v57 =	vld [tilespmem:$0x5950]  }
0x43e: {  	v59 =	vld [tilespmem:$0x5860]  }
0x43f: {  	v62 =	vld [tilespmem:$0x5960];
	v0 =	vadd.f32 v1, v0;
	v41 =	vadd.f32 v3, v2  }
0x440: {  	v63 =	vld [tilespmem:$0x5870];
	v43 =	vadd.f32 v5, v4;
	v44 =	vadd.f32 v7, v6  }
0x441: {  	v31 =	vld [tilespmem:$0x5970];
	v46 =	vadd.f32 v9, v8;
	v47 =	vadd.f32 v11, v10  }
0x442: {  	v32 =	vld [tilespmem:$0x5880];
	v49 =	vadd.f32 v13, v12;
	v53 =	vadd.f32 v15, v14  }
0x443: {  	v33 =	vld [tilespmem:$0x5980];
	v0 =	vadd.f32 v41, v0;
	v58 =	vadd.f32 v44, v43  }
0x444: {  	v34 =	vld [tilespmem:$0x5890];
	v60 =	vadd.f32 v47, v46;
	v61 =	vadd.f32 v53, v49  }
0x445: {  	v38 =	vld [tilespmem:$0x5990];
	v10 =	vcombine.low v29, v28  }
0x446: {  	v39 =	vld [tilespmem:$0x58A0];
	v0 =	vadd.f32 v58, v0;
	v30 =	vadd.f32 v61, v60  }
0x447: {  	v21 =	vld [tilespmem:$0x58B0]  }
0x448: {  	v22 =	vld [tilespmem:$0x59B0];
	v0 =	vadd.f32 v30, v0  }
0x449: {  	v23 =	vld [tilespmem:$0x58C0]  }
0x44a: {  	s26 =	simm.s32 $0x5A20;
	v24 =	vld [tilespmem:$0x58D0];
	[tilespmem:$0x5A20] =	vst v0  }
0x44b: {  	v10 =	vld.idx.msk [tilespmem:v10+s26+$0x0], $0xffff  }
0x44c: {  	v2 =	vld [tilespmem:$0x5840];
	v15 =	vcombine.low v40, v20;
	v17 =	vadd.s32 v17, v19  }
0x44d: {  	v5 =	vadd.s32 v45, v17;
	v45 =	vld [tilespmem:$0x58E0]  }
0x44e: {  	v41 =	vld [tilespmem:$0x59A0];
	v15 =	vand.u32 $0xF, v15  }
0x44f: {  	v43 =	vld [tilespmem:$0x59C0]  }
0x450: {  	v44 =	vld [tilespmem:$0x59D0];
	v0 =	vadd.f32 v10, v0  }
0x451: {  	v16 =	vadd.s32 v16, v18;
	v46 =	vld [tilespmem:$0x59E0]  }
0x452: {  	v5 =	vadd.s32 v57, v5;
	v57 =	vld [tilespmem:$0x1FF40];
	v2 =	vadd.s32 v2, v16;
	[tilespmem:$0x5A20] =	vst v0  }
0x453: {  	v2 =	vadd.s32 v48, v2;
	v15 =	vld.idx.msk [tilespmem:v15+s26+$0x0], $0xffff  }
0x454: {  	v47 =	vld [tilespmem:$0x58F0];
	v2 =	vadd.s32 v59, v2  }
0x455: {  	v49 =	vld [tilespmem:$0x5900];
	v5 =	vadd.s32 v62, v5;
	v2 =	vadd.s32 v63, v2  }
0x456: {  	v53 =	vld [tilespmem:$0x5A00];
	v4 =	vadd.s32 v31, v5;
	v2 =	vadd.s32 v32, v2  }
0x457: {  	v58 =	vld [tilespmem:$0x5910];
	v1 =	vadd.s32 v33, v4;
	v2 =	vadd.s32 v34, v2  }
0x458: {  	v60 =	vld [tilespmem:$0x1FF50];
	v1 =	vadd.s32 v38, v1;
	v2 =	vadd.s32 v39, v2;
	v0 =	vadd.f32 v15, v0  }
0x459: {  	v48 =	vld [tilespmem:$0x59F0];
	v1 =	vadd.s32 v41, v1;
	v2 =	vadd.s32 v21, v2  }
0x45a: {  	v59 =	vld [tilespmem:$0x5A10];
	v1 =	vadd.s32 v22, v1;
	v2 =	vadd.s32 v23, v2;
	[tilespmem:$0x5A20] =	vst v0  }
0x45b: {  	v1 =	vadd.s32 v43, v1;
	v2 =	vadd.s32 v24, v2;
	v9 =	vld.idx.msk [tilespmem:v57+s26+$0x0], $0xffff  }
0x45c: {  	v1 =	vadd.s32 v44, v1;
	v2 =	vadd.s32 v45, v2  }
0x45d: {  	v1 =	vadd.s32 v46, v1;
	v2 =	vadd.s32 v47, v2  }
0x45e: {  	v1 =	vadd.s32 v48, v1;
	v2 =	vadd.s32 v49, v2  }
0x45f: {  	v1 =	vadd.s32 v53, v1;
	v2 =	vadd.s32 v58, v2  }
0x460: {  	v1 =	vadd.s32 v59, v1;
	(xrf0) =	vadd.scan.msk.s32 $0xffff, v2;
	v0 =	vadd.f32 v9, v0  }
0x461: {  	(xrf0) =	vadd.scan.msk.s32 $0xffff, v1  }
0x462: {  	[tilespmem:$0x5A20] =	vst v0  }
0x463: {  	v2 =	vld.idx.msk [tilespmem:v60+s26+$0x0], $0xffff;
	_ =	sdelay $0x2  }
0x464: {  	v61, _, _ =	vpop (xrf0)  }
0x465: {  	v62, _, _ =	vpop (xrf0)  }
0x466: {  	v0 =	vadd.f32 v2, v0;
	v2 =	vbroadcast v62, $0xF  }
0x467: {  	v1 =	vbroadcast v61, $0xF  }
0x468: {  	vm2 =	vcmask $0x3F04;
	v0 =	vmul.f32 $2.441406250e-04, v0;
	v2 =	vnsel vm1, $0x0, v2  }
0x469: {  	v63 =	vsel vm2, v2, v1  }
0x46a: {  	v0 =	vnsel vm0, $0x0, v0;
	[tilespmem:$0x5A30] =	vst v63  }
0x46b: {  	s28 =	rddreg [dreg:$0x13];
	[tilespmem:$0x5A20] =	vst v0  }
0x46c: {  	[hbm4b:s28+s8] =	stream.linear.scatter [tilespmem:s26], [sflag:$0x7], $0x10, $0x200038;
	[tilespmem:$0x5C88] =	vst v63  }
0x46d: {  	_ =	swait.ge [sflag:s6], $0x10  }
0x46e: {  	s31 =	simm.s32 $0x5A30;
	[sflag:s6] =	ssyncset.done $0x0  }
.Ltmp7:
0x46f: {  	s30 =	rddreg [dreg:$0x14];
	[sflag:s6] =	ssyncadd.s32 $0xFFFFFFF0;
	(pc) =	sbr.rel .LBB2_11-.Ltmp7, $4  }
0x470: {  	[hbm4b:s30+s8] =	stream.linear.scatter [tilespmem:s31], [sflag:$0x7], $0x10, $0x200038;
	[tilespmem:$0x5C88] =	vst v63  }
0x471: {  	_ =	swait.ge [sflag:s6], $0x10  }
0x472: {  	[sflag:s6] =	ssyncset.done $0x0  }
0x473: {  	[sflag:s6] =	ssyncadd.s32 $0xFFFFFFF0  }
.LBB2_12:
0x474: {  	_ =	sfence.sel $0x180000  }
0x475: {  	[bflag:$0x0] =	sbarrier.arrive $0xFFFF  }
0x476: {  	_ =	strace $0x90000047  }
0x477: {  	[bflag:$0x2] =	sbarrier.arrive $0xFFFF  }
0x478: {  	s0 =	rddreg [dreg:$0x9]  }
0x479: {  	s0 =	sadd.s32 @!p0 $0x100000, s0  }
0x47a: {  	[sflag:s0] =	ssyncadd.tile.s32 @!p0 $0x1;
	_ =	shalt  }
.Lfunc_end2:
_tile_overlayer_lowered:
.L_overlay_start_2:
0x47b: {  	(tag) =	ssettag $0x2  }
0x47c: {  	s0 =	rddreg [dreg:$0x0];
	s2 =	stileid.u32  }
0x47d: {  	s1 =	rddreg [dreg:$0x1];
	p0 =	sne.s32 s2, $0x0  }
0x47e: {  	s3 =	rddreg [dreg:$0x2];
	[bflag:$0x3] =	sbarrier.arrive $0xFFFF;
	s2 =	simm.s32 @!p0 $0x1C07  }
0x47f: {  	[timem:s3], [sflag:s2] =	dma.local @!p0 [hbm:s0], s1  }
0x480: {  	s0 =	simm.s32 @!p0 $0x7  }
0x481: {  	_ =	swait.ge @!p0 [sflag:s0], s1  }
0x482: {  	s1 =	ssub.s32 @!p0 $0x0, s1;
	[sflag:s0] =	ssyncset.done @!p0 $0x0  }
0x483: {  	[sflag:s0] =	ssyncadd.s32 @!p0 s1  }
0x484: {  	[bflag:$0x3] =	sbarrier.arrive $0xFFFF  }
0x485: {  	_ =	shalt  }

</sc_bundles>
